<compile_context>
chip_gen: v7x
topology: tpu7x:2x2x1
jax: 0.10.2.dev20260603
libtpu: 0.0.44.dev20260713+nightly
codegen_flags: <defaults>
</compile_context>

<pallas_src>
import functools

import jax
import jax.numpy as jnp
from jax import lax
from jax.experimental import pallas as pl
from jax.experimental.pallas import tpu as pltpu
from jax.experimental.pallas import tpu_sc as plsc

N = 10000
E = 320000
F_IN = 128
H = 16

NC = 2
NS = 16
CB = 128
TCH = E // CB
NB = 8

T_CORE = (TCH // 2, TCH - TCH // 2)
CHMAX = max(-(-T_CORE[0] // NS), -(-T_CORE[1] // NS))

NPAD = 128 * (N // 128 + 1)
RPS = NPAD // NS
P = NPAD // 8
PX = N // 8

_MESH = plsc.VectorSubcoreMesh(core_axis_name="c", subcore_axis_name="s")
_F32 = jnp.float32
_SC_PARAMS = pltpu.CompilerParams(use_tc_tiling_on_sc=False)


def _worker_span(c, s):
    t0, t1 = T_CORE
    tot = jnp.where(c == 0, t0, t1)
    base = jnp.where(c == 0, 0, t0)
    per = tot // NS
    rem = tot - per * NS
    cnt = per + jnp.where(s < rem, 1, 0)
    start = base + s * per + jnp.minimum(s, rem)
    return start, cnt


def _zero_rows(buf, n):
    def body(i, _):
        buf[i] = jnp.zeros((16,), _F32)
        return 0
    lax.fori_loop(0, n, body, 0)


@functools.partial(
    pl.kernel,
    mesh=_MESH,
    compiler_params=_SC_PARAMS,
    out_type=jax.ShapeDtypeStruct((NC, NPAD, H), _F32),
    scratch_types=[
        pltpu.VMEM((CHMAX, 2, CB), jnp.int32),
        pltpu.VMEM((CB, H), _F32),
        pltpu.VMEM((RPS, H), _F32),
        pltpu.VMEM_SHARED((NPAD, H), _F32),
    ],
)
def _deg_kernel(ei_hbm, out_hbm, ei_v, ones_v, obuf_v, acc_sh):
    c = lax.axis_index("c")
    s = lax.axis_index("s")
    start, cnt = _worker_span(c, s)
    base = jnp.minimum(start, TCH - CHMAX)
    off = start - base
    pltpu.sync_copy(ei_hbm.at[pl.ds(base, CHMAX)], ei_v)

    def fill(i, _):
        ones_v[i] = jnp.ones((16,), _F32)
        return 0
    lax.fori_loop(0, CB, fill, 0)
    _zero_rows(obuf_v, RPS)
    pltpu.sync_copy(obuf_v, acc_sh.at[pl.ds(s * RPS, RPS)])
    plsc.subcore_barrier()

    def body(j, _):
        pltpu.sync_copy(ones_v, acc_sh.at[ei_v.at[off + j, 1]], add=True)
        return 0
    lax.fori_loop(0, cnt, body, 0)
    plsc.subcore_barrier()

    pltpu.sync_copy(acc_sh.at[pl.ds(s * RPS, RPS)], obuf_v)
    pltpu.sync_copy(obuf_v, out_hbm.at[c, pl.ds(s * RPS, RPS)])


@functools.partial(
    pl.kernel,
    mesh=_MESH,
    compiler_params=_SC_PARAMS,
    out_type=jax.ShapeDtypeStruct((NC, NPAD, H), _F32),
    scratch_types=[
        pltpu.VMEM((CHMAX, 2, CB), jnp.int32),
        [pltpu.VMEM((CB, H), _F32)] * NB,
        pltpu.VMEM((RPS, H), _F32),
        pltpu.VMEM_SHARED((NPAD, H), _F32),
        [pltpu.SemaphoreType.DMA] * NB,
        [pltpu.SemaphoreType.DMA] * NB,
    ],
)
def _agg_kernel(ei_hbm, g_hbm, out_hbm,
                ei_v, gbufs, obuf_v, acc_sh, gsems, ssems):
    c = lax.axis_index("c")
    s = lax.axis_index("s")
    start, cnt = _worker_span(c, s)
    base = jnp.minimum(start, TCH - CHMAX)
    off = start - base
    pltpu.sync_copy(ei_hbm.at[pl.ds(base, CHMAX)], ei_v)
    _zero_rows(obuf_v, RPS)
    pltpu.sync_copy(obuf_v, acc_sh.at[pl.ds(s * RPS, RPS)])
    plsc.subcore_barrier()

    for b in range(NB):
        pltpu.async_copy(g_hbm.at[ei_v.at[off + b, 0]], gbufs[b], gsems[b])

    def body(i, _):
        for b in range(NB):
            j = i * NB + b

            @pl.when(j < cnt)
            def _():
                pltpu.make_async_copy(
                    g_hbm.at[ei_v.at[off + j, 0]], gbufs[b], gsems[b]).wait()
                pltpu.async_copy(
                    gbufs[b], acc_sh.at[ei_v.at[off + j, 1]], ssems[b], add=True)
        for b in range(NB):
            j = i * NB + b

            @pl.when(j + NB < cnt)
            def _():
                pltpu.make_async_copy(
                    gbufs[b], acc_sh.at[ei_v.at[off + j, 1]], ssems[b]).wait()
                pltpu.async_copy(
                    g_hbm.at[ei_v.at[off + j + NB, 0]], gbufs[b], gsems[b])
        return 0
    lax.fori_loop(0, (cnt + NB - 1) // NB, body, 0)

    for b in range(NB):
        @pl.when(cnt - NB + b >= 0)
        def _():
            pltpu.make_async_copy(
                gbufs[0], acc_sh.at[ei_v.at[off, 1]], ssems[b]).wait()
    plsc.subcore_barrier()

    pltpu.sync_copy(acc_sh.at[pl.ds(s * RPS, RPS)], obuf_v)
    pltpu.sync_copy(obuf_v, out_hbm.at[c, pl.ds(s * RPS, RPS)])


def _mm1_body(x3_ref, w1c_ref, h1_ref):
    acc = jnp.zeros((PX, 128), _F32)
    for a in range(8):
        acc += jnp.dot(x3_ref[:, a, :], w1c_ref[a],
                       preferred_element_type=_F32)
    h1_ref[...] = acc


_mm1 = pl.pallas_call(
    _mm1_body,
    out_shape=jax.ShapeDtypeStruct((PX, 128), _F32),
)


def _dense1_body(deg2_ref, h1_ref, dis_ref, g1_ref):
    deg = deg2_ref[0] + deg2_ref[1] + 1.0
    dis = lax.rsqrt(deg)
    dis_ref[...] = dis
    g1_ref[0:PX, :] = h1_ref[...] * dis[0:PX, :]
    g1_ref[PX:P, :] = jnp.zeros((P - PX, 128), _F32)


_dense1 = pl.pallas_call(
    _dense1_body,
    out_shape=(
        jax.ShapeDtypeStruct((P, 128), _F32),
        jax.ShapeDtypeStruct((P, 128), _F32),
    ),
)


def _dense2_body(agg_ref, g_ref, dis_ref, b_ref, ws_ref, gout_ref):
    s = agg_ref[0] + agg_ref[1] + g_ref[...]
    out = jnp.maximum(dis_ref[...] * s + b_ref[...], 0.0)
    h = jnp.dot(out, ws_ref[...], preferred_element_type=_F32)
    gout_ref[...] = h * dis_ref[...]


_dense2 = pl.pallas_call(
    _dense2_body,
    out_shape=jax.ShapeDtypeStruct((P, 128), _F32),
)


def _dense3_body(agg_ref, g_ref, dis_ref, b_ref, wls_ref, bl_ref, y_ref):
    s = agg_ref[0] + agg_ref[1] + g_ref[...]
    out = jnp.maximum(dis_ref[...] * s + b_ref[...], 0.0)
    y_ref[...] = jnp.dot(out, wls_ref[...], preferred_element_type=_F32) + bl_ref[...]


_dense3 = pl.pallas_call(
    _dense3_body,
    out_shape=jax.ShapeDtypeStruct((P, 8), _F32),
)


@jax.jit
def kernel(x, edge_index, W1, b1, W2, b2, Wl, bl):
    ei3 = jnp.transpose(
        edge_index.astype(jnp.int32).reshape(2, TCH, CB), (1, 0, 2))
    x3 = x.reshape(PX, 8, F_IN)

    h1 = W1.shape[1]
    eye8 = jnp.eye(8, dtype=_F32)
    W1p = jnp.zeros((F_IN, H), _F32).at[:, :h1].set(W1)
    W1c = jnp.zeros((8, F_IN, 128), _F32)
    for a in range(8):
        W1c = W1c.at[a, :, a * H:a * H + h1].set(W1)
    W2p = jnp.zeros((H, H), _F32).at[:h1, :W2.shape[1]].set(W2)
    W2s = jnp.kron(eye8, W2p)
    Wlp = jnp.zeros((H, 1), _F32).at[:Wl.shape[0]].set(Wl)
    Wls = jnp.kron(eye8, Wlp)
    b1t = jnp.tile(jnp.zeros((1, H), _F32).at[0, :h1].set(b1), (1, 8))
    b2t = jnp.tile(jnp.zeros((1, H), _F32).at[0, :W2.shape[1]].set(b2), (1, 8))
    blt = jnp.tile(bl.reshape(1, 1), (1, 8))

    h1p = _mm1(x3, W1c)
    deg2 = _deg_kernel(ei3).reshape(NC, P, 128)
    dis, g1 = _dense1(deg2, h1p)
    agg1 = _agg_kernel(ei3, g1.reshape(NPAD, H)).reshape(NC, P, 128)
    g2 = _dense2(agg1, g1, dis, b1t, W2s)
    agg2 = _agg_kernel(ei3, g2.reshape(NPAD, H)).reshape(NC, P, 128)
    y8 = _dense3(agg2, g2, dis, b2t, Wls, blt)
    return y8.reshape(NPAD)[:N]

# --- scband reference (transcript-rebuilt; emitter-appended) ---
"""Pipeline reference for scband-hete-gnn-53644141527347 (READ-ONLY COPY).

The authoritative reference and input builder live on the scoring server;
editing this copy changes nothing except your own understanding.
"""

import jax, jax.numpy as jnp
import numpy as np

N_NODES = 10000
N_EDGES = 320000
IN_FEATS = 128
HIDDEN1 = 10
HIDDEN2 = 10


def gcn_conv(x, edge_index, W, b, num_nodes):
    # PyG GCNConv: add self-loops, symmetric normalization, linear transform, scatter-add aggregate
    row = edge_index[0]
    col = edge_index[1]
    loop = jnp.arange(num_nodes, dtype=edge_index.dtype)
    row = jnp.concatenate([row, loop])
    col = jnp.concatenate([col, loop])
    deg = jnp.zeros((num_nodes,), dtype=x.dtype).at[col].add(1.0)
    deg_inv_sqrt = jnp.where(deg > 0, 1.0 / jnp.sqrt(deg), 0.0)
    norm = deg_inv_sqrt[row] * deg_inv_sqrt[col]
    h = x @ W
    msg = h[row] * norm[:, None]
    out = jnp.zeros((num_nodes, W.shape[1]), dtype=x.dtype).at[col].add(msg)
    return out + b


def setup_inputs(seed: int = 0) -> dict:
    key = jax.random.key(seed)
    ks = jax.random.split(key, 9)
    x = jax.random.normal(ks[0], (N_NODES, IN_FEATS), dtype=jnp.float32)
    edge_index = jax.random.randint(ks[1], (2, N_EDGES), 0, N_NODES, dtype=jnp.int64)
    s1 = 1.0 / np.sqrt(IN_FEATS)
    s2 = 1.0 / np.sqrt(HIDDEN1)
    s3 = 1.0 / np.sqrt(HIDDEN2)
    W1 = jax.random.uniform(ks[2], (IN_FEATS, HIDDEN1), minval=-s1, maxval=s1, dtype=jnp.float32)
    b1 = jnp.zeros((HIDDEN1,), dtype=jnp.float32)
    W2 = jax.random.uniform(ks[3], (HIDDEN1, HIDDEN2), minval=-s2, maxval=s2, dtype=jnp.float32)
    b2 = jnp.zeros((HIDDEN2,), dtype=jnp.float32)
    Wl = jax.random.uniform(ks[4], (HIDDEN2, 1), minval=-s3, maxval=s3, dtype=jnp.float32)
    bl = jax.random.uniform(ks[5], (1,), minval=-s3, maxval=s3, dtype=jnp.float32)
    return {"x": x, "edge_index": edge_index, "W1": W1, "b1": b1, "W2": W2, "b2": b2, "Wl": Wl, "bl": bl}


def reference(x, edge_index, W1, b1, W2, b2, Wl, bl):
    num_nodes = x.shape[0]
    h = jax.nn.relu(gcn_conv(x, edge_index, W1, b1, num_nodes))
    h = jax.nn.relu(gcn_conv(h, edge_index, W2, b2, num_nodes))
    out = h @ Wl + bl
    return out.squeeze(-1)

if __name__ == "__main__":
    import jax
    _d = setup_inputs()
    print(jax.jit(kernel)(*tuple(_d.values())))

</pallas_src>

<mosaic_0001>
#map = affine_map<(d0, d1) -> (0, 0, 0)>
#map1 = affine_map<(d0, d1) -> (0, 0)>
module attributes {stable_mosaic.version = 14 : i64} {
  func.func @_agg_kernel(%arg0: i32, %arg1: i32, %arg2: memref<2500x2x128xi32, #tpu.memory_space<hbm>>, %arg3: memref<10112x16xf32, #tpu.memory_space<hbm>>, %arg4: memref<2x10112x16xf32, #tpu.memory_space<hbm>>, %arg5: memref<79x2x128xi32, #tpu.memory_space<vmem>>, %arg6: memref<128x16xf32, #tpu.memory_space<vmem>>, %arg7: memref<128x16xf32, #tpu.memory_space<vmem>>, %arg8: memref<128x16xf32, #tpu.memory_space<vmem>>, %arg9: memref<128x16xf32, #tpu.memory_space<vmem>>, %arg10: memref<128x16xf32, #tpu.memory_space<vmem>>, %arg11: memref<128x16xf32, #tpu.memory_space<vmem>>, %arg12: memref<128x16xf32, #tpu.memory_space<vmem>>, %arg13: memref<128x16xf32, #tpu.memory_space<vmem>>, %arg14: memref<632x16xf32, #tpu.memory_space<vmem>>, %arg15: memref<10112x16xf32, #tpu.memory_space<vmem_shared>>, %arg16: memref<!tpu.dma_semaphore, #tpu.memory_space<semaphore_mem>>, %arg17: memref<!tpu.dma_semaphore, #tpu.memory_space<semaphore_mem>>, %arg18: memref<!tpu.dma_semaphore, #tpu.memory_space<semaphore_mem>>, %arg19: memref<!tpu.dma_semaphore, #tpu.memory_space<semaphore_mem>>, %arg20: memref<!tpu.dma_semaphore, #tpu.memory_space<semaphore_mem>>, %arg21: memref<!tpu.dma_semaphore, #tpu.memory_space<semaphore_mem>>, %arg22: memref<!tpu.dma_semaphore, #tpu.memory_space<semaphore_mem>>, %arg23: memref<!tpu.dma_semaphore, #tpu.memory_space<semaphore_mem>>, %arg24: memref<!tpu.dma_semaphore, #tpu.memory_space<semaphore_mem>>, %arg25: memref<!tpu.dma_semaphore, #tpu.memory_space<semaphore_mem>>, %arg26: memref<!tpu.dma_semaphore, #tpu.memory_space<semaphore_mem>>, %arg27: memref<!tpu.dma_semaphore, #tpu.memory_space<semaphore_mem>>, %arg28: memref<!tpu.dma_semaphore, #tpu.memory_space<semaphore_mem>>, %arg29: memref<!tpu.dma_semaphore, #tpu.memory_space<semaphore_mem>>, %arg30: memref<!tpu.dma_semaphore, #tpu.memory_space<semaphore_mem>>, %arg31: memref<!tpu.dma_semaphore, #tpu.memory_space<semaphore_mem>>) attributes {dimension_semantics = [#tpu.dimension_semantics<core_parallel>, #tpu.dimension_semantics<subcore_parallel>], iteration_bounds = array<i64: 2, 16>, scalar_prefetch = 0 : i64, scratch_operands = 27 : i64, tpu.core_type = #tpu.core_type<sc_vector_subcore>, window_params = [{transform_indices = #map}, {transform_indices = #map1}, {transform_indices = #map}]} {
    %eq3A = arith.constant 0 : i32
    %eq3A_0 = arith.cmpi eq, %arg0, %eq3A : i32
    %jit3A = arith.constant 1250 : i32
    %jit3A_1 = arith.constant 1250 : i32
    %select_n3A = arith.select %eq3A_0, %jit3A, %jit3A_1 : i32
    %eq3A_2 = arith.constant 0 : i32
    %eq3A_3 = arith.cmpi eq, %arg0, %eq3A_2 : i32
    %jit3A_4 = arith.constant 0 : i32
    %jit3A_5 = arith.constant 1250 : i32
    %select_n3A_6 = arith.select %eq3A_3, %jit3A_4, %jit3A_5 : i32
    %jit3A_7 = arith.constant 16 : i32
    %div3A = arith.divsi %select_n3A, %jit3A_7 : i32
    %sign3A = arith.constant 0 : i32
    %sign3A_8 = arith.cmpi sgt, %select_n3A, %sign3A : i32
    %sign3A_9 = arith.extui %sign3A_8 : i1 to i32
    %sign3A_10 = arith.constant 0 : i32
    %sign3A_11 = arith.cmpi slt, %select_n3A, %sign3A_10 : i32
    %sign3A_12 = arith.extui %sign3A_11 : i1 to i32
    %sign3A_13 = arith.subi %sign3A_9, %sign3A_12 : i32
    %sign3A_14 = arith.constant 0 : i32
    %sign3A_15 = arith.cmpi sgt, %jit3A_7, %sign3A_14 : i32
    %sign3A_16 = arith.extui %sign3A_15 : i1 to i32
    %sign3A_17 = arith.constant 0 : i32
    %sign3A_18 = arith.cmpi slt, %jit3A_7, %sign3A_17 : i32
    %sign3A_19 = arith.extui %sign3A_18 : i1 to i32
    %sign3A_20 = arith.subi %sign3A_16, %sign3A_19 : i32
    %ne3A = arith.cmpi ne, %sign3A_13, %sign3A_20 : i32
    %rem3A = arith.remsi %select_n3A, %jit3A_7 : i32
    %ne3A_21 = arith.constant 0 : i32
    %ne3A_22 = arith.cmpi ne, %rem3A, %ne3A_21 : i32
    %and3A = arith.andi %ne3A, %ne3A_22 : i1
    %sub3A = arith.constant 1 : i32
    %sub3A_23 = arith.subi %div3A, %sub3A : i32
    %select_n3A_24 = arith.select %and3A, %sub3A_23, %div3A : i32
    %mul3A = arith.constant 16 : i32
    %mul3A_25 = arith.muli %select_n3A_24, %mul3A : i32
    %sub3A_26 = arith.subi %select_n3A, %mul3A_25 : i32
    %lt3A = arith.cmpi slt, %arg1, %sub3A_26 : i32
    %jit3A_27 = arith.constant 1 : i32
    %jit3A_28 = arith.constant 0 : i32
    %select_n3A_29 = arith.select %lt3A, %jit3A_27, %jit3A_28 : i32
    %add3A = arith.addi %select_n3A_24, %select_n3A_29 : i32
    %mul3A_30 = arith.muli %arg1, %select_n3A_24 : i32
    %add3A_31 = arith.addi %select_n3A_6, %mul3A_30 : i32
    %min3A = arith.minsi %arg1, %sub3A_26 : i32
    %add3A_32 = arith.addi %add3A_31, %min3A : i32
    %min3A_33 = arith.constant 2421 : i32
    %min3A_34 = arith.minsi %add3A_32, %min3A_33 : i32
    %sub3A_35 = arith.subi %add3A_32, %min3A_34 : i32
    "tpu.region"() ({
      %run_scoped3A = tpu.sem_alloc : memref<!tpu.dma_semaphore, #tpu.memory_space<semaphore_mem>>
      %dma_start3A_228 = arith.constant 0 : i32
      %dma_start3A_229 = arith.constant 0 : i32
      %dma_start3A_230 = tpu.memref_slice %arg2[%min3A_34, %dma_start3A_228, %dma_start3A_229] : memref<2500x2x128xi32, #tpu.memory_space<hbm>> -> memref<79x2x128xi32, #tpu.memory_space<hbm>>
      %dma_start3A_231 = arith.constant 0 : i32
      %dma_start3A_232 = arith.constant 0 : i32
      %dma_start3A_233 = tpu.memref_slice %arg2[%min3A_34, %dma_start3A_231, %dma_start3A_232] : memref<2500x2x128xi32, #tpu.memory_space<hbm>> -> memref<79x2x128xi32, #tpu.memory_space<hbm>>
      tpu.enqueue_dma source(%dma_start3A_233 : memref<79x2x128xi32, #tpu.memory_space<hbm>>) target(%arg5 : memref<79x2x128xi32, #tpu.memory_space<vmem>>) target_semaphore(%run_scoped3A : memref<!tpu.dma_semaphore, #tpu.memory_space<semaphore_mem>>)
      %dma_wait3A = arith.constant 0 : i32
      %dma_wait3A_234 = arith.constant 0 : i32
      %dma_wait3A_235 = tpu.memref_slice %arg2[%min3A_34, %dma_wait3A, %dma_wait3A_234] : memref<2500x2x128xi32, #tpu.memory_space<hbm>> -> memref<79x2x128xi32, #tpu.memory_space<hbm>>
      %dma_wait3A_236 = arith.constant 0 : i32
      %dma_wait3A_237 = arith.constant 0 : i32
      %dma_wait3A_238 = tpu.memref_slice %arg2[%min3A_34, %dma_wait3A_236, %dma_wait3A_237] : memref<2500x2x128xi32, #tpu.memory_space<hbm>> -> memref<79x2x128xi32, #tpu.memory_space<hbm>>
      tpu.wait_dma2 semaphore(%run_scoped3A : memref<!tpu.dma_semaphore, #tpu.memory_space<semaphore_mem>>) src(%dma_wait3A_238 : memref<79x2x128xi32, #tpu.memory_space<hbm>>) dst(%arg5 : memref<79x2x128xi32, #tpu.memory_space<vmem>>)
      tpu.yield
    }) : () -> ()
    %scan3A = arith.constant 0 : i32
    %scan3A_36 = arith.constant 0 : i32
    %scan3A_37 = arith.constant 632 : i32
    %scan3A_38 = arith.addi %scan3A_36, %scan3A_37 : i32
    %scan3A_39 = arith.constant 1 : i32
    %scan3A_40 = scf.for %scan3A_228 = %scan3A_36 to %scan3A_38 step %scan3A_39 iter_args(%scan3A_229 = %scan3A) -> (i32)  : i32 {
      %broadcast_in_dim3A = arith.constant 0.000000e+00 : f32
      %broadcast_in_dim3A_230 = vector.broadcast %broadcast_in_dim3A : f32 to vector<16xf32>
      %swap3A = arith.index_cast %scan3A_228 : i32 to index
      %swap3A_231 = arith.constant 0 : index
      %swap3A_232 = tpu.vector_load %arg14[%swap3A, %swap3A_231] {strides = array<i32>} : memref<632x16xf32, #tpu.memory_space<vmem>>, vector<1x16xf32>,
      %swap3A_233 = vector.shape_cast %swap3A_232 : vector<1x16xf32> to vector<16xf32>
      %swap3A_234 = vector.shape_cast %broadcast_in_dim3A_230 : vector<16xf32> to vector<1x16xf32>
      tpu.vector_store %arg14[%swap3A, %swap3A_231], %swap3A_234 {strides = array<i32>} : memref<632x16xf32, #tpu.memory_space<vmem>>, vector<1x16xf32>,
      %scan3A_235 = arith.constant 0 : i32
      scf.yield %scan3A_235 : i32
    }
    %scan3A_41 = arith.constant 632 : i32
    %mul3A_42 = arith.constant 632 : i32
    %mul3A_43 = arith.muli %arg1, %mul3A_42 : i32
    "tpu.region"() ({
      %run_scoped3A = tpu.sem_alloc : memref<!tpu.dma_semaphore, #tpu.memory_space<semaphore_mem>>
      %dma_start3A_228 = arith.constant 0 : i32
      %dma_start3A_229 = tpu.memref_slice %arg15[%mul3A_43, %dma_start3A_228] : memref<10112x16xf32, #tpu.memory_space<vmem_shared>> -> memref<632x16xf32, #tpu.memory_space<vmem_shared>>
      %dma_start3A_230 = arith.constant 0 : i32
      %dma_start3A_231 = tpu.memref_slice %arg15[%mul3A_43, %dma_start3A_230] : memref<10112x16xf32, #tpu.memory_space<vmem_shared>> -> memref<632x16xf32, #tpu.memory_space<vmem_shared>>
      tpu.enqueue_dma source(%arg14 : memref<632x16xf32, #tpu.memory_space<vmem>>) target(%dma_start3A_231 : memref<632x16xf32, #tpu.memory_space<vmem_shared>>) target_semaphore(%run_scoped3A : memref<!tpu.dma_semaphore, #tpu.memory_space<semaphore_mem>>)
      %dma_wait3A = arith.constant 0 : i32
      %dma_wait3A_232 = tpu.memref_slice %arg15[%mul3A_43, %dma_wait3A] : memref<10112x16xf32, #tpu.memory_space<vmem_shared>> -> memref<632x16xf32, #tpu.memory_space<vmem_shared>>
      %dma_wait3A_233 = arith.constant 0 : i32
      %dma_wait3A_234 = tpu.memref_slice %arg15[%mul3A_43, %dma_wait3A_233] : memref<10112x16xf32, #tpu.memory_space<vmem_shared>> -> memref<632x16xf32, #tpu.memory_space<vmem_shared>>
      tpu.wait_dma2 semaphore(%run_scoped3A : memref<!tpu.dma_semaphore, #tpu.memory_space<semaphore_mem>>) src(%arg14 : memref<632x16xf32, #tpu.memory_space<vmem>>) dst(%dma_wait3A_234 : memref<632x16xf32, #tpu.memory_space<vmem_shared>>)
      tpu.yield
    }) : () -> ()
    %barrier3A = arith.constant 0 : index
    tpu.barrier barrier_id(%barrier3A)
    %add3A_44 = arith.constant 0 : i32
    %add3A_45 = arith.addi %sub3A_35, %add3A_44 : i32
    %dma_start3A = arith.constant 0 : i32
    %dma_start3A_46 = arith.constant 0 : i32
    %dma_start3A_47 = tpu.memref_slice %arg5[%add3A_45, %dma_start3A, %dma_start3A_46] : memref<79x2x128xi32, #tpu.memory_space<vmem>> -> memref<1x1x128xi32, #tpu.memory_space<vmem>>
    %dma_start3A_48 = tpu.memref_squeeze %dma_start3A_47 : memref<1x1x128xi32, #tpu.memory_space<vmem>> -> memref<128xi32, #tpu.memory_space<vmem>>
    %dma_start3A_49 = arith.constant 0 : i32
    %dma_start3A_50 = arith.constant 0 : i32
    %dma_start3A_51 = tpu.memref_slice %arg3[%dma_start3A_49, %dma_start3A_50] : memref<10112x16xf32, #tpu.memory_space<hbm>> -> memref<10112x16xf32, #tpu.memory_space<hbm>>
    tpu.enqueue_indirect_dma source(%dma_start3A_51 : memref<10112x16xf32, #tpu.memory_space<hbm>>) target(%arg6 : memref<128x16xf32, #tpu.memory_space<vmem>>) offsets(%dma_start3A_48 : memref<128xi32, #tpu.memory_space<vmem>>) semaphore(%arg16 : memref<!tpu.dma_semaphore, #tpu.memory_space<semaphore_mem>>)
    %add3A_52 = arith.constant 1 : i32
    %add3A_53 = arith.addi %sub3A_35, %add3A_52 : i32
    %dma_start3A_54 = arith.constant 0 : i32
    %dma_start3A_55 = arith.constant 0 : i32
    %dma_start3A_56 = tpu.memref_slice %arg5[%add3A_53, %dma_start3A_54, %dma_start3A_55] : memref<79x2x128xi32, #tpu.memory_space<vmem>> -> memref<1x1x128xi32, #tpu.memory_space<vmem>>
    %dma_start3A_57 = tpu.memref_squeeze %dma_start3A_56 : memref<1x1x128xi32, #tpu.memory_space<vmem>> -> memref<128xi32, #tpu.memory_space<vmem>>
    %dma_start3A_58 = arith.constant 0 : i32
    %dma_start3A_59 = arith.constant 0 : i32
    %dma_start3A_60 = tpu.memref_slice %arg3[%dma_start3A_58, %dma_start3A_59] : memref<10112x16xf32, #tpu.memory_space<hbm>> -> memref<10112x16xf32, #tpu.memory_space<hbm>>
    tpu.enqueue_indirect_dma source(%dma_start3A_60 : memref<10112x16xf32, #tpu.memory_space<hbm>>) target(%arg7 : memref<128x16xf32, #tpu.memory_space<vmem>>) offsets(%dma_start3A_57 : memref<128xi32, #tpu.memory_space<vmem>>) semaphore(%arg17 : memref<!tpu.dma_semaphore, #tpu.memory_space<semaphore_mem>>)
    %add3A_61 = arith.constant 2 : i32
    %add3A_62 = arith.addi %sub3A_35, %add3A_61 : i32
    %dma_start3A_63 = arith.constant 0 : i32
    %dma_start3A_64 = arith.constant 0 : i32
    %dma_start3A_65 = tpu.memref_slice %arg5[%add3A_62, %dma_start3A_63, %dma_start3A_64] : memref<79x2x128xi32, #tpu.memory_space<vmem>> -> memref<1x1x128xi32, #tpu.memory_space<vmem>>
    %dma_start3A_66 = tpu.memref_squeeze %dma_start3A_65 : memref<1x1x128xi32, #tpu.memory_space<vmem>> -> memref<128xi32, #tpu.memory_space<vmem>>
    %dma_start3A_67 = arith.constant 0 : i32
    %dma_start3A_68 = arith.constant 0 : i32
    %dma_start3A_69 = tpu.memref_slice %arg3[%dma_start3A_67, %dma_start3A_68] : memref<10112x16xf32, #tpu.memory_space<hbm>> -> memref<10112x16xf32, #tpu.memory_space<hbm>>
    tpu.enqueue_indirect_dma source(%dma_start3A_69 : memref<10112x16xf32, #tpu.memory_space<hbm>>) target(%arg8 : memref<128x16xf32, #tpu.memory_space<vmem>>) offsets(%dma_start3A_66 : memref<128xi32, #tpu.memory_space<vmem>>) semaphore(%arg18 : memref<!tpu.dma_semaphore, #tpu.memory_space<semaphore_mem>>)
    %add3A_70 = arith.constant 3 : i32
    %add3A_71 = arith.addi %sub3A_35, %add3A_70 : i32
    %dma_start3A_72 = arith.constant 0 : i32
    %dma_start3A_73 = arith.constant 0 : i32
    %dma_start3A_74 = tpu.memref_slice %arg5[%add3A_71, %dma_start3A_72, %dma_start3A_73] : memref<79x2x128xi32, #tpu.memory_space<vmem>> -> memref<1x1x128xi32, #tpu.memory_space<vmem>>
    %dma_start3A_75 = tpu.memref_squeeze %dma_start3A_74 : memref<1x1x128xi32, #tpu.memory_space<vmem>> -> memref<128xi32, #tpu.memory_space<vmem>>
    %dma_start3A_76 = arith.constant 0 : i32
    %dma_start3A_77 = arith.constant 0 : i32
    %dma_start3A_78 = tpu.memref_slice %arg3[%dma_start3A_76, %dma_start3A_77] : memref<10112x16xf32, #tpu.memory_space<hbm>> -> memref<10112x16xf32, #tpu.memory_space<hbm>>
    tpu.enqueue_indirect_dma source(%dma_start3A_78 : memref<10112x16xf32, #tpu.memory_space<hbm>>) target(%arg9 : memref<128x16xf32, #tpu.memory_space<vmem>>) offsets(%dma_start3A_75 : memref<128xi32, #tpu.memory_space<vmem>>) semaphore(%arg19 : memref<!tpu.dma_semaphore, #tpu.memory_space<semaphore_mem>>)
    %add3A_79 = arith.constant 4 : i32
    %add3A_80 = arith.addi %sub3A_35, %add3A_79 : i32
    %dma_start3A_81 = arith.constant 0 : i32
    %dma_start3A_82 = arith.constant 0 : i32
    %dma_start3A_83 = tpu.memref_slice %arg5[%add3A_80, %dma_start3A_81, %dma_start3A_82] : memref<79x2x128xi32, #tpu.memory_space<vmem>> -> memref<1x1x128xi32, #tpu.memory_space<vmem>>
    %dma_start3A_84 = tpu.memref_squeeze %dma_start3A_83 : memref<1x1x128xi32, #tpu.memory_space<vmem>> -> memref<128xi32, #tpu.memory_space<vmem>>
    %dma_start3A_85 = arith.constant 0 : i32
    %dma_start3A_86 = arith.constant 0 : i32
    %dma_start3A_87 = tpu.memref_slice %arg3[%dma_start3A_85, %dma_start3A_86] : memref<10112x16xf32, #tpu.memory_space<hbm>> -> memref<10112x16xf32, #tpu.memory_space<hbm>>
    tpu.enqueue_indirect_dma source(%dma_start3A_87 : memref<10112x16xf32, #tpu.memory_space<hbm>>) target(%arg10 : memref<128x16xf32, #tpu.memory_space<vmem>>) offsets(%dma_start3A_84 : memref<128xi32, #tpu.memory_space<vmem>>) semaphore(%arg20 : memref<!tpu.dma_semaphore, #tpu.memory_space<semaphore_mem>>)
    %add3A_88 = arith.constant 5 : i32
    %add3A_89 = arith.addi %sub3A_35, %add3A_88 : i32
    %dma_start3A_90 = arith.constant 0 : i32
    %dma_start3A_91 = arith.constant 0 : i32
    %dma_start3A_92 = tpu.memref_slice %arg5[%add3A_89, %dma_start3A_90, %dma_start3A_91] : memref<79x2x128xi32, #tpu.memory_space<vmem>> -> memref<1x1x128xi32, #tpu.memory_space<vmem>>
    %dma_start3A_93 = tpu.memref_squeeze %dma_start3A_92 : memref<1x1x128xi32, #tpu.memory_space<vmem>> -> memref<128xi32, #tpu.memory_space<vmem>>
    %dma_start3A_94 = arith.constant 0 : i32
    %dma_start3A_95 = arith.constant 0 : i32
    %dma_start3A_96 = tpu.memref_slice %arg3[%dma_start3A_94, %dma_start3A_95] : memref<10112x16xf32, #tpu.memory_space<hbm>> -> memref<10112x16xf32, #tpu.memory_space<hbm>>
    tpu.enqueue_indirect_dma source(%dma_start3A_96 : memref<10112x16xf32, #tpu.memory_space<hbm>>) target(%arg11 : memref<128x16xf32, #tpu.memory_space<vmem>>) offsets(%dma_start3A_93 : memref<128xi32, #tpu.memory_space<vmem>>) semaphore(%arg21 : memref<!tpu.dma_semaphore, #tpu.memory_space<semaphore_mem>>)
    %add3A_97 = arith.constant 6 : i32
    %add3A_98 = arith.addi %sub3A_35, %add3A_97 : i32
    %dma_start3A_99 = arith.constant 0 : i32
    %dma_start3A_100 = arith.constant 0 : i32
    %dma_start3A_101 = tpu.memref_slice %arg5[%add3A_98, %dma_start3A_99, %dma_start3A_100] : memref<79x2x128xi32, #tpu.memory_space<vmem>> -> memref<1x1x128xi32, #tpu.memory_space<vmem>>
    %dma_start3A_102 = tpu.memref_squeeze %dma_start3A_101 : memref<1x1x128xi32, #tpu.memory_space<vmem>> -> memref<128xi32, #tpu.memory_space<vmem>>
    %dma_start3A_103 = arith.constant 0 : i32
    %dma_start3A_104 = arith.constant 0 : i32
    %dma_start3A_105 = tpu.memref_slice %arg3[%dma_start3A_103, %dma_start3A_104] : memref<10112x16xf32, #tpu.memory_space<hbm>> -> memref<10112x16xf32, #tpu.memory_space<hbm>>
    tpu.enqueue_indirect_dma source(%dma_start3A_105 : memref<10112x16xf32, #tpu.memory_space<hbm>>) target(%arg12 : memref<128x16xf32, #tpu.memory_space<vmem>>) offsets(%dma_start3A_102 : memref<128xi32, #tpu.memory_space<vmem>>) semaphore(%arg22 : memref<!tpu.dma_semaphore, #tpu.memory_space<semaphore_mem>>)
    %add3A_106 = arith.constant 7 : i32
    %add3A_107 = arith.addi %sub3A_35, %add3A_106 : i32
    %dma_start3A_108 = arith.constant 0 : i32
    %dma_start3A_109 = arith.constant 0 : i32
    %dma_start3A_110 = tpu.memref_slice %arg5[%add3A_107, %dma_start3A_108, %dma_start3A_109] : memref<79x2x128xi32, #tpu.memory_space<vmem>> -> memref<1x1x128xi32, #tpu.memory_space<vmem>>
    %dma_start3A_111 = tpu.memref_squeeze %dma_start3A_110 : memref<1x1x128xi32, #tpu.memory_space<vmem>> -> memref<128xi32, #tpu.memory_space<vmem>>
    %dma_start3A_112 = arith.constant 0 : i32
    %dma_start3A_113 = arith.constant 0 : i32
    %dma_start3A_114 = tpu.memref_slice %arg3[%dma_start3A_112, %dma_start3A_113] : memref<10112x16xf32, #tpu.memory_space<hbm>> -> memref<10112x16xf32, #tpu.memory_space<hbm>>
    tpu.enqueue_indirect_dma source(%dma_start3A_114 : memref<10112x16xf32, #tpu.memory_space<hbm>>) target(%arg13 : memref<128x16xf32, #tpu.memory_space<vmem>>) offsets(%dma_start3A_111 : memref<128xi32, #tpu.memory_space<vmem>>) semaphore(%arg23 : memref<!tpu.dma_semaphore, #tpu.memory_space<semaphore_mem>>)
    %add3A_115 = arith.constant 8 : i32
    %add3A_116 = arith.addi %add3A, %add3A_115 : i32
    %sub3A_117 = arith.constant 1 : i32
    %sub3A_118 = arith.subi %add3A_116, %sub3A_117 : i32
    %jit3A_119 = arith.constant 8 : i32
    %div3A_120 = arith.divsi %sub3A_118, %jit3A_119 : i32
    %sign3A_121 = arith.constant 0 : i32
    %sign3A_122 = arith.cmpi sgt, %sub3A_118, %sign3A_121 : i32
    %sign3A_123 = arith.extui %sign3A_122 : i1 to i32
    %sign3A_124 = arith.constant 0 : i32
    %sign3A_125 = arith.cmpi slt, %sub3A_118, %sign3A_124 : i32
    %sign3A_126 = arith.extui %sign3A_125 : i1 to i32
    %sign3A_127 = arith.subi %sign3A_123, %sign3A_126 : i32
    %sign3A_128 = arith.constant 0 : i32
    %sign3A_129 = arith.cmpi sgt, %jit3A_119, %sign3A_128 : i32
    %sign3A_130 = arith.extui %sign3A_129 : i1 to i32
    %sign3A_131 = arith.constant 0 : i32
    %sign3A_132 = arith.cmpi slt, %jit3A_119, %sign3A_131 : i32
    %sign3A_133 = arith.extui %sign3A_132 : i1 to i32
    %sign3A_134 = arith.subi %sign3A_130, %sign3A_133 : i32
    %ne3A_135 = arith.cmpi ne, %sign3A_127, %sign3A_134 : i32
    %rem3A_136 = arith.remsi %sub3A_118, %jit3A_119 : i32
    %ne3A_137 = arith.constant 0 : i32
    %ne3A_138 = arith.cmpi ne, %rem3A_136, %ne3A_137 : i32
    %and3A_139 = arith.andi %ne3A_135, %ne3A_138 : i1
    %sub3A_140 = arith.constant 1 : i32
    %sub3A_141 = arith.subi %div3A_120, %sub3A_140 : i32
    %select_n3A_142 = arith.select %and3A_139, %sub3A_141, %div3A_120 : i32
    %while3A = arith.constant 0 : i32
    %while3A_143 = arith.constant 0 : i32
    %while3A_144 = arith.subi %select_n3A_142, %while3A : i32
    %while3A_145 = arith.addi %while3A, %while3A_144 : i32
    %while3A_146 = arith.constant 1 : i32
    %while3A_147 = arith.divsi %while3A_144, %while3A_146 : i32
    %while3A_148 = arith.muli %while3A_147, %while3A_146 : i32
    %while3A_149 = arith.addi %while3A, %while3A_148 : i32
    %while3A_150 = arith.constant 1 : i32
    %while3A_151 = scf.for %while3A_228 = %while3A to %while3A_149 step %while3A_150 iter_args(%while3A_229 = %while3A_143) -> (i32)  : i32 {
      %mul3A_230 = arith.constant 8 : i32
      %mul3A_231 = arith.muli %while3A_228, %mul3A_230 : i32
      %add3A_232 = arith.constant 0 : i32
      %add3A_233 = arith.addi %mul3A_231, %add3A_232 : i32
      %lt3A_234 = arith.cmpi slt, %add3A_233, %add3A : i32
      %convert_element_type3A_235 = arith.extui %lt3A_234 : i1 to i32
      %cond3A_236 = arith.constant 0 : i32
      %cond3A_237 = arith.cmpi ne, %convert_element_type3A_235, %cond3A_236 : i32
      scf.if %cond3A_237 {
        %add3A_375 = arith.addi %sub3A_35, %add3A_233 : i32
        %dma_wait3A = arith.constant 0 : i32
        %dma_wait3A_376 = arith.constant 0 : i32
        %dma_wait3A_377 = tpu.memref_slice %arg5[%add3A_375, %dma_wait3A, %dma_wait3A_376] : memref<79x2x128xi32, #tpu.memory_space<vmem>> -> memref<1x1x128xi32, #tpu.memory_space<vmem>>
        %dma_wait3A_378 = tpu.memref_squeeze %dma_wait3A_377 : memref<1x1x128xi32, #tpu.memory_space<vmem>> -> memref<128xi32, #tpu.memory_space<vmem>>
        %dma_wait3A_379 = arith.constant 0 : i32
        %dma_wait3A_380 = arith.constant 0 : i32
        %dma_wait3A_381 = tpu.memref_slice %arg3[%dma_wait3A_379, %dma_wait3A_380] : memref<10112x16xf32, #tpu.memory_space<hbm>> -> memref<10112x16xf32, #tpu.memory_space<hbm>>
        tpu.wait_indirect_dma semaphore(%arg16 : memref<!tpu.dma_semaphore, #tpu.memory_space<semaphore_mem>>) src(%dma_wait3A_381 : memref<10112x16xf32, #tpu.memory_space<hbm>>) dst(%arg6 : memref<128x16xf32, #tpu.memory_space<vmem>>)
        %add3A_382 = arith.addi %sub3A_35, %add3A_233 : i32
        %dma_start3A_383 = arith.constant 1 : i32
        %dma_start3A_384 = arith.constant 0 : i32
        %dma_start3A_385 = tpu.memref_slice %arg5[%add3A_382, %dma_start3A_383, %dma_start3A_384] : memref<79x2x128xi32, #tpu.memory_space<vmem>> -> memref<1x1x128xi32, #tpu.memory_space<vmem>>
        %dma_start3A_386 = tpu.memref_squeeze %dma_start3A_385 : memref<1x1x128xi32, #tpu.memory_space<vmem>> -> memref<128xi32, #tpu.memory_space<vmem>>
        %dma_start3A_387 = arith.constant 0 : i32
        %dma_start3A_388 = arith.constant 0 : i32
        %dma_start3A_389 = tpu.memref_slice %arg15[%dma_start3A_387, %dma_start3A_388] : memref<10112x16xf32, #tpu.memory_space<vmem_shared>> -> memref<10112x16xf32, #tpu.memory_space<vmem_shared>>
        tpu.enqueue_indirect_dma source(%arg6 : memref<128x16xf32, #tpu.memory_space<vmem>>) target(%dma_start3A_389 : memref<10112x16xf32, #tpu.memory_space<vmem_shared>>) offsets(%dma_start3A_386 : memref<128xi32, #tpu.memory_space<vmem>>) semaphore(%arg24 : memref<!tpu.dma_semaphore, #tpu.memory_space<semaphore_mem>>) {add = true}
      } else {
      }
      %mul3A_238 = arith.constant 8 : i32
      %mul3A_239 = arith.muli %while3A_228, %mul3A_238 : i32
      %add3A_240 = arith.constant 1 : i32
      %add3A_241 = arith.addi %mul3A_239, %add3A_240 : i32
      %lt3A_242 = arith.cmpi slt, %add3A_241, %add3A : i32
      %convert_element_type3A_243 = arith.extui %lt3A_242 : i1 to i32
      %cond3A_244 = arith.constant 0 : i32
      %cond3A_245 = arith.cmpi ne, %convert_element_type3A_243, %cond3A_244 : i32
      scf.if %cond3A_245 {
        %add3A_375 = arith.addi %sub3A_35, %add3A_241 : i32
        %dma_wait3A = arith.constant 0 : i32
        %dma_wait3A_376 = arith.constant 0 : i32
        %dma_wait3A_377 = tpu.memref_slice %arg5[%add3A_375, %dma_wait3A, %dma_wait3A_376] : memref<79x2x128xi32, #tpu.memory_space<vmem>> -> memref<1x1x128xi32, #tpu.memory_space<vmem>>
        %dma_wait3A_378 = tpu.memref_squeeze %dma_wait3A_377 : memref<1x1x128xi32, #tpu.memory_space<vmem>> -> memref<128xi32, #tpu.memory_space<vmem>>
        %dma_wait3A_379 = arith.constant 0 : i32
        %dma_wait3A_380 = arith.constant 0 : i32
        %dma_wait3A_381 = tpu.memref_slice %arg3[%dma_wait3A_379, %dma_wait3A_380] : memref<10112x16xf32, #tpu.memory_space<hbm>> -> memref<10112x16xf32, #tpu.memory_space<hbm>>
        tpu.wait_indirect_dma semaphore(%arg17 : memref<!tpu.dma_semaphore, #tpu.memory_space<semaphore_mem>>) src(%dma_wait3A_381 : memref<10112x16xf32, #tpu.memory_space<hbm>>) dst(%arg7 : memref<128x16xf32, #tpu.memory_space<vmem>>)
        %add3A_382 = arith.addi %sub3A_35, %add3A_241 : i32
        %dma_start3A_383 = arith.constant 1 : i32
        %dma_start3A_384 = arith.constant 0 : i32
        %dma_start3A_385 = tpu.memref_slice %arg5[%add3A_382, %dma_start3A_383, %dma_start3A_384] : memref<79x2x128xi32, #tpu.memory_space<vmem>> -> memref<1x1x128xi32, #tpu.memory_space<vmem>>
        %dma_start3A_386 = tpu.memref_squeeze %dma_start3A_385 : memref<1x1x128xi32, #tpu.memory_space<vmem>> -> memref<128xi32, #tpu.memory_space<vmem>>
        %dma_start3A_387 = arith.constant 0 : i32
        %dma_start3A_388 = arith.constant 0 : i32
        %dma_start3A_389 = tpu.memref_slice %arg15[%dma_start3A_387, %dma_start3A_388] : memref<10112x16xf32, #tpu.memory_space<vmem_shared>> -> memref<10112x16xf32, #tpu.memory_space<vmem_shared>>
        tpu.enqueue_indirect_dma source(%arg7 : memref<128x16xf32, #tpu.memory_space<vmem>>) target(%dma_start3A_389 : memref<10112x16xf32, #tpu.memory_space<vmem_shared>>) offsets(%dma_start3A_386 : memref<128xi32, #tpu.memory_space<vmem>>) semaphore(%arg25 : memref<!tpu.dma_semaphore, #tpu.memory_space<semaphore_mem>>) {add = true}
      } else {
      }
      %mul3A_246 = arith.constant 8 : i32
      %mul3A_247 = arith.muli %while3A_228, %mul3A_246 : i32
      %add3A_248 = arith.constant 2 : i32
      %add3A_249 = arith.addi %mul3A_247, %add3A_248 : i32
      %lt3A_250 = arith.cmpi slt, %add3A_249, %add3A : i32
      %convert_element_type3A_251 = arith.extui %lt3A_250 : i1 to i32
      %cond3A_252 = arith.constant 0 : i32
      %cond3A_253 = arith.cmpi ne, %convert_element_type3A_251, %cond3A_252 : i32
      scf.if %cond3A_253 {
        %add3A_375 = arith.addi %sub3A_35, %add3A_249 : i32
        %dma_wait3A = arith.constant 0 : i32
        %dma_wait3A_376 = arith.constant 0 : i32
        %dma_wait3A_377 = tpu.memref_slice %arg5[%add3A_375, %dma_wait3A, %dma_wait3A_376] : memref<79x2x128xi32, #tpu.memory_space<vmem>> -> memref<1x1x128xi32, #tpu.memory_space<vmem>>
        %dma_wait3A_378 = tpu.memref_squeeze %dma_wait3A_377 : memref<1x1x128xi32, #tpu.memory_space<vmem>> -> memref<128xi32, #tpu.memory_space<vmem>>
        %dma_wait3A_379 = arith.constant 0 : i32
        %dma_wait3A_380 = arith.constant 0 : i32
        %dma_wait3A_381 = tpu.memref_slice %arg3[%dma_wait3A_379, %dma_wait3A_380] : memref<10112x16xf32, #tpu.memory_space<hbm>> -> memref<10112x16xf32, #tpu.memory_space<hbm>>
        tpu.wait_indirect_dma semaphore(%arg18 : memref<!tpu.dma_semaphore, #tpu.memory_space<semaphore_mem>>) src(%dma_wait3A_381 : memref<10112x16xf32, #tpu.memory_space<hbm>>) dst(%arg8 : memref<128x16xf32, #tpu.memory_space<vmem>>)
        %add3A_382 = arith.addi %sub3A_35, %add3A_249 : i32
        %dma_start3A_383 = arith.constant 1 : i32
        %dma_start3A_384 = arith.constant 0 : i32
        %dma_start3A_385 = tpu.memref_slice %arg5[%add3A_382, %dma_start3A_383, %dma_start3A_384] : memref<79x2x128xi32, #tpu.memory_space<vmem>> -> memref<1x1x128xi32, #tpu.memory_space<vmem>>
        %dma_start3A_386 = tpu.memref_squeeze %dma_start3A_385 : memref<1x1x128xi32, #tpu.memory_space<vmem>> -> memref<128xi32, #tpu.memory_space<vmem>>
        %dma_start3A_387 = arith.constant 0 : i32
        %dma_start3A_388 = arith.constant 0 : i32
        %dma_start3A_389 = tpu.memref_slice %arg15[%dma_start3A_387, %dma_start3A_388] : memref<10112x16xf32, #tpu.memory_space<vmem_shared>> -> memref<10112x16xf32, #tpu.memory_space<vmem_shared>>
        tpu.enqueue_indirect_dma source(%arg8 : memref<128x16xf32, #tpu.memory_space<vmem>>) target(%dma_start3A_389 : memref<10112x16xf32, #tpu.memory_space<vmem_shared>>) offsets(%dma_start3A_386 : memref<128xi32, #tpu.memory_space<vmem>>) semaphore(%arg26 : memref<!tpu.dma_semaphore, #tpu.memory_space<semaphore_mem>>) {add = true}
      } else {
      }
      %mul3A_254 = arith.constant 8 : i32
      %mul3A_255 = arith.muli %while3A_228, %mul3A_254 : i32
      %add3A_256 = arith.constant 3 : i32
      %add3A_257 = arith.addi %mul3A_255, %add3A_256 : i32
      %lt3A_258 = arith.cmpi slt, %add3A_257, %add3A : i32
      %convert_element_type3A_259 = arith.extui %lt3A_258 : i1 to i32
      %cond3A_260 = arith.constant 0 : i32
      %cond3A_261 = arith.cmpi ne, %convert_element_type3A_259, %cond3A_260 : i32
      scf.if %cond3A_261 {
        %add3A_375 = arith.addi %sub3A_35, %add3A_257 : i32
        %dma_wait3A = arith.constant 0 : i32
        %dma_wait3A_376 = arith.constant 0 : i32
        %dma_wait3A_377 = tpu.memref_slice %arg5[%add3A_375, %dma_wait3A, %dma_wait3A_376] : memref<79x2x128xi32, #tpu.memory_space<vmem>> -> memref<1x1x128xi32, #tpu.memory_space<vmem>>
        %dma_wait3A_378 = tpu.memref_squeeze %dma_wait3A_377 : memref<1x1x128xi32, #tpu.memory_space<vmem>> -> memref<128xi32, #tpu.memory_space<vmem>>
        %dma_wait3A_379 = arith.constant 0 : i32
        %dma_wait3A_380 = arith.constant 0 : i32
        %dma_wait3A_381 = tpu.memref_slice %arg3[%dma_wait3A_379, %dma_wait3A_380] : memref<10112x16xf32, #tpu.memory_space<hbm>> -> memref<10112x16xf32, #tpu.memory_space<hbm>>
        tpu.wait_indirect_dma semaphore(%arg19 : memref<!tpu.dma_semaphore, #tpu.memory_space<semaphore_mem>>) src(%dma_wait3A_381 : memref<10112x16xf32, #tpu.memory_space<hbm>>) dst(%arg9 : memref<128x16xf32, #tpu.memory_space<vmem>>)
        %add3A_382 = arith.addi %sub3A_35, %add3A_257 : i32
        %dma_start3A_383 = arith.constant 1 : i32
        %dma_start3A_384 = arith.constant 0 : i32
        %dma_start3A_385 = tpu.memref_slice %arg5[%add3A_382, %dma_start3A_383, %dma_start3A_384] : memref<79x2x128xi32, #tpu.memory_space<vmem>> -> memref<1x1x128xi32, #tpu.memory_space<vmem>>
        %dma_start3A_386 = tpu.memref_squeeze %dma_start3A_385 : memref<1x1x128xi32, #tpu.memory_space<vmem>> -> memref<128xi32, #tpu.memory_space<vmem>>
        %dma_start3A_387 = arith.constant 0 : i32
        %dma_start3A_388 = arith.constant 0 : i32
        %dma_start3A_389 = tpu.memref_slice %arg15[%dma_start3A_387, %dma_start3A_388] : memref<10112x16xf32, #tpu.memory_space<vmem_shared>> -> memref<10112x16xf32, #tpu.memory_space<vmem_shared>>
        tpu.enqueue_indirect_dma source(%arg9 : memref<128x16xf32, #tpu.memory_space<vmem>>) target(%dma_start3A_389 : memref<10112x16xf32, #tpu.memory_space<vmem_shared>>) offsets(%dma_start3A_386 : memref<128xi32, #tpu.memory_space<vmem>>) semaphore(%arg27 : memref<!tpu.dma_semaphore, #tpu.memory_space<semaphore_mem>>) {add = true}
      } else {
      }
      %mul3A_262 = arith.constant 8 : i32
      %mul3A_263 = arith.muli %while3A_228, %mul3A_262 : i32
      %add3A_264 = arith.constant 4 : i32
      %add3A_265 = arith.addi %mul3A_263, %add3A_264 : i32
      %lt3A_266 = arith.cmpi slt, %add3A_265, %add3A : i32
      %convert_element_type3A_267 = arith.extui %lt3A_266 : i1 to i32
      %cond3A_268 = arith.constant 0 : i32
      %cond3A_269 = arith.cmpi ne, %convert_element_type3A_267, %cond3A_268 : i32
      scf.if %cond3A_269 {
        %add3A_375 = arith.addi %sub3A_35, %add3A_265 : i32
        %dma_wait3A = arith.constant 0 : i32
        %dma_wait3A_376 = arith.constant 0 : i32
        %dma_wait3A_377 = tpu.memref_slice %arg5[%add3A_375, %dma_wait3A, %dma_wait3A_376] : memref<79x2x128xi32, #tpu.memory_space<vmem>> -> memref<1x1x128xi32, #tpu.memory_space<vmem>>
        %dma_wait3A_378 = tpu.memref_squeeze %dma_wait3A_377 : memref<1x1x128xi32, #tpu.memory_space<vmem>> -> memref<128xi32, #tpu.memory_space<vmem>>
        %dma_wait3A_379 = arith.constant 0 : i32
        %dma_wait3A_380 = arith.constant 0 : i32
        %dma_wait3A_381 = tpu.memref_slice %arg3[%dma_wait3A_379, %dma_wait3A_380] : memref<10112x16xf32, #tpu.memory_space<hbm>> -> memref<10112x16xf32, #tpu.memory_space<hbm>>
        tpu.wait_indirect_dma semaphore(%arg20 : memref<!tpu.dma_semaphore, #tpu.memory_space<semaphore_mem>>) src(%dma_wait3A_381 : memref<10112x16xf32, #tpu.memory_space<hbm>>) dst(%arg10 : memref<128x16xf32, #tpu.memory_space<vmem>>)
        %add3A_382 = arith.addi %sub3A_35, %add3A_265 : i32
        %dma_start3A_383 = arith.constant 1 : i32
        %dma_start3A_384 = arith.constant 0 : i32
        %dma_start3A_385 = tpu.memref_slice %arg5[%add3A_382, %dma_start3A_383, %dma_start3A_384] : memref<79x2x128xi32, #tpu.memory_space<vmem>> -> memref<1x1x128xi32, #tpu.memory_space<vmem>>
        %dma_start3A_386 = tpu.memref_squeeze %dma_start3A_385 : memref<1x1x128xi32, #tpu.memory_space<vmem>> -> memref<128xi32, #tpu.memory_space<vmem>>
        %dma_start3A_387 = arith.constant 0 : i32
        %dma_start3A_388 = arith.constant 0 : i32
        %dma_start3A_389 = tpu.memref_slice %arg15[%dma_start3A_387, %dma_start3A_388] : memref<10112x16xf32, #tpu.memory_space<vmem_shared>> -> memref<10112x16xf32, #tpu.memory_space<vmem_shared>>
        tpu.enqueue_indirect_dma source(%arg10 : memref<128x16xf32, #tpu.memory_space<vmem>>) target(%dma_start3A_389 : memref<10112x16xf32, #tpu.memory_space<vmem_shared>>) offsets(%dma_start3A_386 : memref<128xi32, #tpu.memory_space<vmem>>) semaphore(%arg28 : memref<!tpu.dma_semaphore, #tpu.memory_space<semaphore_mem>>) {add = true}
      } else {
      }
      %mul3A_270 = arith.constant 8 : i32
      %mul3A_271 = arith.muli %while3A_228, %mul3A_270 : i32
      %add3A_272 = arith.constant 5 : i32
      %add3A_273 = arith.addi %mul3A_271, %add3A_272 : i32
      %lt3A_274 = arith.cmpi slt, %add3A_273, %add3A : i32
      %convert_element_type3A_275 = arith.extui %lt3A_274 : i1 to i32
      %cond3A_276 = arith.constant 0 : i32
      %cond3A_277 = arith.cmpi ne, %convert_element_type3A_275, %cond3A_276 : i32
      scf.if %cond3A_277 {
        %add3A_375 = arith.addi %sub3A_35, %add3A_273 : i32
        %dma_wait3A = arith.constant 0 : i32
        %dma_wait3A_376 = arith.constant 0 : i32
        %dma_wait3A_377 = tpu.memref_slice %arg5[%add3A_375, %dma_wait3A, %dma_wait3A_376] : memref<79x2x128xi32, #tpu.memory_space<vmem>> -> memref<1x1x128xi32, #tpu.memory_space<vmem>>
        %dma_wait3A_378 = tpu.memref_squeeze %dma_wait3A_377 : memref<1x1x128xi32, #tpu.memory_space<vmem>> -> memref<128xi32, #tpu.memory_space<vmem>>
        %dma_wait3A_379 = arith.constant 0 : i32
        %dma_wait3A_380 = arith.constant 0 : i32
        %dma_wait3A_381 = tpu.memref_slice %arg3[%dma_wait3A_379, %dma_wait3A_380] : memref<10112x16xf32, #tpu.memory_space<hbm>> -> memref<10112x16xf32, #tpu.memory_space<hbm>>
        tpu.wait_indirect_dma semaphore(%arg21 : memref<!tpu.dma_semaphore, #tpu.memory_space<semaphore_mem>>) src(%dma_wait3A_381 : memref<10112x16xf32, #tpu.memory_space<hbm>>) dst(%arg11 : memref<128x16xf32, #tpu.memory_space<vmem>>)
        %add3A_382 = arith.addi %sub3A_35, %add3A_273 : i32
        %dma_start3A_383 = arith.constant 1 : i32
        %dma_start3A_384 = arith.constant 0 : i32
        %dma_start3A_385 = tpu.memref_slice %arg5[%add3A_382, %dma_start3A_383, %dma_start3A_384] : memref<79x2x128xi32, #tpu.memory_space<vmem>> -> memref<1x1x128xi32, #tpu.memory_space<vmem>>
        %dma_start3A_386 = tpu.memref_squeeze %dma_start3A_385 : memref<1x1x128xi32, #tpu.memory_space<vmem>> -> memref<128xi32, #tpu.memory_space<vmem>>
        %dma_start3A_387 = arith.constant 0 : i32
        %dma_start3A_388 = arith.constant 0 : i32
        %dma_start3A_389 = tpu.memref_slice %arg15[%dma_start3A_387, %dma_start3A_388] : memref<10112x16xf32, #tpu.memory_space<vmem_shared>> -> memref<10112x16xf32, #tpu.memory_space<vmem_shared>>
        tpu.enqueue_indirect_dma source(%arg11 : memref<128x16xf32, #tpu.memory_space<vmem>>) target(%dma_start3A_389 : memref<10112x16xf32, #tpu.memory_space<vmem_shared>>) offsets(%dma_start3A_386 : memref<128xi32, #tpu.memory_space<vmem>>) semaphore(%arg29 : memref<!tpu.dma_semaphore, #tpu.memory_space<semaphore_mem>>) {add = true}
      } else {
      }
      %mul3A_278 = arith.constant 8 : i32
      %mul3A_279 = arith.muli %while3A_228, %mul3A_278 : i32
      %add3A_280 = arith.constant 6 : i32
      %add3A_281 = arith.addi %mul3A_279, %add3A_280 : i32
      %lt3A_282 = arith.cmpi slt, %add3A_281, %add3A : i32
      %convert_element_type3A_283 = arith.extui %lt3A_282 : i1 to i32
      %cond3A_284 = arith.constant 0 : i32
      %cond3A_285 = arith.cmpi ne, %convert_element_type3A_283, %cond3A_284 : i32
      scf.if %cond3A_285 {
        %add3A_375 = arith.addi %sub3A_35, %add3A_281 : i32
        %dma_wait3A = arith.constant 0 : i32
        %dma_wait3A_376 = arith.constant 0 : i32
        %dma_wait3A_377 = tpu.memref_slice %arg5[%add3A_375, %dma_wait3A, %dma_wait3A_376] : memref<79x2x128xi32, #tpu.memory_space<vmem>> -> memref<1x1x128xi32, #tpu.memory_space<vmem>>
        %dma_wait3A_378 = tpu.memref_squeeze %dma_wait3A_377 : memref<1x1x128xi32, #tpu.memory_space<vmem>> -> memref<128xi32, #tpu.memory_space<vmem>>
        %dma_wait3A_379 = arith.constant 0 : i32
        %dma_wait3A_380 = arith.constant 0 : i32
        %dma_wait3A_381 = tpu.memref_slice %arg3[%dma_wait3A_379, %dma_wait3A_380] : memref<10112x16xf32, #tpu.memory_space<hbm>> -> memref<10112x16xf32, #tpu.memory_space<hbm>>
        tpu.wait_indirect_dma semaphore(%arg22 : memref<!tpu.dma_semaphore, #tpu.memory_space<semaphore_mem>>) src(%dma_wait3A_381 : memref<10112x16xf32, #tpu.memory_space<hbm>>) dst(%arg12 : memref<128x16xf32, #tpu.memory_space<vmem>>)
        %add3A_382 = arith.addi %sub3A_35, %add3A_281 : i32
        %dma_start3A_383 = arith.constant 1 : i32
        %dma_start3A_384 = arith.constant 0 : i32
        %dma_start3A_385 = tpu.memref_slice %arg5[%add3A_382, %dma_start3A_383, %dma_start3A_384] : memref<79x2x128xi32, #tpu.memory_space<vmem>> -> memref<1x1x128xi32, #tpu.memory_space<vmem>>
        %dma_start3A_386 = tpu.memref_squeeze %dma_start3A_385 : memref<1x1x128xi32, #tpu.memory_space<vmem>> -> memref<128xi32, #tpu.memory_space<vmem>>
        %dma_start3A_387 = arith.constant 0 : i32
        %dma_start3A_388 = arith.constant 0 : i32
        %dma_start3A_389 = tpu.memref_slice %arg15[%dma_start3A_387, %dma_start3A_388] : memref<10112x16xf32, #tpu.memory_space<vmem_shared>> -> memref<10112x16xf32, #tpu.memory_space<vmem_shared>>
        tpu.enqueue_indirect_dma source(%arg12 : memref<128x16xf32, #tpu.memory_space<vmem>>) target(%dma_start3A_389 : memref<10112x16xf32, #tpu.memory_space<vmem_shared>>) offsets(%dma_start3A_386 : memref<128xi32, #tpu.memory_space<vmem>>) semaphore(%arg30 : memref<!tpu.dma_semaphore, #tpu.memory_space<semaphore_mem>>) {add = true}
      } else {
      }
      %mul3A_286 = arith.constant 8 : i32
      %mul3A_287 = arith.muli %while3A_228, %mul3A_286 : i32
      %add3A_288 = arith.constant 7 : i32
      %add3A_289 = arith.addi %mul3A_287, %add3A_288 : i32
      %lt3A_290 = arith.cmpi slt, %add3A_289, %add3A : i32
      %convert_element_type3A_291 = arith.extui %lt3A_290 : i1 to i32
      %cond3A_292 = arith.constant 0 : i32
      %cond3A_293 = arith.cmpi ne, %convert_element_type3A_291, %cond3A_292 : i32
      scf.if %cond3A_293 {
        %add3A_375 = arith.addi %sub3A_35, %add3A_289 : i32
        %dma_wait3A = arith.constant 0 : i32
        %dma_wait3A_376 = arith.constant 0 : i32
        %dma_wait3A_377 = tpu.memref_slice %arg5[%add3A_375, %dma_wait3A, %dma_wait3A_376] : memref<79x2x128xi32, #tpu.memory_space<vmem>> -> memref<1x1x128xi32, #tpu.memory_space<vmem>>
        %dma_wait3A_378 = tpu.memref_squeeze %dma_wait3A_377 : memref<1x1x128xi32, #tpu.memory_space<vmem>> -> memref<128xi32, #tpu.memory_space<vmem>>
        %dma_wait3A_379 = arith.constant 0 : i32
        %dma_wait3A_380 = arith.constant 0 : i32
        %dma_wait3A_381 = tpu.memref_slice %arg3[%dma_wait3A_379, %dma_wait3A_380] : memref<10112x16xf32, #tpu.memory_space<hbm>> -> memref<10112x16xf32, #tpu.memory_space<hbm>>
        tpu.wait_indirect_dma semaphore(%arg23 : memref<!tpu.dma_semaphore, #tpu.memory_space<semaphore_mem>>) src(%dma_wait3A_381 : memref<10112x16xf32, #tpu.memory_space<hbm>>) dst(%arg13 : memref<128x16xf32, #tpu.memory_space<vmem>>)
        %add3A_382 = arith.addi %sub3A_35, %add3A_289 : i32
        %dma_start3A_383 = arith.constant 1 : i32
        %dma_start3A_384 = arith.constant 0 : i32
        %dma_start3A_385 = tpu.memref_slice %arg5[%add3A_382, %dma_start3A_383, %dma_start3A_384] : memref<79x2x128xi32, #tpu.memory_space<vmem>> -> memref<1x1x128xi32, #tpu.memory_space<vmem>>
        %dma_start3A_386 = tpu.memref_squeeze %dma_start3A_385 : memref<1x1x128xi32, #tpu.memory_space<vmem>> -> memref<128xi32, #tpu.memory_space<vmem>>
        %dma_start3A_387 = arith.constant 0 : i32
        %dma_start3A_388 = arith.constant 0 : i32
        %dma_start3A_389 = tpu.memref_slice %arg15[%dma_start3A_387, %dma_start3A_388] : memref<10112x16xf32, #tpu.memory_space<vmem_shared>> -> memref<10112x16xf32, #tpu.memory_space<vmem_shared>>
        tpu.enqueue_indirect_dma source(%arg13 : memref<128x16xf32, #tpu.memory_space<vmem>>) target(%dma_start3A_389 : memref<10112x16xf32, #tpu.memory_space<vmem_shared>>) offsets(%dma_start3A_386 : memref<128xi32, #tpu.memory_space<vmem>>) semaphore(%arg31 : memref<!tpu.dma_semaphore, #tpu.memory_space<semaphore_mem>>) {add = true}
      } else {
      }
      %mul3A_294 = arith.constant 8 : i32
      %mul3A_295 = arith.muli %while3A_228, %mul3A_294 : i32
      %add3A_296 = arith.constant 0 : i32
      %add3A_297 = arith.addi %mul3A_295, %add3A_296 : i32
      %add3A_298 = arith.constant 8 : i32
      %add3A_299 = arith.addi %add3A_297, %add3A_298 : i32
      %lt3A_300 = arith.cmpi slt, %add3A_299, %add3A : i32
      %convert_element_type3A_301 = arith.extui %lt3A_300 : i1 to i32
      %cond3A_302 = arith.constant 0 : i32
      %cond3A_303 = arith.cmpi ne, %convert_element_type3A_301, %cond3A_302 : i32
      scf.if %cond3A_303 {
        %add3A_375 = arith.addi %sub3A_35, %add3A_297 : i32
        %dma_wait3A = arith.constant 1 : i32
        %dma_wait3A_376 = arith.constant 0 : i32
        %dma_wait3A_377 = tpu.memref_slice %arg5[%add3A_375, %dma_wait3A, %dma_wait3A_376] : memref<79x2x128xi32, #tpu.memory_space<vmem>> -> memref<1x1x128xi32, #tpu.memory_space<vmem>>
        %dma_wait3A_378 = tpu.memref_squeeze %dma_wait3A_377 : memref<1x1x128xi32, #tpu.memory_space<vmem>> -> memref<128xi32, #tpu.memory_space<vmem>>
        %dma_wait3A_379 = arith.constant 0 : i32
        %dma_wait3A_380 = arith.constant 0 : i32
        %dma_wait3A_381 = tpu.memref_slice %arg15[%dma_wait3A_379, %dma_wait3A_380] : memref<10112x16xf32, #tpu.memory_space<vmem_shared>> -> memref<10112x16xf32, #tpu.memory_space<vmem_shared>>
        tpu.wait_indirect_dma semaphore(%arg24 : memref<!tpu.dma_semaphore, #tpu.memory_space<semaphore_mem>>) src(%arg6 : memref<128x16xf32, #tpu.memory_space<vmem>>) dst(%dma_wait3A_381 : memref<10112x16xf32, #tpu.memory_space<vmem_shared>>)
        %add3A_382 = arith.addi %sub3A_35, %add3A_297 : i32
        %add3A_383 = arith.constant 8 : i32
        %add3A_384 = arith.addi %add3A_382, %add3A_383 : i32
        %dma_start3A_385 = arith.constant 0 : i32
        %dma_start3A_386 = arith.constant 0 : i32
        %dma_start3A_387 = tpu.memref_slice %arg5[%add3A_384, %dma_start3A_385, %dma_start3A_386] : memref<79x2x128xi32, #tpu.memory_space<vmem>> -> memref<1x1x128xi32, #tpu.memory_space<vmem>>
        %dma_start3A_388 = tpu.memref_squeeze %dma_start3A_387 : memref<1x1x128xi32, #tpu.memory_space<vmem>> -> memref<128xi32, #tpu.memory_space<vmem>>
        %dma_start3A_389 = arith.constant 0 : i32
        %dma_start3A_390 = arith.constant 0 : i32
        %dma_start3A_391 = tpu.memref_slice %arg3[%dma_start3A_389, %dma_start3A_390] : memref<10112x16xf32, #tpu.memory_space<hbm>> -> memref<10112x16xf32, #tpu.memory_space<hbm>>
        tpu.enqueue_indirect_dma source(%dma_start3A_391 : memref<10112x16xf32, #tpu.memory_space<hbm>>) target(%arg6 : memref<128x16xf32, #tpu.memory_space<vmem>>) offsets(%dma_start3A_388 : memref<128xi32, #tpu.memory_space<vmem>>) semaphore(%arg16 : memref<!tpu.dma_semaphore, #tpu.memory_space<semaphore_mem>>)
      } else {
      }
      %mul3A_304 = arith.constant 8 : i32
      %mul3A_305 = arith.muli %while3A_228, %mul3A_304 : i32
      %add3A_306 = arith.constant 1 : i32
      %add3A_307 = arith.addi %mul3A_305, %add3A_306 : i32
      %add3A_308 = arith.constant 8 : i32
      %add3A_309 = arith.addi %add3A_307, %add3A_308 : i32
      %lt3A_310 = arith.cmpi slt, %add3A_309, %add3A : i32
      %convert_element_type3A_311 = arith.extui %lt3A_310 : i1 to i32
      %cond3A_312 = arith.constant 0 : i32
      %cond3A_313 = arith.cmpi ne, %convert_element_type3A_311, %cond3A_312 : i32
      scf.if %cond3A_313 {
        %add3A_375 = arith.addi %sub3A_35, %add3A_307 : i32
        %dma_wait3A = arith.constant 1 : i32
        %dma_wait3A_376 = arith.constant 0 : i32
        %dma_wait3A_377 = tpu.memref_slice %arg5[%add3A_375, %dma_wait3A, %dma_wait3A_376] : memref<79x2x128xi32, #tpu.memory_space<vmem>> -> memref<1x1x128xi32, #tpu.memory_space<vmem>>
        %dma_wait3A_378 = tpu.memref_squeeze %dma_wait3A_377 : memref<1x1x128xi32, #tpu.memory_space<vmem>> -> memref<128xi32, #tpu.memory_space<vmem>>
        %dma_wait3A_379 = arith.constant 0 : i32
        %dma_wait3A_380 = arith.constant 0 : i32
        %dma_wait3A_381 = tpu.memref_slice %arg15[%dma_wait3A_379, %dma_wait3A_380] : memref<10112x16xf32, #tpu.memory_space<vmem_shared>> -> memref<10112x16xf32, #tpu.memory_space<vmem_shared>>
        tpu.wait_indirect_dma semaphore(%arg25 : memref<!tpu.dma_semaphore, #tpu.memory_space<semaphore_mem>>) src(%arg7 : memref<128x16xf32, #tpu.memory_space<vmem>>) dst(%dma_wait3A_381 : memref<10112x16xf32, #tpu.memory_space<vmem_shared>>)
        %add3A_382 = arith.addi %sub3A_35, %add3A_307 : i32
        %add3A_383 = arith.constant 8 : i32
        %add3A_384 = arith.addi %add3A_382, %add3A_383 : i32
        %dma_start3A_385 = arith.constant 0 : i32
        %dma_start3A_386 = arith.constant 0 : i32
        %dma_start3A_387 = tpu.memref_slice %arg5[%add3A_384, %dma_start3A_385, %dma_start3A_386] : memref<79x2x128xi32, #tpu.memory_space<vmem>> -> memref<1x1x128xi32, #tpu.memory_space<vmem>>
        %dma_start3A_388 = tpu.memref_squeeze %dma_start3A_387 : memref<1x1x128xi32, #tpu.memory_space<vmem>> -> memref<128xi32, #tpu.memory_space<vmem>>
        %dma_start3A_389 = arith.constant 0 : i32
        %dma_start3A_390 = arith.constant 0 : i32
        %dma_start3A_391 = tpu.memref_slice %arg3[%dma_start3A_389, %dma_start3A_390] : memref<10112x16xf32, #tpu.memory_space<hbm>> -> memref<10112x16xf32, #tpu.memory_space<hbm>>
        tpu.enqueue_indirect_dma source(%dma_start3A_391 : memref<10112x16xf32, #tpu.memory_space<hbm>>) target(%arg7 : memref<128x16xf32, #tpu.memory_space<vmem>>) offsets(%dma_start3A_388 : memref<128xi32, #tpu.memory_space<vmem>>) semaphore(%arg17 : memref<!tpu.dma_semaphore, #tpu.memory_space<semaphore_mem>>)
      } else {
      }
      %mul3A_314 = arith.constant 8 : i32
      %mul3A_315 = arith.muli %while3A_228, %mul3A_314 : i32
      %add3A_316 = arith.constant 2 : i32
      %add3A_317 = arith.addi %mul3A_315, %add3A_316 : i32
      %add3A_318 = arith.constant 8 : i32
      %add3A_319 = arith.addi %add3A_317, %add3A_318 : i32
      %lt3A_320 = arith.cmpi slt, %add3A_319, %add3A : i32
      %convert_element_type3A_321 = arith.extui %lt3A_320 : i1 to i32
      %cond3A_322 = arith.constant 0 : i32
      %cond3A_323 = arith.cmpi ne, %convert_element_type3A_321, %cond3A_322 : i32
      scf.if %cond3A_323 {
        %add3A_375 = arith.addi %sub3A_35, %add3A_317 : i32
        %dma_wait3A = arith.constant 1 : i32
        %dma_wait3A_376 = arith.constant 0 : i32
        %dma_wait3A_377 = tpu.memref_slice %arg5[%add3A_375, %dma_wait3A, %dma_wait3A_376] : memref<79x2x128xi32, #tpu.memory_space<vmem>> -> memref<1x1x128xi32, #tpu.memory_space<vmem>>
        %dma_wait3A_378 = tpu.memref_squeeze %dma_wait3A_377 : memref<1x1x128xi32, #tpu.memory_space<vmem>> -> memref<128xi32, #tpu.memory_space<vmem>>
        %dma_wait3A_379 = arith.constant 0 : i32
        %dma_wait3A_380 = arith.constant 0 : i32
        %dma_wait3A_381 = tpu.memref_slice %arg15[%dma_wait3A_379, %dma_wait3A_380] : memref<10112x16xf32, #tpu.memory_space<vmem_shared>> -> memref<10112x16xf32, #tpu.memory_space<vmem_shared>>
        tpu.wait_indirect_dma semaphore(%arg26 : memref<!tpu.dma_semaphore, #tpu.memory_space<semaphore_mem>>) src(%arg8 : memref<128x16xf32, #tpu.memory_space<vmem>>) dst(%dma_wait3A_381 : memref<10112x16xf32, #tpu.memory_space<vmem_shared>>)
        %add3A_382 = arith.addi %sub3A_35, %add3A_317 : i32
        %add3A_383 = arith.constant 8 : i32
        %add3A_384 = arith.addi %add3A_382, %add3A_383 : i32
        %dma_start3A_385 = arith.constant 0 : i32
        %dma_start3A_386 = arith.constant 0 : i32
        %dma_start3A_387 = tpu.memref_slice %arg5[%add3A_384, %dma_start3A_385, %dma_start3A_386] : memref<79x2x128xi32, #tpu.memory_space<vmem>> -> memref<1x1x128xi32, #tpu.memory_space<vmem>>
        %dma_start3A_388 = tpu.memref_squeeze %dma_start3A_387 : memref<1x1x128xi32, #tpu.memory_space<vmem>> -> memref<128xi32, #tpu.memory_space<vmem>>
        %dma_start3A_389 = arith.constant 0 : i32
        %dma_start3A_390 = arith.constant 0 : i32
        %dma_start3A_391 = tpu.memref_slice %arg3[%dma_start3A_389, %dma_start3A_390] : memref<10112x16xf32, #tpu.memory_space<hbm>> -> memref<10112x16xf32, #tpu.memory_space<hbm>>
        tpu.enqueue_indirect_dma source(%dma_start3A_391 : memref<10112x16xf32, #tpu.memory_space<hbm>>) target(%arg8 : memref<128x16xf32, #tpu.memory_space<vmem>>) offsets(%dma_start3A_388 : memref<128xi32, #tpu.memory_space<vmem>>) semaphore(%arg18 : memref<!tpu.dma_semaphore, #tpu.memory_space<semaphore_mem>>)
      } else {
      }
      %mul3A_324 = arith.constant 8 : i32
      %mul3A_325 = arith.muli %while3A_228, %mul3A_324 : i32
      %add3A_326 = arith.constant 3 : i32
      %add3A_327 = arith.addi %mul3A_325, %add3A_326 : i32
      %add3A_328 = arith.constant 8 : i32
      %add3A_329 = arith.addi %add3A_327, %add3A_328 : i32
      %lt3A_330 = arith.cmpi slt, %add3A_329, %add3A : i32
      %convert_element_type3A_331 = arith.extui %lt3A_330 : i1 to i32
      %cond3A_332 = arith.constant 0 : i32
      %cond3A_333 = arith.cmpi ne, %convert_element_type3A_331, %cond3A_332 : i32
      scf.if %cond3A_333 {
        %add3A_375 = arith.addi %sub3A_35, %add3A_327 : i32
        %dma_wait3A = arith.constant 1 : i32
        %dma_wait3A_376 = arith.constant 0 : i32
        %dma_wait3A_377 = tpu.memref_slice %arg5[%add3A_375, %dma_wait3A, %dma_wait3A_376] : memref<79x2x128xi32, #tpu.memory_space<vmem>> -> memref<1x1x128xi32, #tpu.memory_space<vmem>>
        %dma_wait3A_378 = tpu.memref_squeeze %dma_wait3A_377 : memref<1x1x128xi32, #tpu.memory_space<vmem>> -> memref<128xi32, #tpu.memory_space<vmem>>
        %dma_wait3A_379 = arith.constant 0 : i32
        %dma_wait3A_380 = arith.constant 0 : i32
        %dma_wait3A_381 = tpu.memref_slice %arg15[%dma_wait3A_379, %dma_wait3A_380] : memref<10112x16xf32, #tpu.memory_space<vmem_shared>> -> memref<10112x16xf32, #tpu.memory_space<vmem_shared>>
        tpu.wait_indirect_dma semaphore(%arg27 : memref<!tpu.dma_semaphore, #tpu.memory_space<semaphore_mem>>) src(%arg9 : memref<128x16xf32, #tpu.memory_space<vmem>>) dst(%dma_wait3A_381 : memref<10112x16xf32, #tpu.memory_space<vmem_shared>>)
        %add3A_382 = arith.addi %sub3A_35, %add3A_327 : i32
        %add3A_383 = arith.constant 8 : i32
        %add3A_384 = arith.addi %add3A_382, %add3A_383 : i32
        %dma_start3A_385 = arith.constant 0 : i32
        %dma_start3A_386 = arith.constant 0 : i32
        %dma_start3A_387 = tpu.memref_slice %arg5[%add3A_384, %dma_start3A_385, %dma_start3A_386] : memref<79x2x128xi32, #tpu.memory_space<vmem>> -> memref<1x1x128xi32, #tpu.memory_space<vmem>>
        %dma_start3A_388 = tpu.memref_squeeze %dma_start3A_387 : memref<1x1x128xi32, #tpu.memory_space<vmem>> -> memref<128xi32, #tpu.memory_space<vmem>>
        %dma_start3A_389 = arith.constant 0 : i32
        %dma_start3A_390 = arith.constant 0 : i32
        %dma_start3A_391 = tpu.memref_slice %arg3[%dma_start3A_389, %dma_start3A_390] : memref<10112x16xf32, #tpu.memory_space<hbm>> -> memref<10112x16xf32, #tpu.memory_space<hbm>>
        tpu.enqueue_indirect_dma source(%dma_start3A_391 : memref<10112x16xf32, #tpu.memory_space<hbm>>) target(%arg9 : memref<128x16xf32, #tpu.memory_space<vmem>>) offsets(%dma_start3A_388 : memref<128xi32, #tpu.memory_space<vmem>>) semaphore(%arg19 : memref<!tpu.dma_semaphore, #tpu.memory_space<semaphore_mem>>)
      } else {
      }
      %mul3A_334 = arith.constant 8 : i32
      %mul3A_335 = arith.muli %while3A_228, %mul3A_334 : i32
      %add3A_336 = arith.constant 4 : i32
      %add3A_337 = arith.addi %mul3A_335, %add3A_336 : i32
      %add3A_338 = arith.constant 8 : i32
      %add3A_339 = arith.addi %add3A_337, %add3A_338 : i32
      %lt3A_340 = arith.cmpi slt, %add3A_339, %add3A : i32
      %convert_element_type3A_341 = arith.extui %lt3A_340 : i1 to i32
      %cond3A_342 = arith.constant 0 : i32
      %cond3A_343 = arith.cmpi ne, %convert_element_type3A_341, %cond3A_342 : i32
      scf.if %cond3A_343 {
        %add3A_375 = arith.addi %sub3A_35, %add3A_337 : i32
        %dma_wait3A = arith.constant 1 : i32
        %dma_wait3A_376 = arith.constant 0 : i32
        %dma_wait3A_377 = tpu.memref_slice %arg5[%add3A_375, %dma_wait3A, %dma_wait3A_376] : memref<79x2x128xi32, #tpu.memory_space<vmem>> -> memref<1x1x128xi32, #tpu.memory_space<vmem>>
        %dma_wait3A_378 = tpu.memref_squeeze %dma_wait3A_377 : memref<1x1x128xi32, #tpu.memory_space<vmem>> -> memref<128xi32, #tpu.memory_space<vmem>>
        %dma_wait3A_379 = arith.constant 0 : i32
        %dma_wait3A_380 = arith.constant 0 : i32
        %dma_wait3A_381 = tpu.memref_slice %arg15[%dma_wait3A_379, %dma_wait3A_380] : memref<10112x16xf32, #tpu.memory_space<vmem_shared>> -> memref<10112x16xf32, #tpu.memory_space<vmem_shared>>
        tpu.wait_indirect_dma semaphore(%arg28 : memref<!tpu.dma_semaphore, #tpu.memory_space<semaphore_mem>>) src(%arg10 : memref<128x16xf32, #tpu.memory_space<vmem>>) dst(%dma_wait3A_381 : memref<10112x16xf32, #tpu.memory_space<vmem_shared>>)
        %add3A_382 = arith.addi %sub3A_35, %add3A_337 : i32
        %add3A_383 = arith.constant 8 : i32
        %add3A_384 = arith.addi %add3A_382, %add3A_383 : i32
        %dma_start3A_385 = arith.constant 0 : i32
        %dma_start3A_386 = arith.constant 0 : i32
        %dma_start3A_387 = tpu.memref_slice %arg5[%add3A_384, %dma_start3A_385, %dma_start3A_386] : memref<79x2x128xi32, #tpu.memory_space<vmem>> -> memref<1x1x128xi32, #tpu.memory_space<vmem>>
        %dma_start3A_388 = tpu.memref_squeeze %dma_start3A_387 : memref<1x1x128xi32, #tpu.memory_space<vmem>> -> memref<128xi32, #tpu.memory_space<vmem>>
        %dma_start3A_389 = arith.constant 0 : i32
        %dma_start3A_390 = arith.constant 0 : i32
        %dma_start3A_391 = tpu.memref_slice %arg3[%dma_start3A_389, %dma_start3A_390] : memref<10112x16xf32, #tpu.memory_space<hbm>> -> memref<10112x16xf32, #tpu.memory_space<hbm>>
        tpu.enqueue_indirect_dma source(%dma_start3A_391 : memref<10112x16xf32, #tpu.memory_space<hbm>>) target(%arg10 : memref<128x16xf32, #tpu.memory_space<vmem>>) offsets(%dma_start3A_388 : memref<128xi32, #tpu.memory_space<vmem>>) semaphore(%arg20 : memref<!tpu.dma_semaphore, #tpu.memory_space<semaphore_mem>>)
      } else {
      }
      %mul3A_344 = arith.constant 8 : i32
      %mul3A_345 = arith.muli %while3A_228, %mul3A_344 : i32
      %add3A_346 = arith.constant 5 : i32
      %add3A_347 = arith.addi %mul3A_345, %add3A_346 : i32
      %add3A_348 = arith.constant 8 : i32
      %add3A_349 = arith.addi %add3A_347, %add3A_348 : i32
      %lt3A_350 = arith.cmpi slt, %add3A_349, %add3A : i32
      %convert_element_type3A_351 = arith.extui %lt3A_350 : i1 to i32
      %cond3A_352 = arith.constant 0 : i32
      %cond3A_353 = arith.cmpi ne, %convert_element_type3A_351, %cond3A_352 : i32
      scf.if %cond3A_353 {
        %add3A_375 = arith.addi %sub3A_35, %add3A_347 : i32
        %dma_wait3A = arith.constant 1 : i32
        %dma_wait3A_376 = arith.constant 0 : i32
        %dma_wait3A_377 = tpu.memref_slice %arg5[%add3A_375, %dma_wait3A, %dma_wait3A_376] : memref<79x2x128xi32, #tpu.memory_space<vmem>> -> memref<1x1x128xi32, #tpu.memory_space<vmem>>
        %dma_wait3A_378 = tpu.memref_squeeze %dma_wait3A_377 : memref<1x1x128xi32, #tpu.memory_space<vmem>> -> memref<128xi32, #tpu.memory_space<vmem>>
        %dma_wait3A_379 = arith.constant 0 : i32
        %dma_wait3A_380 = arith.constant 0 : i32
        %dma_wait3A_381 = tpu.memref_slice %arg15[%dma_wait3A_379, %dma_wait3A_380] : memref<10112x16xf32, #tpu.memory_space<vmem_shared>> -> memref<10112x16xf32, #tpu.memory_space<vmem_shared>>
        tpu.wait_indirect_dma semaphore(%arg29 : memref<!tpu.dma_semaphore, #tpu.memory_space<semaphore_mem>>) src(%arg11 : memref<128x16xf32, #tpu.memory_space<vmem>>) dst(%dma_wait3A_381 : memref<10112x16xf32, #tpu.memory_space<vmem_shared>>)
        %add3A_382 = arith.addi %sub3A_35, %add3A_347 : i32
        %add3A_383 = arith.constant 8 : i32
        %add3A_384 = arith.addi %add3A_382, %add3A_383 : i32
        %dma_start3A_385 = arith.constant 0 : i32
        %dma_start3A_386 = arith.constant 0 : i32
        %dma_start3A_387 = tpu.memref_slice %arg5[%add3A_384, %dma_start3A_385, %dma_start3A_386] : memref<79x2x128xi32, #tpu.memory_space<vmem>> -> memref<1x1x128xi32, #tpu.memory_space<vmem>>
        %dma_start3A_388 = tpu.memref_squeeze %dma_start3A_387 : memref<1x1x128xi32, #tpu.memory_space<vmem>> -> memref<128xi32, #tpu.memory_space<vmem>>
        %dma_start3A_389 = arith.constant 0 : i32
        %dma_start3A_390 = arith.constant 0 : i32
        %dma_start3A_391 = tpu.memref_slice %arg3[%dma_start3A_389, %dma_start3A_390] : memref<10112x16xf32, #tpu.memory_space<hbm>> -> memref<10112x16xf32, #tpu.memory_space<hbm>>
        tpu.enqueue_indirect_dma source(%dma_start3A_391 : memref<10112x16xf32, #tpu.memory_space<hbm>>) target(%arg11 : memref<128x16xf32, #tpu.memory_space<vmem>>) offsets(%dma_start3A_388 : memref<128xi32, #tpu.memory_space<vmem>>) semaphore(%arg21 : memref<!tpu.dma_semaphore, #tpu.memory_space<semaphore_mem>>)
      } else {
      }
      %mul3A_354 = arith.constant 8 : i32
      %mul3A_355 = arith.muli %while3A_228, %mul3A_354 : i32
      %add3A_356 = arith.constant 6 : i32
      %add3A_357 = arith.addi %mul3A_355, %add3A_356 : i32
      %add3A_358 = arith.constant 8 : i32
      %add3A_359 = arith.addi %add3A_357, %add3A_358 : i32
      %lt3A_360 = arith.cmpi slt, %add3A_359, %add3A : i32
      %convert_element_type3A_361 = arith.extui %lt3A_360 : i1 to i32
      %cond3A_362 = arith.constant 0 : i32
      %cond3A_363 = arith.cmpi ne, %convert_element_type3A_361, %cond3A_362 : i32
      scf.if %cond3A_363 {
        %add3A_375 = arith.addi %sub3A_35, %add3A_357 : i32
        %dma_wait3A = arith.constant 1 : i32
        %dma_wait3A_376 = arith.constant 0 : i32
        %dma_wait3A_377 = tpu.memref_slice %arg5[%add3A_375, %dma_wait3A, %dma_wait3A_376] : memref<79x2x128xi32, #tpu.memory_space<vmem>> -> memref<1x1x128xi32, #tpu.memory_space<vmem>>
        %dma_wait3A_378 = tpu.memref_squeeze %dma_wait3A_377 : memref<1x1x128xi32, #tpu.memory_space<vmem>> -> memref<128xi32, #tpu.memory_space<vmem>>
        %dma_wait3A_379 = arith.constant 0 : i32
        %dma_wait3A_380 = arith.constant 0 : i32
        %dma_wait3A_381 = tpu.memref_slice %arg15[%dma_wait3A_379, %dma_wait3A_380] : memref<10112x16xf32, #tpu.memory_space<vmem_shared>> -> memref<10112x16xf32, #tpu.memory_space<vmem_shared>>
        tpu.wait_indirect_dma semaphore(%arg30 : memref<!tpu.dma_semaphore, #tpu.memory_space<semaphore_mem>>) src(%arg12 : memref<128x16xf32, #tpu.memory_space<vmem>>) dst(%dma_wait3A_381 : memref<10112x16xf32, #tpu.memory_space<vmem_shared>>)
        %add3A_382 = arith.addi %sub3A_35, %add3A_357 : i32
        %add3A_383 = arith.constant 8 : i32
        %add3A_384 = arith.addi %add3A_382, %add3A_383 : i32
        %dma_start3A_385 = arith.constant 0 : i32
        %dma_start3A_386 = arith.constant 0 : i32
        %dma_start3A_387 = tpu.memref_slice %arg5[%add3A_384, %dma_start3A_385, %dma_start3A_386] : memref<79x2x128xi32, #tpu.memory_space<vmem>> -> memref<1x1x128xi32, #tpu.memory_space<vmem>>
        %dma_start3A_388 = tpu.memref_squeeze %dma_start3A_387 : memref<1x1x128xi32, #tpu.memory_space<vmem>> -> memref<128xi32, #tpu.memory_space<vmem>>
        %dma_start3A_389 = arith.constant 0 : i32
        %dma_start3A_390 = arith.constant 0 : i32
        %dma_start3A_391 = tpu.memref_slice %arg3[%dma_start3A_389, %dma_start3A_390] : memref<10112x16xf32, #tpu.memory_space<hbm>> -> memref<10112x16xf32, #tpu.memory_space<hbm>>
        tpu.enqueue_indirect_dma source(%dma_start3A_391 : memref<10112x16xf32, #tpu.memory_space<hbm>>) target(%arg12 : memref<128x16xf32, #tpu.memory_space<vmem>>) offsets(%dma_start3A_388 : memref<128xi32, #tpu.memory_space<vmem>>) semaphore(%arg22 : memref<!tpu.dma_semaphore, #tpu.memory_space<semaphore_mem>>)
      } else {
      }
      %mul3A_364 = arith.constant 8 : i32
      %mul3A_365 = arith.muli %while3A_228, %mul3A_364 : i32
      %add3A_366 = arith.constant 7 : i32
      %add3A_367 = arith.addi %mul3A_365, %add3A_366 : i32
      %add3A_368 = arith.constant 8 : i32
      %add3A_369 = arith.addi %add3A_367, %add3A_368 : i32
      %lt3A_370 = arith.cmpi slt, %add3A_369, %add3A : i32
      %convert_element_type3A_371 = arith.extui %lt3A_370 : i1 to i32
      %cond3A_372 = arith.constant 0 : i32
      %cond3A_373 = arith.cmpi ne, %convert_element_type3A_371, %cond3A_372 : i32
      scf.if %cond3A_373 {
        %add3A_375 = arith.addi %sub3A_35, %add3A_367 : i32
        %dma_wait3A = arith.constant 1 : i32
        %dma_wait3A_376 = arith.constant 0 : i32
        %dma_wait3A_377 = tpu.memref_slice %arg5[%add3A_375, %dma_wait3A, %dma_wait3A_376] : memref<79x2x128xi32, #tpu.memory_space<vmem>> -> memref<1x1x128xi32, #tpu.memory_space<vmem>>
        %dma_wait3A_378 = tpu.memref_squeeze %dma_wait3A_377 : memref<1x1x128xi32, #tpu.memory_space<vmem>> -> memref<128xi32, #tpu.memory_space<vmem>>
        %dma_wait3A_379 = arith.constant 0 : i32
        %dma_wait3A_380 = arith.constant 0 : i32
        %dma_wait3A_381 = tpu.memref_slice %arg15[%dma_wait3A_379, %dma_wait3A_380] : memref<10112x16xf32, #tpu.memory_space<vmem_shared>> -> memref<10112x16xf32, #tpu.memory_space<vmem_shared>>
        tpu.wait_indirect_dma semaphore(%arg31 : memref<!tpu.dma_semaphore, #tpu.memory_space<semaphore_mem>>) src(%arg13 : memref<128x16xf32, #tpu.memory_space<vmem>>) dst(%dma_wait3A_381 : memref<10112x16xf32, #tpu.memory_space<vmem_shared>>)
        %add3A_382 = arith.addi %sub3A_35, %add3A_367 : i32
        %add3A_383 = arith.constant 8 : i32
        %add3A_384 = arith.addi %add3A_382, %add3A_383 : i32
        %dma_start3A_385 = arith.constant 0 : i32
        %dma_start3A_386 = arith.constant 0 : i32
        %dma_start3A_387 = tpu.memref_slice %arg5[%add3A_384, %dma_start3A_385, %dma_start3A_386] : memref<79x2x128xi32, #tpu.memory_space<vmem>> -> memref<1x1x128xi32, #tpu.memory_space<vmem>>
        %dma_start3A_388 = tpu.memref_squeeze %dma_start3A_387 : memref<1x1x128xi32, #tpu.memory_space<vmem>> -> memref<128xi32, #tpu.memory_space<vmem>>
        %dma_start3A_389 = arith.constant 0 : i32
        %dma_start3A_390 = arith.constant 0 : i32
        %dma_start3A_391 = tpu.memref_slice %arg3[%dma_start3A_389, %dma_start3A_390] : memref<10112x16xf32, #tpu.memory_space<hbm>> -> memref<10112x16xf32, #tpu.memory_space<hbm>>
        tpu.enqueue_indirect_dma source(%dma_start3A_391 : memref<10112x16xf32, #tpu.memory_space<hbm>>) target(%arg13 : memref<128x16xf32, #tpu.memory_space<vmem>>) offsets(%dma_start3A_388 : memref<128xi32, #tpu.memory_space<vmem>>) semaphore(%arg23 : memref<!tpu.dma_semaphore, #tpu.memory_space<semaphore_mem>>)
      } else {
      }
      %while3A_374 = arith.constant 0 : i32
      scf.yield %while3A_374 : i32
    }
    %while3A_152 = arith.constant 1 : i32
    %while3A_153 = scf.for %while3A_228 = %while3A_149 to %while3A_145 step %while3A_152 iter_args(%while3A_229 = %while3A_151) -> (i32)  : i32 {
      %mul3A_230 = arith.constant 8 : i32
      %mul3A_231 = arith.muli %while3A_228, %mul3A_230 : i32
      %add3A_232 = arith.constant 0 : i32
      %add3A_233 = arith.addi %mul3A_231, %add3A_232 : i32
      %lt3A_234 = arith.cmpi slt, %add3A_233, %add3A : i32
      %convert_element_type3A_235 = arith.extui %lt3A_234 : i1 to i32
      %cond3A_236 = arith.constant 0 : i32
      %cond3A_237 = arith.cmpi ne, %convert_element_type3A_235, %cond3A_236 : i32
      scf.if %cond3A_237 {
        %add3A_375 = arith.addi %sub3A_35, %add3A_233 : i32
        %dma_wait3A = arith.constant 0 : i32
        %dma_wait3A_376 = arith.constant 0 : i32
        %dma_wait3A_377 = tpu.memref_slice %arg5[%add3A_375, %dma_wait3A, %dma_wait3A_376] : memref<79x2x128xi32, #tpu.memory_space<vmem>> -> memref<1x1x128xi32, #tpu.memory_space<vmem>>
        %dma_wait3A_378 = tpu.memref_squeeze %dma_wait3A_377 : memref<1x1x128xi32, #tpu.memory_space<vmem>> -> memref<128xi32, #tpu.memory_space<vmem>>
        %dma_wait3A_379 = arith.constant 0 : i32
        %dma_wait3A_380 = arith.constant 0 : i32
        %dma_wait3A_381 = tpu.memref_slice %arg3[%dma_wait3A_379, %dma_wait3A_380] : memref<10112x16xf32, #tpu.memory_space<hbm>> -> memref<10112x16xf32, #tpu.memory_space<hbm>>
        tpu.wait_indirect_dma semaphore(%arg16 : memref<!tpu.dma_semaphore, #tpu.memory_space<semaphore_mem>>) src(%dma_wait3A_381 : memref<10112x16xf32, #tpu.memory_space<hbm>>) dst(%arg6 : memref<128x16xf32, #tpu.memory_space<vmem>>)
        %add3A_382 = arith.addi %sub3A_35, %add3A_233 : i32
        %dma_start3A_383 = arith.constant 1 : i32
        %dma_start3A_384 = arith.constant 0 : i32
        %dma_start3A_385 = tpu.memref_slice %arg5[%add3A_382, %dma_start3A_383, %dma_start3A_384] : memref<79x2x128xi32, #tpu.memory_space<vmem>> -> memref<1x1x128xi32, #tpu.memory_space<vmem>>
        %dma_start3A_386 = tpu.memref_squeeze %dma_start3A_385 : memref<1x1x128xi32, #tpu.memory_space<vmem>> -> memref<128xi32, #tpu.memory_space<vmem>>
        %dma_start3A_387 = arith.constant 0 : i32
        %dma_start3A_388 = arith.constant 0 : i32
        %dma_start3A_389 = tpu.memref_slice %arg15[%dma_start3A_387, %dma_start3A_388] : memref<10112x16xf32, #tpu.memory_space<vmem_shared>> -> memref<10112x16xf32, #tpu.memory_space<vmem_shared>>
        tpu.enqueue_indirect_dma source(%arg6 : memref<128x16xf32, #tpu.memory_space<vmem>>) target(%dma_start3A_389 : memref<10112x16xf32, #tpu.memory_space<vmem_shared>>) offsets(%dma_start3A_386 : memref<128xi32, #tpu.memory_space<vmem>>) semaphore(%arg24 : memref<!tpu.dma_semaphore, #tpu.memory_space<semaphore_mem>>) {add = true}
      } else {
      }
      %mul3A_238 = arith.constant 8 : i32
      %mul3A_239 = arith.muli %while3A_228, %mul3A_238 : i32
      %add3A_240 = arith.constant 1 : i32
      %add3A_241 = arith.addi %mul3A_239, %add3A_240 : i32
      %lt3A_242 = arith.cmpi slt, %add3A_241, %add3A : i32
      %convert_element_type3A_243 = arith.extui %lt3A_242 : i1 to i32
      %cond3A_244 = arith.constant 0 : i32
      %cond3A_245 = arith.cmpi ne, %convert_element_type3A_243, %cond3A_244 : i32
      scf.if %cond3A_245 {
        %add3A_375 = arith.addi %sub3A_35, %add3A_241 : i32
        %dma_wait3A = arith.constant 0 : i32
        %dma_wait3A_376 = arith.constant 0 : i32
        %dma_wait3A_377 = tpu.memref_slice %arg5[%add3A_375, %dma_wait3A, %dma_wait3A_376] : memref<79x2x128xi32, #tpu.memory_space<vmem>> -> memref<1x1x128xi32, #tpu.memory_space<vmem>>
        %dma_wait3A_378 = tpu.memref_squeeze %dma_wait3A_377 : memref<1x1x128xi32, #tpu.memory_space<vmem>> -> memref<128xi32, #tpu.memory_space<vmem>>
        %dma_wait3A_379 = arith.constant 0 : i32
        %dma_wait3A_380 = arith.constant 0 : i32
        %dma_wait3A_381 = tpu.memref_slice %arg3[%dma_wait3A_379, %dma_wait3A_380] : memref<10112x16xf32, #tpu.memory_space<hbm>> -> memref<10112x16xf32, #tpu.memory_space<hbm>>
        tpu.wait_indirect_dma semaphore(%arg17 : memref<!tpu.dma_semaphore, #tpu.memory_space<semaphore_mem>>) src(%dma_wait3A_381 : memref<10112x16xf32, #tpu.memory_space<hbm>>) dst(%arg7 : memref<128x16xf32, #tpu.memory_space<vmem>>)
        %add3A_382 = arith.addi %sub3A_35, %add3A_241 : i32
        %dma_start3A_383 = arith.constant 1 : i32
        %dma_start3A_384 = arith.constant 0 : i32
        %dma_start3A_385 = tpu.memref_slice %arg5[%add3A_382, %dma_start3A_383, %dma_start3A_384] : memref<79x2x128xi32, #tpu.memory_space<vmem>> -> memref<1x1x128xi32, #tpu.memory_space<vmem>>
        %dma_start3A_386 = tpu.memref_squeeze %dma_start3A_385 : memref<1x1x128xi32, #tpu.memory_space<vmem>> -> memref<128xi32, #tpu.memory_space<vmem>>
        %dma_start3A_387 = arith.constant 0 : i32
        %dma_start3A_388 = arith.constant 0 : i32
        %dma_start3A_389 = tpu.memref_slice %arg15[%dma_start3A_387, %dma_start3A_388] : memref<10112x16xf32, #tpu.memory_space<vmem_shared>> -> memref<10112x16xf32, #tpu.memory_space<vmem_shared>>
        tpu.enqueue_indirect_dma source(%arg7 : memref<128x16xf32, #tpu.memory_space<vmem>>) target(%dma_start3A_389 : memref<10112x16xf32, #tpu.memory_space<vmem_shared>>) offsets(%dma_start3A_386 : memref<128xi32, #tpu.memory_space<vmem>>) semaphore(%arg25 : memref<!tpu.dma_semaphore, #tpu.memory_space<semaphore_mem>>) {add = true}
      } else {
      }
      %mul3A_246 = arith.constant 8 : i32
      %mul3A_247 = arith.muli %while3A_228, %mul3A_246 : i32
      %add3A_248 = arith.constant 2 : i32
      %add3A_249 = arith.addi %mul3A_247, %add3A_248 : i32
      %lt3A_250 = arith.cmpi slt, %add3A_249, %add3A : i32
      %convert_element_type3A_251 = arith.extui %lt3A_250 : i1 to i32
      %cond3A_252 = arith.constant 0 : i32
      %cond3A_253 = arith.cmpi ne, %convert_element_type3A_251, %cond3A_252 : i32
      scf.if %cond3A_253 {
        %add3A_375 = arith.addi %sub3A_35, %add3A_249 : i32
        %dma_wait3A = arith.constant 0 : i32
        %dma_wait3A_376 = arith.constant 0 : i32
        %dma_wait3A_377 = tpu.memref_slice %arg5[%add3A_375, %dma_wait3A, %dma_wait3A_376] : memref<79x2x128xi32, #tpu.memory_space<vmem>> -> memref<1x1x128xi32, #tpu.memory_space<vmem>>
        %dma_wait3A_378 = tpu.memref_squeeze %dma_wait3A_377 : memref<1x1x128xi32, #tpu.memory_space<vmem>> -> memref<128xi32, #tpu.memory_space<vmem>>
        %dma_wait3A_379 = arith.constant 0 : i32
        %dma_wait3A_380 = arith.constant 0 : i32
        %dma_wait3A_381 = tpu.memref_slice %arg3[%dma_wait3A_379, %dma_wait3A_380] : memref<10112x16xf32, #tpu.memory_space<hbm>> -> memref<10112x16xf32, #tpu.memory_space<hbm>>
        tpu.wait_indirect_dma semaphore(%arg18 : memref<!tpu.dma_semaphore, #tpu.memory_space<semaphore_mem>>) src(%dma_wait3A_381 : memref<10112x16xf32, #tpu.memory_space<hbm>>) dst(%arg8 : memref<128x16xf32, #tpu.memory_space<vmem>>)
        %add3A_382 = arith.addi %sub3A_35, %add3A_249 : i32
        %dma_start3A_383 = arith.constant 1 : i32
        %dma_start3A_384 = arith.constant 0 : i32
        %dma_start3A_385 = tpu.memref_slice %arg5[%add3A_382, %dma_start3A_383, %dma_start3A_384] : memref<79x2x128xi32, #tpu.memory_space<vmem>> -> memref<1x1x128xi32, #tpu.memory_space<vmem>>
        %dma_start3A_386 = tpu.memref_squeeze %dma_start3A_385 : memref<1x1x128xi32, #tpu.memory_space<vmem>> -> memref<128xi32, #tpu.memory_space<vmem>>
        %dma_start3A_387 = arith.constant 0 : i32
        %dma_start3A_388 = arith.constant 0 : i32
        %dma_start3A_389 = tpu.memref_slice %arg15[%dma_start3A_387, %dma_start3A_388] : memref<10112x16xf32, #tpu.memory_space<vmem_shared>> -> memref<10112x16xf32, #tpu.memory_space<vmem_shared>>
        tpu.enqueue_indirect_dma source(%arg8 : memref<128x16xf32, #tpu.memory_space<vmem>>) target(%dma_start3A_389 : memref<10112x16xf32, #tpu.memory_space<vmem_shared>>) offsets(%dma_start3A_386 : memref<128xi32, #tpu.memory_space<vmem>>) semaphore(%arg26 : memref<!tpu.dma_semaphore, #tpu.memory_space<semaphore_mem>>) {add = true}
      } else {
      }
      %mul3A_254 = arith.constant 8 : i32
      %mul3A_255 = arith.muli %while3A_228, %mul3A_254 : i32
      %add3A_256 = arith.constant 3 : i32
      %add3A_257 = arith.addi %mul3A_255, %add3A_256 : i32
      %lt3A_258 = arith.cmpi slt, %add3A_257, %add3A : i32
      %convert_element_type3A_259 = arith.extui %lt3A_258 : i1 to i32
      %cond3A_260 = arith.constant 0 : i32
      %cond3A_261 = arith.cmpi ne, %convert_element_type3A_259, %cond3A_260 : i32
      scf.if %cond3A_261 {
        %add3A_375 = arith.addi %sub3A_35, %add3A_257 : i32
        %dma_wait3A = arith.constant 0 : i32
        %dma_wait3A_376 = arith.constant 0 : i32
        %dma_wait3A_377 = tpu.memref_slice %arg5[%add3A_375, %dma_wait3A, %dma_wait3A_376] : memref<79x2x128xi32, #tpu.memory_space<vmem>> -> memref<1x1x128xi32, #tpu.memory_space<vmem>>
        %dma_wait3A_378 = tpu.memref_squeeze %dma_wait3A_377 : memref<1x1x128xi32, #tpu.memory_space<vmem>> -> memref<128xi32, #tpu.memory_space<vmem>>
        %dma_wait3A_379 = arith.constant 0 : i32
        %dma_wait3A_380 = arith.constant 0 : i32
        %dma_wait3A_381 = tpu.memref_slice %arg3[%dma_wait3A_379, %dma_wait3A_380] : memref<10112x16xf32, #tpu.memory_space<hbm>> -> memref<10112x16xf32, #tpu.memory_space<hbm>>
        tpu.wait_indirect_dma semaphore(%arg19 : memref<!tpu.dma_semaphore, #tpu.memory_space<semaphore_mem>>) src(%dma_wait3A_381 : memref<10112x16xf32, #tpu.memory_space<hbm>>) dst(%arg9 : memref<128x16xf32, #tpu.memory_space<vmem>>)
        %add3A_382 = arith.addi %sub3A_35, %add3A_257 : i32
        %dma_start3A_383 = arith.constant 1 : i32
        %dma_start3A_384 = arith.constant 0 : i32
        %dma_start3A_385 = tpu.memref_slice %arg5[%add3A_382, %dma_start3A_383, %dma_start3A_384] : memref<79x2x128xi32, #tpu.memory_space<vmem>> -> memref<1x1x128xi32, #tpu.memory_space<vmem>>
        %dma_start3A_386 = tpu.memref_squeeze %dma_start3A_385 : memref<1x1x128xi32, #tpu.memory_space<vmem>> -> memref<128xi32, #tpu.memory_space<vmem>>
        %dma_start3A_387 = arith.constant 0 : i32
        %dma_start3A_388 = arith.constant 0 : i32
        %dma_start3A_389 = tpu.memref_slice %arg15[%dma_start3A_387, %dma_start3A_388] : memref<10112x16xf32, #tpu.memory_space<vmem_shared>> -> memref<10112x16xf32, #tpu.memory_space<vmem_shared>>
        tpu.enqueue_indirect_dma source(%arg9 : memref<128x16xf32, #tpu.memory_space<vmem>>) target(%dma_start3A_389 : memref<10112x16xf32, #tpu.memory_space<vmem_shared>>) offsets(%dma_start3A_386 : memref<128xi32, #tpu.memory_space<vmem>>) semaphore(%arg27 : memref<!tpu.dma_semaphore, #tpu.memory_space<semaphore_mem>>) {add = true}
      } else {
      }
      %mul3A_262 = arith.constant 8 : i32
      %mul3A_263 = arith.muli %while3A_228, %mul3A_262 : i32
      %add3A_264 = arith.constant 4 : i32
      %add3A_265 = arith.addi %mul3A_263, %add3A_264 : i32
      %lt3A_266 = arith.cmpi slt, %add3A_265, %add3A : i32
      %convert_element_type3A_267 = arith.extui %lt3A_266 : i1 to i32
      %cond3A_268 = arith.constant 0 : i32
      %cond3A_269 = arith.cmpi ne, %convert_element_type3A_267, %cond3A_268 : i32
      scf.if %cond3A_269 {
        %add3A_375 = arith.addi %sub3A_35, %add3A_265 : i32
        %dma_wait3A = arith.constant 0 : i32
        %dma_wait3A_376 = arith.constant 0 : i32
        %dma_wait3A_377 = tpu.memref_slice %arg5[%add3A_375, %dma_wait3A, %dma_wait3A_376] : memref<79x2x128xi32, #tpu.memory_space<vmem>> -> memref<1x1x128xi32, #tpu.memory_space<vmem>>
        %dma_wait3A_378 = tpu.memref_squeeze %dma_wait3A_377 : memref<1x1x128xi32, #tpu.memory_space<vmem>> -> memref<128xi32, #tpu.memory_space<vmem>>
        %dma_wait3A_379 = arith.constant 0 : i32
        %dma_wait3A_380 = arith.constant 0 : i32
        %dma_wait3A_381 = tpu.memref_slice %arg3[%dma_wait3A_379, %dma_wait3A_380] : memref<10112x16xf32, #tpu.memory_space<hbm>> -> memref<10112x16xf32, #tpu.memory_space<hbm>>
        tpu.wait_indirect_dma semaphore(%arg20 : memref<!tpu.dma_semaphore, #tpu.memory_space<semaphore_mem>>) src(%dma_wait3A_381 : memref<10112x16xf32, #tpu.memory_space<hbm>>) dst(%arg10 : memref<128x16xf32, #tpu.memory_space<vmem>>)
        %add3A_382 = arith.addi %sub3A_35, %add3A_265 : i32
        %dma_start3A_383 = arith.constant 1 : i32
        %dma_start3A_384 = arith.constant 0 : i32
        %dma_start3A_385 = tpu.memref_slice %arg5[%add3A_382, %dma_start3A_383, %dma_start3A_384] : memref<79x2x128xi32, #tpu.memory_space<vmem>> -> memref<1x1x128xi32, #tpu.memory_space<vmem>>
        %dma_start3A_386 = tpu.memref_squeeze %dma_start3A_385 : memref<1x1x128xi32, #tpu.memory_space<vmem>> -> memref<128xi32, #tpu.memory_space<vmem>>
        %dma_start3A_387 = arith.constant 0 : i32
        %dma_start3A_388 = arith.constant 0 : i32
        %dma_start3A_389 = tpu.memref_slice %arg15[%dma_start3A_387, %dma_start3A_388] : memref<10112x16xf32, #tpu.memory_space<vmem_shared>> -> memref<10112x16xf32, #tpu.memory_space<vmem_shared>>
        tpu.enqueue_indirect_dma source(%arg10 : memref<128x16xf32, #tpu.memory_space<vmem>>) target(%dma_start3A_389 : memref<10112x16xf32, #tpu.memory_space<vmem_shared>>) offsets(%dma_start3A_386 : memref<128xi32, #tpu.memory_space<vmem>>) semaphore(%arg28 : memref<!tpu.dma_semaphore, #tpu.memory_space<semaphore_mem>>) {add = true}
      } else {
      }
      %mul3A_270 = arith.constant 8 : i32
      %mul3A_271 = arith.muli %while3A_228, %mul3A_270 : i32
      %add3A_272 = arith.constant 5 : i32
      %add3A_273 = arith.addi %mul3A_271, %add3A_272 : i32
      %lt3A_274 = arith.cmpi slt, %add3A_273, %add3A : i32
      %convert_element_type3A_275 = arith.extui %lt3A_274 : i1 to i32
      %cond3A_276 = arith.constant 0 : i32
      %cond3A_277 = arith.cmpi ne, %convert_element_type3A_275, %cond3A_276 : i32
      scf.if %cond3A_277 {
        %add3A_375 = arith.addi %sub3A_35, %add3A_273 : i32
        %dma_wait3A = arith.constant 0 : i32
        %dma_wait3A_376 = arith.constant 0 : i32
        %dma_wait3A_377 = tpu.memref_slice %arg5[%add3A_375, %dma_wait3A, %dma_wait3A_376] : memref<79x2x128xi32, #tpu.memory_space<vmem>> -> memref<1x1x128xi32, #tpu.memory_space<vmem>>
        %dma_wait3A_378 = tpu.memref_squeeze %dma_wait3A_377 : memref<1x1x128xi32, #tpu.memory_space<vmem>> -> memref<128xi32, #tpu.memory_space<vmem>>
        %dma_wait3A_379 = arith.constant 0 : i32
        %dma_wait3A_380 = arith.constant 0 : i32
        %dma_wait3A_381 = tpu.memref_slice %arg3[%dma_wait3A_379, %dma_wait3A_380] : memref<10112x16xf32, #tpu.memory_space<hbm>> -> memref<10112x16xf32, #tpu.memory_space<hbm>>
        tpu.wait_indirect_dma semaphore(%arg21 : memref<!tpu.dma_semaphore, #tpu.memory_space<semaphore_mem>>) src(%dma_wait3A_381 : memref<10112x16xf32, #tpu.memory_space<hbm>>) dst(%arg11 : memref<128x16xf32, #tpu.memory_space<vmem>>)
        %add3A_382 = arith.addi %sub3A_35, %add3A_273 : i32
        %dma_start3A_383 = arith.constant 1 : i32
        %dma_start3A_384 = arith.constant 0 : i32
        %dma_start3A_385 = tpu.memref_slice %arg5[%add3A_382, %dma_start3A_383, %dma_start3A_384] : memref<79x2x128xi32, #tpu.memory_space<vmem>> -> memref<1x1x128xi32, #tpu.memory_space<vmem>>
        %dma_start3A_386 = tpu.memref_squeeze %dma_start3A_385 : memref<1x1x128xi32, #tpu.memory_space<vmem>> -> memref<128xi32, #tpu.memory_space<vmem>>
        %dma_start3A_387 = arith.constant 0 : i32
        %dma_start3A_388 = arith.constant 0 : i32
        %dma_start3A_389 = tpu.memref_slice %arg15[%dma_start3A_387, %dma_start3A_388] : memref<10112x16xf32, #tpu.memory_space<vmem_shared>> -> memref<10112x16xf32, #tpu.memory_space<vmem_shared>>
        tpu.enqueue_indirect_dma source(%arg11 : memref<128x16xf32, #tpu.memory_space<vmem>>) target(%dma_start3A_389 : memref<10112x16xf32, #tpu.memory_space<vmem_shared>>) offsets(%dma_start3A_386 : memref<128xi32, #tpu.memory_space<vmem>>) semaphore(%arg29 : memref<!tpu.dma_semaphore, #tpu.memory_space<semaphore_mem>>) {add = true}
      } else {
      }
      %mul3A_278 = arith.constant 8 : i32
      %mul3A_279 = arith.muli %while3A_228, %mul3A_278 : i32
      %add3A_280 = arith.constant 6 : i32
      %add3A_281 = arith.addi %mul3A_279, %add3A_280 : i32
      %lt3A_282 = arith.cmpi slt, %add3A_281, %add3A : i32
      %convert_element_type3A_283 = arith.extui %lt3A_282 : i1 to i32
      %cond3A_284 = arith.constant 0 : i32
      %cond3A_285 = arith.cmpi ne, %convert_element_type3A_283, %cond3A_284 : i32
      scf.if %cond3A_285 {
        %add3A_375 = arith.addi %sub3A_35, %add3A_281 : i32
        %dma_wait3A = arith.constant 0 : i32
        %dma_wait3A_376 = arith.constant 0 : i32
        %dma_wait3A_377 = tpu.memref_slice %arg5[%add3A_375, %dma_wait3A, %dma_wait3A_376] : memref<79x2x128xi32, #tpu.memory_space<vmem>> -> memref<1x1x128xi32, #tpu.memory_space<vmem>>
        %dma_wait3A_378 = tpu.memref_squeeze %dma_wait3A_377 : memref<1x1x128xi32, #tpu.memory_space<vmem>> -> memref<128xi32, #tpu.memory_space<vmem>>
        %dma_wait3A_379 = arith.constant 0 : i32
        %dma_wait3A_380 = arith.constant 0 : i32
        %dma_wait3A_381 = tpu.memref_slice %arg3[%dma_wait3A_379, %dma_wait3A_380] : memref<10112x16xf32, #tpu.memory_space<hbm>> -> memref<10112x16xf32, #tpu.memory_space<hbm>>
        tpu.wait_indirect_dma semaphore(%arg22 : memref<!tpu.dma_semaphore, #tpu.memory_space<semaphore_mem>>) src(%dma_wait3A_381 : memref<10112x16xf32, #tpu.memory_space<hbm>>) dst(%arg12 : memref<128x16xf32, #tpu.memory_space<vmem>>)
        %add3A_382 = arith.addi %sub3A_35, %add3A_281 : i32
        %dma_start3A_383 = arith.constant 1 : i32
        %dma_start3A_384 = arith.constant 0 : i32
        %dma_start3A_385 = tpu.memref_slice %arg5[%add3A_382, %dma_start3A_383, %dma_start3A_384] : memref<79x2x128xi32, #tpu.memory_space<vmem>> -> memref<1x1x128xi32, #tpu.memory_space<vmem>>
        %dma_start3A_386 = tpu.memref_squeeze %dma_start3A_385 : memref<1x1x128xi32, #tpu.memory_space<vmem>> -> memref<128xi32, #tpu.memory_space<vmem>>
        %dma_start3A_387 = arith.constant 0 : i32
        %dma_start3A_388 = arith.constant 0 : i32
        %dma_start3A_389 = tpu.memref_slice %arg15[%dma_start3A_387, %dma_start3A_388] : memref<10112x16xf32, #tpu.memory_space<vmem_shared>> -> memref<10112x16xf32, #tpu.memory_space<vmem_shared>>
        tpu.enqueue_indirect_dma source(%arg12 : memref<128x16xf32, #tpu.memory_space<vmem>>) target(%dma_start3A_389 : memref<10112x16xf32, #tpu.memory_space<vmem_shared>>) offsets(%dma_start3A_386 : memref<128xi32, #tpu.memory_space<vmem>>) semaphore(%arg30 : memref<!tpu.dma_semaphore, #tpu.memory_space<semaphore_mem>>) {add = true}
      } else {
      }
      %mul3A_286 = arith.constant 8 : i32
      %mul3A_287 = arith.muli %while3A_228, %mul3A_286 : i32
      %add3A_288 = arith.constant 7 : i32
      %add3A_289 = arith.addi %mul3A_287, %add3A_288 : i32
      %lt3A_290 = arith.cmpi slt, %add3A_289, %add3A : i32
      %convert_element_type3A_291 = arith.extui %lt3A_290 : i1 to i32
      %cond3A_292 = arith.constant 0 : i32
      %cond3A_293 = arith.cmpi ne, %convert_element_type3A_291, %cond3A_292 : i32
      scf.if %cond3A_293 {
        %add3A_375 = arith.addi %sub3A_35, %add3A_289 : i32
        %dma_wait3A = arith.constant 0 : i32
        %dma_wait3A_376 = arith.constant 0 : i32
        %dma_wait3A_377 = tpu.memref_slice %arg5[%add3A_375, %dma_wait3A, %dma_wait3A_376] : memref<79x2x128xi32, #tpu.memory_space<vmem>> -> memref<1x1x128xi32, #tpu.memory_space<vmem>>
        %dma_wait3A_378 = tpu.memref_squeeze %dma_wait3A_377 : memref<1x1x128xi32, #tpu.memory_space<vmem>> -> memref<128xi32, #tpu.memory_space<vmem>>
        %dma_wait3A_379 = arith.constant 0 : i32
        %dma_wait3A_380 = arith.constant 0 : i32
        %dma_wait3A_381 = tpu.memref_slice %arg3[%dma_wait3A_379, %dma_wait3A_380] : memref<10112x16xf32, #tpu.memory_space<hbm>> -> memref<10112x16xf32, #tpu.memory_space<hbm>>
        tpu.wait_indirect_dma semaphore(%arg23 : memref<!tpu.dma_semaphore, #tpu.memory_space<semaphore_mem>>) src(%dma_wait3A_381 : memref<10112x16xf32, #tpu.memory_space<hbm>>) dst(%arg13 : memref<128x16xf32, #tpu.memory_space<vmem>>)
        %add3A_382 = arith.addi %sub3A_35, %add3A_289 : i32
        %dma_start3A_383 = arith.constant 1 : i32
        %dma_start3A_384 = arith.constant 0 : i32
        %dma_start3A_385 = tpu.memref_slice %arg5[%add3A_382, %dma_start3A_383, %dma_start3A_384] : memref<79x2x128xi32, #tpu.memory_space<vmem>> -> memref<1x1x128xi32, #tpu.memory_space<vmem>>
        %dma_start3A_386 = tpu.memref_squeeze %dma_start3A_385 : memref<1x1x128xi32, #tpu.memory_space<vmem>> -> memref<128xi32, #tpu.memory_space<vmem>>
        %dma_start3A_387 = arith.constant 0 : i32
        %dma_start3A_388 = arith.constant 0 : i32
        %dma_start3A_389 = tpu.memref_slice %arg15[%dma_start3A_387, %dma_start3A_388] : memref<10112x16xf32, #tpu.memory_space<vmem_shared>> -> memref<10112x16xf32, #tpu.memory_space<vmem_shared>>
        tpu.enqueue_indirect_dma source(%arg13 : memref<128x16xf32, #tpu.memory_space<vmem>>) target(%dma_start3A_389 : memref<10112x16xf32, #tpu.memory_space<vmem_shared>>) offsets(%dma_start3A_386 : memref<128xi32, #tpu.memory_space<vmem>>) semaphore(%arg31 : memref<!tpu.dma_semaphore, #tpu.memory_space<semaphore_mem>>) {add = true}
      } else {
      }
      %mul3A_294 = arith.constant 8 : i32
      %mul3A_295 = arith.muli %while3A_228, %mul3A_294 : i32
      %add3A_296 = arith.constant 0 : i32
      %add3A_297 = arith.addi %mul3A_295, %add3A_296 : i32
      %add3A_298 = arith.constant 8 : i32
      %add3A_299 = arith.addi %add3A_297, %add3A_298 : i32
      %lt3A_300 = arith.cmpi slt, %add3A_299, %add3A : i32
      %convert_element_type3A_301 = arith.extui %lt3A_300 : i1 to i32
      %cond3A_302 = arith.constant 0 : i32
      %cond3A_303 = arith.cmpi ne, %convert_element_type3A_301, %cond3A_302 : i32
      scf.if %cond3A_303 {
        %add3A_375 = arith.addi %sub3A_35, %add3A_297 : i32
        %dma_wait3A = arith.constant 1 : i32
        %dma_wait3A_376 = arith.constant 0 : i32
        %dma_wait3A_377 = tpu.memref_slice %arg5[%add3A_375, %dma_wait3A, %dma_wait3A_376] : memref<79x2x128xi32, #tpu.memory_space<vmem>> -> memref<1x1x128xi32, #tpu.memory_space<vmem>>
        %dma_wait3A_378 = tpu.memref_squeeze %dma_wait3A_377 : memref<1x1x128xi32, #tpu.memory_space<vmem>> -> memref<128xi32, #tpu.memory_space<vmem>>
        %dma_wait3A_379 = arith.constant 0 : i32
        %dma_wait3A_380 = arith.constant 0 : i32
        %dma_wait3A_381 = tpu.memref_slice %arg15[%dma_wait3A_379, %dma_wait3A_380] : memref<10112x16xf32, #tpu.memory_space<vmem_shared>> -> memref<10112x16xf32, #tpu.memory_space<vmem_shared>>
        tpu.wait_indirect_dma semaphore(%arg24 : memref<!tpu.dma_semaphore, #tpu.memory_space<semaphore_mem>>) src(%arg6 : memref<128x16xf32, #tpu.memory_space<vmem>>) dst(%dma_wait3A_381 : memref<10112x16xf32, #tpu.memory_space<vmem_shared>>)
        %add3A_382 = arith.addi %sub3A_35, %add3A_297 : i32
        %add3A_383 = arith.constant 8 : i32
        %add3A_384 = arith.addi %add3A_382, %add3A_383 : i32
        %dma_start3A_385 = arith.constant 0 : i32
        %dma_start3A_386 = arith.constant 0 : i32
        %dma_start3A_387 = tpu.memref_slice %arg5[%add3A_384, %dma_start3A_385, %dma_start3A_386] : memref<79x2x128xi32, #tpu.memory_space<vmem>> -> memref<1x1x128xi32, #tpu.memory_space<vmem>>
        %dma_start3A_388 = tpu.memref_squeeze %dma_start3A_387 : memref<1x1x128xi32, #tpu.memory_space<vmem>> -> memref<128xi32, #tpu.memory_space<vmem>>
        %dma_start3A_389 = arith.constant 0 : i32
        %dma_start3A_390 = arith.constant 0 : i32
        %dma_start3A_391 = tpu.memref_slice %arg3[%dma_start3A_389, %dma_start3A_390] : memref<10112x16xf32, #tpu.memory_space<hbm>> -> memref<10112x16xf32, #tpu.memory_space<hbm>>
        tpu.enqueue_indirect_dma source(%dma_start3A_391 : memref<10112x16xf32, #tpu.memory_space<hbm>>) target(%arg6 : memref<128x16xf32, #tpu.memory_space<vmem>>) offsets(%dma_start3A_388 : memref<128xi32, #tpu.memory_space<vmem>>) semaphore(%arg16 : memref<!tpu.dma_semaphore, #tpu.memory_space<semaphore_mem>>)
      } else {
      }
      %mul3A_304 = arith.constant 8 : i32
      %mul3A_305 = arith.muli %while3A_228, %mul3A_304 : i32
      %add3A_306 = arith.constant 1 : i32
      %add3A_307 = arith.addi %mul3A_305, %add3A_306 : i32
      %add3A_308 = arith.constant 8 : i32
      %add3A_309 = arith.addi %add3A_307, %add3A_308 : i32
      %lt3A_310 = arith.cmpi slt, %add3A_309, %add3A : i32
      %convert_element_type3A_311 = arith.extui %lt3A_310 : i1 to i32
      %cond3A_312 = arith.constant 0 : i32
      %cond3A_313 = arith.cmpi ne, %convert_element_type3A_311, %cond3A_312 : i32
      scf.if %cond3A_313 {
        %add3A_375 = arith.addi %sub3A_35, %add3A_307 : i32
        %dma_wait3A = arith.constant 1 : i32
        %dma_wait3A_376 = arith.constant 0 : i32
        %dma_wait3A_377 = tpu.memref_slice %arg5[%add3A_375, %dma_wait3A, %dma_wait3A_376] : memref<79x2x128xi32, #tpu.memory_space<vmem>> -> memref<1x1x128xi32, #tpu.memory_space<vmem>>
        %dma_wait3A_378 = tpu.memref_squeeze %dma_wait3A_377 : memref<1x1x128xi32, #tpu.memory_space<vmem>> -> memref<128xi32, #tpu.memory_space<vmem>>
        %dma_wait3A_379 = arith.constant 0 : i32
        %dma_wait3A_380 = arith.constant 0 : i32
        %dma_wait3A_381 = tpu.memref_slice %arg15[%dma_wait3A_379, %dma_wait3A_380] : memref<10112x16xf32, #tpu.memory_space<vmem_shared>> -> memref<10112x16xf32, #tpu.memory_space<vmem_shared>>
        tpu.wait_indirect_dma semaphore(%arg25 : memref<!tpu.dma_semaphore, #tpu.memory_space<semaphore_mem>>) src(%arg7 : memref<128x16xf32, #tpu.memory_space<vmem>>) dst(%dma_wait3A_381 : memref<10112x16xf32, #tpu.memory_space<vmem_shared>>)
        %add3A_382 = arith.addi %sub3A_35, %add3A_307 : i32
        %add3A_383 = arith.constant 8 : i32
        %add3A_384 = arith.addi %add3A_382, %add3A_383 : i32
        %dma_start3A_385 = arith.constant 0 : i32
        %dma_start3A_386 = arith.constant 0 : i32
        %dma_start3A_387 = tpu.memref_slice %arg5[%add3A_384, %dma_start3A_385, %dma_start3A_386] : memref<79x2x128xi32, #tpu.memory_space<vmem>> -> memref<1x1x128xi32, #tpu.memory_space<vmem>>
        %dma_start3A_388 = tpu.memref_squeeze %dma_start3A_387 : memref<1x1x128xi32, #tpu.memory_space<vmem>> -> memref<128xi32, #tpu.memory_space<vmem>>
        %dma_start3A_389 = arith.constant 0 : i32
        %dma_start3A_390 = arith.constant 0 : i32
        %dma_start3A_391 = tpu.memref_slice %arg3[%dma_start3A_389, %dma_start3A_390] : memref<10112x16xf32, #tpu.memory_space<hbm>> -> memref<10112x16xf32, #tpu.memory_space<hbm>>
        tpu.enqueue_indirect_dma source(%dma_start3A_391 : memref<10112x16xf32, #tpu.memory_space<hbm>>) target(%arg7 : memref<128x16xf32, #tpu.memory_space<vmem>>) offsets(%dma_start3A_388 : memref<128xi32, #tpu.memory_space<vmem>>) semaphore(%arg17 : memref<!tpu.dma_semaphore, #tpu.memory_space<semaphore_mem>>)
      } else {
      }
      %mul3A_314 = arith.constant 8 : i32
      %mul3A_315 = arith.muli %while3A_228, %mul3A_314 : i32
      %add3A_316 = arith.constant 2 : i32
      %add3A_317 = arith.addi %mul3A_315, %add3A_316 : i32
      %add3A_318 = arith.constant 8 : i32
      %add3A_319 = arith.addi %add3A_317, %add3A_318 : i32
      %lt3A_320 = arith.cmpi slt, %add3A_319, %add3A : i32
      %convert_element_type3A_321 = arith.extui %lt3A_320 : i1 to i32
      %cond3A_322 = arith.constant 0 : i32
      %cond3A_323 = arith.cmpi ne, %convert_element_type3A_321, %cond3A_322 : i32
      scf.if %cond3A_323 {
        %add3A_375 = arith.addi %sub3A_35, %add3A_317 : i32
        %dma_wait3A = arith.constant 1 : i32
        %dma_wait3A_376 = arith.constant 0 : i32
        %dma_wait3A_377 = tpu.memref_slice %arg5[%add3A_375, %dma_wait3A, %dma_wait3A_376] : memref<79x2x128xi32, #tpu.memory_space<vmem>> -> memref<1x1x128xi32, #tpu.memory_space<vmem>>
        %dma_wait3A_378 = tpu.memref_squeeze %dma_wait3A_377 : memref<1x1x128xi32, #tpu.memory_space<vmem>> -> memref<128xi32, #tpu.memory_space<vmem>>
        %dma_wait3A_379 = arith.constant 0 : i32
        %dma_wait3A_380 = arith.constant 0 : i32
        %dma_wait3A_381 = tpu.memref_slice %arg15[%dma_wait3A_379, %dma_wait3A_380] : memref<10112x16xf32, #tpu.memory_space<vmem_shared>> -> memref<10112x16xf32, #tpu.memory_space<vmem_shared>>
        tpu.wait_indirect_dma semaphore(%arg26 : memref<!tpu.dma_semaphore, #tpu.memory_space<semaphore_mem>>) src(%arg8 : memref<128x16xf32, #tpu.memory_space<vmem>>) dst(%dma_wait3A_381 : memref<10112x16xf32, #tpu.memory_space<vmem_shared>>)
        %add3A_382 = arith.addi %sub3A_35, %add3A_317 : i32
        %add3A_383 = arith.constant 8 : i32
        %add3A_384 = arith.addi %add3A_382, %add3A_383 : i32
        %dma_start3A_385 = arith.constant 0 : i32
        %dma_start3A_386 = arith.constant 0 : i32
        %dma_start3A_387 = tpu.memref_slice %arg5[%add3A_384, %dma_start3A_385, %dma_start3A_386] : memref<79x2x128xi32, #tpu.memory_space<vmem>> -> memref<1x1x128xi32, #tpu.memory_space<vmem>>
        %dma_start3A_388 = tpu.memref_squeeze %dma_start3A_387 : memref<1x1x128xi32, #tpu.memory_space<vmem>> -> memref<128xi32, #tpu.memory_space<vmem>>
        %dma_start3A_389 = arith.constant 0 : i32
        %dma_start3A_390 = arith.constant 0 : i32
        %dma_start3A_391 = tpu.memref_slice %arg3[%dma_start3A_389, %dma_start3A_390] : memref<10112x16xf32, #tpu.memory_space<hbm>> -> memref<10112x16xf32, #tpu.memory_space<hbm>>
        tpu.enqueue_indirect_dma source(%dma_start3A_391 : memref<10112x16xf32, #tpu.memory_space<hbm>>) target(%arg8 : memref<128x16xf32, #tpu.memory_space<vmem>>) offsets(%dma_start3A_388 : memref<128xi32, #tpu.memory_space<vmem>>) semaphore(%arg18 : memref<!tpu.dma_semaphore, #tpu.memory_space<semaphore_mem>>)
      } else {
      }
      %mul3A_324 = arith.constant 8 : i32
      %mul3A_325 = arith.muli %while3A_228, %mul3A_324 : i32
      %add3A_326 = arith.constant 3 : i32
      %add3A_327 = arith.addi %mul3A_325, %add3A_326 : i32
      %add3A_328 = arith.constant 8 : i32
      %add3A_329 = arith.addi %add3A_327, %add3A_328 : i32
      %lt3A_330 = arith.cmpi slt, %add3A_329, %add3A : i32
      %convert_element_type3A_331 = arith.extui %lt3A_330 : i1 to i32
      %cond3A_332 = arith.constant 0 : i32
      %cond3A_333 = arith.cmpi ne, %convert_element_type3A_331, %cond3A_332 : i32
      scf.if %cond3A_333 {
        %add3A_375 = arith.addi %sub3A_35, %add3A_327 : i32
        %dma_wait3A = arith.constant 1 : i32
        %dma_wait3A_376 = arith.constant 0 : i32
        %dma_wait3A_377 = tpu.memref_slice %arg5[%add3A_375, %dma_wait3A, %dma_wait3A_376] : memref<79x2x128xi32, #tpu.memory_space<vmem>> -> memref<1x1x128xi32, #tpu.memory_space<vmem>>
        %dma_wait3A_378 = tpu.memref_squeeze %dma_wait3A_377 : memref<1x1x128xi32, #tpu.memory_space<vmem>> -> memref<128xi32, #tpu.memory_space<vmem>>
        %dma_wait3A_379 = arith.constant 0 : i32
        %dma_wait3A_380 = arith.constant 0 : i32
        %dma_wait3A_381 = tpu.memref_slice %arg15[%dma_wait3A_379, %dma_wait3A_380] : memref<10112x16xf32, #tpu.memory_space<vmem_shared>> -> memref<10112x16xf32, #tpu.memory_space<vmem_shared>>
        tpu.wait_indirect_dma semaphore(%arg27 : memref<!tpu.dma_semaphore, #tpu.memory_space<semaphore_mem>>) src(%arg9 : memref<128x16xf32, #tpu.memory_space<vmem>>) dst(%dma_wait3A_381 : memref<10112x16xf32, #tpu.memory_space<vmem_shared>>)
        %add3A_382 = arith.addi %sub3A_35, %add3A_327 : i32
        %add3A_383 = arith.constant 8 : i32
        %add3A_384 = arith.addi %add3A_382, %add3A_383 : i32
        %dma_start3A_385 = arith.constant 0 : i32
        %dma_start3A_386 = arith.constant 0 : i32
        %dma_start3A_387 = tpu.memref_slice %arg5[%add3A_384, %dma_start3A_385, %dma_start3A_386] : memref<79x2x128xi32, #tpu.memory_space<vmem>> -> memref<1x1x128xi32, #tpu.memory_space<vmem>>
        %dma_start3A_388 = tpu.memref_squeeze %dma_start3A_387 : memref<1x1x128xi32, #tpu.memory_space<vmem>> -> memref<128xi32, #tpu.memory_space<vmem>>
        %dma_start3A_389 = arith.constant 0 : i32
        %dma_start3A_390 = arith.constant 0 : i32
        %dma_start3A_391 = tpu.memref_slice %arg3[%dma_start3A_389, %dma_start3A_390] : memref<10112x16xf32, #tpu.memory_space<hbm>> -> memref<10112x16xf32, #tpu.memory_space<hbm>>
        tpu.enqueue_indirect_dma source(%dma_start3A_391 : memref<10112x16xf32, #tpu.memory_space<hbm>>) target(%arg9 : memref<128x16xf32, #tpu.memory_space<vmem>>) offsets(%dma_start3A_388 : memref<128xi32, #tpu.memory_space<vmem>>) semaphore(%arg19 : memref<!tpu.dma_semaphore, #tpu.memory_space<semaphore_mem>>)
      } else {
      }
      %mul3A_334 = arith.constant 8 : i32
      %mul3A_335 = arith.muli %while3A_228, %mul3A_334 : i32
      %add3A_336 = arith.constant 4 : i32
      %add3A_337 = arith.addi %mul3A_335, %add3A_336 : i32
      %add3A_338 = arith.constant 8 : i32
      %add3A_339 = arith.addi %add3A_337, %add3A_338 : i32
      %lt3A_340 = arith.cmpi slt, %add3A_339, %add3A : i32
      %convert_element_type3A_341 = arith.extui %lt3A_340 : i1 to i32
      %cond3A_342 = arith.constant 0 : i32
      %cond3A_343 = arith.cmpi ne, %convert_element_type3A_341, %cond3A_342 : i32
      scf.if %cond3A_343 {
        %add3A_375 = arith.addi %sub3A_35, %add3A_337 : i32
        %dma_wait3A = arith.constant 1 : i32
        %dma_wait3A_376 = arith.constant 0 : i32
        %dma_wait3A_377 = tpu.memref_slice %arg5[%add3A_375, %dma_wait3A, %dma_wait3A_376] : memref<79x2x128xi32, #tpu.memory_space<vmem>> -> memref<1x1x128xi32, #tpu.memory_space<vmem>>
        %dma_wait3A_378 = tpu.memref_squeeze %dma_wait3A_377 : memref<1x1x128xi32, #tpu.memory_space<vmem>> -> memref<128xi32, #tpu.memory_space<vmem>>
        %dma_wait3A_379 = arith.constant 0 : i32
        %dma_wait3A_380 = arith.constant 0 : i32
        %dma_wait3A_381 = tpu.memref_slice %arg15[%dma_wait3A_379, %dma_wait3A_380] : memref<10112x16xf32, #tpu.memory_space<vmem_shared>> -> memref<10112x16xf32, #tpu.memory_space<vmem_shared>>
        tpu.wait_indirect_dma semaphore(%arg28 : memref<!tpu.dma_semaphore, #tpu.memory_space<semaphore_mem>>) src(%arg10 : memref<128x16xf32, #tpu.memory_space<vmem>>) dst(%dma_wait3A_381 : memref<10112x16xf32, #tpu.memory_space<vmem_shared>>)
        %add3A_382 = arith.addi %sub3A_35, %add3A_337 : i32
        %add3A_383 = arith.constant 8 : i32
        %add3A_384 = arith.addi %add3A_382, %add3A_383 : i32
        %dma_start3A_385 = arith.constant 0 : i32
        %dma_start3A_386 = arith.constant 0 : i32
        %dma_start3A_387 = tpu.memref_slice %arg5[%add3A_384, %dma_start3A_385, %dma_start3A_386] : memref<79x2x128xi32, #tpu.memory_space<vmem>> -> memref<1x1x128xi32, #tpu.memory_space<vmem>>
        %dma_start3A_388 = tpu.memref_squeeze %dma_start3A_387 : memref<1x1x128xi32, #tpu.memory_space<vmem>> -> memref<128xi32, #tpu.memory_space<vmem>>
        %dma_start3A_389 = arith.constant 0 : i32
        %dma_start3A_390 = arith.constant 0 : i32
        %dma_start3A_391 = tpu.memref_slice %arg3[%dma_start3A_389, %dma_start3A_390] : memref<10112x16xf32, #tpu.memory_space<hbm>> -> memref<10112x16xf32, #tpu.memory_space<hbm>>
        tpu.enqueue_indirect_dma source(%dma_start3A_391 : memref<10112x16xf32, #tpu.memory_space<hbm>>) target(%arg10 : memref<128x16xf32, #tpu.memory_space<vmem>>) offsets(%dma_start3A_388 : memref<128xi32, #tpu.memory_space<vmem>>) semaphore(%arg20 : memref<!tpu.dma_semaphore, #tpu.memory_space<semaphore_mem>>)
      } else {
      }
      %mul3A_344 = arith.constant 8 : i32
      %mul3A_345 = arith.muli %while3A_228, %mul3A_344 : i32
      %add3A_346 = arith.constant 5 : i32
      %add3A_347 = arith.addi %mul3A_345, %add3A_346 : i32
      %add3A_348 = arith.constant 8 : i32
      %add3A_349 = arith.addi %add3A_347, %add3A_348 : i32
      %lt3A_350 = arith.cmpi slt, %add3A_349, %add3A : i32
      %convert_element_type3A_351 = arith.extui %lt3A_350 : i1 to i32
      %cond3A_352 = arith.constant 0 : i32
      %cond3A_353 = arith.cmpi ne, %convert_element_type3A_351, %cond3A_352 : i32
      scf.if %cond3A_353 {
        %add3A_375 = arith.addi %sub3A_35, %add3A_347 : i32
        %dma_wait3A = arith.constant 1 : i32
        %dma_wait3A_376 = arith.constant 0 : i32
        %dma_wait3A_377 = tpu.memref_slice %arg5[%add3A_375, %dma_wait3A, %dma_wait3A_376] : memref<79x2x128xi32, #tpu.memory_space<vmem>> -> memref<1x1x128xi32, #tpu.memory_space<vmem>>
        %dma_wait3A_378 = tpu.memref_squeeze %dma_wait3A_377 : memref<1x1x128xi32, #tpu.memory_space<vmem>> -> memref<128xi32, #tpu.memory_space<vmem>>
        %dma_wait3A_379 = arith.constant 0 : i32
        %dma_wait3A_380 = arith.constant 0 : i32
        %dma_wait3A_381 = tpu.memref_slice %arg15[%dma_wait3A_379, %dma_wait3A_380] : memref<10112x16xf32, #tpu.memory_space<vmem_shared>> -> memref<10112x16xf32, #tpu.memory_space<vmem_shared>>
        tpu.wait_indirect_dma semaphore(%arg29 : memref<!tpu.dma_semaphore, #tpu.memory_space<semaphore_mem>>) src(%arg11 : memref<128x16xf32, #tpu.memory_space<vmem>>) dst(%dma_wait3A_381 : memref<10112x16xf32, #tpu.memory_space<vmem_shared>>)
        %add3A_382 = arith.addi %sub3A_35, %add3A_347 : i32
        %add3A_383 = arith.constant 8 : i32
        %add3A_384 = arith.addi %add3A_382, %add3A_383 : i32
        %dma_start3A_385 = arith.constant 0 : i32
        %dma_start3A_386 = arith.constant 0 : i32
        %dma_start3A_387 = tpu.memref_slice %arg5[%add3A_384, %dma_start3A_385, %dma_start3A_386] : memref<79x2x128xi32, #tpu.memory_space<vmem>> -> memref<1x1x128xi32, #tpu.memory_space<vmem>>
        %dma_start3A_388 = tpu.memref_squeeze %dma_start3A_387 : memref<1x1x128xi32, #tpu.memory_space<vmem>> -> memref<128xi32, #tpu.memory_space<vmem>>
        %dma_start3A_389 = arith.constant 0 : i32
        %dma_start3A_390 = arith.constant 0 : i32
        %dma_start3A_391 = tpu.memref_slice %arg3[%dma_start3A_389, %dma_start3A_390] : memref<10112x16xf32, #tpu.memory_space<hbm>> -> memref<10112x16xf32, #tpu.memory_space<hbm>>
        tpu.enqueue_indirect_dma source(%dma_start3A_391 : memref<10112x16xf32, #tpu.memory_space<hbm>>) target(%arg11 : memref<128x16xf32, #tpu.memory_space<vmem>>) offsets(%dma_start3A_388 : memref<128xi32, #tpu.memory_space<vmem>>) semaphore(%arg21 : memref<!tpu.dma_semaphore, #tpu.memory_space<semaphore_mem>>)
      } else {
      }
      %mul3A_354 = arith.constant 8 : i32
      %mul3A_355 = arith.muli %while3A_228, %mul3A_354 : i32
      %add3A_356 = arith.constant 6 : i32
      %add3A_357 = arith.addi %mul3A_355, %add3A_356 : i32
      %add3A_358 = arith.constant 8 : i32
      %add3A_359 = arith.addi %add3A_357, %add3A_358 : i32
      %lt3A_360 = arith.cmpi slt, %add3A_359, %add3A : i32
      %convert_element_type3A_361 = arith.extui %lt3A_360 : i1 to i32
      %cond3A_362 = arith.constant 0 : i32
      %cond3A_363 = arith.cmpi ne, %convert_element_type3A_361, %cond3A_362 : i32
      scf.if %cond3A_363 {
        %add3A_375 = arith.addi %sub3A_35, %add3A_357 : i32
        %dma_wait3A = arith.constant 1 : i32
        %dma_wait3A_376 = arith.constant 0 : i32
        %dma_wait3A_377 = tpu.memref_slice %arg5[%add3A_375, %dma_wait3A, %dma_wait3A_376] : memref<79x2x128xi32, #tpu.memory_space<vmem>> -> memref<1x1x128xi32, #tpu.memory_space<vmem>>
        %dma_wait3A_378 = tpu.memref_squeeze %dma_wait3A_377 : memref<1x1x128xi32, #tpu.memory_space<vmem>> -> memref<128xi32, #tpu.memory_space<vmem>>
        %dma_wait3A_379 = arith.constant 0 : i32
        %dma_wait3A_380 = arith.constant 0 : i32
        %dma_wait3A_381 = tpu.memref_slice %arg15[%dma_wait3A_379, %dma_wait3A_380] : memref<10112x16xf32, #tpu.memory_space<vmem_shared>> -> memref<10112x16xf32, #tpu.memory_space<vmem_shared>>
        tpu.wait_indirect_dma semaphore(%arg30 : memref<!tpu.dma_semaphore, #tpu.memory_space<semaphore_mem>>) src(%arg12 : memref<128x16xf32, #tpu.memory_space<vmem>>) dst(%dma_wait3A_381 : memref<10112x16xf32, #tpu.memory_space<vmem_shared>>)
        %add3A_382 = arith.addi %sub3A_35, %add3A_357 : i32
        %add3A_383 = arith.constant 8 : i32
        %add3A_384 = arith.addi %add3A_382, %add3A_383 : i32
        %dma_start3A_385 = arith.constant 0 : i32
        %dma_start3A_386 = arith.constant 0 : i32
        %dma_start3A_387 = tpu.memref_slice %arg5[%add3A_384, %dma_start3A_385, %dma_start3A_386] : memref<79x2x128xi32, #tpu.memory_space<vmem>> -> memref<1x1x128xi32, #tpu.memory_space<vmem>>
        %dma_start3A_388 = tpu.memref_squeeze %dma_start3A_387 : memref<1x1x128xi32, #tpu.memory_space<vmem>> -> memref<128xi32, #tpu.memory_space<vmem>>
        %dma_start3A_389 = arith.constant 0 : i32
        %dma_start3A_390 = arith.constant 0 : i32
        %dma_start3A_391 = tpu.memref_slice %arg3[%dma_start3A_389, %dma_start3A_390] : memref<10112x16xf32, #tpu.memory_space<hbm>> -> memref<10112x16xf32, #tpu.memory_space<hbm>>
        tpu.enqueue_indirect_dma source(%dma_start3A_391 : memref<10112x16xf32, #tpu.memory_space<hbm>>) target(%arg12 : memref<128x16xf32, #tpu.memory_space<vmem>>) offsets(%dma_start3A_388 : memref<128xi32, #tpu.memory_space<vmem>>) semaphore(%arg22 : memref<!tpu.dma_semaphore, #tpu.memory_space<semaphore_mem>>)
      } else {
      }
      %mul3A_364 = arith.constant 8 : i32
      %mul3A_365 = arith.muli %while3A_228, %mul3A_364 : i32
      %add3A_366 = arith.constant 7 : i32
      %add3A_367 = arith.addi %mul3A_365, %add3A_366 : i32
      %add3A_368 = arith.constant 8 : i32
      %add3A_369 = arith.addi %add3A_367, %add3A_368 : i32
      %lt3A_370 = arith.cmpi slt, %add3A_369, %add3A : i32
      %convert_element_type3A_371 = arith.extui %lt3A_370 : i1 to i32
      %cond3A_372 = arith.constant 0 : i32
      %cond3A_373 = arith.cmpi ne, %convert_element_type3A_371, %cond3A_372 : i32
      scf.if %cond3A_373 {
        %add3A_375 = arith.addi %sub3A_35, %add3A_367 : i32
        %dma_wait3A = arith.constant 1 : i32
        %dma_wait3A_376 = arith.constant 0 : i32
        %dma_wait3A_377 = tpu.memref_slice %arg5[%add3A_375, %dma_wait3A, %dma_wait3A_376] : memref<79x2x128xi32, #tpu.memory_space<vmem>> -> memref<1x1x128xi32, #tpu.memory_space<vmem>>
        %dma_wait3A_378 = tpu.memref_squeeze %dma_wait3A_377 : memref<1x1x128xi32, #tpu.memory_space<vmem>> -> memref<128xi32, #tpu.memory_space<vmem>>
        %dma_wait3A_379 = arith.constant 0 : i32
        %dma_wait3A_380 = arith.constant 0 : i32
        %dma_wait3A_381 = tpu.memref_slice %arg15[%dma_wait3A_379, %dma_wait3A_380] : memref<10112x16xf32, #tpu.memory_space<vmem_shared>> -> memref<10112x16xf32, #tpu.memory_space<vmem_shared>>
        tpu.wait_indirect_dma semaphore(%arg31 : memref<!tpu.dma_semaphore, #tpu.memory_space<semaphore_mem>>) src(%arg13 : memref<128x16xf32, #tpu.memory_space<vmem>>) dst(%dma_wait3A_381 : memref<10112x16xf32, #tpu.memory_space<vmem_shared>>)
        %add3A_382 = arith.addi %sub3A_35, %add3A_367 : i32
        %add3A_383 = arith.constant 8 : i32
        %add3A_384 = arith.addi %add3A_382, %add3A_383 : i32
        %dma_start3A_385 = arith.constant 0 : i32
        %dma_start3A_386 = arith.constant 0 : i32
        %dma_start3A_387 = tpu.memref_slice %arg5[%add3A_384, %dma_start3A_385, %dma_start3A_386] : memref<79x2x128xi32, #tpu.memory_space<vmem>> -> memref<1x1x128xi32, #tpu.memory_space<vmem>>
        %dma_start3A_388 = tpu.memref_squeeze %dma_start3A_387 : memref<1x1x128xi32, #tpu.memory_space<vmem>> -> memref<128xi32, #tpu.memory_space<vmem>>
        %dma_start3A_389 = arith.constant 0 : i32
        %dma_start3A_390 = arith.constant 0 : i32
        %dma_start3A_391 = tpu.memref_slice %arg3[%dma_start3A_389, %dma_start3A_390] : memref<10112x16xf32, #tpu.memory_space<hbm>> -> memref<10112x16xf32, #tpu.memory_space<hbm>>
        tpu.enqueue_indirect_dma source(%dma_start3A_391 : memref<10112x16xf32, #tpu.memory_space<hbm>>) target(%arg13 : memref<128x16xf32, #tpu.memory_space<vmem>>) offsets(%dma_start3A_388 : memref<128xi32, #tpu.memory_space<vmem>>) semaphore(%arg23 : memref<!tpu.dma_semaphore, #tpu.memory_space<semaphore_mem>>)
      } else {
      }
      %while3A_374 = arith.constant 0 : i32
      scf.yield %while3A_374 : i32
    }
    %sub3A_154 = arith.constant 8 : i32
    %sub3A_155 = arith.subi %add3A, %sub3A_154 : i32
    %add3A_156 = arith.constant 0 : i32
    %add3A_157 = arith.addi %sub3A_155, %add3A_156 : i32
    %ge3A = arith.constant 0 : i32
    %ge3A_158 = arith.cmpi sge, %add3A_157, %ge3A : i32
    %convert_element_type3A = arith.extui %ge3A_158 : i1 to i32
    %cond3A = arith.constant 0 : i32
    %cond3A_159 = arith.cmpi ne, %convert_element_type3A, %cond3A : i32
    scf.if %cond3A_159 {
      %dma_wait3A = arith.constant 1 : i32
      %dma_wait3A_228 = arith.constant 0 : i32
      %dma_wait3A_229 = tpu.memref_slice %arg5[%sub3A_35, %dma_wait3A, %dma_wait3A_228] : memref<79x2x128xi32, #tpu.memory_space<vmem>> -> memref<1x1x128xi32, #tpu.memory_space<vmem>>
      %dma_wait3A_230 = tpu.memref_squeeze %dma_wait3A_229 : memref<1x1x128xi32, #tpu.memory_space<vmem>> -> memref<128xi32, #tpu.memory_space<vmem>>
      %dma_wait3A_231 = arith.constant 0 : i32
      %dma_wait3A_232 = arith.constant 0 : i32
      %dma_wait3A_233 = tpu.memref_slice %arg15[%dma_wait3A_231, %dma_wait3A_232] : memref<10112x16xf32, #tpu.memory_space<vmem_shared>> -> memref<10112x16xf32, #tpu.memory_space<vmem_shared>>
      tpu.wait_indirect_dma semaphore(%arg24 : memref<!tpu.dma_semaphore, #tpu.memory_space<semaphore_mem>>) src(%arg6 : memref<128x16xf32, #tpu.memory_space<vmem>>) dst(%dma_wait3A_233 : memref<10112x16xf32, #tpu.memory_space<vmem_shared>>)
    } else {
    }
    %sub3A_160 = arith.constant 8 : i32
    %sub3A_161 = arith.subi %add3A, %sub3A_160 : i32
    %add3A_162 = arith.constant 1 : i32
    %add3A_163 = arith.addi %sub3A_161, %add3A_162 : i32
    %ge3A_164 = arith.constant 0 : i32
    %ge3A_165 = arith.cmpi sge, %add3A_163, %ge3A_164 : i32
    %convert_element_type3A_166 = arith.extui %ge3A_165 : i1 to i32
    %cond3A_167 = arith.constant 0 : i32
    %cond3A_168 = arith.cmpi ne, %convert_element_type3A_166, %cond3A_167 : i32
    scf.if %cond3A_168 {
      %dma_wait3A = arith.constant 1 : i32
      %dma_wait3A_228 = arith.constant 0 : i32
      %dma_wait3A_229 = tpu.memref_slice %arg5[%sub3A_35, %dma_wait3A, %dma_wait3A_228] : memref<79x2x128xi32, #tpu.memory_space<vmem>> -> memref<1x1x128xi32, #tpu.memory_space<vmem>>
      %dma_wait3A_230 = tpu.memref_squeeze %dma_wait3A_229 : memref<1x1x128xi32, #tpu.memory_space<vmem>> -> memref<128xi32, #tpu.memory_space<vmem>>
      %dma_wait3A_231 = arith.constant 0 : i32
      %dma_wait3A_232 = arith.constant 0 : i32
      %dma_wait3A_233 = tpu.memref_slice %arg15[%dma_wait3A_231, %dma_wait3A_232] : memref<10112x16xf32, #tpu.memory_space<vmem_shared>> -> memref<10112x16xf32, #tpu.memory_space<vmem_shared>>
      tpu.wait_indirect_dma semaphore(%arg25 : memref<!tpu.dma_semaphore, #tpu.memory_space<semaphore_mem>>) src(%arg6 : memref<128x16xf32, #tpu.memory_space<vmem>>) dst(%dma_wait3A_233 : memref<10112x16xf32, #tpu.memory_space<vmem_shared>>)
    } else {
    }
    %sub3A_169 = arith.constant 8 : i32
    %sub3A_170 = arith.subi %add3A, %sub3A_169 : i32
    %add3A_171 = arith.constant 2 : i32
    %add3A_172 = arith.addi %sub3A_170, %add3A_171 : i32
    %ge3A_173 = arith.constant 0 : i32
    %ge3A_174 = arith.cmpi sge, %add3A_172, %ge3A_173 : i32
    %convert_element_type3A_175 = arith.extui %ge3A_174 : i1 to i32
    %cond3A_176 = arith.constant 0 : i32
    %cond3A_177 = arith.cmpi ne, %convert_element_type3A_175, %cond3A_176 : i32
    scf.if %cond3A_177 {
      %dma_wait3A = arith.constant 1 : i32
      %dma_wait3A_228 = arith.constant 0 : i32
      %dma_wait3A_229 = tpu.memref_slice %arg5[%sub3A_35, %dma_wait3A, %dma_wait3A_228] : memref<79x2x128xi32, #tpu.memory_space<vmem>> -> memref<1x1x128xi32, #tpu.memory_space<vmem>>
      %dma_wait3A_230 = tpu.memref_squeeze %dma_wait3A_229 : memref<1x1x128xi32, #tpu.memory_space<vmem>> -> memref<128xi32, #tpu.memory_space<vmem>>
      %dma_wait3A_231 = arith.constant 0 : i32
      %dma_wait3A_232 = arith.constant 0 : i32
      %dma_wait3A_233 = tpu.memref_slice %arg15[%dma_wait3A_231, %dma_wait3A_232] : memref<10112x16xf32, #tpu.memory_space<vmem_shared>> -> memref<10112x16xf32, #tpu.memory_space<vmem_shared>>
      tpu.wait_indirect_dma semaphore(%arg26 : memref<!tpu.dma_semaphore, #tpu.memory_space<semaphore_mem>>) src(%arg6 : memref<128x16xf32, #tpu.memory_space<vmem>>) dst(%dma_wait3A_233 : memref<10112x16xf32, #tpu.memory_space<vmem_shared>>)
    } else {
    }
    %sub3A_178 = arith.constant 8 : i32
    %sub3A_179 = arith.subi %add3A, %sub3A_178 : i32
    %add3A_180 = arith.constant 3 : i32
    %add3A_181 = arith.addi %sub3A_179, %add3A_180 : i32
    %ge3A_182 = arith.constant 0 : i32
    %ge3A_183 = arith.cmpi sge, %add3A_181, %ge3A_182 : i32
    %convert_element_type3A_184 = arith.extui %ge3A_183 : i1 to i32
    %cond3A_185 = arith.constant 0 : i32
    %cond3A_186 = arith.cmpi ne, %convert_element_type3A_184, %cond3A_185 : i32
    scf.if %cond3A_186 {
      %dma_wait3A = arith.constant 1 : i32
      %dma_wait3A_228 = arith.constant 0 : i32
      %dma_wait3A_229 = tpu.memref_slice %arg5[%sub3A_35, %dma_wait3A, %dma_wait3A_228] : memref<79x2x128xi32, #tpu.memory_space<vmem>> -> memref<1x1x128xi32, #tpu.memory_space<vmem>>
      %dma_wait3A_230 = tpu.memref_squeeze %dma_wait3A_229 : memref<1x1x128xi32, #tpu.memory_space<vmem>> -> memref<128xi32, #tpu.memory_space<vmem>>
      %dma_wait3A_231 = arith.constant 0 : i32
      %dma_wait3A_232 = arith.constant 0 : i32
      %dma_wait3A_233 = tpu.memref_slice %arg15[%dma_wait3A_231, %dma_wait3A_232] : memref<10112x16xf32, #tpu.memory_space<vmem_shared>> -> memref<10112x16xf32, #tpu.memory_space<vmem_shared>>
      tpu.wait_indirect_dma semaphore(%arg27 : memref<!tpu.dma_semaphore, #tpu.memory_space<semaphore_mem>>) src(%arg6 : memref<128x16xf32, #tpu.memory_space<vmem>>) dst(%dma_wait3A_233 : memref<10112x16xf32, #tpu.memory_space<vmem_shared>>)
    } else {
    }
    %sub3A_187 = arith.constant 8 : i32
    %sub3A_188 = arith.subi %add3A, %sub3A_187 : i32
    %add3A_189 = arith.constant 4 : i32
    %add3A_190 = arith.addi %sub3A_188, %add3A_189 : i32
    %ge3A_191 = arith.constant 0 : i32
    %ge3A_192 = arith.cmpi sge, %add3A_190, %ge3A_191 : i32
    %convert_element_type3A_193 = arith.extui %ge3A_192 : i1 to i32
    %cond3A_194 = arith.constant 0 : i32
    %cond3A_195 = arith.cmpi ne, %convert_element_type3A_193, %cond3A_194 : i32
    scf.if %cond3A_195 {
      %dma_wait3A = arith.constant 1 : i32
      %dma_wait3A_228 = arith.constant 0 : i32
      %dma_wait3A_229 = tpu.memref_slice %arg5[%sub3A_35, %dma_wait3A, %dma_wait3A_228] : memref<79x2x128xi32, #tpu.memory_space<vmem>> -> memref<1x1x128xi32, #tpu.memory_space<vmem>>
      %dma_wait3A_230 = tpu.memref_squeeze %dma_wait3A_229 : memref<1x1x128xi32, #tpu.memory_space<vmem>> -> memref<128xi32, #tpu.memory_space<vmem>>
      %dma_wait3A_231 = arith.constant 0 : i32
      %dma_wait3A_232 = arith.constant 0 : i32
      %dma_wait3A_233 = tpu.memref_slice %arg15[%dma_wait3A_231, %dma_wait3A_232] : memref<10112x16xf32, #tpu.memory_space<vmem_shared>> -> memref<10112x16xf32, #tpu.memory_space<vmem_shared>>
      tpu.wait_indirect_dma semaphore(%arg28 : memref<!tpu.dma_semaphore, #tpu.memory_space<semaphore_mem>>) src(%arg6 : memref<128x16xf32, #tpu.memory_space<vmem>>) dst(%dma_wait3A_233 : memref<10112x16xf32, #tpu.memory_space<vmem_shared>>)
    } else {
    }
    %sub3A_196 = arith.constant 8 : i32
    %sub3A_197 = arith.subi %add3A, %sub3A_196 : i32
    %add3A_198 = arith.constant 5 : i32
    %add3A_199 = arith.addi %sub3A_197, %add3A_198 : i32
    %ge3A_200 = arith.constant 0 : i32
    %ge3A_201 = arith.cmpi sge, %add3A_199, %ge3A_200 : i32
    %convert_element_type3A_202 = arith.extui %ge3A_201 : i1 to i32
    %cond3A_203 = arith.constant 0 : i32
    %cond3A_204 = arith.cmpi ne, %convert_element_type3A_202, %cond3A_203 : i32
    scf.if %cond3A_204 {
      %dma_wait3A = arith.constant 1 : i32
      %dma_wait3A_228 = arith.constant 0 : i32
      %dma_wait3A_229 = tpu.memref_slice %arg5[%sub3A_35, %dma_wait3A, %dma_wait3A_228] : memref<79x2x128xi32, #tpu.memory_space<vmem>> -> memref<1x1x128xi32, #tpu.memory_space<vmem>>
      %dma_wait3A_230 = tpu.memref_squeeze %dma_wait3A_229 : memref<1x1x128xi32, #tpu.memory_space<vmem>> -> memref<128xi32, #tpu.memory_space<vmem>>
      %dma_wait3A_231 = arith.constant 0 : i32
      %dma_wait3A_232 = arith.constant 0 : i32
      %dma_wait3A_233 = tpu.memref_slice %arg15[%dma_wait3A_231, %dma_wait3A_232] : memref<10112x16xf32, #tpu.memory_space<vmem_shared>> -> memref<10112x16xf32, #tpu.memory_space<vmem_shared>>
      tpu.wait_indirect_dma semaphore(%arg29 : memref<!tpu.dma_semaphore, #tpu.memory_space<semaphore_mem>>) src(%arg6 : memref<128x16xf32, #tpu.memory_space<vmem>>) dst(%dma_wait3A_233 : memref<10112x16xf32, #tpu.memory_space<vmem_shared>>)
    } else {
    }
    %sub3A_205 = arith.constant 8 : i32
    %sub3A_206 = arith.subi %add3A, %sub3A_205 : i32
    %add3A_207 = arith.constant 6 : i32
    %add3A_208 = arith.addi %sub3A_206, %add3A_207 : i32
    %ge3A_209 = arith.constant 0 : i32
    %ge3A_210 = arith.cmpi sge, %add3A_208, %ge3A_209 : i32
    %convert_element_type3A_211 = arith.extui %ge3A_210 : i1 to i32
    %cond3A_212 = arith.constant 0 : i32
    %cond3A_213 = arith.cmpi ne, %convert_element_type3A_211, %cond3A_212 : i32
    scf.if %cond3A_213 {
      %dma_wait3A = arith.constant 1 : i32
      %dma_wait3A_228 = arith.constant 0 : i32
      %dma_wait3A_229 = tpu.memref_slice %arg5[%sub3A_35, %dma_wait3A, %dma_wait3A_228] : memref<79x2x128xi32, #tpu.memory_space<vmem>> -> memref<1x1x128xi32, #tpu.memory_space<vmem>>
      %dma_wait3A_230 = tpu.memref_squeeze %dma_wait3A_229 : memref<1x1x128xi32, #tpu.memory_space<vmem>> -> memref<128xi32, #tpu.memory_space<vmem>>
      %dma_wait3A_231 = arith.constant 0 : i32
      %dma_wait3A_232 = arith.constant 0 : i32
      %dma_wait3A_233 = tpu.memref_slice %arg15[%dma_wait3A_231, %dma_wait3A_232] : memref<10112x16xf32, #tpu.memory_space<vmem_shared>> -> memref<10112x16xf32, #tpu.memory_space<vmem_shared>>
      tpu.wait_indirect_dma semaphore(%arg30 : memref<!tpu.dma_semaphore, #tpu.memory_space<semaphore_mem>>) src(%arg6 : memref<128x16xf32, #tpu.memory_space<vmem>>) dst(%dma_wait3A_233 : memref<10112x16xf32, #tpu.memory_space<vmem_shared>>)
    } else {
    }
    %sub3A_214 = arith.constant 8 : i32
    %sub3A_215 = arith.subi %add3A, %sub3A_214 : i32
    %add3A_216 = arith.constant 7 : i32
    %add3A_217 = arith.addi %sub3A_215, %add3A_216 : i32
    %ge3A_218 = arith.constant 0 : i32
    %ge3A_219 = arith.cmpi sge, %add3A_217, %ge3A_218 : i32
    %convert_element_type3A_220 = arith.extui %ge3A_219 : i1 to i32
    %cond3A_221 = arith.constant 0 : i32
    %cond3A_222 = arith.cmpi ne, %convert_element_type3A_220, %cond3A_221 : i32
    scf.if %cond3A_222 {
      %dma_wait3A = arith.constant 1 : i32
      %dma_wait3A_228 = arith.constant 0 : i32
      %dma_wait3A_229 = tpu.memref_slice %arg5[%sub3A_35, %dma_wait3A, %dma_wait3A_228] : memref<79x2x128xi32, #tpu.memory_space<vmem>> -> memref<1x1x128xi32, #tpu.memory_space<vmem>>
      %dma_wait3A_230 = tpu.memref_squeeze %dma_wait3A_229 : memref<1x1x128xi32, #tpu.memory_space<vmem>> -> memref<128xi32, #tpu.memory_space<vmem>>
      %dma_wait3A_231 = arith.constant 0 : i32
      %dma_wait3A_232 = arith.constant 0 : i32
      %dma_wait3A_233 = tpu.memref_slice %arg15[%dma_wait3A_231, %dma_wait3A_232] : memref<10112x16xf32, #tpu.memory_space<vmem_shared>> -> memref<10112x16xf32, #tpu.memory_space<vmem_shared>>
      tpu.wait_indirect_dma semaphore(%arg31 : memref<!tpu.dma_semaphore, #tpu.memory_space<semaphore_mem>>) src(%arg6 : memref<128x16xf32, #tpu.memory_space<vmem>>) dst(%dma_wait3A_233 : memref<10112x16xf32, #tpu.memory_space<vmem_shared>>)
    } else {
    }
    %barrier3A_223 = arith.constant 0 : index
    tpu.barrier barrier_id(%barrier3A_223)
    %mul3A_224 = arith.constant 632 : i32
    %mul3A_225 = arith.muli %arg1, %mul3A_224 : i32
    "tpu.region"() ({
      %run_scoped3A = tpu.sem_alloc : memref<!tpu.dma_semaphore, #tpu.memory_space<semaphore_mem>>
      %dma_start3A_228 = arith.constant 0 : i32
      %dma_start3A_229 = tpu.memref_slice %arg15[%mul3A_225, %dma_start3A_228] : memref<10112x16xf32, #tpu.memory_space<vmem_shared>> -> memref<632x16xf32, #tpu.memory_space<vmem_shared>>
      %dma_start3A_230 = arith.constant 0 : i32
      %dma_start3A_231 = tpu.memref_slice %arg15[%mul3A_225, %dma_start3A_230] : memref<10112x16xf32, #tpu.memory_space<vmem_shared>> -> memref<632x16xf32, #tpu.memory_space<vmem_shared>>
      tpu.enqueue_dma source(%dma_start3A_231 : memref<632x16xf32, #tpu.memory_space<vmem_shared>>) target(%arg14 : memref<632x16xf32, #tpu.memory_space<vmem>>) target_semaphore(%run_scoped3A : memref<!tpu.dma_semaphore, #tpu.memory_space<semaphore_mem>>)
      %dma_wait3A = arith.constant 0 : i32
      %dma_wait3A_232 = tpu.memref_slice %arg15[%mul3A_225, %dma_wait3A] : memref<10112x16xf32, #tpu.memory_space<vmem_shared>> -> memref<632x16xf32, #tpu.memory_space<vmem_shared>>
      %dma_wait3A_233 = arith.constant 0 : i32
      %dma_wait3A_234 = tpu.memref_slice %arg15[%mul3A_225, %dma_wait3A_233] : memref<10112x16xf32, #tpu.memory_space<vmem_shared>> -> memref<632x16xf32, #tpu.memory_space<vmem_shared>>
      tpu.wait_dma2 semaphore(%run_scoped3A : memref<!tpu.dma_semaphore, #tpu.memory_space<semaphore_mem>>) src(%dma_wait3A_234 : memref<632x16xf32, #tpu.memory_space<vmem_shared>>) dst(%arg14 : memref<632x16xf32, #tpu.memory_space<vmem>>)
      tpu.yield
    }) : () -> ()
    %mul3A_226 = arith.constant 632 : i32
    %mul3A_227 = arith.muli %arg1, %mul3A_226 : i32
    "tpu.region"() ({
      %run_scoped3A = tpu.sem_alloc : memref<!tpu.dma_semaphore, #tpu.memory_space<semaphore_mem>>
      %dma_start3A_228 = arith.constant 0 : i32
      %dma_start3A_229 = tpu.memref_slice %arg4[%arg0, %mul3A_227, %dma_start3A_228] : memref<2x10112x16xf32, #tpu.memory_space<hbm>> -> memref<1x632x16xf32, #tpu.memory_space<hbm>>
      %dma_start3A_230 = tpu.memref_squeeze %dma_start3A_229 : memref<1x632x16xf32, #tpu.memory_space<hbm>> -> memref<632x16xf32, #tpu.memory_space<hbm>>
      %dma_start3A_231 = arith.constant 0 : i32
      %dma_start3A_232 = tpu.memref_slice %arg4[%arg0, %mul3A_227, %dma_start3A_231] : memref<2x10112x16xf32, #tpu.memory_space<hbm>> -> memref<1x632x16xf32, #tpu.memory_space<hbm>>
      %dma_start3A_233 = tpu.memref_squeeze %dma_start3A_232 : memref<1x632x16xf32, #tpu.memory_space<hbm>> -> memref<632x16xf32, #tpu.memory_space<hbm>>
      tpu.enqueue_dma source(%arg14 : memref<632x16xf32, #tpu.memory_space<vmem>>) target(%dma_start3A_233 : memref<632x16xf32, #tpu.memory_space<hbm>>) target_semaphore(%run_scoped3A : memref<!tpu.dma_semaphore, #tpu.memory_space<semaphore_mem>>)
      %dma_wait3A = arith.constant 0 : i32
      %dma_wait3A_234 = tpu.memref_slice %arg4[%arg0, %mul3A_227, %dma_wait3A] : memref<2x10112x16xf32, #tpu.memory_space<hbm>> -> memref<1x632x16xf32, #tpu.memory_space<hbm>>
      %dma_wait3A_235 = tpu.memref_squeeze %dma_wait3A_234 : memref<1x632x16xf32, #tpu.memory_space<hbm>> -> memref<632x16xf32, #tpu.memory_space<hbm>>
      %dma_wait3A_236 = arith.constant 0 : i32
      %dma_wait3A_237 = tpu.memref_slice %arg4[%arg0, %mul3A_227, %dma_wait3A_236] : memref<2x10112x16xf32, #tpu.memory_space<hbm>> -> memref<1x632x16xf32, #tpu.memory_space<hbm>>
      %dma_wait3A_238 = tpu.memref_squeeze %dma_wait3A_237 : memref<1x632x16xf32, #tpu.memory_space<hbm>> -> memref<632x16xf32, #tpu.memory_space<hbm>>
      tpu.wait_dma2 semaphore(%run_scoped3A : memref<!tpu.dma_semaphore, #tpu.memory_space<semaphore_mem>>) src(%arg14 : memref<632x16xf32, #tpu.memory_space<vmem>>) dst(%dma_wait3A_238 : memref<632x16xf32, #tpu.memory_space<hbm>>)
      tpu.yield
    }) : () -> ()
    return
  }
}

#map = affine_map<(d0, d1) -> (0, 0, 0)>
module attributes {stable_mosaic.version = 14 : i64} {
  func.func @_deg_kernel(%arg0: i32, %arg1: i32, %arg2: memref<2500x2x128xi32, #tpu.memory_space<hbm>>, %arg3: memref<2x10112x16xf32, #tpu.memory_space<hbm>>, %arg4: memref<79x2x128xi32, #tpu.memory_space<vmem>>, %arg5: memref<128x16xf32, #tpu.memory_space<vmem>>, %arg6: memref<632x16xf32, #tpu.memory_space<vmem>>, %arg7: memref<10112x16xf32, #tpu.memory_space<vmem_shared>>) attributes {dimension_semantics = [#tpu.dimension_semantics<core_parallel>, #tpu.dimension_semantics<subcore_parallel>], iteration_bounds = array<i64: 2, 16>, scalar_prefetch = 0 : i64, scratch_operands = 4 : i64, tpu.core_type = #tpu.core_type<sc_vector_subcore>, window_params = [{transform_indices = #map}, {transform_indices = #map}]} {
    %eq3A = arith.constant 0 : i32
    %eq3A_0 = arith.cmpi eq, %arg0, %eq3A : i32
    %jit3A = arith.constant 1250 : i32
    %jit3A_1 = arith.constant 1250 : i32
    %select_n3A = arith.select %eq3A_0, %jit3A, %jit3A_1 : i32
    %eq3A_2 = arith.constant 0 : i32
    %eq3A_3 = arith.cmpi eq, %arg0, %eq3A_2 : i32
    %jit3A_4 = arith.constant 0 : i32
    %jit3A_5 = arith.constant 1250 : i32
    %select_n3A_6 = arith.select %eq3A_3, %jit3A_4, %jit3A_5 : i32
    %jit3A_7 = arith.constant 16 : i32
    %div3A = arith.divsi %select_n3A, %jit3A_7 : i32
    %sign3A = arith.constant 0 : i32
    %sign3A_8 = arith.cmpi sgt, %select_n3A, %sign3A : i32
    %sign3A_9 = arith.extui %sign3A_8 : i1 to i32
    %sign3A_10 = arith.constant 0 : i32
    %sign3A_11 = arith.cmpi slt, %select_n3A, %sign3A_10 : i32
    %sign3A_12 = arith.extui %sign3A_11 : i1 to i32
    %sign3A_13 = arith.subi %sign3A_9, %sign3A_12 : i32
    %sign3A_14 = arith.constant 0 : i32
    %sign3A_15 = arith.cmpi sgt, %jit3A_7, %sign3A_14 : i32
    %sign3A_16 = arith.extui %sign3A_15 : i1 to i32
    %sign3A_17 = arith.constant 0 : i32
    %sign3A_18 = arith.cmpi slt, %jit3A_7, %sign3A_17 : i32
    %sign3A_19 = arith.extui %sign3A_18 : i1 to i32
    %sign3A_20 = arith.subi %sign3A_16, %sign3A_19 : i32
    %ne3A = arith.cmpi ne, %sign3A_13, %sign3A_20 : i32
    %rem3A = arith.remsi %select_n3A, %jit3A_7 : i32
    %ne3A_21 = arith.constant 0 : i32
    %ne3A_22 = arith.cmpi ne, %rem3A, %ne3A_21 : i32
    %and3A = arith.andi %ne3A, %ne3A_22 : i1
    %sub3A = arith.constant 1 : i32
    %sub3A_23 = arith.subi %div3A, %sub3A : i32
    %select_n3A_24 = arith.select %and3A, %sub3A_23, %div3A : i32
    %mul3A = arith.constant 16 : i32
    %mul3A_25 = arith.muli %select_n3A_24, %mul3A : i32
    %sub3A_26 = arith.subi %select_n3A, %mul3A_25 : i32
    %lt3A = arith.cmpi slt, %arg1, %sub3A_26 : i32
    %jit3A_27 = arith.constant 1 : i32
    %jit3A_28 = arith.constant 0 : i32
    %select_n3A_29 = arith.select %lt3A, %jit3A_27, %jit3A_28 : i32
    %add3A = arith.addi %select_n3A_24, %select_n3A_29 : i32
    %mul3A_30 = arith.muli %arg1, %select_n3A_24 : i32
    %add3A_31 = arith.addi %select_n3A_6, %mul3A_30 : i32
    %min3A = arith.minsi %arg1, %sub3A_26 : i32
    %add3A_32 = arith.addi %add3A_31, %min3A : i32
    %min3A_33 = arith.constant 2421 : i32
    %min3A_34 = arith.minsi %add3A_32, %min3A_33 : i32
    %sub3A_35 = arith.subi %add3A_32, %min3A_34 : i32
    "tpu.region"() ({
      %run_scoped3A = tpu.sem_alloc : memref<!tpu.dma_semaphore, #tpu.memory_space<semaphore_mem>>
      %dma_start3A = arith.constant 0 : i32
      %dma_start3A_67 = arith.constant 0 : i32
      %dma_start3A_68 = tpu.memref_slice %arg2[%min3A_34, %dma_start3A, %dma_start3A_67] : memref<2500x2x128xi32, #tpu.memory_space<hbm>> -> memref<79x2x128xi32, #tpu.memory_space<hbm>>
      %dma_start3A_69 = arith.constant 0 : i32
      %dma_start3A_70 = arith.constant 0 : i32
      %dma_start3A_71 = tpu.memref_slice %arg2[%min3A_34, %dma_start3A_69, %dma_start3A_70] : memref<2500x2x128xi32, #tpu.memory_space<hbm>> -> memref<79x2x128xi32, #tpu.memory_space<hbm>>
      tpu.enqueue_dma source(%dma_start3A_71 : memref<79x2x128xi32, #tpu.memory_space<hbm>>) target(%arg4 : memref<79x2x128xi32, #tpu.memory_space<vmem>>) target_semaphore(%run_scoped3A : memref<!tpu.dma_semaphore, #tpu.memory_space<semaphore_mem>>)
      %dma_wait3A = arith.constant 0 : i32
      %dma_wait3A_72 = arith.constant 0 : i32
      %dma_wait3A_73 = tpu.memref_slice %arg2[%min3A_34, %dma_wait3A, %dma_wait3A_72] : memref<2500x2x128xi32, #tpu.memory_space<hbm>> -> memref<79x2x128xi32, #tpu.memory_space<hbm>>
      %dma_wait3A_74 = arith.constant 0 : i32
      %dma_wait3A_75 = arith.constant 0 : i32
      %dma_wait3A_76 = tpu.memref_slice %arg2[%min3A_34, %dma_wait3A_74, %dma_wait3A_75] : memref<2500x2x128xi32, #tpu.memory_space<hbm>> -> memref<79x2x128xi32, #tpu.memory_space<hbm>>
      tpu.wait_dma2 semaphore(%run_scoped3A : memref<!tpu.dma_semaphore, #tpu.memory_space<semaphore_mem>>) src(%dma_wait3A_76 : memref<79x2x128xi32, #tpu.memory_space<hbm>>) dst(%arg4 : memref<79x2x128xi32, #tpu.memory_space<vmem>>)
      tpu.yield
    }) : () -> ()
    %scan3A = arith.constant 0 : i32
    %scan3A_36 = arith.constant 0 : i32
    %scan3A_37 = arith.constant 128 : i32
    %scan3A_38 = arith.addi %scan3A_36, %scan3A_37 : i32
    %scan3A_39 = arith.constant 1 : i32
    %scan3A_40 = scf.for %scan3A_67 = %scan3A_36 to %scan3A_38 step %scan3A_39 iter_args(%scan3A_68 = %scan3A) -> (i32)  : i32 {
      %broadcast_in_dim3A = arith.constant 1.000000e+00 : f32
      %broadcast_in_dim3A_69 = vector.broadcast %broadcast_in_dim3A : f32 to vector<16xf32>
      %swap3A = arith.index_cast %scan3A_67 : i32 to index
      %swap3A_70 = arith.constant 0 : index
      %swap3A_71 = tpu.vector_load %arg5[%swap3A, %swap3A_70] {strides = array<i32>} : memref<128x16xf32, #tpu.memory_space<vmem>>, vector<1x16xf32>,
      %swap3A_72 = vector.shape_cast %swap3A_71 : vector<1x16xf32> to vector<16xf32>
      %swap3A_73 = vector.shape_cast %broadcast_in_dim3A_69 : vector<16xf32> to vector<1x16xf32>
      tpu.vector_store %arg5[%swap3A, %swap3A_70], %swap3A_73 {strides = array<i32>} : memref<128x16xf32, #tpu.memory_space<vmem>>, vector<1x16xf32>,
      %scan3A_74 = arith.constant 0 : i32
      scf.yield %scan3A_74 : i32
    }
    %scan3A_41 = arith.constant 128 : i32
    %scan3A_42 = arith.constant 0 : i32
    %scan3A_43 = arith.constant 0 : i32
    %scan3A_44 = arith.constant 632 : i32
    %scan3A_45 = arith.addi %scan3A_43, %scan3A_44 : i32
    %scan3A_46 = arith.constant 1 : i32
    %scan3A_47 = scf.for %scan3A_67 = %scan3A_43 to %scan3A_45 step %scan3A_46 iter_args(%scan3A_68 = %scan3A_42) -> (i32)  : i32 {
      %broadcast_in_dim3A = arith.constant 0.000000e+00 : f32
      %broadcast_in_dim3A_69 = vector.broadcast %broadcast_in_dim3A : f32 to vector<16xf32>
      %swap3A = arith.index_cast %scan3A_67 : i32 to index
      %swap3A_70 = arith.constant 0 : index
      %swap3A_71 = tpu.vector_load %arg6[%swap3A, %swap3A_70] {strides = array<i32>} : memref<632x16xf32, #tpu.memory_space<vmem>>, vector<1x16xf32>,
      %swap3A_72 = vector.shape_cast %swap3A_71 : vector<1x16xf32> to vector<16xf32>
      %swap3A_73 = vector.shape_cast %broadcast_in_dim3A_69 : vector<16xf32> to vector<1x16xf32>
      tpu.vector_store %arg6[%swap3A, %swap3A_70], %swap3A_73 {strides = array<i32>} : memref<632x16xf32, #tpu.memory_space<vmem>>, vector<1x16xf32>,
      %scan3A_74 = arith.constant 0 : i32
      scf.yield %scan3A_74 : i32
    }
    %scan3A_48 = arith.constant 632 : i32
    %mul3A_49 = arith.constant 632 : i32
    %mul3A_50 = arith.muli %arg1, %mul3A_49 : i32
    "tpu.region"() ({
      %run_scoped3A = tpu.sem_alloc : memref<!tpu.dma_semaphore, #tpu.memory_space<semaphore_mem>>
      %dma_start3A = arith.constant 0 : i32
      %dma_start3A_67 = tpu.memref_slice %arg7[%mul3A_50, %dma_start3A] : memref<10112x16xf32, #tpu.memory_space<vmem_shared>> -> memref<632x16xf32, #tpu.memory_space<vmem_shared>>
      %dma_start3A_68 = arith.constant 0 : i32
      %dma_start3A_69 = tpu.memref_slice %arg7[%mul3A_50, %dma_start3A_68] : memref<10112x16xf32, #tpu.memory_space<vmem_shared>> -> memref<632x16xf32, #tpu.memory_space<vmem_shared>>
      tpu.enqueue_dma source(%arg6 : memref<632x16xf32, #tpu.memory_space<vmem>>) target(%dma_start3A_69 : memref<632x16xf32, #tpu.memory_space<vmem_shared>>) target_semaphore(%run_scoped3A : memref<!tpu.dma_semaphore, #tpu.memory_space<semaphore_mem>>)
      %dma_wait3A = arith.constant 0 : i32
      %dma_wait3A_70 = tpu.memref_slice %arg7[%mul3A_50, %dma_wait3A] : memref<10112x16xf32, #tpu.memory_space<vmem_shared>> -> memref<632x16xf32, #tpu.memory_space<vmem_shared>>
      %dma_wait3A_71 = arith.constant 0 : i32
      %dma_wait3A_72 = tpu.memref_slice %arg7[%mul3A_50, %dma_wait3A_71] : memref<10112x16xf32, #tpu.memory_space<vmem_shared>> -> memref<632x16xf32, #tpu.memory_space<vmem_shared>>
      tpu.wait_dma2 semaphore(%run_scoped3A : memref<!tpu.dma_semaphore, #tpu.memory_space<semaphore_mem>>) src(%arg6 : memref<632x16xf32, #tpu.memory_space<vmem>>) dst(%dma_wait3A_72 : memref<632x16xf32, #tpu.memory_space<vmem_shared>>)
      tpu.yield
    }) : () -> ()
    %barrier3A = arith.constant 0 : index
    tpu.barrier barrier_id(%barrier3A)
    %while3A = arith.constant 0 : i32
    %while3A_51 = arith.constant 0 : i32
    %while3A_52 = arith.subi %add3A, %while3A : i32
    %while3A_53 = arith.addi %while3A, %while3A_52 : i32
    %while3A_54 = arith.constant 1 : i32
    %while3A_55 = arith.divsi %while3A_52, %while3A_54 : i32
    %while3A_56 = arith.muli %while3A_55, %while3A_54 : i32
    %while3A_57 = arith.addi %while3A, %while3A_56 : i32
    %while3A_58 = arith.constant 1 : i32
    %while3A_59 = scf.for %while3A_67 = %while3A to %while3A_57 step %while3A_58 iter_args(%while3A_68 = %while3A_51) -> (i32)  : i32 {
      %add3A_69 = arith.addi %sub3A_35, %while3A_67 : i32
      %run_scoped3A = arith.constant 1 : i32
      "tpu.region"() ({
        %run_scoped3A_71 = tpu.sem_alloc : memref<!tpu.dma_semaphore, #tpu.memory_space<semaphore_mem>>
        %dma_start3A = arith.constant 0 : i32
        %dma_start3A_72 = tpu.memref_slice %arg4[%add3A_69, %run_scoped3A, %dma_start3A] : memref<79x2x128xi32, #tpu.memory_space<vmem>> -> memref<1x1x128xi32, #tpu.memory_space<vmem>>
        %dma_start3A_73 = tpu.memref_squeeze %dma_start3A_72 : memref<1x1x128xi32, #tpu.memory_space<vmem>> -> memref<128xi32, #tpu.memory_space<vmem>>
        %dma_start3A_74 = arith.constant 0 : i32
        %dma_start3A_75 = arith.constant 0 : i32
        %dma_start3A_76 = tpu.memref_slice %arg7[%dma_start3A_74, %dma_start3A_75] : memref<10112x16xf32, #tpu.memory_space<vmem_shared>> -> memref<10112x16xf32, #tpu.memory_space<vmem_shared>>
        tpu.enqueue_indirect_dma source(%arg5 : memref<128x16xf32, #tpu.memory_space<vmem>>) target(%dma_start3A_76 : memref<10112x16xf32, #tpu.memory_space<vmem_shared>>) offsets(%dma_start3A_73 : memref<128xi32, #tpu.memory_space<vmem>>) semaphore(%run_scoped3A_71 : memref<!tpu.dma_semaphore, #tpu.memory_space<semaphore_mem>>) {add = true}
        %dma_wait3A = arith.constant 0 : i32
        %dma_wait3A_77 = tpu.memref_slice %arg4[%add3A_69, %run_scoped3A, %dma_wait3A] : memref<79x2x128xi32, #tpu.memory_space<vmem>> -> memref<1x1x128xi32, #tpu.memory_space<vmem>>
        %dma_wait3A_78 = tpu.memref_squeeze %dma_wait3A_77 : memref<1x1x128xi32, #tpu.memory_space<vmem>> -> memref<128xi32, #tpu.memory_space<vmem>>
        %dma_wait3A_79 = arith.constant 0 : i32
        %dma_wait3A_80 = arith.constant 0 : i32
        %dma_wait3A_81 = tpu.memref_slice %arg7[%dma_wait3A_79, %dma_wait3A_80] : memref<10112x16xf32, #tpu.memory_space<vmem_shared>> -> memref<10112x16xf32, #tpu.memory_space<vmem_shared>>
        tpu.wait_indirect_dma semaphore(%run_scoped3A_71 : memref<!tpu.dma_semaphore, #tpu.memory_space<semaphore_mem>>) src(%arg5 : memref<128x16xf32, #tpu.memory_space<vmem>>) dst(%dma_wait3A_81 : memref<10112x16xf32, #tpu.memory_space<vmem_shared>>)
        tpu.yield
      }) : () -> ()
      %while3A_70 = arith.constant 0 : i32
      scf.yield %while3A_70 : i32
    }
    %while3A_60 = arith.constant 1 : i32
    %while3A_61 = scf.for %while3A_67 = %while3A_57 to %while3A_53 step %while3A_60 iter_args(%while3A_68 = %while3A_59) -> (i32)  : i32 {
      %add3A_69 = arith.addi %sub3A_35, %while3A_67 : i32
      %run_scoped3A = arith.constant 1 : i32
      "tpu.region"() ({
        %run_scoped3A_71 = tpu.sem_alloc : memref<!tpu.dma_semaphore, #tpu.memory_space<semaphore_mem>>
        %dma_start3A = arith.constant 0 : i32
        %dma_start3A_72 = tpu.memref_slice %arg4[%add3A_69, %run_scoped3A, %dma_start3A] : memref<79x2x128xi32, #tpu.memory_space<vmem>> -> memref<1x1x128xi32, #tpu.memory_space<vmem>>
        %dma_start3A_73 = tpu.memref_squeeze %dma_start3A_72 : memref<1x1x128xi32, #tpu.memory_space<vmem>> -> memref<128xi32, #tpu.memory_space<vmem>>
        %dma_start3A_74 = arith.constant 0 : i32
        %dma_start3A_75 = arith.constant 0 : i32
        %dma_start3A_76 = tpu.memref_slice %arg7[%dma_start3A_74, %dma_start3A_75] : memref<10112x16xf32, #tpu.memory_space<vmem_shared>> -> memref<10112x16xf32, #tpu.memory_space<vmem_shared>>
        tpu.enqueue_indirect_dma source(%arg5 : memref<128x16xf32, #tpu.memory_space<vmem>>) target(%dma_start3A_76 : memref<10112x16xf32, #tpu.memory_space<vmem_shared>>) offsets(%dma_start3A_73 : memref<128xi32, #tpu.memory_space<vmem>>) semaphore(%run_scoped3A_71 : memref<!tpu.dma_semaphore, #tpu.memory_space<semaphore_mem>>) {add = true}
        %dma_wait3A = arith.constant 0 : i32
        %dma_wait3A_77 = tpu.memref_slice %arg4[%add3A_69, %run_scoped3A, %dma_wait3A] : memref<79x2x128xi32, #tpu.memory_space<vmem>> -> memref<1x1x128xi32, #tpu.memory_space<vmem>>
        %dma_wait3A_78 = tpu.memref_squeeze %dma_wait3A_77 : memref<1x1x128xi32, #tpu.memory_space<vmem>> -> memref<128xi32, #tpu.memory_space<vmem>>
        %dma_wait3A_79 = arith.constant 0 : i32
        %dma_wait3A_80 = arith.constant 0 : i32
        %dma_wait3A_81 = tpu.memref_slice %arg7[%dma_wait3A_79, %dma_wait3A_80] : memref<10112x16xf32, #tpu.memory_space<vmem_shared>> -> memref<10112x16xf32, #tpu.memory_space<vmem_shared>>
        tpu.wait_indirect_dma semaphore(%run_scoped3A_71 : memref<!tpu.dma_semaphore, #tpu.memory_space<semaphore_mem>>) src(%arg5 : memref<128x16xf32, #tpu.memory_space<vmem>>) dst(%dma_wait3A_81 : memref<10112x16xf32, #tpu.memory_space<vmem_shared>>)
        tpu.yield
      }) : () -> ()
      %while3A_70 = arith.constant 0 : i32
      scf.yield %while3A_70 : i32
    }
    %barrier3A_62 = arith.constant 0 : index
    tpu.barrier barrier_id(%barrier3A_62)
    %mul3A_63 = arith.constant 632 : i32
    %mul3A_64 = arith.muli %arg1, %mul3A_63 : i32
    "tpu.region"() ({
      %run_scoped3A = tpu.sem_alloc : memref<!tpu.dma_semaphore, #tpu.memory_space<semaphore_mem>>
      %dma_start3A = arith.constant 0 : i32
      %dma_start3A_67 = tpu.memref_slice %arg7[%mul3A_64, %dma_start3A] : memref<10112x16xf32, #tpu.memory_space<vmem_shared>> -> memref<632x16xf32, #tpu.memory_space<vmem_shared>>
      %dma_start3A_68 = arith.constant 0 : i32
      %dma_start3A_69 = tpu.memref_slice %arg7[%mul3A_64, %dma_start3A_68] : memref<10112x16xf32, #tpu.memory_space<vmem_shared>> -> memref<632x16xf32, #tpu.memory_space<vmem_shared>>
      tpu.enqueue_dma source(%dma_start3A_69 : memref<632x16xf32, #tpu.memory_space<vmem_shared>>) target(%arg6 : memref<632x16xf32, #tpu.memory_space<vmem>>) target_semaphore(%run_scoped3A : memref<!tpu.dma_semaphore, #tpu.memory_space<semaphore_mem>>)
      %dma_wait3A = arith.constant 0 : i32
      %dma_wait3A_70 = tpu.memref_slice %arg7[%mul3A_64, %dma_wait3A] : memref<10112x16xf32, #tpu.memory_space<vmem_shared>> -> memref<632x16xf32, #tpu.memory_space<vmem_shared>>
      %dma_wait3A_71 = arith.constant 0 : i32
      %dma_wait3A_72 = tpu.memref_slice %arg7[%mul3A_64, %dma_wait3A_71] : memref<10112x16xf32, #tpu.memory_space<vmem_shared>> -> memref<632x16xf32, #tpu.memory_space<vmem_shared>>
      tpu.wait_dma2 semaphore(%run_scoped3A : memref<!tpu.dma_semaphore, #tpu.memory_space<semaphore_mem>>) src(%dma_wait3A_72 : memref<632x16xf32, #tpu.memory_space<vmem_shared>>) dst(%arg6 : memref<632x16xf32, #tpu.memory_space<vmem>>)
      tpu.yield
    }) : () -> ()
    %mul3A_65 = arith.constant 632 : i32
    %mul3A_66 = arith.muli %arg1, %mul3A_65 : i32
    "tpu.region"() ({
      %run_scoped3A = tpu.sem_alloc : memref<!tpu.dma_semaphore, #tpu.memory_space<semaphore_mem>>
      %dma_start3A = arith.constant 0 : i32
      %dma_start3A_67 = tpu.memref_slice %arg3[%arg0, %mul3A_66, %dma_start3A] : memref<2x10112x16xf32, #tpu.memory_space<hbm>> -> memref<1x632x16xf32, #tpu.memory_space<hbm>>
      %dma_start3A_68 = tpu.memref_squeeze %dma_start3A_67 : memref<1x632x16xf32, #tpu.memory_space<hbm>> -> memref<632x16xf32, #tpu.memory_space<hbm>>
      %dma_start3A_69 = arith.constant 0 : i32
      %dma_start3A_70 = tpu.memref_slice %arg3[%arg0, %mul3A_66, %dma_start3A_69] : memref<2x10112x16xf32, #tpu.memory_space<hbm>> -> memref<1x632x16xf32, #tpu.memory_space<hbm>>
      %dma_start3A_71 = tpu.memref_squeeze %dma_start3A_70 : memref<1x632x16xf32, #tpu.memory_space<hbm>> -> memref<632x16xf32, #tpu.memory_space<hbm>>
      tpu.enqueue_dma source(%arg6 : memref<632x16xf32, #tpu.memory_space<vmem>>) target(%dma_start3A_71 : memref<632x16xf32, #tpu.memory_space<hbm>>) target_semaphore(%run_scoped3A : memref<!tpu.dma_semaphore, #tpu.memory_space<semaphore_mem>>)
      %dma_wait3A = arith.constant 0 : i32
      %dma_wait3A_72 = tpu.memref_slice %arg3[%arg0, %mul3A_66, %dma_wait3A] : memref<2x10112x16xf32, #tpu.memory_space<hbm>> -> memref<1x632x16xf32, #tpu.memory_space<hbm>>
      %dma_wait3A_73 = tpu.memref_squeeze %dma_wait3A_72 : memref<1x632x16xf32, #tpu.memory_space<hbm>> -> memref<632x16xf32, #tpu.memory_space<hbm>>
      %dma_wait3A_74 = arith.constant 0 : i32
      %dma_wait3A_75 = tpu.memref_slice %arg3[%arg0, %mul3A_66, %dma_wait3A_74] : memref<2x10112x16xf32, #tpu.memory_space<hbm>> -> memref<1x632x16xf32, #tpu.memory_space<hbm>>
      %dma_wait3A_76 = tpu.memref_squeeze %dma_wait3A_75 : memref<1x632x16xf32, #tpu.memory_space<hbm>> -> memref<632x16xf32, #tpu.memory_space<hbm>>
      tpu.wait_dma2 semaphore(%run_scoped3A : memref<!tpu.dma_semaphore, #tpu.memory_space<semaphore_mem>>) src(%arg6 : memref<632x16xf32, #tpu.memory_space<vmem>>) dst(%dma_wait3A_76 : memref<632x16xf32, #tpu.memory_space<hbm>>)
      tpu.yield
    }) : () -> ()
    return
  }
}

#map = affine_map<(d0, d1) -> (0, 0, 0)>
#map1 = affine_map<(d0, d1) -> (0, 0)>
module attributes {stable_mosaic.version = 14 : i64} {
  func.func @_agg_kernel(%arg0: i32, %arg1: i32, %arg2: memref<2500x2x128xi32, #tpu.memory_space<hbm>>, %arg3: memref<10112x16xf32, #tpu.memory_space<hbm>>, %arg4: memref<2x10112x16xf32, #tpu.memory_space<hbm>>, %arg5: memref<79x2x128xi32, #tpu.memory_space<vmem>>, %arg6: memref<128x16xf32, #tpu.memory_space<vmem>>, %arg7: memref<128x16xf32, #tpu.memory_space<vmem>>, %arg8: memref<128x16xf32, #tpu.memory_space<vmem>>, %arg9: memref<128x16xf32, #tpu.memory_space<vmem>>, %arg10: memref<128x16xf32, #tpu.memory_space<vmem>>, %arg11: memref<128x16xf32, #tpu.memory_space<vmem>>, %arg12: memref<128x16xf32, #tpu.memory_space<vmem>>, %arg13: memref<128x16xf32, #tpu.memory_space<vmem>>, %arg14: memref<632x16xf32, #tpu.memory_space<vmem>>, %arg15: memref<10112x16xf32, #tpu.memory_space<vmem_shared>>, %arg16: memref<!tpu.dma_semaphore, #tpu.memory_space<semaphore_mem>>, %arg17: memref<!tpu.dma_semaphore, #tpu.memory_space<semaphore_mem>>, %arg18: memref<!tpu.dma_semaphore, #tpu.memory_space<semaphore_mem>>, %arg19: memref<!tpu.dma_semaphore, #tpu.memory_space<semaphore_mem>>, %arg20: memref<!tpu.dma_semaphore, #tpu.memory_space<semaphore_mem>>, %arg21: memref<!tpu.dma_semaphore, #tpu.memory_space<semaphore_mem>>, %arg22: memref<!tpu.dma_semaphore, #tpu.memory_space<semaphore_mem>>, %arg23: memref<!tpu.dma_semaphore, #tpu.memory_space<semaphore_mem>>, %arg24: memref<!tpu.dma_semaphore, #tpu.memory_space<semaphore_mem>>, %arg25: memref<!tpu.dma_semaphore, #tpu.memory_space<semaphore_mem>>, %arg26: memref<!tpu.dma_semaphore, #tpu.memory_space<semaphore_mem>>, %arg27: memref<!tpu.dma_semaphore, #tpu.memory_space<semaphore_mem>>, %arg28: memref<!tpu.dma_semaphore, #tpu.memory_space<semaphore_mem>>, %arg29: memref<!tpu.dma_semaphore, #tpu.memory_space<semaphore_mem>>, %arg30: memref<!tpu.dma_semaphore, #tpu.memory_space<semaphore_mem>>, %arg31: memref<!tpu.dma_semaphore, #tpu.memory_space<semaphore_mem>>) attributes {dimension_semantics = [#tpu.dimension_semantics<core_parallel>, #tpu.dimension_semantics<subcore_parallel>], iteration_bounds = array<i64: 2, 16>, scalar_prefetch = 0 : i64, scratch_operands = 27 : i64, tpu.core_type = #tpu.core_type<sc_vector_subcore>, window_params = [{transform_indices = #map}, {transform_indices = #map1}, {transform_indices = #map}]} {
    %eq3A = arith.constant 0 : i32
    %eq3A_0 = arith.cmpi eq, %arg0, %eq3A : i32
    %jit3A = arith.constant 1250 : i32
    %jit3A_1 = arith.constant 1250 : i32
    %select_n3A = arith.select %eq3A_0, %jit3A, %jit3A_1 : i32
    %eq3A_2 = arith.constant 0 : i32
    %eq3A_3 = arith.cmpi eq, %arg0, %eq3A_2 : i32
    %jit3A_4 = arith.constant 0 : i32
    %jit3A_5 = arith.constant 1250 : i32
    %select_n3A_6 = arith.select %eq3A_3, %jit3A_4, %jit3A_5 : i32
    %jit3A_7 = arith.constant 16 : i32
    %div3A = arith.divsi %select_n3A, %jit3A_7 : i32
    %sign3A = arith.constant 0 : i32
    %sign3A_8 = arith.cmpi sgt, %select_n3A, %sign3A : i32
    %sign3A_9 = arith.extui %sign3A_8 : i1 to i32
    %sign3A_10 = arith.constant 0 : i32
    %sign3A_11 = arith.cmpi slt, %select_n3A, %sign3A_10 : i32
    %sign3A_12 = arith.extui %sign3A_11 : i1 to i32
    %sign3A_13 = arith.subi %sign3A_9, %sign3A_12 : i32
    %sign3A_14 = arith.constant 0 : i32
    %sign3A_15 = arith.cmpi sgt, %jit3A_7, %sign3A_14 : i32
    %sign3A_16 = arith.extui %sign3A_15 : i1 to i32
    %sign3A_17 = arith.constant 0 : i32
    %sign3A_18 = arith.cmpi slt, %jit3A_7, %sign3A_17 : i32
    %sign3A_19 = arith.extui %sign3A_18 : i1 to i32
    %sign3A_20 = arith.subi %sign3A_16, %sign3A_19 : i32
    %ne3A = arith.cmpi ne, %sign3A_13, %sign3A_20 : i32
    %rem3A = arith.remsi %select_n3A, %jit3A_7 : i32
    %ne3A_21 = arith.constant 0 : i32
    %ne3A_22 = arith.cmpi ne, %rem3A, %ne3A_21 : i32
    %and3A = arith.andi %ne3A, %ne3A_22 : i1
    %sub3A = arith.constant 1 : i32
    %sub3A_23 = arith.subi %div3A, %sub3A : i32
    %select_n3A_24 = arith.select %and3A, %sub3A_23, %div3A : i32
    %mul3A = arith.constant 16 : i32
    %mul3A_25 = arith.muli %select_n3A_24, %mul3A : i32
    %sub3A_26 = arith.subi %select_n3A, %mul3A_25 : i32
    %lt3A = arith.cmpi slt, %arg1, %sub3A_26 : i32
    %jit3A_27 = arith.constant 1 : i32
    %jit3A_28 = arith.constant 0 : i32
    %select_n3A_29 = arith.select %lt3A, %jit3A_27, %jit3A_28 : i32
    %add3A = arith.addi %select_n3A_24, %select_n3A_29 : i32
    %mul3A_30 = arith.muli %arg1, %select_n3A_24 : i32
    %add3A_31 = arith.addi %select_n3A_6, %mul3A_30 : i32
    %min3A = arith.minsi %arg1, %sub3A_26 : i32
    %add3A_32 = arith.addi %add3A_31, %min3A : i32
    %min3A_33 = arith.constant 2421 : i32
    %min3A_34 = arith.minsi %add3A_32, %min3A_33 : i32
    %sub3A_35 = arith.subi %add3A_32, %min3A_34 : i32
    "tpu.region"() ({
      %run_scoped3A = tpu.sem_alloc : memref<!tpu.dma_semaphore, #tpu.memory_space<semaphore_mem>>
      %dma_start3A_228 = arith.constant 0 : i32
      %dma_start3A_229 = arith.constant 0 : i32
      %dma_start3A_230 = tpu.memref_slice %arg2[%min3A_34, %dma_start3A_228, %dma_start3A_229] : memref<2500x2x128xi32, #tpu.memory_space<hbm>> -> memref<79x2x128xi32, #tpu.memory_space<hbm>>
      %dma_start3A_231 = arith.constant 0 : i32
      %dma_start3A_232 = arith.constant 0 : i32
      %dma_start3A_233 = tpu.memref_slice %arg2[%min3A_34, %dma_start3A_231, %dma_start3A_232] : memref<2500x2x128xi32, #tpu.memory_space<hbm>> -> memref<79x2x128xi32, #tpu.memory_space<hbm>>
      tpu.enqueue_dma source(%dma_start3A_233 : memref<79x2x128xi32, #tpu.memory_space<hbm>>) target(%arg5 : memref<79x2x128xi32, #tpu.memory_space<vmem>>) target_semaphore(%run_scoped3A : memref<!tpu.dma_semaphore, #tpu.memory_space<semaphore_mem>>)
      %dma_wait3A = arith.constant 0 : i32
      %dma_wait3A_234 = arith.constant 0 : i32
      %dma_wait3A_235 = tpu.memref_slice %arg2[%min3A_34, %dma_wait3A, %dma_wait3A_234] : memref<2500x2x128xi32, #tpu.memory_space<hbm>> -> memref<79x2x128xi32, #tpu.memory_space<hbm>>
      %dma_wait3A_236 = arith.constant 0 : i32
      %dma_wait3A_237 = arith.constant 0 : i32
      %dma_wait3A_238 = tpu.memref_slice %arg2[%min3A_34, %dma_wait3A_236, %dma_wait3A_237] : memref<2500x2x128xi32, #tpu.memory_space<hbm>> -> memref<79x2x128xi32, #tpu.memory_space<hbm>>
      tpu.wait_dma2 semaphore(%run_scoped3A : memref<!tpu.dma_semaphore, #tpu.memory_space<semaphore_mem>>) src(%dma_wait3A_238 : memref<79x2x128xi32, #tpu.memory_space<hbm>>) dst(%arg5 : memref<79x2x128xi32, #tpu.memory_space<vmem>>)
      tpu.yield
    }) : () -> ()
    %scan3A = arith.constant 0 : i32
    %scan3A_36 = arith.constant 0 : i32
    %scan3A_37 = arith.constant 632 : i32
    %scan3A_38 = arith.addi %scan3A_36, %scan3A_37 : i32
    %scan3A_39 = arith.constant 1 : i32
    %scan3A_40 = scf.for %scan3A_228 = %scan3A_36 to %scan3A_38 step %scan3A_39 iter_args(%scan3A_229 = %scan3A) -> (i32)  : i32 {
      %broadcast_in_dim3A = arith.constant 0.000000e+00 : f32
      %broadcast_in_dim3A_230 = vector.broadcast %broadcast_in_dim3A : f32 to vector<16xf32>
      %swap3A = arith.index_cast %scan3A_228 : i32 to index
      %swap3A_231 = arith.constant 0 : index
      %swap3A_232 = tpu.vector_load %arg14[%swap3A, %swap3A_231] {strides = array<i32>} : memref<632x16xf32, #tpu.memory_space<vmem>>, vector<1x16xf32>,
      %swap3A_233 = vector.shape_cast %swap3A_232 : vector<1x16xf32> to vector<16xf32>
      %swap3A_234 = vector.shape_cast %broadcast_in_dim3A_230 : vector<16xf32> to vector<1x16xf32>
      tpu.vector_store %arg14[%swap3A, %swap3A_231], %swap3A_234 {strides = array<i32>} : memref<632x16xf32, #tpu.memory_space<vmem>>, vector<1x16xf32>,
      %scan3A_235 = arith.constant 0 : i32
      scf.yield %scan3A_235 : i32
    }
    %scan3A_41 = arith.constant 632 : i32
    %mul3A_42 = arith.constant 632 : i32
    %mul3A_43 = arith.muli %arg1, %mul3A_42 : i32
    "tpu.region"() ({
      %run_scoped3A = tpu.sem_alloc : memref<!tpu.dma_semaphore, #tpu.memory_space<semaphore_mem>>
      %dma_start3A_228 = arith.constant 0 : i32
      %dma_start3A_229 = tpu.memref_slice %arg15[%mul3A_43, %dma_start3A_228] : memref<10112x16xf32, #tpu.memory_space<vmem_shared>> -> memref<632x16xf32, #tpu.memory_space<vmem_shared>>
      %dma_start3A_230 = arith.constant 0 : i32
      %dma_start3A_231 = tpu.memref_slice %arg15[%mul3A_43, %dma_start3A_230] : memref<10112x16xf32, #tpu.memory_space<vmem_shared>> -> memref<632x16xf32, #tpu.memory_space<vmem_shared>>
      tpu.enqueue_dma source(%arg14 : memref<632x16xf32, #tpu.memory_space<vmem>>) target(%dma_start3A_231 : memref<632x16xf32, #tpu.memory_space<vmem_shared>>) target_semaphore(%run_scoped3A : memref<!tpu.dma_semaphore, #tpu.memory_space<semaphore_mem>>)
      %dma_wait3A = arith.constant 0 : i32
      %dma_wait3A_232 = tpu.memref_slice %arg15[%mul3A_43, %dma_wait3A] : memref<10112x16xf32, #tpu.memory_space<vmem_shared>> -> memref<632x16xf32, #tpu.memory_space<vmem_shared>>
      %dma_wait3A_233 = arith.constant 0 : i32
      %dma_wait3A_234 = tpu.memref_slice %arg15[%mul3A_43, %dma_wait3A_233] : memref<10112x16xf32, #tpu.memory_space<vmem_shared>> -> memref<632x16xf32, #tpu.memory_space<vmem_shared>>
      tpu.wait_dma2 semaphore(%run_scoped3A : memref<!tpu.dma_semaphore, #tpu.memory_space<semaphore_mem>>) src(%arg14 : memref<632x16xf32, #tpu.memory_space<vmem>>) dst(%dma_wait3A_234 : memref<632x16xf32, #tpu.memory_space<vmem_shared>>)
      tpu.yield
    }) : () -> ()
    %barrier3A = arith.constant 0 : index
    tpu.barrier barrier_id(%barrier3A)
    %add3A_44 = arith.constant 0 : i32
    %add3A_45 = arith.addi %sub3A_35, %add3A_44 : i32
    %dma_start3A = arith.constant 0 : i32
    %dma_start3A_46 = arith.constant 0 : i32
    %dma_start3A_47 = tpu.memref_slice %arg5[%add3A_45, %dma_start3A, %dma_start3A_46] : memref<79x2x128xi32, #tpu.memory_space<vmem>> -> memref<1x1x128xi32, #tpu.memory_space<vmem>>
    %dma_start3A_48 = tpu.memref_squeeze %dma_start3A_47 : memref<1x1x128xi32, #tpu.memory_space<vmem>> -> memref<128xi32, #tpu.memory_space<vmem>>
    %dma_start3A_49 = arith.constant 0 : i32
    %dma_start3A_50 = arith.constant 0 : i32
    %dma_start3A_51 = tpu.memref_slice %arg3[%dma_start3A_49, %dma_start3A_50] : memref<10112x16xf32, #tpu.memory_space<hbm>> -> memref<10112x16xf32, #tpu.memory_space<hbm>>
    tpu.enqueue_indirect_dma source(%dma_start3A_51 : memref<10112x16xf32, #tpu.memory_space<hbm>>) target(%arg6 : memref<128x16xf32, #tpu.memory_space<vmem>>) offsets(%dma_start3A_48 : memref<128xi32, #tpu.memory_space<vmem>>) semaphore(%arg16 : memref<!tpu.dma_semaphore, #tpu.memory_space<semaphore_mem>>)
    %add3A_52 = arith.constant 1 : i32
    %add3A_53 = arith.addi %sub3A_35, %add3A_52 : i32
    %dma_start3A_54 = arith.constant 0 : i32
    %dma_start3A_55 = arith.constant 0 : i32
    %dma_start3A_56 = tpu.memref_slice %arg5[%add3A_53, %dma_start3A_54, %dma_start3A_55] : memref<79x2x128xi32, #tpu.memory_space<vmem>> -> memref<1x1x128xi32, #tpu.memory_space<vmem>>
    %dma_start3A_57 = tpu.memref_squeeze %dma_start3A_56 : memref<1x1x128xi32, #tpu.memory_space<vmem>> -> memref<128xi32, #tpu.memory_space<vmem>>
    %dma_start3A_58 = arith.constant 0 : i32
    %dma_start3A_59 = arith.constant 0 : i32
    %dma_start3A_60 = tpu.memref_slice %arg3[%dma_start3A_58, %dma_start3A_59] : memref<10112x16xf32, #tpu.memory_space<hbm>> -> memref<10112x16xf32, #tpu.memory_space<hbm>>
    tpu.enqueue_indirect_dma source(%dma_start3A_60 : memref<10112x16xf32, #tpu.memory_space<hbm>>) target(%arg7 : memref<128x16xf32, #tpu.memory_space<vmem>>) offsets(%dma_start3A_57 : memref<128xi32, #tpu.memory_space<vmem>>) semaphore(%arg17 : memref<!tpu.dma_semaphore, #tpu.memory_space<semaphore_mem>>)
    %add3A_61 = arith.constant 2 : i32
    %add3A_62 = arith.addi %sub3A_35, %add3A_61 : i32
    %dma_start3A_63 = arith.constant 0 : i32
    %dma_start3A_64 = arith.constant 0 : i32
    %dma_start3A_65 = tpu.memref_slice %arg5[%add3A_62, %dma_start3A_63, %dma_start3A_64] : memref<79x2x128xi32, #tpu.memory_space<vmem>> -> memref<1x1x128xi32, #tpu.memory_space<vmem>>
    %dma_start3A_66 = tpu.memref_squeeze %dma_start3A_65 : memref<1x1x128xi32, #tpu.memory_space<vmem>> -> memref<128xi32, #tpu.memory_space<vmem>>
    %dma_start3A_67 = arith.constant 0 : i32
    %dma_start3A_68 = arith.constant 0 : i32
    %dma_start3A_69 = tpu.memref_slice %arg3[%dma_start3A_67, %dma_start3A_68] : memref<10112x16xf32, #tpu.memory_space<hbm>> -> memref<10112x16xf32, #tpu.memory_space<hbm>>
    tpu.enqueue_indirect_dma source(%dma_start3A_69 : memref<10112x16xf32, #tpu.memory_space<hbm>>) target(%arg8 : memref<128x16xf32, #tpu.memory_space<vmem>>) offsets(%dma_start3A_66 : memref<128xi32, #tpu.memory_space<vmem>>) semaphore(%arg18 : memref<!tpu.dma_semaphore, #tpu.memory_space<semaphore_mem>>)
    %add3A_70 = arith.constant 3 : i32
    %add3A_71 = arith.addi %sub3A_35, %add3A_70 : i32
    %dma_start3A_72 = arith.constant 0 : i32
    %dma_start3A_73 = arith.constant 0 : i32
    %dma_start3A_74 = tpu.memref_slice %arg5[%add3A_71, %dma_start3A_72, %dma_start3A_73] : memref<79x2x128xi32, #tpu.memory_space<vmem>> -> memref<1x1x128xi32, #tpu.memory_space<vmem>>
    %dma_start3A_75 = tpu.memref_squeeze %dma_start3A_74 : memref<1x1x128xi32, #tpu.memory_space<vmem>> -> memref<128xi32, #tpu.memory_space<vmem>>
    %dma_start3A_76 = arith.constant 0 : i32
    %dma_start3A_77 = arith.constant 0 : i32
    %dma_start3A_78 = tpu.memref_slice %arg3[%dma_start3A_76, %dma_start3A_77] : memref<10112x16xf32, #tpu.memory_space<hbm>> -> memref<10112x16xf32, #tpu.memory_space<hbm>>
    tpu.enqueue_indirect_dma source(%dma_start3A_78 : memref<10112x16xf32, #tpu.memory_space<hbm>>) target(%arg9 : memref<128x16xf32, #tpu.memory_space<vmem>>) offsets(%dma_start3A_75 : memref<128xi32, #tpu.memory_space<vmem>>) semaphore(%arg19 : memref<!tpu.dma_semaphore, #tpu.memory_space<semaphore_mem>>)
    %add3A_79 = arith.constant 4 : i32
    %add3A_80 = arith.addi %sub3A_35, %add3A_79 : i32
    %dma_start3A_81 = arith.constant 0 : i32
    %dma_start3A_82 = arith.constant 0 : i32
    %dma_start3A_83 = tpu.memref_slice %arg5[%add3A_80, %dma_start3A_81, %dma_start3A_82] : memref<79x2x128xi32, #tpu.memory_space<vmem>> -> memref<1x1x128xi32, #tpu.memory_space<vmem>>
    %dma_start3A_84 = tpu.memref_squeeze %dma_start3A_83 : memref<1x1x128xi32, #tpu.memory_space<vmem>> -> memref<128xi32, #tpu.memory_space<vmem>>
    %dma_start3A_85 = arith.constant 0 : i32
    %dma_start3A_86 = arith.constant 0 : i32
    %dma_start3A_87 = tpu.memref_slice %arg3[%dma_start3A_85, %dma_start3A_86] : memref<10112x16xf32, #tpu.memory_space<hbm>> -> memref<10112x16xf32, #tpu.memory_space<hbm>>
    tpu.enqueue_indirect_dma source(%dma_start3A_87 : memref<10112x16xf32, #tpu.memory_space<hbm>>) target(%arg10 : memref<128x16xf32, #tpu.memory_space<vmem>>) offsets(%dma_start3A_84 : memref<128xi32, #tpu.memory_space<vmem>>) semaphore(%arg20 : memref<!tpu.dma_semaphore, #tpu.memory_space<semaphore_mem>>)
    %add3A_88 = arith.constant 5 : i32
    %add3A_89 = arith.addi %sub3A_35, %add3A_88 : i32
    %dma_start3A_90 = arith.constant 0 : i32
    %dma_start3A_91 = arith.constant 0 : i32
    %dma_start3A_92 = tpu.memref_slice %arg5[%add3A_89, %dma_start3A_90, %dma_start3A_91] : memref<79x2x128xi32, #tpu.memory_space<vmem>> -> memref<1x1x128xi32, #tpu.memory_space<vmem>>
    %dma_start3A_93 = tpu.memref_squeeze %dma_start3A_92 : memref<1x1x128xi32, #tpu.memory_space<vmem>> -> memref<128xi32, #tpu.memory_space<vmem>>
    %dma_start3A_94 = arith.constant 0 : i32
    %dma_start3A_95 = arith.constant 0 : i32
    %dma_start3A_96 = tpu.memref_slice %arg3[%dma_start3A_94, %dma_start3A_95] : memref<10112x16xf32, #tpu.memory_space<hbm>> -> memref<10112x16xf32, #tpu.memory_space<hbm>>
    tpu.enqueue_indirect_dma source(%dma_start3A_96 : memref<10112x16xf32, #tpu.memory_space<hbm>>) target(%arg11 : memref<128x16xf32, #tpu.memory_space<vmem>>) offsets(%dma_start3A_93 : memref<128xi32, #tpu.memory_space<vmem>>) semaphore(%arg21 : memref<!tpu.dma_semaphore, #tpu.memory_space<semaphore_mem>>)
    %add3A_97 = arith.constant 6 : i32
    %add3A_98 = arith.addi %sub3A_35, %add3A_97 : i32
    %dma_start3A_99 = arith.constant 0 : i32
    %dma_start3A_100 = arith.constant 0 : i32
    %dma_start3A_101 = tpu.memref_slice %arg5[%add3A_98, %dma_start3A_99, %dma_start3A_100] : memref<79x2x128xi32, #tpu.memory_space<vmem>> -> memref<1x1x128xi32, #tpu.memory_space<vmem>>
    %dma_start3A_102 = tpu.memref_squeeze %dma_start3A_101 : memref<1x1x128xi32, #tpu.memory_space<vmem>> -> memref<128xi32, #tpu.memory_space<vmem>>
    %dma_start3A_103 = arith.constant 0 : i32
    %dma_start3A_104 = arith.constant 0 : i32
    %dma_start3A_105 = tpu.memref_slice %arg3[%dma_start3A_103, %dma_start3A_104] : memref<10112x16xf32, #tpu.memory_space<hbm>> -> memref<10112x16xf32, #tpu.memory_space<hbm>>
    tpu.enqueue_indirect_dma source(%dma_start3A_105 : memref<10112x16xf32, #tpu.memory_space<hbm>>) target(%arg12 : memref<128x16xf32, #tpu.memory_space<vmem>>) offsets(%dma_start3A_102 : memref<128xi32, #tpu.memory_space<vmem>>) semaphore(%arg22 : memref<!tpu.dma_semaphore, #tpu.memory_space<semaphore_mem>>)
    %add3A_106 = arith.constant 7 : i32
    %add3A_107 = arith.addi %sub3A_35, %add3A_106 : i32
    %dma_start3A_108 = arith.constant 0 : i32
    %dma_start3A_109 = arith.constant 0 : i32
    %dma_start3A_110 = tpu.memref_slice %arg5[%add3A_107, %dma_start3A_108, %dma_start3A_109] : memref<79x2x128xi32, #tpu.memory_space<vmem>> -> memref<1x1x128xi32, #tpu.memory_space<vmem>>
    %dma_start3A_111 = tpu.memref_squeeze %dma_start3A_110 : memref<1x1x128xi32, #tpu.memory_space<vmem>> -> memref<128xi32, #tpu.memory_space<vmem>>
    %dma_start3A_112 = arith.constant 0 : i32
    %dma_start3A_113 = arith.constant 0 : i32
    %dma_start3A_114 = tpu.memref_slice %arg3[%dma_start3A_112, %dma_start3A_113] : memref<10112x16xf32, #tpu.memory_space<hbm>> -> memref<10112x16xf32, #tpu.memory_space<hbm>>
    tpu.enqueue_indirect_dma source(%dma_start3A_114 : memref<10112x16xf32, #tpu.memory_space<hbm>>) target(%arg13 : memref<128x16xf32, #tpu.memory_space<vmem>>) offsets(%dma_start3A_111 : memref<128xi32, #tpu.memory_space<vmem>>) semaphore(%arg23 : memref<!tpu.dma_semaphore, #tpu.memory_space<semaphore_mem>>)
    %add3A_115 = arith.constant 8 : i32
    %add3A_116 = arith.addi %add3A, %add3A_115 : i32
    %sub3A_117 = arith.constant 1 : i32
    %sub3A_118 = arith.subi %add3A_116, %sub3A_117 : i32
    %jit3A_119 = arith.constant 8 : i32
    %div3A_120 = arith.divsi %sub3A_118, %jit3A_119 : i32
    %sign3A_121 = arith.constant 0 : i32
    %sign3A_122 = arith.cmpi sgt, %sub3A_118, %sign3A_121 : i32
    %sign3A_123 = arith.extui %sign3A_122 : i1 to i32
    %sign3A_124 = arith.constant 0 : i32
    %sign3A_125 = arith.cmpi slt, %sub3A_118, %sign3A_124 : i32
    %sign3A_126 = arith.extui %sign3A_125 : i1 to i32
    %sign3A_127 = arith.subi %sign3A_123, %sign3A_126 : i32
    %sign3A_128 = arith.constant 0 : i32
    %sign3A_129 = arith.cmpi sgt, %jit3A_119, %sign3A_128 : i32
    %sign3A_130 = arith.extui %sign3A_129 : i1 to i32
    %sign3A_131 = arith.constant 0 : i32
    %sign3A_132 = arith.cmpi slt, %jit3A_119, %sign3A_131 : i32
    %sign3A_133 = arith.extui %sign3A_132 : i1 to i32
    %sign3A_134 = arith.subi %sign3A_130, %sign3A_133 : i32
    %ne3A_135 = arith.cmpi ne, %sign3A_127, %sign3A_134 : i32
    %rem3A_136 = arith.remsi %sub3A_118, %jit3A_119 : i32
    %ne3A_137 = arith.constant 0 : i32
    %ne3A_138 = arith.cmpi ne, %rem3A_136, %ne3A_137 : i32
    %and3A_139 = arith.andi %ne3A_135, %ne3A_138 : i1
    %sub3A_140 = arith.constant 1 : i32
    %sub3A_141 = arith.subi %div3A_120, %sub3A_140 : i32
    %select_n3A_142 = arith.select %and3A_139, %sub3A_141, %div3A_120 : i32
    %while3A = arith.constant 0 : i32
    %while3A_143 = arith.constant 0 : i32
    %while3A_144 = arith.subi %select_n3A_142, %while3A : i32
    %while3A_145 = arith.addi %while3A, %while3A_144 : i32
    %while3A_146 = arith.constant 1 : i32
    %while3A_147 = arith.divsi %while3A_144, %while3A_146 : i32
    %while3A_148 = arith.muli %while3A_147, %while3A_146 : i32
    %while3A_149 = arith.addi %while3A, %while3A_148 : i32
    %while3A_150 = arith.constant 1 : i32
    %while3A_151 = scf.for %while3A_228 = %while3A to %while3A_149 step %while3A_150 iter_args(%while3A_229 = %while3A_143) -> (i32)  : i32 {
      %mul3A_230 = arith.constant 8 : i32
      %mul3A_231 = arith.muli %while3A_228, %mul3A_230 : i32
      %add3A_232 = arith.constant 0 : i32
      %add3A_233 = arith.addi %mul3A_231, %add3A_232 : i32
      %lt3A_234 = arith.cmpi slt, %add3A_233, %add3A : i32
      %convert_element_type3A_235 = arith.extui %lt3A_234 : i1 to i32
      %cond3A_236 = arith.constant 0 : i32
      %cond3A_237 = arith.cmpi ne, %convert_element_type3A_235, %cond3A_236 : i32
      scf.if %cond3A_237 {
        %add3A_375 = arith.addi %sub3A_35, %add3A_233 : i32
        %dma_wait3A = arith.constant 0 : i32
        %dma_wait3A_376 = arith.constant 0 : i32
        %dma_wait3A_377 = tpu.memref_slice %arg5[%add3A_375, %dma_wait3A, %dma_wait3A_376] : memref<79x2x128xi32, #tpu.memory_space<vmem>> -> memref<1x1x128xi32, #tpu.memory_space<vmem>>
        %dma_wait3A_378 = tpu.memref_squeeze %dma_wait3A_377 : memref<1x1x128xi32, #tpu.memory_space<vmem>> -> memref<128xi32, #tpu.memory_space<vmem>>
        %dma_wait3A_379 = arith.constant 0 : i32
        %dma_wait3A_380 = arith.constant 0 : i32
        %dma_wait3A_381 = tpu.memref_slice %arg3[%dma_wait3A_379, %dma_wait3A_380] : memref<10112x16xf32, #tpu.memory_space<hbm>> -> memref<10112x16xf32, #tpu.memory_space<hbm>>
        tpu.wait_indirect_dma semaphore(%arg16 : memref<!tpu.dma_semaphore, #tpu.memory_space<semaphore_mem>>) src(%dma_wait3A_381 : memref<10112x16xf32, #tpu.memory_space<hbm>>) dst(%arg6 : memref<128x16xf32, #tpu.memory_space<vmem>>)
        %add3A_382 = arith.addi %sub3A_35, %add3A_233 : i32
        %dma_start3A_383 = arith.constant 1 : i32
        %dma_start3A_384 = arith.constant 0 : i32
        %dma_start3A_385 = tpu.memref_slice %arg5[%add3A_382, %dma_start3A_383, %dma_start3A_384] : memref<79x2x128xi32, #tpu.memory_space<vmem>> -> memref<1x1x128xi32, #tpu.memory_space<vmem>>
        %dma_start3A_386 = tpu.memref_squeeze %dma_start3A_385 : memref<1x1x128xi32, #tpu.memory_space<vmem>> -> memref<128xi32, #tpu.memory_space<vmem>>
        %dma_start3A_387 = arith.constant 0 : i32
        %dma_start3A_388 = arith.constant 0 : i32
        %dma_start3A_389 = tpu.memref_slice %arg15[%dma_start3A_387, %dma_start3A_388] : memref<10112x16xf32, #tpu.memory_space<vmem_shared>> -> memref<10112x16xf32, #tpu.memory_space<vmem_shared>>
        tpu.enqueue_indirect_dma source(%arg6 : memref<128x16xf32, #tpu.memory_space<vmem>>) target(%dma_start3A_389 : memref<10112x16xf32, #tpu.memory_space<vmem_shared>>) offsets(%dma_start3A_386 : memref<128xi32, #tpu.memory_space<vmem>>) semaphore(%arg24 : memref<!tpu.dma_semaphore, #tpu.memory_space<semaphore_mem>>) {add = true}
      } else {
      }
      %mul3A_238 = arith.constant 8 : i32
      %mul3A_239 = arith.muli %while3A_228, %mul3A_238 : i32
      %add3A_240 = arith.constant 1 : i32
      %add3A_241 = arith.addi %mul3A_239, %add3A_240 : i32
      %lt3A_242 = arith.cmpi slt, %add3A_241, %add3A : i32
      %convert_element_type3A_243 = arith.extui %lt3A_242 : i1 to i32
      %cond3A_244 = arith.constant 0 : i32
      %cond3A_245 = arith.cmpi ne, %convert_element_type3A_243, %cond3A_244 : i32
      scf.if %cond3A_245 {
        %add3A_375 = arith.addi %sub3A_35, %add3A_241 : i32
        %dma_wait3A = arith.constant 0 : i32
        %dma_wait3A_376 = arith.constant 0 : i32
        %dma_wait3A_377 = tpu.memref_slice %arg5[%add3A_375, %dma_wait3A, %dma_wait3A_376] : memref<79x2x128xi32, #tpu.memory_space<vmem>> -> memref<1x1x128xi32, #tpu.memory_space<vmem>>
        %dma_wait3A_378 = tpu.memref_squeeze %dma_wait3A_377 : memref<1x1x128xi32, #tpu.memory_space<vmem>> -> memref<128xi32, #tpu.memory_space<vmem>>
        %dma_wait3A_379 = arith.constant 0 : i32
        %dma_wait3A_380 = arith.constant 0 : i32
        %dma_wait3A_381 = tpu.memref_slice %arg3[%dma_wait3A_379, %dma_wait3A_380] : memref<10112x16xf32, #tpu.memory_space<hbm>> -> memref<10112x16xf32, #tpu.memory_space<hbm>>
        tpu.wait_indirect_dma semaphore(%arg17 : memref<!tpu.dma_semaphore, #tpu.memory_space<semaphore_mem>>) src(%dma_wait3A_381 : memref<10112x16xf32, #tpu.memory_space<hbm>>) dst(%arg7 : memref<128x16xf32, #tpu.memory_space<vmem>>)
        %add3A_382 = arith.addi %sub3A_35, %add3A_241 : i32
        %dma_start3A_383 = arith.constant 1 : i32
        %dma_start3A_384 = arith.constant 0 : i32
        %dma_start3A_385 = tpu.memref_slice %arg5[%add3A_382, %dma_start3A_383, %dma_start3A_384] : memref<79x2x128xi32, #tpu.memory_space<vmem>> -> memref<1x1x128xi32, #tpu.memory_space<vmem>>
        %dma_start3A_386 = tpu.memref_squeeze %dma_start3A_385 : memref<1x1x128xi32, #tpu.memory_space<vmem>> -> memref<128xi32, #tpu.memory_space<vmem>>
        %dma_start3A_387 = arith.constant 0 : i32
        %dma_start3A_388 = arith.constant 0 : i32
        %dma_start3A_389 = tpu.memref_slice %arg15[%dma_start3A_387, %dma_start3A_388] : memref<10112x16xf32, #tpu.memory_space<vmem_shared>> -> memref<10112x16xf32, #tpu.memory_space<vmem_shared>>
        tpu.enqueue_indirect_dma source(%arg7 : memref<128x16xf32, #tpu.memory_space<vmem>>) target(%dma_start3A_389 : memref<10112x16xf32, #tpu.memory_space<vmem_shared>>) offsets(%dma_start3A_386 : memref<128xi32, #tpu.memory_space<vmem>>) semaphore(%arg25 : memref<!tpu.dma_semaphore, #tpu.memory_space<semaphore_mem>>) {add = true}
      } else {
      }
      %mul3A_246 = arith.constant 8 : i32
      %mul3A_247 = arith.muli %while3A_228, %mul3A_246 : i32
      %add3A_248 = arith.constant 2 : i32
      %add3A_249 = arith.addi %mul3A_247, %add3A_248 : i32
      %lt3A_250 = arith.cmpi slt, %add3A_249, %add3A : i32
      %convert_element_type3A_251 = arith.extui %lt3A_250 : i1 to i32
      %cond3A_252 = arith.constant 0 : i32
      %cond3A_253 = arith.cmpi ne, %convert_element_type3A_251, %cond3A_252 : i32
      scf.if %cond3A_253 {
        %add3A_375 = arith.addi %sub3A_35, %add3A_249 : i32
        %dma_wait3A = arith.constant 0 : i32
        %dma_wait3A_376 = arith.constant 0 : i32
        %dma_wait3A_377 = tpu.memref_slice %arg5[%add3A_375, %dma_wait3A, %dma_wait3A_376] : memref<79x2x128xi32, #tpu.memory_space<vmem>> -> memref<1x1x128xi32, #tpu.memory_space<vmem>>
        %dma_wait3A_378 = tpu.memref_squeeze %dma_wait3A_377 : memref<1x1x128xi32, #tpu.memory_space<vmem>> -> memref<128xi32, #tpu.memory_space<vmem>>
        %dma_wait3A_379 = arith.constant 0 : i32
        %dma_wait3A_380 = arith.constant 0 : i32
        %dma_wait3A_381 = tpu.memref_slice %arg3[%dma_wait3A_379, %dma_wait3A_380] : memref<10112x16xf32, #tpu.memory_space<hbm>> -> memref<10112x16xf32, #tpu.memory_space<hbm>>
        tpu.wait_indirect_dma semaphore(%arg18 : memref<!tpu.dma_semaphore, #tpu.memory_space<semaphore_mem>>) src(%dma_wait3A_381 : memref<10112x16xf32, #tpu.memory_space<hbm>>) dst(%arg8 : memref<128x16xf32, #tpu.memory_space<vmem>>)
        %add3A_382 = arith.addi %sub3A_35, %add3A_249 : i32
        %dma_start3A_383 = arith.constant 1 : i32
        %dma_start3A_384 = arith.constant 0 : i32
        %dma_start3A_385 = tpu.memref_slice %arg5[%add3A_382, %dma_start3A_383, %dma_start3A_384] : memref<79x2x128xi32, #tpu.memory_space<vmem>> -> memref<1x1x128xi32, #tpu.memory_space<vmem>>
        %dma_start3A_386 = tpu.memref_squeeze %dma_start3A_385 : memref<1x1x128xi32, #tpu.memory_space<vmem>> -> memref<128xi32, #tpu.memory_space<vmem>>
        %dma_start3A_387 = arith.constant 0 : i32
        %dma_start3A_388 = arith.constant 0 : i32
        %dma_start3A_389 = tpu.memref_slice %arg15[%dma_start3A_387, %dma_start3A_388] : memref<10112x16xf32, #tpu.memory_space<vmem_shared>> -> memref<10112x16xf32, #tpu.memory_space<vmem_shared>>
        tpu.enqueue_indirect_dma source(%arg8 : memref<128x16xf32, #tpu.memory_space<vmem>>) target(%dma_start3A_389 : memref<10112x16xf32, #tpu.memory_space<vmem_shared>>) offsets(%dma_start3A_386 : memref<128xi32, #tpu.memory_space<vmem>>) semaphore(%arg26 : memref<!tpu.dma_semaphore, #tpu.memory_space<semaphore_mem>>) {add = true}
      } else {
      }
      %mul3A_254 = arith.constant 8 : i32
      %mul3A_255 = arith.muli %while3A_228, %mul3A_254 : i32
      %add3A_256 = arith.constant 3 : i32
      %add3A_257 = arith.addi %mul3A_255, %add3A_256 : i32
      %lt3A_258 = arith.cmpi slt, %add3A_257, %add3A : i32
      %convert_element_type3A_259 = arith.extui %lt3A_258 : i1 to i32
      %cond3A_260 = arith.constant 0 : i32
      %cond3A_261 = arith.cmpi ne, %convert_element_type3A_259, %cond3A_260 : i32
      scf.if %cond3A_261 {
        %add3A_375 = arith.addi %sub3A_35, %add3A_257 : i32
        %dma_wait3A = arith.constant 0 : i32
        %dma_wait3A_376 = arith.constant 0 : i32
        %dma_wait3A_377 = tpu.memref_slice %arg5[%add3A_375, %dma_wait3A, %dma_wait3A_376] : memref<79x2x128xi32, #tpu.memory_space<vmem>> -> memref<1x1x128xi32, #tpu.memory_space<vmem>>
        %dma_wait3A_378 = tpu.memref_squeeze %dma_wait3A_377 : memref<1x1x128xi32, #tpu.memory_space<vmem>> -> memref<128xi32, #tpu.memory_space<vmem>>
        %dma_wait3A_379 = arith.constant 0 : i32
        %dma_wait3A_380 = arith.constant 0 : i32
        %dma_wait3A_381 = tpu.memref_slice %arg3[%dma_wait3A_379, %dma_wait3A_380] : memref<10112x16xf32, #tpu.memory_space<hbm>> -> memref<10112x16xf32, #tpu.memory_space<hbm>>
        tpu.wait_indirect_dma semaphore(%arg19 : memref<!tpu.dma_semaphore, #tpu.memory_space<semaphore_mem>>) src(%dma_wait3A_381 : memref<10112x16xf32, #tpu.memory_space<hbm>>) dst(%arg9 : memref<128x16xf32, #tpu.memory_space<vmem>>)
        %add3A_382 = arith.addi %sub3A_35, %add3A_257 : i32
        %dma_start3A_383 = arith.constant 1 : i32
        %dma_start3A_384 = arith.constant 0 : i32
        %dma_start3A_385 = tpu.memref_slice %arg5[%add3A_382, %dma_start3A_383, %dma_start3A_384] : memref<79x2x128xi32, #tpu.memory_space<vmem>> -> memref<1x1x128xi32, #tpu.memory_space<vmem>>
        %dma_start3A_386 = tpu.memref_squeeze %dma_start3A_385 : memref<1x1x128xi32, #tpu.memory_space<vmem>> -> memref<128xi32, #tpu.memory_space<vmem>>
        %dma_start3A_387 = arith.constant 0 : i32
        %dma_start3A_388 = arith.constant 0 : i32
        %dma_start3A_389 = tpu.memref_slice %arg15[%dma_start3A_387, %dma_start3A_388] : memref<10112x16xf32, #tpu.memory_space<vmem_shared>> -> memref<10112x16xf32, #tpu.memory_space<vmem_shared>>
        tpu.enqueue_indirect_dma source(%arg9 : memref<128x16xf32, #tpu.memory_space<vmem>>) target(%dma_start3A_389 : memref<10112x16xf32, #tpu.memory_space<vmem_shared>>) offsets(%dma_start3A_386 : memref<128xi32, #tpu.memory_space<vmem>>) semaphore(%arg27 : memref<!tpu.dma_semaphore, #tpu.memory_space<semaphore_mem>>) {add = true}
      } else {
      }
      %mul3A_262 = arith.constant 8 : i32
      %mul3A_263 = arith.muli %while3A_228, %mul3A_262 : i32
      %add3A_264 = arith.constant 4 : i32
      %add3A_265 = arith.addi %mul3A_263, %add3A_264 : i32
      %lt3A_266 = arith.cmpi slt, %add3A_265, %add3A : i32
      %convert_element_type3A_267 = arith.extui %lt3A_266 : i1 to i32
      %cond3A_268 = arith.constant 0 : i32
      %cond3A_269 = arith.cmpi ne, %convert_element_type3A_267, %cond3A_268 : i32
      scf.if %cond3A_269 {
        %add3A_375 = arith.addi %sub3A_35, %add3A_265 : i32
        %dma_wait3A = arith.constant 0 : i32
        %dma_wait3A_376 = arith.constant 0 : i32
        %dma_wait3A_377 = tpu.memref_slice %arg5[%add3A_375, %dma_wait3A, %dma_wait3A_376] : memref<79x2x128xi32, #tpu.memory_space<vmem>> -> memref<1x1x128xi32, #tpu.memory_space<vmem>>
        %dma_wait3A_378 = tpu.memref_squeeze %dma_wait3A_377 : memref<1x1x128xi32, #tpu.memory_space<vmem>> -> memref<128xi32, #tpu.memory_space<vmem>>
        %dma_wait3A_379 = arith.constant 0 : i32
        %dma_wait3A_380 = arith.constant 0 : i32
        %dma_wait3A_381 = tpu.memref_slice %arg3[%dma_wait3A_379, %dma_wait3A_380] : memref<10112x16xf32, #tpu.memory_space<hbm>> -> memref<10112x16xf32, #tpu.memory_space<hbm>>
        tpu.wait_indirect_dma semaphore(%arg20 : memref<!tpu.dma_semaphore, #tpu.memory_space<semaphore_mem>>) src(%dma_wait3A_381 : memref<10112x16xf32, #tpu.memory_space<hbm>>) dst(%arg10 : memref<128x16xf32, #tpu.memory_space<vmem>>)
        %add3A_382 = arith.addi %sub3A_35, %add3A_265 : i32
        %dma_start3A_383 = arith.constant 1 : i32
        %dma_start3A_384 = arith.constant 0 : i32
        %dma_start3A_385 = tpu.memref_slice %arg5[%add3A_382, %dma_start3A_383, %dma_start3A_384] : memref<79x2x128xi32, #tpu.memory_space<vmem>> -> memref<1x1x128xi32, #tpu.memory_space<vmem>>
        %dma_start3A_386 = tpu.memref_squeeze %dma_start3A_385 : memref<1x1x128xi32, #tpu.memory_space<vmem>> -> memref<128xi32, #tpu.memory_space<vmem>>
        %dma_start3A_387 = arith.constant 0 : i32
        %dma_start3A_388 = arith.constant 0 : i32
        %dma_start3A_389 = tpu.memref_slice %arg15[%dma_start3A_387, %dma_start3A_388] : memref<10112x16xf32, #tpu.memory_space<vmem_shared>> -> memref<10112x16xf32, #tpu.memory_space<vmem_shared>>
        tpu.enqueue_indirect_dma source(%arg10 : memref<128x16xf32, #tpu.memory_space<vmem>>) target(%dma_start3A_389 : memref<10112x16xf32, #tpu.memory_space<vmem_shared>>) offsets(%dma_start3A_386 : memref<128xi32, #tpu.memory_space<vmem>>) semaphore(%arg28 : memref<!tpu.dma_semaphore, #tpu.memory_space<semaphore_mem>>) {add = true}
      } else {
      }
      %mul3A_270 = arith.constant 8 : i32
      %mul3A_271 = arith.muli %while3A_228, %mul3A_270 : i32
      %add3A_272 = arith.constant 5 : i32
      %add3A_273 = arith.addi %mul3A_271, %add3A_272 : i32
      %lt3A_274 = arith.cmpi slt, %add3A_273, %add3A : i32
      %convert_element_type3A_275 = arith.extui %lt3A_274 : i1 to i32
      %cond3A_276 = arith.constant 0 : i32
      %cond3A_277 = arith.cmpi ne, %convert_element_type3A_275, %cond3A_276 : i32
      scf.if %cond3A_277 {
        %add3A_375 = arith.addi %sub3A_35, %add3A_273 : i32
        %dma_wait3A = arith.constant 0 : i32
        %dma_wait3A_376 = arith.constant 0 : i32
        %dma_wait3A_377 = tpu.memref_slice %arg5[%add3A_375, %dma_wait3A, %dma_wait3A_376] : memref<79x2x128xi32, #tpu.memory_space<vmem>> -> memref<1x1x128xi32, #tpu.memory_space<vmem>>
        %dma_wait3A_378 = tpu.memref_squeeze %dma_wait3A_377 : memref<1x1x128xi32, #tpu.memory_space<vmem>> -> memref<128xi32, #tpu.memory_space<vmem>>
        %dma_wait3A_379 = arith.constant 0 : i32
        %dma_wait3A_380 = arith.constant 0 : i32
        %dma_wait3A_381 = tpu.memref_slice %arg3[%dma_wait3A_379, %dma_wait3A_380] : memref<10112x16xf32, #tpu.memory_space<hbm>> -> memref<10112x16xf32, #tpu.memory_space<hbm>>
        tpu.wait_indirect_dma semaphore(%arg21 : memref<!tpu.dma_semaphore, #tpu.memory_space<semaphore_mem>>) src(%dma_wait3A_381 : memref<10112x16xf32, #tpu.memory_space<hbm>>) dst(%arg11 : memref<128x16xf32, #tpu.memory_space<vmem>>)
        %add3A_382 = arith.addi %sub3A_35, %add3A_273 : i32
        %dma_start3A_383 = arith.constant 1 : i32
        %dma_start3A_384 = arith.constant 0 : i32
        %dma_start3A_385 = tpu.memref_slice %arg5[%add3A_382, %dma_start3A_383, %dma_start3A_384] : memref<79x2x128xi32, #tpu.memory_space<vmem>> -> memref<1x1x128xi32, #tpu.memory_space<vmem>>
        %dma_start3A_386 = tpu.memref_squeeze %dma_start3A_385 : memref<1x1x128xi32, #tpu.memory_space<vmem>> -> memref<128xi32, #tpu.memory_space<vmem>>
        %dma_start3A_387 = arith.constant 0 : i32
        %dma_start3A_388 = arith.constant 0 : i32
        %dma_start3A_389 = tpu.memref_slice %arg15[%dma_start3A_387, %dma_start3A_388] : memref<10112x16xf32, #tpu.memory_space<vmem_shared>> -> memref<10112x16xf32, #tpu.memory_space<vmem_shared>>
        tpu.enqueue_indirect_dma source(%arg11 : memref<128x16xf32, #tpu.memory_space<vmem>>) target(%dma_start3A_389 : memref<10112x16xf32, #tpu.memory_space<vmem_shared>>) offsets(%dma_start3A_386 : memref<128xi32, #tpu.memory_space<vmem>>) semaphore(%arg29 : memref<!tpu.dma_semaphore, #tpu.memory_space<semaphore_mem>>) {add = true}
      } else {
      }
      %mul3A_278 = arith.constant 8 : i32
      %mul3A_279 = arith.muli %while3A_228, %mul3A_278 : i32
      %add3A_280 = arith.constant 6 : i32
      %add3A_281 = arith.addi %mul3A_279, %add3A_280 : i32
      %lt3A_282 = arith.cmpi slt, %add3A_281, %add3A : i32
      %convert_element_type3A_283 = arith.extui %lt3A_282 : i1 to i32
      %cond3A_284 = arith.constant 0 : i32
      %cond3A_285 = arith.cmpi ne, %convert_element_type3A_283, %cond3A_284 : i32
      scf.if %cond3A_285 {
        %add3A_375 = arith.addi %sub3A_35, %add3A_281 : i32
        %dma_wait3A = arith.constant 0 : i32
        %dma_wait3A_376 = arith.constant 0 : i32
        %dma_wait3A_377 = tpu.memref_slice %arg5[%add3A_375, %dma_wait3A, %dma_wait3A_376] : memref<79x2x128xi32, #tpu.memory_space<vmem>> -> memref<1x1x128xi32, #tpu.memory_space<vmem>>
        %dma_wait3A_378 = tpu.memref_squeeze %dma_wait3A_377 : memref<1x1x128xi32, #tpu.memory_space<vmem>> -> memref<128xi32, #tpu.memory_space<vmem>>
        %dma_wait3A_379 = arith.constant 0 : i32
        %dma_wait3A_380 = arith.constant 0 : i32
        %dma_wait3A_381 = tpu.memref_slice %arg3[%dma_wait3A_379, %dma_wait3A_380] : memref<10112x16xf32, #tpu.memory_space<hbm>> -> memref<10112x16xf32, #tpu.memory_space<hbm>>
        tpu.wait_indirect_dma semaphore(%arg22 : memref<!tpu.dma_semaphore, #tpu.memory_space<semaphore_mem>>) src(%dma_wait3A_381 : memref<10112x16xf32, #tpu.memory_space<hbm>>) dst(%arg12 : memref<128x16xf32, #tpu.memory_space<vmem>>)
        %add3A_382 = arith.addi %sub3A_35, %add3A_281 : i32
        %dma_start3A_383 = arith.constant 1 : i32
        %dma_start3A_384 = arith.constant 0 : i32
        %dma_start3A_385 = tpu.memref_slice %arg5[%add3A_382, %dma_start3A_383, %dma_start3A_384] : memref<79x2x128xi32, #tpu.memory_space<vmem>> -> memref<1x1x128xi32, #tpu.memory_space<vmem>>
        %dma_start3A_386 = tpu.memref_squeeze %dma_start3A_385 : memref<1x1x128xi32, #tpu.memory_space<vmem>> -> memref<128xi32, #tpu.memory_space<vmem>>
        %dma_start3A_387 = arith.constant 0 : i32
        %dma_start3A_388 = arith.constant 0 : i32
        %dma_start3A_389 = tpu.memref_slice %arg15[%dma_start3A_387, %dma_start3A_388] : memref<10112x16xf32, #tpu.memory_space<vmem_shared>> -> memref<10112x16xf32, #tpu.memory_space<vmem_shared>>
        tpu.enqueue_indirect_dma source(%arg12 : memref<128x16xf32, #tpu.memory_space<vmem>>) target(%dma_start3A_389 : memref<10112x16xf32, #tpu.memory_space<vmem_shared>>) offsets(%dma_start3A_386 : memref<128xi32, #tpu.memory_space<vmem>>) semaphore(%arg30 : memref<!tpu.dma_semaphore, #tpu.memory_space<semaphore_mem>>) {add = true}
      } else {
      }
      %mul3A_286 = arith.constant 8 : i32
      %mul3A_287 = arith.muli %while3A_228, %mul3A_286 : i32
      %add3A_288 = arith.constant 7 : i32
      %add3A_289 = arith.addi %mul3A_287, %add3A_288 : i32
      %lt3A_290 = arith.cmpi slt, %add3A_289, %add3A : i32
      %convert_element_type3A_291 = arith.extui %lt3A_290 : i1 to i32
      %cond3A_292 = arith.constant 0 : i32
      %cond3A_293 = arith.cmpi ne, %convert_element_type3A_291, %cond3A_292 : i32
      scf.if %cond3A_293 {
        %add3A_375 = arith.addi %sub3A_35, %add3A_289 : i32
        %dma_wait3A = arith.constant 0 : i32
        %dma_wait3A_376 = arith.constant 0 : i32
        %dma_wait3A_377 = tpu.memref_slice %arg5[%add3A_375, %dma_wait3A, %dma_wait3A_376] : memref<79x2x128xi32, #tpu.memory_space<vmem>> -> memref<1x1x128xi32, #tpu.memory_space<vmem>>
        %dma_wait3A_378 = tpu.memref_squeeze %dma_wait3A_377 : memref<1x1x128xi32, #tpu.memory_space<vmem>> -> memref<128xi32, #tpu.memory_space<vmem>>
        %dma_wait3A_379 = arith.constant 0 : i32
        %dma_wait3A_380 = arith.constant 0 : i32
        %dma_wait3A_381 = tpu.memref_slice %arg3[%dma_wait3A_379, %dma_wait3A_380] : memref<10112x16xf32, #tpu.memory_space<hbm>> -> memref<10112x16xf32, #tpu.memory_space<hbm>>
        tpu.wait_indirect_dma semaphore(%arg23 : memref<!tpu.dma_semaphore, #tpu.memory_space<semaphore_mem>>) src(%dma_wait3A_381 : memref<10112x16xf32, #tpu.memory_space<hbm>>) dst(%arg13 : memref<128x16xf32, #tpu.memory_space<vmem>>)
        %add3A_382 = arith.addi %sub3A_35, %add3A_289 : i32
        %dma_start3A_383 = arith.constant 1 : i32
        %dma_start3A_384 = arith.constant 0 : i32
        %dma_start3A_385 = tpu.memref_slice %arg5[%add3A_382, %dma_start3A_383, %dma_start3A_384] : memref<79x2x128xi32, #tpu.memory_space<vmem>> -> memref<1x1x128xi32, #tpu.memory_space<vmem>>
        %dma_start3A_386 = tpu.memref_squeeze %dma_start3A_385 : memref<1x1x128xi32, #tpu.memory_space<vmem>> -> memref<128xi32, #tpu.memory_space<vmem>>
        %dma_start3A_387 = arith.constant 0 : i32
        %dma_start3A_388 = arith.constant 0 : i32
        %dma_start3A_389 = tpu.memref_slice %arg15[%dma_start3A_387, %dma_start3A_388] : memref<10112x16xf32, #tpu.memory_space<vmem_shared>> -> memref<10112x16xf32, #tpu.memory_space<vmem_shared>>
        tpu.enqueue_indirect_dma source(%arg13 : memref<128x16xf32, #tpu.memory_space<vmem>>) target(%dma_start3A_389 : memref<10112x16xf32, #tpu.memory_space<vmem_shared>>) offsets(%dma_start3A_386 : memref<128xi32, #tpu.memory_space<vmem>>) semaphore(%arg31 : memref<!tpu.dma_semaphore, #tpu.memory_space<semaphore_mem>>) {add = true}
      } else {
      }
      %mul3A_294 = arith.constant 8 : i32
      %mul3A_295 = arith.muli %while3A_228, %mul3A_294 : i32
      %add3A_296 = arith.constant 0 : i32
      %add3A_297 = arith.addi %mul3A_295, %add3A_296 : i32
      %add3A_298 = arith.constant 8 : i32
      %add3A_299 = arith.addi %add3A_297, %add3A_298 : i32
      %lt3A_300 = arith.cmpi slt, %add3A_299, %add3A : i32
      %convert_element_type3A_301 = arith.extui %lt3A_300 : i1 to i32
      %cond3A_302 = arith.constant 0 : i32
      %cond3A_303 = arith.cmpi ne, %convert_element_type3A_301, %cond3A_302 : i32
      scf.if %cond3A_303 {
        %add3A_375 = arith.addi %sub3A_35, %add3A_297 : i32
        %dma_wait3A = arith.constant 1 : i32
        %dma_wait3A_376 = arith.constant 0 : i32
        %dma_wait3A_377 = tpu.memref_slice %arg5[%add3A_375, %dma_wait3A, %dma_wait3A_376] : memref<79x2x128xi32, #tpu.memory_space<vmem>> -> memref<1x1x128xi32, #tpu.memory_space<vmem>>
        %dma_wait3A_378 = tpu.memref_squeeze %dma_wait3A_377 : memref<1x1x128xi32, #tpu.memory_space<vmem>> -> memref<128xi32, #tpu.memory_space<vmem>>
        %dma_wait3A_379 = arith.constant 0 : i32
        %dma_wait3A_380 = arith.constant 0 : i32
        %dma_wait3A_381 = tpu.memref_slice %arg15[%dma_wait3A_379, %dma_wait3A_380] : memref<10112x16xf32, #tpu.memory_space<vmem_shared>> -> memref<10112x16xf32, #tpu.memory_space<vmem_shared>>
        tpu.wait_indirect_dma semaphore(%arg24 : memref<!tpu.dma_semaphore, #tpu.memory_space<semaphore_mem>>) src(%arg6 : memref<128x16xf32, #tpu.memory_space<vmem>>) dst(%dma_wait3A_381 : memref<10112x16xf32, #tpu.memory_space<vmem_shared>>)
        %add3A_382 = arith.addi %sub3A_35, %add3A_297 : i32
        %add3A_383 = arith.constant 8 : i32
        %add3A_384 = arith.addi %add3A_382, %add3A_383 : i32
        %dma_start3A_385 = arith.constant 0 : i32
        %dma_start3A_386 = arith.constant 0 : i32
        %dma_start3A_387 = tpu.memref_slice %arg5[%add3A_384, %dma_start3A_385, %dma_start3A_386] : memref<79x2x128xi32, #tpu.memory_space<vmem>> -> memref<1x1x128xi32, #tpu.memory_space<vmem>>
        %dma_start3A_388 = tpu.memref_squeeze %dma_start3A_387 : memref<1x1x128xi32, #tpu.memory_space<vmem>> -> memref<128xi32, #tpu.memory_space<vmem>>
        %dma_start3A_389 = arith.constant 0 : i32
        %dma_start3A_390 = arith.constant 0 : i32
        %dma_start3A_391 = tpu.memref_slice %arg3[%dma_start3A_389, %dma_start3A_390] : memref<10112x16xf32, #tpu.memory_space<hbm>> -> memref<10112x16xf32, #tpu.memory_space<hbm>>
        tpu.enqueue_indirect_dma source(%dma_start3A_391 : memref<10112x16xf32, #tpu.memory_space<hbm>>) target(%arg6 : memref<128x16xf32, #tpu.memory_space<vmem>>) offsets(%dma_start3A_388 : memref<128xi32, #tpu.memory_space<vmem>>) semaphore(%arg16 : memref<!tpu.dma_semaphore, #tpu.memory_space<semaphore_mem>>)
      } else {
      }
      %mul3A_304 = arith.constant 8 : i32
      %mul3A_305 = arith.muli %while3A_228, %mul3A_304 : i32
      %add3A_306 = arith.constant 1 : i32
      %add3A_307 = arith.addi %mul3A_305, %add3A_306 : i32
      %add3A_308 = arith.constant 8 : i32
      %add3A_309 = arith.addi %add3A_307, %add3A_308 : i32
      %lt3A_310 = arith.cmpi slt, %add3A_309, %add3A : i32
      %convert_element_type3A_311 = arith.extui %lt3A_310 : i1 to i32
      %cond3A_312 = arith.constant 0 : i32
      %cond3A_313 = arith.cmpi ne, %convert_element_type3A_311, %cond3A_312 : i32
      scf.if %cond3A_313 {
        %add3A_375 = arith.addi %sub3A_35, %add3A_307 : i32
        %dma_wait3A = arith.constant 1 : i32
        %dma_wait3A_376 = arith.constant 0 : i32
        %dma_wait3A_377 = tpu.memref_slice %arg5[%add3A_375, %dma_wait3A, %dma_wait3A_376] : memref<79x2x128xi32, #tpu.memory_space<vmem>> -> memref<1x1x128xi32, #tpu.memory_space<vmem>>
        %dma_wait3A_378 = tpu.memref_squeeze %dma_wait3A_377 : memref<1x1x128xi32, #tpu.memory_space<vmem>> -> memref<128xi32, #tpu.memory_space<vmem>>
        %dma_wait3A_379 = arith.constant 0 : i32
        %dma_wait3A_380 = arith.constant 0 : i32
        %dma_wait3A_381 = tpu.memref_slice %arg15[%dma_wait3A_379, %dma_wait3A_380] : memref<10112x16xf32, #tpu.memory_space<vmem_shared>> -> memref<10112x16xf32, #tpu.memory_space<vmem_shared>>
        tpu.wait_indirect_dma semaphore(%arg25 : memref<!tpu.dma_semaphore, #tpu.memory_space<semaphore_mem>>) src(%arg7 : memref<128x16xf32, #tpu.memory_space<vmem>>) dst(%dma_wait3A_381 : memref<10112x16xf32, #tpu.memory_space<vmem_shared>>)
        %add3A_382 = arith.addi %sub3A_35, %add3A_307 : i32
        %add3A_383 = arith.constant 8 : i32
        %add3A_384 = arith.addi %add3A_382, %add3A_383 : i32
        %dma_start3A_385 = arith.constant 0 : i32
        %dma_start3A_386 = arith.constant 0 : i32
        %dma_start3A_387 = tpu.memref_slice %arg5[%add3A_384, %dma_start3A_385, %dma_start3A_386] : memref<79x2x128xi32, #tpu.memory_space<vmem>> -> memref<1x1x128xi32, #tpu.memory_space<vmem>>
        %dma_start3A_388 = tpu.memref_squeeze %dma_start3A_387 : memref<1x1x128xi32, #tpu.memory_space<vmem>> -> memref<128xi32, #tpu.memory_space<vmem>>
        %dma_start3A_389 = arith.constant 0 : i32
        %dma_start3A_390 = arith.constant 0 : i32
        %dma_start3A_391 = tpu.memref_slice %arg3[%dma_start3A_389, %dma_start3A_390] : memref<10112x16xf32, #tpu.memory_space<hbm>> -> memref<10112x16xf32, #tpu.memory_space<hbm>>
        tpu.enqueue_indirect_dma source(%dma_start3A_391 : memref<10112x16xf32, #tpu.memory_space<hbm>>) target(%arg7 : memref<128x16xf32, #tpu.memory_space<vmem>>) offsets(%dma_start3A_388 : memref<128xi32, #tpu.memory_space<vmem>>) semaphore(%arg17 : memref<!tpu.dma_semaphore, #tpu.memory_space<semaphore_mem>>)
      } else {
      }
      %mul3A_314 = arith.constant 8 : i32
      %mul3A_315 = arith.muli %while3A_228, %mul3A_314 : i32
      %add3A_316 = arith.constant 2 : i32
      %add3A_317 = arith.addi %mul3A_315, %add3A_316 : i32
      %add3A_318 = arith.constant 8 : i32
      %add3A_319 = arith.addi %add3A_317, %add3A_318 : i32
      %lt3A_320 = arith.cmpi slt, %add3A_319, %add3A : i32
      %convert_element_type3A_321 = arith.extui %lt3A_320 : i1 to i32
      %cond3A_322 = arith.constant 0 : i32
      %cond3A_323 = arith.cmpi ne, %convert_element_type3A_321, %cond3A_322 : i32
      scf.if %cond3A_323 {
        %add3A_375 = arith.addi %sub3A_35, %add3A_317 : i32
        %dma_wait3A = arith.constant 1 : i32
        %dma_wait3A_376 = arith.constant 0 : i32
        %dma_wait3A_377 = tpu.memref_slice %arg5[%add3A_375, %dma_wait3A, %dma_wait3A_376] : memref<79x2x128xi32, #tpu.memory_space<vmem>> -> memref<1x1x128xi32, #tpu.memory_space<vmem>>
        %dma_wait3A_378 = tpu.memref_squeeze %dma_wait3A_377 : memref<1x1x128xi32, #tpu.memory_space<vmem>> -> memref<128xi32, #tpu.memory_space<vmem>>
        %dma_wait3A_379 = arith.constant 0 : i32
        %dma_wait3A_380 = arith.constant 0 : i32
        %dma_wait3A_381 = tpu.memref_slice %arg15[%dma_wait3A_379, %dma_wait3A_380] : memref<10112x16xf32, #tpu.memory_space<vmem_shared>> -> memref<10112x16xf32, #tpu.memory_space<vmem_shared>>
        tpu.wait_indirect_dma semaphore(%arg26 : memref<!tpu.dma_semaphore, #tpu.memory_space<semaphore_mem>>) src(%arg8 : memref<128x16xf32, #tpu.memory_space<vmem>>) dst(%dma_wait3A_381 : memref<10112x16xf32, #tpu.memory_space<vmem_shared>>)
        %add3A_382 = arith.addi %sub3A_35, %add3A_317 : i32
        %add3A_383 = arith.constant 8 : i32
        %add3A_384 = arith.addi %add3A_382, %add3A_383 : i32
        %dma_start3A_385 = arith.constant 0 : i32
        %dma_start3A_386 = arith.constant 0 : i32
        %dma_start3A_387 = tpu.memref_slice %arg5[%add3A_384, %dma_start3A_385, %dma_start3A_386] : memref<79x2x128xi32, #tpu.memory_space<vmem>> -> memref<1x1x128xi32, #tpu.memory_space<vmem>>
        %dma_start3A_388 = tpu.memref_squeeze %dma_start3A_387 : memref<1x1x128xi32, #tpu.memory_space<vmem>> -> memref<128xi32, #tpu.memory_space<vmem>>
        %dma_start3A_389 = arith.constant 0 : i32
        %dma_start3A_390 = arith.constant 0 : i32
        %dma_start3A_391 = tpu.memref_slice %arg3[%dma_start3A_389, %dma_start3A_390] : memref<10112x16xf32, #tpu.memory_space<hbm>> -> memref<10112x16xf32, #tpu.memory_space<hbm>>
        tpu.enqueue_indirect_dma source(%dma_start3A_391 : memref<10112x16xf32, #tpu.memory_space<hbm>>) target(%arg8 : memref<128x16xf32, #tpu.memory_space<vmem>>) offsets(%dma_start3A_388 : memref<128xi32, #tpu.memory_space<vmem>>) semaphore(%arg18 : memref<!tpu.dma_semaphore, #tpu.memory_space<semaphore_mem>>)
      } else {
      }
      %mul3A_324 = arith.constant 8 : i32
      %mul3A_325 = arith.muli %while3A_228, %mul3A_324 : i32
      %add3A_326 = arith.constant 3 : i32
      %add3A_327 = arith.addi %mul3A_325, %add3A_326 : i32
      %add3A_328 = arith.constant 8 : i32
      %add3A_329 = arith.addi %add3A_327, %add3A_328 : i32
      %lt3A_330 = arith.cmpi slt, %add3A_329, %add3A : i32
      %convert_element_type3A_331 = arith.extui %lt3A_330 : i1 to i32
      %cond3A_332 = arith.constant 0 : i32
      %cond3A_333 = arith.cmpi ne, %convert_element_type3A_331, %cond3A_332 : i32
      scf.if %cond3A_333 {
        %add3A_375 = arith.addi %sub3A_35, %add3A_327 : i32
        %dma_wait3A = arith.constant 1 : i32
        %dma_wait3A_376 = arith.constant 0 : i32
        %dma_wait3A_377 = tpu.memref_slice %arg5[%add3A_375, %dma_wait3A, %dma_wait3A_376] : memref<79x2x128xi32, #tpu.memory_space<vmem>> -> memref<1x1x128xi32, #tpu.memory_space<vmem>>
        %dma_wait3A_378 = tpu.memref_squeeze %dma_wait3A_377 : memref<1x1x128xi32, #tpu.memory_space<vmem>> -> memref<128xi32, #tpu.memory_space<vmem>>
        %dma_wait3A_379 = arith.constant 0 : i32
        %dma_wait3A_380 = arith.constant 0 : i32
        %dma_wait3A_381 = tpu.memref_slice %arg15[%dma_wait3A_379, %dma_wait3A_380] : memref<10112x16xf32, #tpu.memory_space<vmem_shared>> -> memref<10112x16xf32, #tpu.memory_space<vmem_shared>>
        tpu.wait_indirect_dma semaphore(%arg27 : memref<!tpu.dma_semaphore, #tpu.memory_space<semaphore_mem>>) src(%arg9 : memref<128x16xf32, #tpu.memory_space<vmem>>) dst(%dma_wait3A_381 : memref<10112x16xf32, #tpu.memory_space<vmem_shared>>)
        %add3A_382 = arith.addi %sub3A_35, %add3A_327 : i32
        %add3A_383 = arith.constant 8 : i32
        %add3A_384 = arith.addi %add3A_382, %add3A_383 : i32
        %dma_start3A_385 = arith.constant 0 : i32
        %dma_start3A_386 = arith.constant 0 : i32
        %dma_start3A_387 = tpu.memref_slice %arg5[%add3A_384, %dma_start3A_385, %dma_start3A_386] : memref<79x2x128xi32, #tpu.memory_space<vmem>> -> memref<1x1x128xi32, #tpu.memory_space<vmem>>
        %dma_start3A_388 = tpu.memref_squeeze %dma_start3A_387 : memref<1x1x128xi32, #tpu.memory_space<vmem>> -> memref<128xi32, #tpu.memory_space<vmem>>
        %dma_start3A_389 = arith.constant 0 : i32
        %dma_start3A_390 = arith.constant 0 : i32
        %dma_start3A_391 = tpu.memref_slice %arg3[%dma_start3A_389, %dma_start3A_390] : memref<10112x16xf32, #tpu.memory_space<hbm>> -> memref<10112x16xf32, #tpu.memory_space<hbm>>
        tpu.enqueue_indirect_dma source(%dma_start3A_391 : memref<10112x16xf32, #tpu.memory_space<hbm>>) target(%arg9 : memref<128x16xf32, #tpu.memory_space<vmem>>) offsets(%dma_start3A_388 : memref<128xi32, #tpu.memory_space<vmem>>) semaphore(%arg19 : memref<!tpu.dma_semaphore, #tpu.memory_space<semaphore_mem>>)
      } else {
      }
      %mul3A_334 = arith.constant 8 : i32
      %mul3A_335 = arith.muli %while3A_228, %mul3A_334 : i32
      %add3A_336 = arith.constant 4 : i32
      %add3A_337 = arith.addi %mul3A_335, %add3A_336 : i32
      %add3A_338 = arith.constant 8 : i32
      %add3A_339 = arith.addi %add3A_337, %add3A_338 : i32
      %lt3A_340 = arith.cmpi slt, %add3A_339, %add3A : i32
      %convert_element_type3A_341 = arith.extui %lt3A_340 : i1 to i32
      %cond3A_342 = arith.constant 0 : i32
      %cond3A_343 = arith.cmpi ne, %convert_element_type3A_341, %cond3A_342 : i32
      scf.if %cond3A_343 {
        %add3A_375 = arith.addi %sub3A_35, %add3A_337 : i32
        %dma_wait3A = arith.constant 1 : i32
        %dma_wait3A_376 = arith.constant 0 : i32
        %dma_wait3A_377 = tpu.memref_slice %arg5[%add3A_375, %dma_wait3A, %dma_wait3A_376] : memref<79x2x128xi32, #tpu.memory_space<vmem>> -> memref<1x1x128xi32, #tpu.memory_space<vmem>>
        %dma_wait3A_378 = tpu.memref_squeeze %dma_wait3A_377 : memref<1x1x128xi32, #tpu.memory_space<vmem>> -> memref<128xi32, #tpu.memory_space<vmem>>
        %dma_wait3A_379 = arith.constant 0 : i32
        %dma_wait3A_380 = arith.constant 0 : i32
        %dma_wait3A_381 = tpu.memref_slice %arg15[%dma_wait3A_379, %dma_wait3A_380] : memref<10112x16xf32, #tpu.memory_space<vmem_shared>> -> memref<10112x16xf32, #tpu.memory_space<vmem_shared>>
        tpu.wait_indirect_dma semaphore(%arg28 : memref<!tpu.dma_semaphore, #tpu.memory_space<semaphore_mem>>) src(%arg10 : memref<128x16xf32, #tpu.memory_space<vmem>>) dst(%dma_wait3A_381 : memref<10112x16xf32, #tpu.memory_space<vmem_shared>>)
        %add3A_382 = arith.addi %sub3A_35, %add3A_337 : i32
        %add3A_383 = arith.constant 8 : i32
        %add3A_384 = arith.addi %add3A_382, %add3A_383 : i32
        %dma_start3A_385 = arith.constant 0 : i32
        %dma_start3A_386 = arith.constant 0 : i32
        %dma_start3A_387 = tpu.memref_slice %arg5[%add3A_384, %dma_start3A_385, %dma_start3A_386] : memref<79x2x128xi32, #tpu.memory_space<vmem>> -> memref<1x1x128xi32, #tpu.memory_space<vmem>>
        %dma_start3A_388 = tpu.memref_squeeze %dma_start3A_387 : memref<1x1x128xi32, #tpu.memory_space<vmem>> -> memref<128xi32, #tpu.memory_space<vmem>>
        %dma_start3A_389 = arith.constant 0 : i32
        %dma_start3A_390 = arith.constant 0 : i32
        %dma_start3A_391 = tpu.memref_slice %arg3[%dma_start3A_389, %dma_start3A_390] : memref<10112x16xf32, #tpu.memory_space<hbm>> -> memref<10112x16xf32, #tpu.memory_space<hbm>>
        tpu.enqueue_indirect_dma source(%dma_start3A_391 : memref<10112x16xf32, #tpu.memory_space<hbm>>) target(%arg10 : memref<128x16xf32, #tpu.memory_space<vmem>>) offsets(%dma_start3A_388 : memref<128xi32, #tpu.memory_space<vmem>>) semaphore(%arg20 : memref<!tpu.dma_semaphore, #tpu.memory_space<semaphore_mem>>)
      } else {
      }
      %mul3A_344 = arith.constant 8 : i32
      %mul3A_345 = arith.muli %while3A_228, %mul3A_344 : i32
      %add3A_346 = arith.constant 5 : i32
      %add3A_347 = arith.addi %mul3A_345, %add3A_346 : i32
      %add3A_348 = arith.constant 8 : i32
      %add3A_349 = arith.addi %add3A_347, %add3A_348 : i32
      %lt3A_350 = arith.cmpi slt, %add3A_349, %add3A : i32
      %convert_element_type3A_351 = arith.extui %lt3A_350 : i1 to i32
      %cond3A_352 = arith.constant 0 : i32
      %cond3A_353 = arith.cmpi ne, %convert_element_type3A_351, %cond3A_352 : i32
      scf.if %cond3A_353 {
        %add3A_375 = arith.addi %sub3A_35, %add3A_347 : i32
        %dma_wait3A = arith.constant 1 : i32
        %dma_wait3A_376 = arith.constant 0 : i32
        %dma_wait3A_377 = tpu.memref_slice %arg5[%add3A_375, %dma_wait3A, %dma_wait3A_376] : memref<79x2x128xi32, #tpu.memory_space<vmem>> -> memref<1x1x128xi32, #tpu.memory_space<vmem>>
        %dma_wait3A_378 = tpu.memref_squeeze %dma_wait3A_377 : memref<1x1x128xi32, #tpu.memory_space<vmem>> -> memref<128xi32, #tpu.memory_space<vmem>>
        %dma_wait3A_379 = arith.constant 0 : i32
        %dma_wait3A_380 = arith.constant 0 : i32
        %dma_wait3A_381 = tpu.memref_slice %arg15[%dma_wait3A_379, %dma_wait3A_380] : memref<10112x16xf32, #tpu.memory_space<vmem_shared>> -> memref<10112x16xf32, #tpu.memory_space<vmem_shared>>
        tpu.wait_indirect_dma semaphore(%arg29 : memref<!tpu.dma_semaphore, #tpu.memory_space<semaphore_mem>>) src(%arg11 : memref<128x16xf32, #tpu.memory_space<vmem>>) dst(%dma_wait3A_381 : memref<10112x16xf32, #tpu.memory_space<vmem_shared>>)
        %add3A_382 = arith.addi %sub3A_35, %add3A_347 : i32
        %add3A_383 = arith.constant 8 : i32
        %add3A_384 = arith.addi %add3A_382, %add3A_383 : i32
        %dma_start3A_385 = arith.constant 0 : i32
        %dma_start3A_386 = arith.constant 0 : i32
        %dma_start3A_387 = tpu.memref_slice %arg5[%add3A_384, %dma_start3A_385, %dma_start3A_386] : memref<79x2x128xi32, #tpu.memory_space<vmem>> -> memref<1x1x128xi32, #tpu.memory_space<vmem>>
        %dma_start3A_388 = tpu.memref_squeeze %dma_start3A_387 : memref<1x1x128xi32, #tpu.memory_space<vmem>> -> memref<128xi32, #tpu.memory_space<vmem>>
        %dma_start3A_389 = arith.constant 0 : i32
        %dma_start3A_390 = arith.constant 0 : i32
        %dma_start3A_391 = tpu.memref_slice %arg3[%dma_start3A_389, %dma_start3A_390] : memref<10112x16xf32, #tpu.memory_space<hbm>> -> memref<10112x16xf32, #tpu.memory_space<hbm>>
        tpu.enqueue_indirect_dma source(%dma_start3A_391 : memref<10112x16xf32, #tpu.memory_space<hbm>>) target(%arg11 : memref<128x16xf32, #tpu.memory_space<vmem>>) offsets(%dma_start3A_388 : memref<128xi32, #tpu.memory_space<vmem>>) semaphore(%arg21 : memref<!tpu.dma_semaphore, #tpu.memory_space<semaphore_mem>>)
      } else {
      }
      %mul3A_354 = arith.constant 8 : i32
      %mul3A_355 = arith.muli %while3A_228, %mul3A_354 : i32
      %add3A_356 = arith.constant 6 : i32
      %add3A_357 = arith.addi %mul3A_355, %add3A_356 : i32
      %add3A_358 = arith.constant 8 : i32
      %add3A_359 = arith.addi %add3A_357, %add3A_358 : i32
      %lt3A_360 = arith.cmpi slt, %add3A_359, %add3A : i32
      %convert_element_type3A_361 = arith.extui %lt3A_360 : i1 to i32
      %cond3A_362 = arith.constant 0 : i32
      %cond3A_363 = arith.cmpi ne, %convert_element_type3A_361, %cond3A_362 : i32
      scf.if %cond3A_363 {
        %add3A_375 = arith.addi %sub3A_35, %add3A_357 : i32
        %dma_wait3A = arith.constant 1 : i32
        %dma_wait3A_376 = arith.constant 0 : i32
        %dma_wait3A_377 = tpu.memref_slice %arg5[%add3A_375, %dma_wait3A, %dma_wait3A_376] : memref<79x2x128xi32, #tpu.memory_space<vmem>> -> memref<1x1x128xi32, #tpu.memory_space<vmem>>
        %dma_wait3A_378 = tpu.memref_squeeze %dma_wait3A_377 : memref<1x1x128xi32, #tpu.memory_space<vmem>> -> memref<128xi32, #tpu.memory_space<vmem>>
        %dma_wait3A_379 = arith.constant 0 : i32
        %dma_wait3A_380 = arith.constant 0 : i32
        %dma_wait3A_381 = tpu.memref_slice %arg15[%dma_wait3A_379, %dma_wait3A_380] : memref<10112x16xf32, #tpu.memory_space<vmem_shared>> -> memref<10112x16xf32, #tpu.memory_space<vmem_shared>>
        tpu.wait_indirect_dma semaphore(%arg30 : memref<!tpu.dma_semaphore, #tpu.memory_space<semaphore_mem>>) src(%arg12 : memref<128x16xf32, #tpu.memory_space<vmem>>) dst(%dma_wait3A_381 : memref<10112x16xf32, #tpu.memory_space<vmem_shared>>)
        %add3A_382 = arith.addi %sub3A_35, %add3A_357 : i32
        %add3A_383 = arith.constant 8 : i32
        %add3A_384 = arith.addi %add3A_382, %add3A_383 : i32
        %dma_start3A_385 = arith.constant 0 : i32
        %dma_start3A_386 = arith.constant 0 : i32
        %dma_start3A_387 = tpu.memref_slice %arg5[%add3A_384, %dma_start3A_385, %dma_start3A_386] : memref<79x2x128xi32, #tpu.memory_space<vmem>> -> memref<1x1x128xi32, #tpu.memory_space<vmem>>
        %dma_start3A_388 = tpu.memref_squeeze %dma_start3A_387 : memref<1x1x128xi32, #tpu.memory_space<vmem>> -> memref<128xi32, #tpu.memory_space<vmem>>
        %dma_start3A_389 = arith.constant 0 : i32
        %dma_start3A_390 = arith.constant 0 : i32
        %dma_start3A_391 = tpu.memref_slice %arg3[%dma_start3A_389, %dma_start3A_390] : memref<10112x16xf32, #tpu.memory_space<hbm>> -> memref<10112x16xf32, #tpu.memory_space<hbm>>
        tpu.enqueue_indirect_dma source(%dma_start3A_391 : memref<10112x16xf32, #tpu.memory_space<hbm>>) target(%arg12 : memref<128x16xf32, #tpu.memory_space<vmem>>) offsets(%dma_start3A_388 : memref<128xi32, #tpu.memory_space<vmem>>) semaphore(%arg22 : memref<!tpu.dma_semaphore, #tpu.memory_space<semaphore_mem>>)
      } else {
      }
      %mul3A_364 = arith.constant 8 : i32
      %mul3A_365 = arith.muli %while3A_228, %mul3A_364 : i32
      %add3A_366 = arith.constant 7 : i32
      %add3A_367 = arith.addi %mul3A_365, %add3A_366 : i32
      %add3A_368 = arith.constant 8 : i32
      %add3A_369 = arith.addi %add3A_367, %add3A_368 : i32
      %lt3A_370 = arith.cmpi slt, %add3A_369, %add3A : i32
      %convert_element_type3A_371 = arith.extui %lt3A_370 : i1 to i32
      %cond3A_372 = arith.constant 0 : i32
      %cond3A_373 = arith.cmpi ne, %convert_element_type3A_371, %cond3A_372 : i32
      scf.if %cond3A_373 {
        %add3A_375 = arith.addi %sub3A_35, %add3A_367 : i32
        %dma_wait3A = arith.constant 1 : i32
        %dma_wait3A_376 = arith.constant 0 : i32
        %dma_wait3A_377 = tpu.memref_slice %arg5[%add3A_375, %dma_wait3A, %dma_wait3A_376] : memref<79x2x128xi32, #tpu.memory_space<vmem>> -> memref<1x1x128xi32, #tpu.memory_space<vmem>>
        %dma_wait3A_378 = tpu.memref_squeeze %dma_wait3A_377 : memref<1x1x128xi32, #tpu.memory_space<vmem>> -> memref<128xi32, #tpu.memory_space<vmem>>
        %dma_wait3A_379 = arith.constant 0 : i32
        %dma_wait3A_380 = arith.constant 0 : i32
        %dma_wait3A_381 = tpu.memref_slice %arg15[%dma_wait3A_379, %dma_wait3A_380] : memref<10112x16xf32, #tpu.memory_space<vmem_shared>> -> memref<10112x16xf32, #tpu.memory_space<vmem_shared>>
        tpu.wait_indirect_dma semaphore(%arg31 : memref<!tpu.dma_semaphore, #tpu.memory_space<semaphore_mem>>) src(%arg13 : memref<128x16xf32, #tpu.memory_space<vmem>>) dst(%dma_wait3A_381 : memref<10112x16xf32, #tpu.memory_space<vmem_shared>>)
        %add3A_382 = arith.addi %sub3A_35, %add3A_367 : i32
        %add3A_383 = arith.constant 8 : i32
        %add3A_384 = arith.addi %add3A_382, %add3A_383 : i32
        %dma_start3A_385 = arith.constant 0 : i32
        %dma_start3A_386 = arith.constant 0 : i32
        %dma_start3A_387 = tpu.memref_slice %arg5[%add3A_384, %dma_start3A_385, %dma_start3A_386] : memref<79x2x128xi32, #tpu.memory_space<vmem>> -> memref<1x1x128xi32, #tpu.memory_space<vmem>>
        %dma_start3A_388 = tpu.memref_squeeze %dma_start3A_387 : memref<1x1x128xi32, #tpu.memory_space<vmem>> -> memref<128xi32, #tpu.memory_space<vmem>>
        %dma_start3A_389 = arith.constant 0 : i32
        %dma_start3A_390 = arith.constant 0 : i32
        %dma_start3A_391 = tpu.memref_slice %arg3[%dma_start3A_389, %dma_start3A_390] : memref<10112x16xf32, #tpu.memory_space<hbm>> -> memref<10112x16xf32, #tpu.memory_space<hbm>>
        tpu.enqueue_indirect_dma source(%dma_start3A_391 : memref<10112x16xf32, #tpu.memory_space<hbm>>) target(%arg13 : memref<128x16xf32, #tpu.memory_space<vmem>>) offsets(%dma_start3A_388 : memref<128xi32, #tpu.memory_space<vmem>>) semaphore(%arg23 : memref<!tpu.dma_semaphore, #tpu.memory_space<semaphore_mem>>)
      } else {
      }
      %while3A_374 = arith.constant 0 : i32
      scf.yield %while3A_374 : i32
    }
    %while3A_152 = arith.constant 1 : i32
    %while3A_153 = scf.for %while3A_228 = %while3A_149 to %while3A_145 step %while3A_152 iter_args(%while3A_229 = %while3A_151) -> (i32)  : i32 {
      %mul3A_230 = arith.constant 8 : i32
      %mul3A_231 = arith.muli %while3A_228, %mul3A_230 : i32
      %add3A_232 = arith.constant 0 : i32
      %add3A_233 = arith.addi %mul3A_231, %add3A_232 : i32
      %lt3A_234 = arith.cmpi slt, %add3A_233, %add3A : i32
      %convert_element_type3A_235 = arith.extui %lt3A_234 : i1 to i32
      %cond3A_236 = arith.constant 0 : i32
      %cond3A_237 = arith.cmpi ne, %convert_element_type3A_235, %cond3A_236 : i32
      scf.if %cond3A_237 {
        %add3A_375 = arith.addi %sub3A_35, %add3A_233 : i32
        %dma_wait3A = arith.constant 0 : i32
        %dma_wait3A_376 = arith.constant 0 : i32
        %dma_wait3A_377 = tpu.memref_slice %arg5[%add3A_375, %dma_wait3A, %dma_wait3A_376] : memref<79x2x128xi32, #tpu.memory_space<vmem>> -> memref<1x1x128xi32, #tpu.memory_space<vmem>>
        %dma_wait3A_378 = tpu.memref_squeeze %dma_wait3A_377 : memref<1x1x128xi32, #tpu.memory_space<vmem>> -> memref<128xi32, #tpu.memory_space<vmem>>
        %dma_wait3A_379 = arith.constant 0 : i32
        %dma_wait3A_380 = arith.constant 0 : i32
        %dma_wait3A_381 = tpu.memref_slice %arg3[%dma_wait3A_379, %dma_wait3A_380] : memref<10112x16xf32, #tpu.memory_space<hbm>> -> memref<10112x16xf32, #tpu.memory_space<hbm>>
        tpu.wait_indirect_dma semaphore(%arg16 : memref<!tpu.dma_semaphore, #tpu.memory_space<semaphore_mem>>) src(%dma_wait3A_381 : memref<10112x16xf32, #tpu.memory_space<hbm>>) dst(%arg6 : memref<128x16xf32, #tpu.memory_space<vmem>>)
        %add3A_382 = arith.addi %sub3A_35, %add3A_233 : i32
        %dma_start3A_383 = arith.constant 1 : i32
        %dma_start3A_384 = arith.constant 0 : i32
        %dma_start3A_385 = tpu.memref_slice %arg5[%add3A_382, %dma_start3A_383, %dma_start3A_384] : memref<79x2x128xi32, #tpu.memory_space<vmem>> -> memref<1x1x128xi32, #tpu.memory_space<vmem>>
        %dma_start3A_386 = tpu.memref_squeeze %dma_start3A_385 : memref<1x1x128xi32, #tpu.memory_space<vmem>> -> memref<128xi32, #tpu.memory_space<vmem>>
        %dma_start3A_387 = arith.constant 0 : i32
        %dma_start3A_388 = arith.constant 0 : i32
        %dma_start3A_389 = tpu.memref_slice %arg15[%dma_start3A_387, %dma_start3A_388] : memref<10112x16xf32, #tpu.memory_space<vmem_shared>> -> memref<10112x16xf32, #tpu.memory_space<vmem_shared>>
        tpu.enqueue_indirect_dma source(%arg6 : memref<128x16xf32, #tpu.memory_space<vmem>>) target(%dma_start3A_389 : memref<10112x16xf32, #tpu.memory_space<vmem_shared>>) offsets(%dma_start3A_386 : memref<128xi32, #tpu.memory_space<vmem>>) semaphore(%arg24 : memref<!tpu.dma_semaphore, #tpu.memory_space<semaphore_mem>>) {add = true}
      } else {
      }
      %mul3A_238 = arith.constant 8 : i32
      %mul3A_239 = arith.muli %while3A_228, %mul3A_238 : i32
      %add3A_240 = arith.constant 1 : i32
      %add3A_241 = arith.addi %mul3A_239, %add3A_240 : i32
      %lt3A_242 = arith.cmpi slt, %add3A_241, %add3A : i32
      %convert_element_type3A_243 = arith.extui %lt3A_242 : i1 to i32
      %cond3A_244 = arith.constant 0 : i32
      %cond3A_245 = arith.cmpi ne, %convert_element_type3A_243, %cond3A_244 : i32
      scf.if %cond3A_245 {
        %add3A_375 = arith.addi %sub3A_35, %add3A_241 : i32
        %dma_wait3A = arith.constant 0 : i32
        %dma_wait3A_376 = arith.constant 0 : i32
        %dma_wait3A_377 = tpu.memref_slice %arg5[%add3A_375, %dma_wait3A, %dma_wait3A_376] : memref<79x2x128xi32, #tpu.memory_space<vmem>> -> memref<1x1x128xi32, #tpu.memory_space<vmem>>
        %dma_wait3A_378 = tpu.memref_squeeze %dma_wait3A_377 : memref<1x1x128xi32, #tpu.memory_space<vmem>> -> memref<128xi32, #tpu.memory_space<vmem>>
        %dma_wait3A_379 = arith.constant 0 : i32
        %dma_wait3A_380 = arith.constant 0 : i32
        %dma_wait3A_381 = tpu.memref_slice %arg3[%dma_wait3A_379, %dma_wait3A_380] : memref<10112x16xf32, #tpu.memory_space<hbm>> -> memref<10112x16xf32, #tpu.memory_space<hbm>>
        tpu.wait_indirect_dma semaphore(%arg17 : memref<!tpu.dma_semaphore, #tpu.memory_space<semaphore_mem>>) src(%dma_wait3A_381 : memref<10112x16xf32, #tpu.memory_space<hbm>>) dst(%arg7 : memref<128x16xf32, #tpu.memory_space<vmem>>)
        %add3A_382 = arith.addi %sub3A_35, %add3A_241 : i32
        %dma_start3A_383 = arith.constant 1 : i32
        %dma_start3A_384 = arith.constant 0 : i32
        %dma_start3A_385 = tpu.memref_slice %arg5[%add3A_382, %dma_start3A_383, %dma_start3A_384] : memref<79x2x128xi32, #tpu.memory_space<vmem>> -> memref<1x1x128xi32, #tpu.memory_space<vmem>>
        %dma_start3A_386 = tpu.memref_squeeze %dma_start3A_385 : memref<1x1x128xi32, #tpu.memory_space<vmem>> -> memref<128xi32, #tpu.memory_space<vmem>>
        %dma_start3A_387 = arith.constant 0 : i32
        %dma_start3A_388 = arith.constant 0 : i32
        %dma_start3A_389 = tpu.memref_slice %arg15[%dma_start3A_387, %dma_start3A_388] : memref<10112x16xf32, #tpu.memory_space<vmem_shared>> -> memref<10112x16xf32, #tpu.memory_space<vmem_shared>>
        tpu.enqueue_indirect_dma source(%arg7 : memref<128x16xf32, #tpu.memory_space<vmem>>) target(%dma_start3A_389 : memref<10112x16xf32, #tpu.memory_space<vmem_shared>>) offsets(%dma_start3A_386 : memref<128xi32, #tpu.memory_space<vmem>>) semaphore(%arg25 : memref<!tpu.dma_semaphore, #tpu.memory_space<semaphore_mem>>) {add = true}
      } else {
      }
      %mul3A_246 = arith.constant 8 : i32
      %mul3A_247 = arith.muli %while3A_228, %mul3A_246 : i32
      %add3A_248 = arith.constant 2 : i32
      %add3A_249 = arith.addi %mul3A_247, %add3A_248 : i32
      %lt3A_250 = arith.cmpi slt, %add3A_249, %add3A : i32
      %convert_element_type3A_251 = arith.extui %lt3A_250 : i1 to i32
      %cond3A_252 = arith.constant 0 : i32
      %cond3A_253 = arith.cmpi ne, %convert_element_type3A_251, %cond3A_252 : i32
      scf.if %cond3A_253 {
        %add3A_375 = arith.addi %sub3A_35, %add3A_249 : i32
        %dma_wait3A = arith.constant 0 : i32
        %dma_wait3A_376 = arith.constant 0 : i32
        %dma_wait3A_377 = tpu.memref_slice %arg5[%add3A_375, %dma_wait3A, %dma_wait3A_376] : memref<79x2x128xi32, #tpu.memory_space<vmem>> -> memref<1x1x128xi32, #tpu.memory_space<vmem>>
        %dma_wait3A_378 = tpu.memref_squeeze %dma_wait3A_377 : memref<1x1x128xi32, #tpu.memory_space<vmem>> -> memref<128xi32, #tpu.memory_space<vmem>>
        %dma_wait3A_379 = arith.constant 0 : i32
        %dma_wait3A_380 = arith.constant 0 : i32
        %dma_wait3A_381 = tpu.memref_slice %arg3[%dma_wait3A_379, %dma_wait3A_380] : memref<10112x16xf32, #tpu.memory_space<hbm>> -> memref<10112x16xf32, #tpu.memory_space<hbm>>
        tpu.wait_indirect_dma semaphore(%arg18 : memref<!tpu.dma_semaphore, #tpu.memory_space<semaphore_mem>>) src(%dma_wait3A_381 : memref<10112x16xf32, #tpu.memory_space<hbm>>) dst(%arg8 : memref<128x16xf32, #tpu.memory_space<vmem>>)
        %add3A_382 = arith.addi %sub3A_35, %add3A_249 : i32
        %dma_start3A_383 = arith.constant 1 : i32
        %dma_start3A_384 = arith.constant 0 : i32
        %dma_start3A_385 = tpu.memref_slice %arg5[%add3A_382, %dma_start3A_383, %dma_start3A_384] : memref<79x2x128xi32, #tpu.memory_space<vmem>> -> memref<1x1x128xi32, #tpu.memory_space<vmem>>
        %dma_start3A_386 = tpu.memref_squeeze %dma_start3A_385 : memref<1x1x128xi32, #tpu.memory_space<vmem>> -> memref<128xi32, #tpu.memory_space<vmem>>
        %dma_start3A_387 = arith.constant 0 : i32
        %dma_start3A_388 = arith.constant 0 : i32
        %dma_start3A_389 = tpu.memref_slice %arg15[%dma_start3A_387, %dma_start3A_388] : memref<10112x16xf32, #tpu.memory_space<vmem_shared>> -> memref<10112x16xf32, #tpu.memory_space<vmem_shared>>
        tpu.enqueue_indirect_dma source(%arg8 : memref<128x16xf32, #tpu.memory_space<vmem>>) target(%dma_start3A_389 : memref<10112x16xf32, #tpu.memory_space<vmem_shared>>) offsets(%dma_start3A_386 : memref<128xi32, #tpu.memory_space<vmem>>) semaphore(%arg26 : memref<!tpu.dma_semaphore, #tpu.memory_space<semaphore_mem>>) {add = true}
      } else {
      }
      %mul3A_254 = arith.constant 8 : i32
      %mul3A_255 = arith.muli %while3A_228, %mul3A_254 : i32
      %add3A_256 = arith.constant 3 : i32
      %add3A_257 = arith.addi %mul3A_255, %add3A_256 : i32
      %lt3A_258 = arith.cmpi slt, %add3A_257, %add3A : i32
      %convert_element_type3A_259 = arith.extui %lt3A_258 : i1 to i32
      %cond3A_260 = arith.constant 0 : i32
      %cond3A_261 = arith.cmpi ne, %convert_element_type3A_259, %cond3A_260 : i32
      scf.if %cond3A_261 {
        %add3A_375 = arith.addi %sub3A_35, %add3A_257 : i32
        %dma_wait3A = arith.constant 0 : i32
        %dma_wait3A_376 = arith.constant 0 : i32
        %dma_wait3A_377 = tpu.memref_slice %arg5[%add3A_375, %dma_wait3A, %dma_wait3A_376] : memref<79x2x128xi32, #tpu.memory_space<vmem>> -> memref<1x1x128xi32, #tpu.memory_space<vmem>>
        %dma_wait3A_378 = tpu.memref_squeeze %dma_wait3A_377 : memref<1x1x128xi32, #tpu.memory_space<vmem>> -> memref<128xi32, #tpu.memory_space<vmem>>
        %dma_wait3A_379 = arith.constant 0 : i32
        %dma_wait3A_380 = arith.constant 0 : i32
        %dma_wait3A_381 = tpu.memref_slice %arg3[%dma_wait3A_379, %dma_wait3A_380] : memref<10112x16xf32, #tpu.memory_space<hbm>> -> memref<10112x16xf32, #tpu.memory_space<hbm>>
        tpu.wait_indirect_dma semaphore(%arg19 : memref<!tpu.dma_semaphore, #tpu.memory_space<semaphore_mem>>) src(%dma_wait3A_381 : memref<10112x16xf32, #tpu.memory_space<hbm>>) dst(%arg9 : memref<128x16xf32, #tpu.memory_space<vmem>>)
        %add3A_382 = arith.addi %sub3A_35, %add3A_257 : i32
        %dma_start3A_383 = arith.constant 1 : i32
        %dma_start3A_384 = arith.constant 0 : i32
        %dma_start3A_385 = tpu.memref_slice %arg5[%add3A_382, %dma_start3A_383, %dma_start3A_384] : memref<79x2x128xi32, #tpu.memory_space<vmem>> -> memref<1x1x128xi32, #tpu.memory_space<vmem>>
        %dma_start3A_386 = tpu.memref_squeeze %dma_start3A_385 : memref<1x1x128xi32, #tpu.memory_space<vmem>> -> memref<128xi32, #tpu.memory_space<vmem>>
        %dma_start3A_387 = arith.constant 0 : i32
        %dma_start3A_388 = arith.constant 0 : i32
        %dma_start3A_389 = tpu.memref_slice %arg15[%dma_start3A_387, %dma_start3A_388] : memref<10112x16xf32, #tpu.memory_space<vmem_shared>> -> memref<10112x16xf32, #tpu.memory_space<vmem_shared>>
        tpu.enqueue_indirect_dma source(%arg9 : memref<128x16xf32, #tpu.memory_space<vmem>>) target(%dma_start3A_389 : memref<10112x16xf32, #tpu.memory_space<vmem_shared>>) offsets(%dma_start3A_386 : memref<128xi32, #tpu.memory_space<vmem>>) semaphore(%arg27 : memref<!tpu.dma_semaphore, #tpu.memory_space<semaphore_mem>>) {add = true}
      } else {
      }
      %mul3A_262 = arith.constant 8 : i32
      %mul3A_263 = arith.muli %while3A_228, %mul3A_262 : i32
      %add3A_264 = arith.constant 4 : i32
      %add3A_265 = arith.addi %mul3A_263, %add3A_264 : i32
      %lt3A_266 = arith.cmpi slt, %add3A_265, %add3A : i32
      %convert_element_type3A_267 = arith.extui %lt3A_266 : i1 to i32
      %cond3A_268 = arith.constant 0 : i32
      %cond3A_269 = arith.cmpi ne, %convert_element_type3A_267, %cond3A_268 : i32
      scf.if %cond3A_269 {
        %add3A_375 = arith.addi %sub3A_35, %add3A_265 : i32
        %dma_wait3A = arith.constant 0 : i32
        %dma_wait3A_376 = arith.constant 0 : i32
        %dma_wait3A_377 = tpu.memref_slice %arg5[%add3A_375, %dma_wait3A, %dma_wait3A_376] : memref<79x2x128xi32, #tpu.memory_space<vmem>> -> memref<1x1x128xi32, #tpu.memory_space<vmem>>
        %dma_wait3A_378 = tpu.memref_squeeze %dma_wait3A_377 : memref<1x1x128xi32, #tpu.memory_space<vmem>> -> memref<128xi32, #tpu.memory_space<vmem>>
        %dma_wait3A_379 = arith.constant 0 : i32
        %dma_wait3A_380 = arith.constant 0 : i32
        %dma_wait3A_381 = tpu.memref_slice %arg3[%dma_wait3A_379, %dma_wait3A_380] : memref<10112x16xf32, #tpu.memory_space<hbm>> -> memref<10112x16xf32, #tpu.memory_space<hbm>>
        tpu.wait_indirect_dma semaphore(%arg20 : memref<!tpu.dma_semaphore, #tpu.memory_space<semaphore_mem>>) src(%dma_wait3A_381 : memref<10112x16xf32, #tpu.memory_space<hbm>>) dst(%arg10 : memref<128x16xf32, #tpu.memory_space<vmem>>)
        %add3A_382 = arith.addi %sub3A_35, %add3A_265 : i32
        %dma_start3A_383 = arith.constant 1 : i32
        %dma_start3A_384 = arith.constant 0 : i32
        %dma_start3A_385 = tpu.memref_slice %arg5[%add3A_382, %dma_start3A_383, %dma_start3A_384] : memref<79x2x128xi32, #tpu.memory_space<vmem>> -> memref<1x1x128xi32, #tpu.memory_space<vmem>>
        %dma_start3A_386 = tpu.memref_squeeze %dma_start3A_385 : memref<1x1x128xi32, #tpu.memory_space<vmem>> -> memref<128xi32, #tpu.memory_space<vmem>>
        %dma_start3A_387 = arith.constant 0 : i32
        %dma_start3A_388 = arith.constant 0 : i32
        %dma_start3A_389 = tpu.memref_slice %arg15[%dma_start3A_387, %dma_start3A_388] : memref<10112x16xf32, #tpu.memory_space<vmem_shared>> -> memref<10112x16xf32, #tpu.memory_space<vmem_shared>>
        tpu.enqueue_indirect_dma source(%arg10 : memref<128x16xf32, #tpu.memory_space<vmem>>) target(%dma_start3A_389 : memref<10112x16xf32, #tpu.memory_space<vmem_shared>>) offsets(%dma_start3A_386 : memref<128xi32, #tpu.memory_space<vmem>>) semaphore(%arg28 : memref<!tpu.dma_semaphore, #tpu.memory_space<semaphore_mem>>) {add = true}
      } else {
      }
      %mul3A_270 = arith.constant 8 : i32
      %mul3A_271 = arith.muli %while3A_228, %mul3A_270 : i32
      %add3A_272 = arith.constant 5 : i32
      %add3A_273 = arith.addi %mul3A_271, %add3A_272 : i32
      %lt3A_274 = arith.cmpi slt, %add3A_273, %add3A : i32
      %convert_element_type3A_275 = arith.extui %lt3A_274 : i1 to i32
      %cond3A_276 = arith.constant 0 : i32
      %cond3A_277 = arith.cmpi ne, %convert_element_type3A_275, %cond3A_276 : i32
      scf.if %cond3A_277 {
        %add3A_375 = arith.addi %sub3A_35, %add3A_273 : i32
        %dma_wait3A = arith.constant 0 : i32
        %dma_wait3A_376 = arith.constant 0 : i32
        %dma_wait3A_377 = tpu.memref_slice %arg5[%add3A_375, %dma_wait3A, %dma_wait3A_376] : memref<79x2x128xi32, #tpu.memory_space<vmem>> -> memref<1x1x128xi32, #tpu.memory_space<vmem>>
        %dma_wait3A_378 = tpu.memref_squeeze %dma_wait3A_377 : memref<1x1x128xi32, #tpu.memory_space<vmem>> -> memref<128xi32, #tpu.memory_space<vmem>>
        %dma_wait3A_379 = arith.constant 0 : i32
        %dma_wait3A_380 = arith.constant 0 : i32
        %dma_wait3A_381 = tpu.memref_slice %arg3[%dma_wait3A_379, %dma_wait3A_380] : memref<10112x16xf32, #tpu.memory_space<hbm>> -> memref<10112x16xf32, #tpu.memory_space<hbm>>
        tpu.wait_indirect_dma semaphore(%arg21 : memref<!tpu.dma_semaphore, #tpu.memory_space<semaphore_mem>>) src(%dma_wait3A_381 : memref<10112x16xf32, #tpu.memory_space<hbm>>) dst(%arg11 : memref<128x16xf32, #tpu.memory_space<vmem>>)
        %add3A_382 = arith.addi %sub3A_35, %add3A_273 : i32
        %dma_start3A_383 = arith.constant 1 : i32
        %dma_start3A_384 = arith.constant 0 : i32
        %dma_start3A_385 = tpu.memref_slice %arg5[%add3A_382, %dma_start3A_383, %dma_start3A_384] : memref<79x2x128xi32, #tpu.memory_space<vmem>> -> memref<1x1x128xi32, #tpu.memory_space<vmem>>
        %dma_start3A_386 = tpu.memref_squeeze %dma_start3A_385 : memref<1x1x128xi32, #tpu.memory_space<vmem>> -> memref<128xi32, #tpu.memory_space<vmem>>
        %dma_start3A_387 = arith.constant 0 : i32
        %dma_start3A_388 = arith.constant 0 : i32
        %dma_start3A_389 = tpu.memref_slice %arg15[%dma_start3A_387, %dma_start3A_388] : memref<10112x16xf32, #tpu.memory_space<vmem_shared>> -> memref<10112x16xf32, #tpu.memory_space<vmem_shared>>
        tpu.enqueue_indirect_dma source(%arg11 : memref<128x16xf32, #tpu.memory_space<vmem>>) target(%dma_start3A_389 : memref<10112x16xf32, #tpu.memory_space<vmem_shared>>) offsets(%dma_start3A_386 : memref<128xi32, #tpu.memory_space<vmem>>) semaphore(%arg29 : memref<!tpu.dma_semaphore, #tpu.memory_space<semaphore_mem>>) {add = true}
      } else {
      }
      %mul3A_278 = arith.constant 8 : i32
      %mul3A_279 = arith.muli %while3A_228, %mul3A_278 : i32
      %add3A_280 = arith.constant 6 : i32
      %add3A_281 = arith.addi %mul3A_279, %add3A_280 : i32
      %lt3A_282 = arith.cmpi slt, %add3A_281, %add3A : i32
      %convert_element_type3A_283 = arith.extui %lt3A_282 : i1 to i32
      %cond3A_284 = arith.constant 0 : i32
      %cond3A_285 = arith.cmpi ne, %convert_element_type3A_283, %cond3A_284 : i32
      scf.if %cond3A_285 {
        %add3A_375 = arith.addi %sub3A_35, %add3A_281 : i32
        %dma_wait3A = arith.constant 0 : i32
        %dma_wait3A_376 = arith.constant 0 : i32
        %dma_wait3A_377 = tpu.memref_slice %arg5[%add3A_375, %dma_wait3A, %dma_wait3A_376] : memref<79x2x128xi32, #tpu.memory_space<vmem>> -> memref<1x1x128xi32, #tpu.memory_space<vmem>>
        %dma_wait3A_378 = tpu.memref_squeeze %dma_wait3A_377 : memref<1x1x128xi32, #tpu.memory_space<vmem>> -> memref<128xi32, #tpu.memory_space<vmem>>
        %dma_wait3A_379 = arith.constant 0 : i32
        %dma_wait3A_380 = arith.constant 0 : i32
        %dma_wait3A_381 = tpu.memref_slice %arg3[%dma_wait3A_379, %dma_wait3A_380] : memref<10112x16xf32, #tpu.memory_space<hbm>> -> memref<10112x16xf32, #tpu.memory_space<hbm>>
        tpu.wait_indirect_dma semaphore(%arg22 : memref<!tpu.dma_semaphore, #tpu.memory_space<semaphore_mem>>) src(%dma_wait3A_381 : memref<10112x16xf32, #tpu.memory_space<hbm>>) dst(%arg12 : memref<128x16xf32, #tpu.memory_space<vmem>>)
        %add3A_382 = arith.addi %sub3A_35, %add3A_281 : i32
        %dma_start3A_383 = arith.constant 1 : i32
        %dma_start3A_384 = arith.constant 0 : i32
        %dma_start3A_385 = tpu.memref_slice %arg5[%add3A_382, %dma_start3A_383, %dma_start3A_384] : memref<79x2x128xi32, #tpu.memory_space<vmem>> -> memref<1x1x128xi32, #tpu.memory_space<vmem>>
        %dma_start3A_386 = tpu.memref_squeeze %dma_start3A_385 : memref<1x1x128xi32, #tpu.memory_space<vmem>> -> memref<128xi32, #tpu.memory_space<vmem>>
        %dma_start3A_387 = arith.constant 0 : i32
        %dma_start3A_388 = arith.constant 0 : i32
        %dma_start3A_389 = tpu.memref_slice %arg15[%dma_start3A_387, %dma_start3A_388] : memref<10112x16xf32, #tpu.memory_space<vmem_shared>> -> memref<10112x16xf32, #tpu.memory_space<vmem_shared>>
        tpu.enqueue_indirect_dma source(%arg12 : memref<128x16xf32, #tpu.memory_space<vmem>>) target(%dma_start3A_389 : memref<10112x16xf32, #tpu.memory_space<vmem_shared>>) offsets(%dma_start3A_386 : memref<128xi32, #tpu.memory_space<vmem>>) semaphore(%arg30 : memref<!tpu.dma_semaphore, #tpu.memory_space<semaphore_mem>>) {add = true}
      } else {
      }
      %mul3A_286 = arith.constant 8 : i32
      %mul3A_287 = arith.muli %while3A_228, %mul3A_286 : i32
      %add3A_288 = arith.constant 7 : i32
      %add3A_289 = arith.addi %mul3A_287, %add3A_288 : i32
      %lt3A_290 = arith.cmpi slt, %add3A_289, %add3A : i32
      %convert_element_type3A_291 = arith.extui %lt3A_290 : i1 to i32
      %cond3A_292 = arith.constant 0 : i32
      %cond3A_293 = arith.cmpi ne, %convert_element_type3A_291, %cond3A_292 : i32
      scf.if %cond3A_293 {
        %add3A_375 = arith.addi %sub3A_35, %add3A_289 : i32
        %dma_wait3A = arith.constant 0 : i32
        %dma_wait3A_376 = arith.constant 0 : i32
        %dma_wait3A_377 = tpu.memref_slice %arg5[%add3A_375, %dma_wait3A, %dma_wait3A_376] : memref<79x2x128xi32, #tpu.memory_space<vmem>> -> memref<1x1x128xi32, #tpu.memory_space<vmem>>
        %dma_wait3A_378 = tpu.memref_squeeze %dma_wait3A_377 : memref<1x1x128xi32, #tpu.memory_space<vmem>> -> memref<128xi32, #tpu.memory_space<vmem>>
        %dma_wait3A_379 = arith.constant 0 : i32
        %dma_wait3A_380 = arith.constant 0 : i32
        %dma_wait3A_381 = tpu.memref_slice %arg3[%dma_wait3A_379, %dma_wait3A_380] : memref<10112x16xf32, #tpu.memory_space<hbm>> -> memref<10112x16xf32, #tpu.memory_space<hbm>>
        tpu.wait_indirect_dma semaphore(%arg23 : memref<!tpu.dma_semaphore, #tpu.memory_space<semaphore_mem>>) src(%dma_wait3A_381 : memref<10112x16xf32, #tpu.memory_space<hbm>>) dst(%arg13 : memref<128x16xf32, #tpu.memory_space<vmem>>)
        %add3A_382 = arith.addi %sub3A_35, %add3A_289 : i32
        %dma_start3A_383 = arith.constant 1 : i32
        %dma_start3A_384 = arith.constant 0 : i32
        %dma_start3A_385 = tpu.memref_slice %arg5[%add3A_382, %dma_start3A_383, %dma_start3A_384] : memref<79x2x128xi32, #tpu.memory_space<vmem>> -> memref<1x1x128xi32, #tpu.memory_space<vmem>>
        %dma_start3A_386 = tpu.memref_squeeze %dma_start3A_385 : memref<1x1x128xi32, #tpu.memory_space<vmem>> -> memref<128xi32, #tpu.memory_space<vmem>>
        %dma_start3A_387 = arith.constant 0 : i32
        %dma_start3A_388 = arith.constant 0 : i32
        %dma_start3A_389 = tpu.memref_slice %arg15[%dma_start3A_387, %dma_start3A_388] : memref<10112x16xf32, #tpu.memory_space<vmem_shared>> -> memref<10112x16xf32, #tpu.memory_space<vmem_shared>>
        tpu.enqueue_indirect_dma source(%arg13 : memref<128x16xf32, #tpu.memory_space<vmem>>) target(%dma_start3A_389 : memref<10112x16xf32, #tpu.memory_space<vmem_shared>>) offsets(%dma_start3A_386 : memref<128xi32, #tpu.memory_space<vmem>>) semaphore(%arg31 : memref<!tpu.dma_semaphore, #tpu.memory_space<semaphore_mem>>) {add = true}
      } else {
      }
      %mul3A_294 = arith.constant 8 : i32
      %mul3A_295 = arith.muli %while3A_228, %mul3A_294 : i32
      %add3A_296 = arith.constant 0 : i32
      %add3A_297 = arith.addi %mul3A_295, %add3A_296 : i32
      %add3A_298 = arith.constant 8 : i32
      %add3A_299 = arith.addi %add3A_297, %add3A_298 : i32
      %lt3A_300 = arith.cmpi slt, %add3A_299, %add3A : i32
      %convert_element_type3A_301 = arith.extui %lt3A_300 : i1 to i32
      %cond3A_302 = arith.constant 0 : i32
      %cond3A_303 = arith.cmpi ne, %convert_element_type3A_301, %cond3A_302 : i32
      scf.if %cond3A_303 {
        %add3A_375 = arith.addi %sub3A_35, %add3A_297 : i32
        %dma_wait3A = arith.constant 1 : i32
        %dma_wait3A_376 = arith.constant 0 : i32
        %dma_wait3A_377 = tpu.memref_slice %arg5[%add3A_375, %dma_wait3A, %dma_wait3A_376] : memref<79x2x128xi32, #tpu.memory_space<vmem>> -> memref<1x1x128xi32, #tpu.memory_space<vmem>>
        %dma_wait3A_378 = tpu.memref_squeeze %dma_wait3A_377 : memref<1x1x128xi32, #tpu.memory_space<vmem>> -> memref<128xi32, #tpu.memory_space<vmem>>
        %dma_wait3A_379 = arith.constant 0 : i32
        %dma_wait3A_380 = arith.constant 0 : i32
        %dma_wait3A_381 = tpu.memref_slice %arg15[%dma_wait3A_379, %dma_wait3A_380] : memref<10112x16xf32, #tpu.memory_space<vmem_shared>> -> memref<10112x16xf32, #tpu.memory_space<vmem_shared>>
        tpu.wait_indirect_dma semaphore(%arg24 : memref<!tpu.dma_semaphore, #tpu.memory_space<semaphore_mem>>) src(%arg6 : memref<128x16xf32, #tpu.memory_space<vmem>>) dst(%dma_wait3A_381 : memref<10112x16xf32, #tpu.memory_space<vmem_shared>>)
        %add3A_382 = arith.addi %sub3A_35, %add3A_297 : i32
        %add3A_383 = arith.constant 8 : i32
        %add3A_384 = arith.addi %add3A_382, %add3A_383 : i32
        %dma_start3A_385 = arith.constant 0 : i32
        %dma_start3A_386 = arith.constant 0 : i32
        %dma_start3A_387 = tpu.memref_slice %arg5[%add3A_384, %dma_start3A_385, %dma_start3A_386] : memref<79x2x128xi32, #tpu.memory_space<vmem>> -> memref<1x1x128xi32, #tpu.memory_space<vmem>>
        %dma_start3A_388 = tpu.memref_squeeze %dma_start3A_387 : memref<1x1x128xi32, #tpu.memory_space<vmem>> -> memref<128xi32, #tpu.memory_space<vmem>>
        %dma_start3A_389 = arith.constant 0 : i32
        %dma_start3A_390 = arith.constant 0 : i32
        %dma_start3A_391 = tpu.memref_slice %arg3[%dma_start3A_389, %dma_start3A_390] : memref<10112x16xf32, #tpu.memory_space<hbm>> -> memref<10112x16xf32, #tpu.memory_space<hbm>>
        tpu.enqueue_indirect_dma source(%dma_start3A_391 : memref<10112x16xf32, #tpu.memory_space<hbm>>) target(%arg6 : memref<128x16xf32, #tpu.memory_space<vmem>>) offsets(%dma_start3A_388 : memref<128xi32, #tpu.memory_space<vmem>>) semaphore(%arg16 : memref<!tpu.dma_semaphore, #tpu.memory_space<semaphore_mem>>)
      } else {
      }
      %mul3A_304 = arith.constant 8 : i32
      %mul3A_305 = arith.muli %while3A_228, %mul3A_304 : i32
      %add3A_306 = arith.constant 1 : i32
      %add3A_307 = arith.addi %mul3A_305, %add3A_306 : i32
      %add3A_308 = arith.constant 8 : i32
      %add3A_309 = arith.addi %add3A_307, %add3A_308 : i32
      %lt3A_310 = arith.cmpi slt, %add3A_309, %add3A : i32
      %convert_element_type3A_311 = arith.extui %lt3A_310 : i1 to i32
      %cond3A_312 = arith.constant 0 : i32
      %cond3A_313 = arith.cmpi ne, %convert_element_type3A_311, %cond3A_312 : i32
      scf.if %cond3A_313 {
        %add3A_375 = arith.addi %sub3A_35, %add3A_307 : i32
        %dma_wait3A = arith.constant 1 : i32
        %dma_wait3A_376 = arith.constant 0 : i32
        %dma_wait3A_377 = tpu.memref_slice %arg5[%add3A_375, %dma_wait3A, %dma_wait3A_376] : memref<79x2x128xi32, #tpu.memory_space<vmem>> -> memref<1x1x128xi32, #tpu.memory_space<vmem>>
        %dma_wait3A_378 = tpu.memref_squeeze %dma_wait3A_377 : memref<1x1x128xi32, #tpu.memory_space<vmem>> -> memref<128xi32, #tpu.memory_space<vmem>>
        %dma_wait3A_379 = arith.constant 0 : i32
        %dma_wait3A_380 = arith.constant 0 : i32
        %dma_wait3A_381 = tpu.memref_slice %arg15[%dma_wait3A_379, %dma_wait3A_380] : memref<10112x16xf32, #tpu.memory_space<vmem_shared>> -> memref<10112x16xf32, #tpu.memory_space<vmem_shared>>
        tpu.wait_indirect_dma semaphore(%arg25 : memref<!tpu.dma_semaphore, #tpu.memory_space<semaphore_mem>>) src(%arg7 : memref<128x16xf32, #tpu.memory_space<vmem>>) dst(%dma_wait3A_381 : memref<10112x16xf32, #tpu.memory_space<vmem_shared>>)
        %add3A_382 = arith.addi %sub3A_35, %add3A_307 : i32
        %add3A_383 = arith.constant 8 : i32
        %add3A_384 = arith.addi %add3A_382, %add3A_383 : i32
        %dma_start3A_385 = arith.constant 0 : i32
        %dma_start3A_386 = arith.constant 0 : i32
        %dma_start3A_387 = tpu.memref_slice %arg5[%add3A_384, %dma_start3A_385, %dma_start3A_386] : memref<79x2x128xi32, #tpu.memory_space<vmem>> -> memref<1x1x128xi32, #tpu.memory_space<vmem>>
        %dma_start3A_388 = tpu.memref_squeeze %dma_start3A_387 : memref<1x1x128xi32, #tpu.memory_space<vmem>> -> memref<128xi32, #tpu.memory_space<vmem>>
        %dma_start3A_389 = arith.constant 0 : i32
        %dma_start3A_390 = arith.constant 0 : i32
        %dma_start3A_391 = tpu.memref_slice %arg3[%dma_start3A_389, %dma_start3A_390] : memref<10112x16xf32, #tpu.memory_space<hbm>> -> memref<10112x16xf32, #tpu.memory_space<hbm>>
        tpu.enqueue_indirect_dma source(%dma_start3A_391 : memref<10112x16xf32, #tpu.memory_space<hbm>>) target(%arg7 : memref<128x16xf32, #tpu.memory_space<vmem>>) offsets(%dma_start3A_388 : memref<128xi32, #tpu.memory_space<vmem>>) semaphore(%arg17 : memref<!tpu.dma_semaphore, #tpu.memory_space<semaphore_mem>>)
      } else {
      }
      %mul3A_314 = arith.constant 8 : i32
      %mul3A_315 = arith.muli %while3A_228, %mul3A_314 : i32
      %add3A_316 = arith.constant 2 : i32
      %add3A_317 = arith.addi %mul3A_315, %add3A_316 : i32
      %add3A_318 = arith.constant 8 : i32
      %add3A_319 = arith.addi %add3A_317, %add3A_318 : i32
      %lt3A_320 = arith.cmpi slt, %add3A_319, %add3A : i32
      %convert_element_type3A_321 = arith.extui %lt3A_320 : i1 to i32
      %cond3A_322 = arith.constant 0 : i32
      %cond3A_323 = arith.cmpi ne, %convert_element_type3A_321, %cond3A_322 : i32
      scf.if %cond3A_323 {
        %add3A_375 = arith.addi %sub3A_35, %add3A_317 : i32
        %dma_wait3A = arith.constant 1 : i32
        %dma_wait3A_376 = arith.constant 0 : i32
        %dma_wait3A_377 = tpu.memref_slice %arg5[%add3A_375, %dma_wait3A, %dma_wait3A_376] : memref<79x2x128xi32, #tpu.memory_space<vmem>> -> memref<1x1x128xi32, #tpu.memory_space<vmem>>
        %dma_wait3A_378 = tpu.memref_squeeze %dma_wait3A_377 : memref<1x1x128xi32, #tpu.memory_space<vmem>> -> memref<128xi32, #tpu.memory_space<vmem>>
        %dma_wait3A_379 = arith.constant 0 : i32
        %dma_wait3A_380 = arith.constant 0 : i32
        %dma_wait3A_381 = tpu.memref_slice %arg15[%dma_wait3A_379, %dma_wait3A_380] : memref<10112x16xf32, #tpu.memory_space<vmem_shared>> -> memref<10112x16xf32, #tpu.memory_space<vmem_shared>>
        tpu.wait_indirect_dma semaphore(%arg26 : memref<!tpu.dma_semaphore, #tpu.memory_space<semaphore_mem>>) src(%arg8 : memref<128x16xf32, #tpu.memory_space<vmem>>) dst(%dma_wait3A_381 : memref<10112x16xf32, #tpu.memory_space<vmem_shared>>)
        %add3A_382 = arith.addi %sub3A_35, %add3A_317 : i32
        %add3A_383 = arith.constant 8 : i32
        %add3A_384 = arith.addi %add3A_382, %add3A_383 : i32
        %dma_start3A_385 = arith.constant 0 : i32
        %dma_start3A_386 = arith.constant 0 : i32
        %dma_start3A_387 = tpu.memref_slice %arg5[%add3A_384, %dma_start3A_385, %dma_start3A_386] : memref<79x2x128xi32, #tpu.memory_space<vmem>> -> memref<1x1x128xi32, #tpu.memory_space<vmem>>
        %dma_start3A_388 = tpu.memref_squeeze %dma_start3A_387 : memref<1x1x128xi32, #tpu.memory_space<vmem>> -> memref<128xi32, #tpu.memory_space<vmem>>
        %dma_start3A_389 = arith.constant 0 : i32
        %dma_start3A_390 = arith.constant 0 : i32
        %dma_start3A_391 = tpu.memref_slice %arg3[%dma_start3A_389, %dma_start3A_390] : memref<10112x16xf32, #tpu.memory_space<hbm>> -> memref<10112x16xf32, #tpu.memory_space<hbm>>
        tpu.enqueue_indirect_dma source(%dma_start3A_391 : memref<10112x16xf32, #tpu.memory_space<hbm>>) target(%arg8 : memref<128x16xf32, #tpu.memory_space<vmem>>) offsets(%dma_start3A_388 : memref<128xi32, #tpu.memory_space<vmem>>) semaphore(%arg18 : memref<!tpu.dma_semaphore, #tpu.memory_space<semaphore_mem>>)
      } else {
      }
      %mul3A_324 = arith.constant 8 : i32
      %mul3A_325 = arith.muli %while3A_228, %mul3A_324 : i32
      %add3A_326 = arith.constant 3 : i32
      %add3A_327 = arith.addi %mul3A_325, %add3A_326 : i32
      %add3A_328 = arith.constant 8 : i32
      %add3A_329 = arith.addi %add3A_327, %add3A_328 : i32
      %lt3A_330 = arith.cmpi slt, %add3A_329, %add3A : i32
      %convert_element_type3A_331 = arith.extui %lt3A_330 : i1 to i32
      %cond3A_332 = arith.constant 0 : i32
      %cond3A_333 = arith.cmpi ne, %convert_element_type3A_331, %cond3A_332 : i32
      scf.if %cond3A_333 {
        %add3A_375 = arith.addi %sub3A_35, %add3A_327 : i32
        %dma_wait3A = arith.constant 1 : i32
        %dma_wait3A_376 = arith.constant 0 : i32
        %dma_wait3A_377 = tpu.memref_slice %arg5[%add3A_375, %dma_wait3A, %dma_wait3A_376] : memref<79x2x128xi32, #tpu.memory_space<vmem>> -> memref<1x1x128xi32, #tpu.memory_space<vmem>>
        %dma_wait3A_378 = tpu.memref_squeeze %dma_wait3A_377 : memref<1x1x128xi32, #tpu.memory_space<vmem>> -> memref<128xi32, #tpu.memory_space<vmem>>
        %dma_wait3A_379 = arith.constant 0 : i32
        %dma_wait3A_380 = arith.constant 0 : i32
        %dma_wait3A_381 = tpu.memref_slice %arg15[%dma_wait3A_379, %dma_wait3A_380] : memref<10112x16xf32, #tpu.memory_space<vmem_shared>> -> memref<10112x16xf32, #tpu.memory_space<vmem_shared>>
        tpu.wait_indirect_dma semaphore(%arg27 : memref<!tpu.dma_semaphore, #tpu.memory_space<semaphore_mem>>) src(%arg9 : memref<128x16xf32, #tpu.memory_space<vmem>>) dst(%dma_wait3A_381 : memref<10112x16xf32, #tpu.memory_space<vmem_shared>>)
        %add3A_382 = arith.addi %sub3A_35, %add3A_327 : i32
        %add3A_383 = arith.constant 8 : i32
        %add3A_384 = arith.addi %add3A_382, %add3A_383 : i32
        %dma_start3A_385 = arith.constant 0 : i32
        %dma_start3A_386 = arith.constant 0 : i32
        %dma_start3A_387 = tpu.memref_slice %arg5[%add3A_384, %dma_start3A_385, %dma_start3A_386] : memref<79x2x128xi32, #tpu.memory_space<vmem>> -> memref<1x1x128xi32, #tpu.memory_space<vmem>>
        %dma_start3A_388 = tpu.memref_squeeze %dma_start3A_387 : memref<1x1x128xi32, #tpu.memory_space<vmem>> -> memref<128xi32, #tpu.memory_space<vmem>>
        %dma_start3A_389 = arith.constant 0 : i32
        %dma_start3A_390 = arith.constant 0 : i32
        %dma_start3A_391 = tpu.memref_slice %arg3[%dma_start3A_389, %dma_start3A_390] : memref<10112x16xf32, #tpu.memory_space<hbm>> -> memref<10112x16xf32, #tpu.memory_space<hbm>>
        tpu.enqueue_indirect_dma source(%dma_start3A_391 : memref<10112x16xf32, #tpu.memory_space<hbm>>) target(%arg9 : memref<128x16xf32, #tpu.memory_space<vmem>>) offsets(%dma_start3A_388 : memref<128xi32, #tpu.memory_space<vmem>>) semaphore(%arg19 : memref<!tpu.dma_semaphore, #tpu.memory_space<semaphore_mem>>)
      } else {
      }
      %mul3A_334 = arith.constant 8 : i32
      %mul3A_335 = arith.muli %while3A_228, %mul3A_334 : i32
      %add3A_336 = arith.constant 4 : i32
      %add3A_337 = arith.addi %mul3A_335, %add3A_336 : i32
      %add3A_338 = arith.constant 8 : i32
      %add3A_339 = arith.addi %add3A_337, %add3A_338 : i32
      %lt3A_340 = arith.cmpi slt, %add3A_339, %add3A : i32
      %convert_element_type3A_341 = arith.extui %lt3A_340 : i1 to i32
      %cond3A_342 = arith.constant 0 : i32
      %cond3A_343 = arith.cmpi ne, %convert_element_type3A_341, %cond3A_342 : i32
      scf.if %cond3A_343 {
        %add3A_375 = arith.addi %sub3A_35, %add3A_337 : i32
        %dma_wait3A = arith.constant 1 : i32
        %dma_wait3A_376 = arith.constant 0 : i32
        %dma_wait3A_377 = tpu.memref_slice %arg5[%add3A_375, %dma_wait3A, %dma_wait3A_376] : memref<79x2x128xi32, #tpu.memory_space<vmem>> -> memref<1x1x128xi32, #tpu.memory_space<vmem>>
        %dma_wait3A_378 = tpu.memref_squeeze %dma_wait3A_377 : memref<1x1x128xi32, #tpu.memory_space<vmem>> -> memref<128xi32, #tpu.memory_space<vmem>>
        %dma_wait3A_379 = arith.constant 0 : i32
        %dma_wait3A_380 = arith.constant 0 : i32
        %dma_wait3A_381 = tpu.memref_slice %arg15[%dma_wait3A_379, %dma_wait3A_380] : memref<10112x16xf32, #tpu.memory_space<vmem_shared>> -> memref<10112x16xf32, #tpu.memory_space<vmem_shared>>
        tpu.wait_indirect_dma semaphore(%arg28 : memref<!tpu.dma_semaphore, #tpu.memory_space<semaphore_mem>>) src(%arg10 : memref<128x16xf32, #tpu.memory_space<vmem>>) dst(%dma_wait3A_381 : memref<10112x16xf32, #tpu.memory_space<vmem_shared>>)
        %add3A_382 = arith.addi %sub3A_35, %add3A_337 : i32
        %add3A_383 = arith.constant 8 : i32
        %add3A_384 = arith.addi %add3A_382, %add3A_383 : i32
        %dma_start3A_385 = arith.constant 0 : i32
        %dma_start3A_386 = arith.constant 0 : i32
        %dma_start3A_387 = tpu.memref_slice %arg5[%add3A_384, %dma_start3A_385, %dma_start3A_386] : memref<79x2x128xi32, #tpu.memory_space<vmem>> -> memref<1x1x128xi32, #tpu.memory_space<vmem>>
        %dma_start3A_388 = tpu.memref_squeeze %dma_start3A_387 : memref<1x1x128xi32, #tpu.memory_space<vmem>> -> memref<128xi32, #tpu.memory_space<vmem>>
        %dma_start3A_389 = arith.constant 0 : i32
        %dma_start3A_390 = arith.constant 0 : i32
        %dma_start3A_391 = tpu.memref_slice %arg3[%dma_start3A_389, %dma_start3A_390] : memref<10112x16xf32, #tpu.memory_space<hbm>> -> memref<10112x16xf32, #tpu.memory_space<hbm>>
        tpu.enqueue_indirect_dma source(%dma_start3A_391 : memref<10112x16xf32, #tpu.memory_space<hbm>>) target(%arg10 : memref<128x16xf32, #tpu.memory_space<vmem>>) offsets(%dma_start3A_388 : memref<128xi32, #tpu.memory_space<vmem>>) semaphore(%arg20 : memref<!tpu.dma_semaphore, #tpu.memory_space<semaphore_mem>>)
      } else {
      }
      %mul3A_344 = arith.constant 8 : i32
      %mul3A_345 = arith.muli %while3A_228, %mul3A_344 : i32
      %add3A_346 = arith.constant 5 : i32
      %add3A_347 = arith.addi %mul3A_345, %add3A_346 : i32
      %add3A_348 = arith.constant 8 : i32
      %add3A_349 = arith.addi %add3A_347, %add3A_348 : i32
      %lt3A_350 = arith.cmpi slt, %add3A_349, %add3A : i32
      %convert_element_type3A_351 = arith.extui %lt3A_350 : i1 to i32
      %cond3A_352 = arith.constant 0 : i32
      %cond3A_353 = arith.cmpi ne, %convert_element_type3A_351, %cond3A_352 : i32
      scf.if %cond3A_353 {
        %add3A_375 = arith.addi %sub3A_35, %add3A_347 : i32
        %dma_wait3A = arith.constant 1 : i32
        %dma_wait3A_376 = arith.constant 0 : i32
        %dma_wait3A_377 = tpu.memref_slice %arg5[%add3A_375, %dma_wait3A, %dma_wait3A_376] : memref<79x2x128xi32, #tpu.memory_space<vmem>> -> memref<1x1x128xi32, #tpu.memory_space<vmem>>
        %dma_wait3A_378 = tpu.memref_squeeze %dma_wait3A_377 : memref<1x1x128xi32, #tpu.memory_space<vmem>> -> memref<128xi32, #tpu.memory_space<vmem>>
        %dma_wait3A_379 = arith.constant 0 : i32
        %dma_wait3A_380 = arith.constant 0 : i32
        %dma_wait3A_381 = tpu.memref_slice %arg15[%dma_wait3A_379, %dma_wait3A_380] : memref<10112x16xf32, #tpu.memory_space<vmem_shared>> -> memref<10112x16xf32, #tpu.memory_space<vmem_shared>>
        tpu.wait_indirect_dma semaphore(%arg29 : memref<!tpu.dma_semaphore, #tpu.memory_space<semaphore_mem>>) src(%arg11 : memref<128x16xf32, #tpu.memory_space<vmem>>) dst(%dma_wait3A_381 : memref<10112x16xf32, #tpu.memory_space<vmem_shared>>)
        %add3A_382 = arith.addi %sub3A_35, %add3A_347 : i32
        %add3A_383 = arith.constant 8 : i32
        %add3A_384 = arith.addi %add3A_382, %add3A_383 : i32
        %dma_start3A_385 = arith.constant 0 : i32
        %dma_start3A_386 = arith.constant 0 : i32
        %dma_start3A_387 = tpu.memref_slice %arg5[%add3A_384, %dma_start3A_385, %dma_start3A_386] : memref<79x2x128xi32, #tpu.memory_space<vmem>> -> memref<1x1x128xi32, #tpu.memory_space<vmem>>
        %dma_start3A_388 = tpu.memref_squeeze %dma_start3A_387 : memref<1x1x128xi32, #tpu.memory_space<vmem>> -> memref<128xi32, #tpu.memory_space<vmem>>
        %dma_start3A_389 = arith.constant 0 : i32
        %dma_start3A_390 = arith.constant 0 : i32
        %dma_start3A_391 = tpu.memref_slice %arg3[%dma_start3A_389, %dma_start3A_390] : memref<10112x16xf32, #tpu.memory_space<hbm>> -> memref<10112x16xf32, #tpu.memory_space<hbm>>
        tpu.enqueue_indirect_dma source(%dma_start3A_391 : memref<10112x16xf32, #tpu.memory_space<hbm>>) target(%arg11 : memref<128x16xf32, #tpu.memory_space<vmem>>) offsets(%dma_start3A_388 : memref<128xi32, #tpu.memory_space<vmem>>) semaphore(%arg21 : memref<!tpu.dma_semaphore, #tpu.memory_space<semaphore_mem>>)
      } else {
      }
      %mul3A_354 = arith.constant 8 : i32
      %mul3A_355 = arith.muli %while3A_228, %mul3A_354 : i32
      %add3A_356 = arith.constant 6 : i32
      %add3A_357 = arith.addi %mul3A_355, %add3A_356 : i32
      %add3A_358 = arith.constant 8 : i32
      %add3A_359 = arith.addi %add3A_357, %add3A_358 : i32
      %lt3A_360 = arith.cmpi slt, %add3A_359, %add3A : i32
      %convert_element_type3A_361 = arith.extui %lt3A_360 : i1 to i32
      %cond3A_362 = arith.constant 0 : i32
      %cond3A_363 = arith.cmpi ne, %convert_element_type3A_361, %cond3A_362 : i32
      scf.if %cond3A_363 {
        %add3A_375 = arith.addi %sub3A_35, %add3A_357 : i32
        %dma_wait3A = arith.constant 1 : i32
        %dma_wait3A_376 = arith.constant 0 : i32
        %dma_wait3A_377 = tpu.memref_slice %arg5[%add3A_375, %dma_wait3A, %dma_wait3A_376] : memref<79x2x128xi32, #tpu.memory_space<vmem>> -> memref<1x1x128xi32, #tpu.memory_space<vmem>>
        %dma_wait3A_378 = tpu.memref_squeeze %dma_wait3A_377 : memref<1x1x128xi32, #tpu.memory_space<vmem>> -> memref<128xi32, #tpu.memory_space<vmem>>
        %dma_wait3A_379 = arith.constant 0 : i32
        %dma_wait3A_380 = arith.constant 0 : i32
        %dma_wait3A_381 = tpu.memref_slice %arg15[%dma_wait3A_379, %dma_wait3A_380] : memref<10112x16xf32, #tpu.memory_space<vmem_shared>> -> memref<10112x16xf32, #tpu.memory_space<vmem_shared>>
        tpu.wait_indirect_dma semaphore(%arg30 : memref<!tpu.dma_semaphore, #tpu.memory_space<semaphore_mem>>) src(%arg12 : memref<128x16xf32, #tpu.memory_space<vmem>>) dst(%dma_wait3A_381 : memref<10112x16xf32, #tpu.memory_space<vmem_shared>>)
        %add3A_382 = arith.addi %sub3A_35, %add3A_357 : i32
        %add3A_383 = arith.constant 8 : i32
        %add3A_384 = arith.addi %add3A_382, %add3A_383 : i32
        %dma_start3A_385 = arith.constant 0 : i32
        %dma_start3A_386 = arith.constant 0 : i32
        %dma_start3A_387 = tpu.memref_slice %arg5[%add3A_384, %dma_start3A_385, %dma_start3A_386] : memref<79x2x128xi32, #tpu.memory_space<vmem>> -> memref<1x1x128xi32, #tpu.memory_space<vmem>>
        %dma_start3A_388 = tpu.memref_squeeze %dma_start3A_387 : memref<1x1x128xi32, #tpu.memory_space<vmem>> -> memref<128xi32, #tpu.memory_space<vmem>>
        %dma_start3A_389 = arith.constant 0 : i32
        %dma_start3A_390 = arith.constant 0 : i32
        %dma_start3A_391 = tpu.memref_slice %arg3[%dma_start3A_389, %dma_start3A_390] : memref<10112x16xf32, #tpu.memory_space<hbm>> -> memref<10112x16xf32, #tpu.memory_space<hbm>>
        tpu.enqueue_indirect_dma source(%dma_start3A_391 : memref<10112x16xf32, #tpu.memory_space<hbm>>) target(%arg12 : memref<128x16xf32, #tpu.memory_space<vmem>>) offsets(%dma_start3A_388 : memref<128xi32, #tpu.memory_space<vmem>>) semaphore(%arg22 : memref<!tpu.dma_semaphore, #tpu.memory_space<semaphore_mem>>)
      } else {
      }
      %mul3A_364 = arith.constant 8 : i32
      %mul3A_365 = arith.muli %while3A_228, %mul3A_364 : i32
      %add3A_366 = arith.constant 7 : i32
      %add3A_367 = arith.addi %mul3A_365, %add3A_366 : i32
      %add3A_368 = arith.constant 8 : i32
      %add3A_369 = arith.addi %add3A_367, %add3A_368 : i32
      %lt3A_370 = arith.cmpi slt, %add3A_369, %add3A : i32
      %convert_element_type3A_371 = arith.extui %lt3A_370 : i1 to i32
      %cond3A_372 = arith.constant 0 : i32
      %cond3A_373 = arith.cmpi ne, %convert_element_type3A_371, %cond3A_372 : i32
      scf.if %cond3A_373 {
        %add3A_375 = arith.addi %sub3A_35, %add3A_367 : i32
        %dma_wait3A = arith.constant 1 : i32
        %dma_wait3A_376 = arith.constant 0 : i32
        %dma_wait3A_377 = tpu.memref_slice %arg5[%add3A_375, %dma_wait3A, %dma_wait3A_376] : memref<79x2x128xi32, #tpu.memory_space<vmem>> -> memref<1x1x128xi32, #tpu.memory_space<vmem>>
        %dma_wait3A_378 = tpu.memref_squeeze %dma_wait3A_377 : memref<1x1x128xi32, #tpu.memory_space<vmem>> -> memref<128xi32, #tpu.memory_space<vmem>>
        %dma_wait3A_379 = arith.constant 0 : i32
        %dma_wait3A_380 = arith.constant 0 : i32
        %dma_wait3A_381 = tpu.memref_slice %arg15[%dma_wait3A_379, %dma_wait3A_380] : memref<10112x16xf32, #tpu.memory_space<vmem_shared>> -> memref<10112x16xf32, #tpu.memory_space<vmem_shared>>
        tpu.wait_indirect_dma semaphore(%arg31 : memref<!tpu.dma_semaphore, #tpu.memory_space<semaphore_mem>>) src(%arg13 : memref<128x16xf32, #tpu.memory_space<vmem>>) dst(%dma_wait3A_381 : memref<10112x16xf32, #tpu.memory_space<vmem_shared>>)
        %add3A_382 = arith.addi %sub3A_35, %add3A_367 : i32
        %add3A_383 = arith.constant 8 : i32
        %add3A_384 = arith.addi %add3A_382, %add3A_383 : i32
        %dma_start3A_385 = arith.constant 0 : i32
        %dma_start3A_386 = arith.constant 0 : i32
        %dma_start3A_387 = tpu.memref_slice %arg5[%add3A_384, %dma_start3A_385, %dma_start3A_386] : memref<79x2x128xi32, #tpu.memory_space<vmem>> -> memref<1x1x128xi32, #tpu.memory_space<vmem>>
        %dma_start3A_388 = tpu.memref_squeeze %dma_start3A_387 : memref<1x1x128xi32, #tpu.memory_space<vmem>> -> memref<128xi32, #tpu.memory_space<vmem>>
        %dma_start3A_389 = arith.constant 0 : i32
        %dma_start3A_390 = arith.constant 0 : i32
        %dma_start3A_391 = tpu.memref_slice %arg3[%dma_start3A_389, %dma_start3A_390] : memref<10112x16xf32, #tpu.memory_space<hbm>> -> memref<10112x16xf32, #tpu.memory_space<hbm>>
        tpu.enqueue_indirect_dma source(%dma_start3A_391 : memref<10112x16xf32, #tpu.memory_space<hbm>>) target(%arg13 : memref<128x16xf32, #tpu.memory_space<vmem>>) offsets(%dma_start3A_388 : memref<128xi32, #tpu.memory_space<vmem>>) semaphore(%arg23 : memref<!tpu.dma_semaphore, #tpu.memory_space<semaphore_mem>>)
      } else {
      }
      %while3A_374 = arith.constant 0 : i32
      scf.yield %while3A_374 : i32
    }
    %sub3A_154 = arith.constant 8 : i32
    %sub3A_155 = arith.subi %add3A, %sub3A_154 : i32
    %add3A_156 = arith.constant 0 : i32
    %add3A_157 = arith.addi %sub3A_155, %add3A_156 : i32
    %ge3A = arith.constant 0 : i32
    %ge3A_158 = arith.cmpi sge, %add3A_157, %ge3A : i32
    %convert_element_type3A = arith.extui %ge3A_158 : i1 to i32
    %cond3A = arith.constant 0 : i32
    %cond3A_159 = arith.cmpi ne, %convert_element_type3A, %cond3A : i32
    scf.if %cond3A_159 {
      %dma_wait3A = arith.constant 1 : i32
      %dma_wait3A_228 = arith.constant 0 : i32
      %dma_wait3A_229 = tpu.memref_slice %arg5[%sub3A_35, %dma_wait3A, %dma_wait3A_228] : memref<79x2x128xi32, #tpu.memory_space<vmem>> -> memref<1x1x128xi32, #tpu.memory_space<vmem>>
      %dma_wait3A_230 = tpu.memref_squeeze %dma_wait3A_229 : memref<1x1x128xi32, #tpu.memory_space<vmem>> -> memref<128xi32, #tpu.memory_space<vmem>>
      %dma_wait3A_231 = arith.constant 0 : i32
      %dma_wait3A_232 = arith.constant 0 : i32
      %dma_wait3A_233 = tpu.memref_slice %arg15[%dma_wait3A_231, %dma_wait3A_232] : memref<10112x16xf32, #tpu.memory_space<vmem_shared>> -> memref<10112x16xf32, #tpu.memory_space<vmem_shared>>
      tpu.wait_indirect_dma semaphore(%arg24 : memref<!tpu.dma_semaphore, #tpu.memory_space<semaphore_mem>>) src(%arg6 : memref<128x16xf32, #tpu.memory_space<vmem>>) dst(%dma_wait3A_233 : memref<10112x16xf32, #tpu.memory_space<vmem_shared>>)
    } else {
    }
    %sub3A_160 = arith.constant 8 : i32
    %sub3A_161 = arith.subi %add3A, %sub3A_160 : i32
    %add3A_162 = arith.constant 1 : i32
    %add3A_163 = arith.addi %sub3A_161, %add3A_162 : i32
    %ge3A_164 = arith.constant 0 : i32
    %ge3A_165 = arith.cmpi sge, %add3A_163, %ge3A_164 : i32
    %convert_element_type3A_166 = arith.extui %ge3A_165 : i1 to i32
    %cond3A_167 = arith.constant 0 : i32
    %cond3A_168 = arith.cmpi ne, %convert_element_type3A_166, %cond3A_167 : i32
    scf.if %cond3A_168 {
      %dma_wait3A = arith.constant 1 : i32
      %dma_wait3A_228 = arith.constant 0 : i32
      %dma_wait3A_229 = tpu.memref_slice %arg5[%sub3A_35, %dma_wait3A, %dma_wait3A_228] : memref<79x2x128xi32, #tpu.memory_space<vmem>> -> memref<1x1x128xi32, #tpu.memory_space<vmem>>
      %dma_wait3A_230 = tpu.memref_squeeze %dma_wait3A_229 : memref<1x1x128xi32, #tpu.memory_space<vmem>> -> memref<128xi32, #tpu.memory_space<vmem>>
      %dma_wait3A_231 = arith.constant 0 : i32
      %dma_wait3A_232 = arith.constant 0 : i32
      %dma_wait3A_233 = tpu.memref_slice %arg15[%dma_wait3A_231, %dma_wait3A_232] : memref<10112x16xf32, #tpu.memory_space<vmem_shared>> -> memref<10112x16xf32, #tpu.memory_space<vmem_shared>>
      tpu.wait_indirect_dma semaphore(%arg25 : memref<!tpu.dma_semaphore, #tpu.memory_space<semaphore_mem>>) src(%arg6 : memref<128x16xf32, #tpu.memory_space<vmem>>) dst(%dma_wait3A_233 : memref<10112x16xf32, #tpu.memory_space<vmem_shared>>)
    } else {
    }
    %sub3A_169 = arith.constant 8 : i32
    %sub3A_170 = arith.subi %add3A, %sub3A_169 : i32
    %add3A_171 = arith.constant 2 : i32
    %add3A_172 = arith.addi %sub3A_170, %add3A_171 : i32
    %ge3A_173 = arith.constant 0 : i32
    %ge3A_174 = arith.cmpi sge, %add3A_172, %ge3A_173 : i32
    %convert_element_type3A_175 = arith.extui %ge3A_174 : i1 to i32
    %cond3A_176 = arith.constant 0 : i32
    %cond3A_177 = arith.cmpi ne, %convert_element_type3A_175, %cond3A_176 : i32
    scf.if %cond3A_177 {
      %dma_wait3A = arith.constant 1 : i32
      %dma_wait3A_228 = arith.constant 0 : i32
      %dma_wait3A_229 = tpu.memref_slice %arg5[%sub3A_35, %dma_wait3A, %dma_wait3A_228] : memref<79x2x128xi32, #tpu.memory_space<vmem>> -> memref<1x1x128xi32, #tpu.memory_space<vmem>>
      %dma_wait3A_230 = tpu.memref_squeeze %dma_wait3A_229 : memref<1x1x128xi32, #tpu.memory_space<vmem>> -> memref<128xi32, #tpu.memory_space<vmem>>
      %dma_wait3A_231 = arith.constant 0 : i32
      %dma_wait3A_232 = arith.constant 0 : i32
      %dma_wait3A_233 = tpu.memref_slice %arg15[%dma_wait3A_231, %dma_wait3A_232] : memref<10112x16xf32, #tpu.memory_space<vmem_shared>> -> memref<10112x16xf32, #tpu.memory_space<vmem_shared>>
      tpu.wait_indirect_dma semaphore(%arg26 : memref<!tpu.dma_semaphore, #tpu.memory_space<semaphore_mem>>) src(%arg6 : memref<128x16xf32, #tpu.memory_space<vmem>>) dst(%dma_wait3A_233 : memref<10112x16xf32, #tpu.memory_space<vmem_shared>>)
    } else {
    }
    %sub3A_178 = arith.constant 8 : i32
    %sub3A_179 = arith.subi %add3A, %sub3A_178 : i32
    %add3A_180 = arith.constant 3 : i32
    %add3A_181 = arith.addi %sub3A_179, %add3A_180 : i32
    %ge3A_182 = arith.constant 0 : i32
    %ge3A_183 = arith.cmpi sge, %add3A_181, %ge3A_182 : i32
    %convert_element_type3A_184 = arith.extui %ge3A_183 : i1 to i32
    %cond3A_185 = arith.constant 0 : i32
    %cond3A_186 = arith.cmpi ne, %convert_element_type3A_184, %cond3A_185 : i32
    scf.if %cond3A_186 {
      %dma_wait3A = arith.constant 1 : i32
      %dma_wait3A_228 = arith.constant 0 : i32
      %dma_wait3A_229 = tpu.memref_slice %arg5[%sub3A_35, %dma_wait3A, %dma_wait3A_228] : memref<79x2x128xi32, #tpu.memory_space<vmem>> -> memref<1x1x128xi32, #tpu.memory_space<vmem>>
      %dma_wait3A_230 = tpu.memref_squeeze %dma_wait3A_229 : memref<1x1x128xi32, #tpu.memory_space<vmem>> -> memref<128xi32, #tpu.memory_space<vmem>>
      %dma_wait3A_231 = arith.constant 0 : i32
      %dma_wait3A_232 = arith.constant 0 : i32
      %dma_wait3A_233 = tpu.memref_slice %arg15[%dma_wait3A_231, %dma_wait3A_232] : memref<10112x16xf32, #tpu.memory_space<vmem_shared>> -> memref<10112x16xf32, #tpu.memory_space<vmem_shared>>
      tpu.wait_indirect_dma semaphore(%arg27 : memref<!tpu.dma_semaphore, #tpu.memory_space<semaphore_mem>>) src(%arg6 : memref<128x16xf32, #tpu.memory_space<vmem>>) dst(%dma_wait3A_233 : memref<10112x16xf32, #tpu.memory_space<vmem_shared>>)
    } else {
    }
    %sub3A_187 = arith.constant 8 : i32
    %sub3A_188 = arith.subi %add3A, %sub3A_187 : i32
    %add3A_189 = arith.constant 4 : i32
    %add3A_190 = arith.addi %sub3A_188, %add3A_189 : i32
    %ge3A_191 = arith.constant 0 : i32
    %ge3A_192 = arith.cmpi sge, %add3A_190, %ge3A_191 : i32
    %convert_element_type3A_193 = arith.extui %ge3A_192 : i1 to i32
    %cond3A_194 = arith.constant 0 : i32
    %cond3A_195 = arith.cmpi ne, %convert_element_type3A_193, %cond3A_194 : i32
    scf.if %cond3A_195 {
      %dma_wait3A = arith.constant 1 : i32
      %dma_wait3A_228 = arith.constant 0 : i32
      %dma_wait3A_229 = tpu.memref_slice %arg5[%sub3A_35, %dma_wait3A, %dma_wait3A_228] : memref<79x2x128xi32, #tpu.memory_space<vmem>> -> memref<1x1x128xi32, #tpu.memory_space<vmem>>
      %dma_wait3A_230 = tpu.memref_squeeze %dma_wait3A_229 : memref<1x1x128xi32, #tpu.memory_space<vmem>> -> memref<128xi32, #tpu.memory_space<vmem>>
      %dma_wait3A_231 = arith.constant 0 : i32
      %dma_wait3A_232 = arith.constant 0 : i32
      %dma_wait3A_233 = tpu.memref_slice %arg15[%dma_wait3A_231, %dma_wait3A_232] : memref<10112x16xf32, #tpu.memory_space<vmem_shared>> -> memref<10112x16xf32, #tpu.memory_space<vmem_shared>>
      tpu.wait_indirect_dma semaphore(%arg28 : memref<!tpu.dma_semaphore, #tpu.memory_space<semaphore_mem>>) src(%arg6 : memref<128x16xf32, #tpu.memory_space<vmem>>) dst(%dma_wait3A_233 : memref<10112x16xf32, #tpu.memory_space<vmem_shared>>)
    } else {
    }
    %sub3A_196 = arith.constant 8 : i32
    %sub3A_197 = arith.subi %add3A, %sub3A_196 : i32
    %add3A_198 = arith.constant 5 : i32
    %add3A_199 = arith.addi %sub3A_197, %add3A_198 : i32
    %ge3A_200 = arith.constant 0 : i32
    %ge3A_201 = arith.cmpi sge, %add3A_199, %ge3A_200 : i32
    %convert_element_type3A_202 = arith.extui %ge3A_201 : i1 to i32
    %cond3A_203 = arith.constant 0 : i32
    %cond3A_204 = arith.cmpi ne, %convert_element_type3A_202, %cond3A_203 : i32
    scf.if %cond3A_204 {
      %dma_wait3A = arith.constant 1 : i32
      %dma_wait3A_228 = arith.constant 0 : i32
      %dma_wait3A_229 = tpu.memref_slice %arg5[%sub3A_35, %dma_wait3A, %dma_wait3A_228] : memref<79x2x128xi32, #tpu.memory_space<vmem>> -> memref<1x1x128xi32, #tpu.memory_space<vmem>>
      %dma_wait3A_230 = tpu.memref_squeeze %dma_wait3A_229 : memref<1x1x128xi32, #tpu.memory_space<vmem>> -> memref<128xi32, #tpu.memory_space<vmem>>
      %dma_wait3A_231 = arith.constant 0 : i32
      %dma_wait3A_232 = arith.constant 0 : i32
      %dma_wait3A_233 = tpu.memref_slice %arg15[%dma_wait3A_231, %dma_wait3A_232] : memref<10112x16xf32, #tpu.memory_space<vmem_shared>> -> memref<10112x16xf32, #tpu.memory_space<vmem_shared>>
      tpu.wait_indirect_dma semaphore(%arg29 : memref<!tpu.dma_semaphore, #tpu.memory_space<semaphore_mem>>) src(%arg6 : memref<128x16xf32, #tpu.memory_space<vmem>>) dst(%dma_wait3A_233 : memref<10112x16xf32, #tpu.memory_space<vmem_shared>>)
    } else {
    }
    %sub3A_205 = arith.constant 8 : i32
    %sub3A_206 = arith.subi %add3A, %sub3A_205 : i32
    %add3A_207 = arith.constant 6 : i32
    %add3A_208 = arith.addi %sub3A_206, %add3A_207 : i32
    %ge3A_209 = arith.constant 0 : i32
    %ge3A_210 = arith.cmpi sge, %add3A_208, %ge3A_209 : i32
    %convert_element_type3A_211 = arith.extui %ge3A_210 : i1 to i32
    %cond3A_212 = arith.constant 0 : i32
    %cond3A_213 = arith.cmpi ne, %convert_element_type3A_211, %cond3A_212 : i32
    scf.if %cond3A_213 {
      %dma_wait3A = arith.constant 1 : i32
      %dma_wait3A_228 = arith.constant 0 : i32
      %dma_wait3A_229 = tpu.memref_slice %arg5[%sub3A_35, %dma_wait3A, %dma_wait3A_228] : memref<79x2x128xi32, #tpu.memory_space<vmem>> -> memref<1x1x128xi32, #tpu.memory_space<vmem>>
      %dma_wait3A_230 = tpu.memref_squeeze %dma_wait3A_229 : memref<1x1x128xi32, #tpu.memory_space<vmem>> -> memref<128xi32, #tpu.memory_space<vmem>>
      %dma_wait3A_231 = arith.constant 0 : i32
      %dma_wait3A_232 = arith.constant 0 : i32
      %dma_wait3A_233 = tpu.memref_slice %arg15[%dma_wait3A_231, %dma_wait3A_232] : memref<10112x16xf32, #tpu.memory_space<vmem_shared>> -> memref<10112x16xf32, #tpu.memory_space<vmem_shared>>
      tpu.wait_indirect_dma semaphore(%arg30 : memref<!tpu.dma_semaphore, #tpu.memory_space<semaphore_mem>>) src(%arg6 : memref<128x16xf32, #tpu.memory_space<vmem>>) dst(%dma_wait3A_233 : memref<10112x16xf32, #tpu.memory_space<vmem_shared>>)
    } else {
    }
    %sub3A_214 = arith.constant 8 : i32
    %sub3A_215 = arith.subi %add3A, %sub3A_214 : i32
    %add3A_216 = arith.constant 7 : i32
    %add3A_217 = arith.addi %sub3A_215, %add3A_216 : i32
    %ge3A_218 = arith.constant 0 : i32
    %ge3A_219 = arith.cmpi sge, %add3A_217, %ge3A_218 : i32
    %convert_element_type3A_220 = arith.extui %ge3A_219 : i1 to i32
    %cond3A_221 = arith.constant 0 : i32
    %cond3A_222 = arith.cmpi ne, %convert_element_type3A_220, %cond3A_221 : i32
    scf.if %cond3A_222 {
      %dma_wait3A = arith.constant 1 : i32
      %dma_wait3A_228 = arith.constant 0 : i32
      %dma_wait3A_229 = tpu.memref_slice %arg5[%sub3A_35, %dma_wait3A, %dma_wait3A_228] : memref<79x2x128xi32, #tpu.memory_space<vmem>> -> memref<1x1x128xi32, #tpu.memory_space<vmem>>
      %dma_wait3A_230 = tpu.memref_squeeze %dma_wait3A_229 : memref<1x1x128xi32, #tpu.memory_space<vmem>> -> memref<128xi32, #tpu.memory_space<vmem>>
      %dma_wait3A_231 = arith.constant 0 : i32
      %dma_wait3A_232 = arith.constant 0 : i32
      %dma_wait3A_233 = tpu.memref_slice %arg15[%dma_wait3A_231, %dma_wait3A_232] : memref<10112x16xf32, #tpu.memory_space<vmem_shared>> -> memref<10112x16xf32, #tpu.memory_space<vmem_shared>>
      tpu.wait_indirect_dma semaphore(%arg31 : memref<!tpu.dma_semaphore, #tpu.memory_space<semaphore_mem>>) src(%arg6 : memref<128x16xf32, #tpu.memory_space<vmem>>) dst(%dma_wait3A_233 : memref<10112x16xf32, #tpu.memory_space<vmem_shared>>)
    } else {
    }
    %barrier3A_223 = arith.constant 0 : index
    tpu.barrier barrier_id(%barrier3A_223)
    %mul3A_224 = arith.constant 632 : i32
    %mul3A_225 = arith.muli %arg1, %mul3A_224 : i32
    "tpu.region"() ({
      %run_scoped3A = tpu.sem_alloc : memref<!tpu.dma_semaphore, #tpu.memory_space<semaphore_mem>>
      %dma_start3A_228 = arith.constant 0 : i32
      %dma_start3A_229 = tpu.memref_slice %arg15[%mul3A_225, %dma_start3A_228] : memref<10112x16xf32, #tpu.memory_space<vmem_shared>> -> memref<632x16xf32, #tpu.memory_space<vmem_shared>>
      %dma_start3A_230 = arith.constant 0 : i32
      %dma_start3A_231 = tpu.memref_slice %arg15[%mul3A_225, %dma_start3A_230] : memref<10112x16xf32, #tpu.memory_space<vmem_shared>> -> memref<632x16xf32, #tpu.memory_space<vmem_shared>>
      tpu.enqueue_dma source(%dma_start3A_231 : memref<632x16xf32, #tpu.memory_space<vmem_shared>>) target(%arg14 : memref<632x16xf32, #tpu.memory_space<vmem>>) target_semaphore(%run_scoped3A : memref<!tpu.dma_semaphore, #tpu.memory_space<semaphore_mem>>)
      %dma_wait3A = arith.constant 0 : i32
      %dma_wait3A_232 = tpu.memref_slice %arg15[%mul3A_225, %dma_wait3A] : memref<10112x16xf32, #tpu.memory_space<vmem_shared>> -> memref<632x16xf32, #tpu.memory_space<vmem_shared>>
      %dma_wait3A_233 = arith.constant 0 : i32
      %dma_wait3A_234 = tpu.memref_slice %arg15[%mul3A_225, %dma_wait3A_233] : memref<10112x16xf32, #tpu.memory_space<vmem_shared>> -> memref<632x16xf32, #tpu.memory_space<vmem_shared>>
      tpu.wait_dma2 semaphore(%run_scoped3A : memref<!tpu.dma_semaphore, #tpu.memory_space<semaphore_mem>>) src(%dma_wait3A_234 : memref<632x16xf32, #tpu.memory_space<vmem_shared>>) dst(%arg14 : memref<632x16xf32, #tpu.memory_space<vmem>>)
      tpu.yield
    }) : () -> ()
    %mul3A_226 = arith.constant 632 : i32
    %mul3A_227 = arith.muli %arg1, %mul3A_226 : i32
    "tpu.region"() ({
      %run_scoped3A = tpu.sem_alloc : memref<!tpu.dma_semaphore, #tpu.memory_space<semaphore_mem>>
      %dma_start3A_228 = arith.constant 0 : i32
      %dma_start3A_229 = tpu.memref_slice %arg4[%arg0, %mul3A_227, %dma_start3A_228] : memref<2x10112x16xf32, #tpu.memory_space<hbm>> -> memref<1x632x16xf32, #tpu.memory_space<hbm>>
      %dma_start3A_230 = tpu.memref_squeeze %dma_start3A_229 : memref<1x632x16xf32, #tpu.memory_space<hbm>> -> memref<632x16xf32, #tpu.memory_space<hbm>>
      %dma_start3A_231 = arith.constant 0 : i32
      %dma_start3A_232 = tpu.memref_slice %arg4[%arg0, %mul3A_227, %dma_start3A_231] : memref<2x10112x16xf32, #tpu.memory_space<hbm>> -> memref<1x632x16xf32, #tpu.memory_space<hbm>>
      %dma_start3A_233 = tpu.memref_squeeze %dma_start3A_232 : memref<1x632x16xf32, #tpu.memory_space<hbm>> -> memref<632x16xf32, #tpu.memory_space<hbm>>
      tpu.enqueue_dma source(%arg14 : memref<632x16xf32, #tpu.memory_space<vmem>>) target(%dma_start3A_233 : memref<632x16xf32, #tpu.memory_space<hbm>>) target_semaphore(%run_scoped3A : memref<!tpu.dma_semaphore, #tpu.memory_space<semaphore_mem>>)
      %dma_wait3A = arith.constant 0 : i32
      %dma_wait3A_234 = tpu.memref_slice %arg4[%arg0, %mul3A_227, %dma_wait3A] : memref<2x10112x16xf32, #tpu.memory_space<hbm>> -> memref<1x632x16xf32, #tpu.memory_space<hbm>>
      %dma_wait3A_235 = tpu.memref_squeeze %dma_wait3A_234 : memref<1x632x16xf32, #tpu.memory_space<hbm>> -> memref<632x16xf32, #tpu.memory_space<hbm>>
      %dma_wait3A_236 = arith.constant 0 : i32
      %dma_wait3A_237 = tpu.memref_slice %arg4[%arg0, %mul3A_227, %dma_wait3A_236] : memref<2x10112x16xf32, #tpu.memory_space<hbm>> -> memref<1x632x16xf32, #tpu.memory_space<hbm>>
      %dma_wait3A_238 = tpu.memref_squeeze %dma_wait3A_237 : memref<1x632x16xf32, #tpu.memory_space<hbm>> -> memref<632x16xf32, #tpu.memory_space<hbm>>
      tpu.wait_dma2 semaphore(%run_scoped3A : memref<!tpu.dma_semaphore, #tpu.memory_space<semaphore_mem>>) src(%arg14 : memref<632x16xf32, #tpu.memory_space<vmem>>) dst(%dma_wait3A_238 : memref<632x16xf32, #tpu.memory_space<hbm>>)
      tpu.yield
    }) : () -> ()
    return
  }
}

module attributes {stable_mosaic.version = 14 : i64} {
  func.func @_dense1_body(%arg0: memref<2x1264x128xf32, #tpu.memory_space<vmem>>, %arg1: memref<1250x128xf32, #tpu.memory_space<vmem>>, %arg2: memref<1264x128xf32, #tpu.memory_space<vmem>>, %arg3: memref<1264x128xf32, #tpu.memory_space<vmem>>) attributes {dimension_semantics = [], scalar_prefetch = 0 : i64, scratch_operands = 0 : i64, tpu.core_type = #tpu.core_type<tc>} {
    %get3A = arith.constant 0 : index
    %get3A_0 = arith.constant 0 : index
    %get3A_1 = arith.constant 0 : index
    %get3A_2 = vector.load %arg0[%get3A, %get3A_0, %get3A_1] : memref<2x1264x128xf32, #tpu.memory_space<vmem>>, vector<1x1264x128xf32>
    %get3A_3 = vector.shape_cast %get3A_2 : vector<1x1264x128xf32> to vector<1264x128xf32>
    %get3A_4 = arith.constant 1 : index
    %get3A_5 = arith.constant 0 : index
    %get3A_6 = arith.constant 0 : index
    %get3A_7 = vector.load %arg0[%get3A_4, %get3A_5, %get3A_6] : memref<2x1264x128xf32, #tpu.memory_space<vmem>>, vector<1x1264x128xf32>
    %get3A_8 = vector.shape_cast %get3A_7 : vector<1x1264x128xf32> to vector<1264x128xf32>
    %add3A = arith.addf %get3A_3, %get3A_8 : vector<1264x128xf32>
    %add3A_9 = arith.constant 1.000000e+00 : f32
    %add3A_10 = vector.broadcast %add3A_9 : f32 to vector<1264x128xf32>
    %add3A_11 = arith.addf %add3A, %add3A_10 : vector<1264x128xf32>
    %rsqrt3A = math.rsqrt %add3A_11 : vector<1264x128xf32>
    %swap3A = arith.constant 0 : index
    %swap3A_12 = arith.constant 0 : index
    %swap3A_13 = vector.load %arg2[%swap3A, %swap3A_12] : memref<1264x128xf32, #tpu.memory_space<vmem>>, vector<1264x128xf32>
    tpu.vector_store %arg2[%swap3A, %swap3A_12], %rsqrt3A {strides = array<i32>} : memref<1264x128xf32, #tpu.memory_space<vmem>>, vector<1264x128xf32>,
    %get3A_14 = arith.constant 0 : index
    %get3A_15 = arith.constant 0 : index
    %get3A_16 = vector.load %arg1[%get3A_14, %get3A_15] : memref<1250x128xf32, #tpu.memory_space<vmem>>, vector<1250x128xf32>
    %slice3A = vector.extract_strided_slice %rsqrt3A {offsets = [0, 0], sizes = [1250, 128], strides = [1, 1]} : vector<1264x128xf32> to vector<1250x128xf32>
    %mul3A = arith.mulf %get3A_16, %slice3A : vector<1250x128xf32>
    %swap3A_17 = arith.constant 0 : index
    %swap3A_18 = arith.constant 0 : index
    %swap3A_19 = vector.load %arg3[%swap3A_17, %swap3A_18] : memref<1264x128xf32, #tpu.memory_space<vmem>>, vector<1250x128xf32>
    tpu.vector_store %arg3[%swap3A_17, %swap3A_18], %mul3A {strides = array<i32>} : memref<1264x128xf32, #tpu.memory_space<vmem>>, vector<1250x128xf32>,
    %broadcast_in_dim3A = arith.constant 0.000000e+00 : f32
    %broadcast_in_dim3A_20 = vector.broadcast %broadcast_in_dim3A : f32 to vector<14x128xf32>
    %swap3A_21 = arith.constant 1250 : index
    %swap3A_22 = arith.constant 0 : index
    %swap3A_23 = vector.load %arg3[%swap3A_21, %swap3A_22] : memref<1264x128xf32, #tpu.memory_space<vmem>>, vector<14x128xf32>
    tpu.vector_store %arg3[%swap3A_21, %swap3A_22], %broadcast_in_dim3A_20 {strides = array<i32>} : memref<1264x128xf32, #tpu.memory_space<vmem>>, vector<14x128xf32>,
    return
  }
}

module attributes {stable_mosaic.version = 14 : i64} {
  func.func @_mm1_body(%arg0: memref<1250x8x128xf32, #tpu.memory_space<vmem>>, %arg1: memref<8x128x128xf32, #tpu.memory_space<vmem>>, %arg2: memref<1250x128xf32, #tpu.memory_space<vmem>>) attributes {dimension_semantics = [], scalar_prefetch = 0 : i64, scratch_operands = 0 : i64, tpu.core_type = #tpu.core_type<tc>} {
    %broadcast_in_dim3A = arith.constant 0.000000e+00 : f32
    %broadcast_in_dim3A_0 = vector.broadcast %broadcast_in_dim3A : f32 to vector<1250x128xf32>
    %get3A = arith.constant 0 : index
    %get3A_1 = arith.constant 0 : index
    %get3A_2 = arith.constant 0 : index
    %get3A_3 = vector.load %arg0[%get3A, %get3A_1, %get3A_2] : memref<1250x8x128xf32, #tpu.memory_space<vmem>>, vector<1250x1x128xf32>
    %get3A_4 = vector.shape_cast %get3A_3 : vector<1250x1x128xf32> to vector<1250x128xf32>
    %get3A_5 = arith.constant 0 : index
    %get3A_6 = arith.constant 0 : index
    %get3A_7 = arith.constant 0 : index
    %get3A_8 = vector.load %arg1[%get3A_5, %get3A_6, %get3A_7] : memref<8x128x128xf32, #tpu.memory_space<vmem>>, vector<1x128x128xf32>
    %get3A_9 = vector.shape_cast %get3A_8 : vector<1x128x128xf32> to vector<128x128xf32>
    %dot_general3A = arith.constant dense<0.000000e+00> : vector<1250x128xf32>
    %dot_general3A_10 = tpu.matmul %get3A_4, %get3A_9, %dot_general3A {dimension_numbers = #tpu.dot_dimension_numbers<[1], [0], [0], [1], [0, 0, 1, 1], [], []>, transpose_lhs_hint = false} : vector<1250x128xf32>, vector<128x128xf32>, vector<1250x128xf32> -> vector<1250x128xf32>
    %add3A = arith.addf %broadcast_in_dim3A_0, %dot_general3A_10 : vector<1250x128xf32>
    %get3A_11 = arith.constant 0 : index
    %get3A_12 = arith.constant 1 : index
    %get3A_13 = arith.constant 0 : index
    %get3A_14 = vector.load %arg0[%get3A_11, %get3A_12, %get3A_13] : memref<1250x8x128xf32, #tpu.memory_space<vmem>>, vector<1250x1x128xf32>
    %get3A_15 = vector.shape_cast %get3A_14 : vector<1250x1x128xf32> to vector<1250x128xf32>
    %get3A_16 = arith.constant 1 : index
    %get3A_17 = arith.constant 0 : index
    %get3A_18 = arith.constant 0 : index
    %get3A_19 = vector.load %arg1[%get3A_16, %get3A_17, %get3A_18] : memref<8x128x128xf32, #tpu.memory_space<vmem>>, vector<1x128x128xf32>
    %get3A_20 = vector.shape_cast %get3A_19 : vector<1x128x128xf32> to vector<128x128xf32>
    %dot_general3A_21 = arith.constant dense<0.000000e+00> : vector<1250x128xf32>
    %dot_general3A_22 = tpu.matmul %get3A_15, %get3A_20, %dot_general3A_21 {dimension_numbers = #tpu.dot_dimension_numbers<[1], [0], [0], [1], [0, 0, 1, 1], [], []>, transpose_lhs_hint = false} : vector<1250x128xf32>, vector<128x128xf32>, vector<1250x128xf32> -> vector<1250x128xf32>
    %add3A_23 = arith.addf %add3A, %dot_general3A_22 : vector<1250x128xf32>
    %get3A_24 = arith.constant 0 : index
    %get3A_25 = arith.constant 2 : index
    %get3A_26 = arith.constant 0 : index
    %get3A_27 = vector.load %arg0[%get3A_24, %get3A_25, %get3A_26] : memref<1250x8x128xf32, #tpu.memory_space<vmem>>, vector<1250x1x128xf32>
    %get3A_28 = vector.shape_cast %get3A_27 : vector<1250x1x128xf32> to vector<1250x128xf32>
    %get3A_29 = arith.constant 2 : index
    %get3A_30 = arith.constant 0 : index
    %get3A_31 = arith.constant 0 : index
    %get3A_32 = vector.load %arg1[%get3A_29, %get3A_30, %get3A_31] : memref<8x128x128xf32, #tpu.memory_space<vmem>>, vector<1x128x128xf32>
    %get3A_33 = vector.shape_cast %get3A_32 : vector<1x128x128xf32> to vector<128x128xf32>
    %dot_general3A_34 = arith.constant dense<0.000000e+00> : vector<1250x128xf32>
    %dot_general3A_35 = tpu.matmul %get3A_28, %get3A_33, %dot_general3A_34 {dimension_numbers = #tpu.dot_dimension_numbers<[1], [0], [0], [1], [0, 0, 1, 1], [], []>, transpose_lhs_hint = false} : vector<1250x128xf32>, vector<128x128xf32>, vector<1250x128xf32> -> vector<1250x128xf32>
    %add3A_36 = arith.addf %add3A_23, %dot_general3A_35 : vector<1250x128xf32>
    %get3A_37 = arith.constant 0 : index
    %get3A_38 = arith.constant 3 : index
    %get3A_39 = arith.constant 0 : index
    %get3A_40 = vector.load %arg0[%get3A_37, %get3A_38, %get3A_39] : memref<1250x8x128xf32, #tpu.memory_space<vmem>>, vector<1250x1x128xf32>
    %get3A_41 = vector.shape_cast %get3A_40 : vector<1250x1x128xf32> to vector<1250x128xf32>
    %get3A_42 = arith.constant 3 : index
    %get3A_43 = arith.constant 0 : index
    %get3A_44 = arith.constant 0 : index
    %get3A_45 = vector.load %arg1[%get3A_42, %get3A_43, %get3A_44] : memref<8x128x128xf32, #tpu.memory_space<vmem>>, vector<1x128x128xf32>
    %get3A_46 = vector.shape_cast %get3A_45 : vector<1x128x128xf32> to vector<128x128xf32>
    %dot_general3A_47 = arith.constant dense<0.000000e+00> : vector<1250x128xf32>
    %dot_general3A_48 = tpu.matmul %get3A_41, %get3A_46, %dot_general3A_47 {dimension_numbers = #tpu.dot_dimension_numbers<[1], [0], [0], [1], [0, 0, 1, 1], [], []>, transpose_lhs_hint = false} : vector<1250x128xf32>, vector<128x128xf32>, vector<1250x128xf32> -> vector<1250x128xf32>
    %add3A_49 = arith.addf %add3A_36, %dot_general3A_48 : vector<1250x128xf32>
    %get3A_50 = arith.constant 0 : index
    %get3A_51 = arith.constant 4 : index
    %get3A_52 = arith.constant 0 : index
    %get3A_53 = vector.load %arg0[%get3A_50, %get3A_51, %get3A_52] : memref<1250x8x128xf32, #tpu.memory_space<vmem>>, vector<1250x1x128xf32>
    %get3A_54 = vector.shape_cast %get3A_53 : vector<1250x1x128xf32> to vector<1250x128xf32>
    %get3A_55 = arith.constant 4 : index
    %get3A_56 = arith.constant 0 : index
    %get3A_57 = arith.constant 0 : index
    %get3A_58 = vector.load %arg1[%get3A_55, %get3A_56, %get3A_57] : memref<8x128x128xf32, #tpu.memory_space<vmem>>, vector<1x128x128xf32>
    %get3A_59 = vector.shape_cast %get3A_58 : vector<1x128x128xf32> to vector<128x128xf32>
    %dot_general3A_60 = arith.constant dense<0.000000e+00> : vector<1250x128xf32>
    %dot_general3A_61 = tpu.matmul %get3A_54, %get3A_59, %dot_general3A_60 {dimension_numbers = #tpu.dot_dimension_numbers<[1], [0], [0], [1], [0, 0, 1, 1], [], []>, transpose_lhs_hint = false} : vector<1250x128xf32>, vector<128x128xf32>, vector<1250x128xf32> -> vector<1250x128xf32>
    %add3A_62 = arith.addf %add3A_49, %dot_general3A_61 : vector<1250x128xf32>
    %get3A_63 = arith.constant 0 : index
    %get3A_64 = arith.constant 5 : index
    %get3A_65 = arith.constant 0 : index
    %get3A_66 = vector.load %arg0[%get3A_63, %get3A_64, %get3A_65] : memref<1250x8x128xf32, #tpu.memory_space<vmem>>, vector<1250x1x128xf32>
    %get3A_67 = vector.shape_cast %get3A_66 : vector<1250x1x128xf32> to vector<1250x128xf32>
    %get3A_68 = arith.constant 5 : index
    %get3A_69 = arith.constant 0 : index
    %get3A_70 = arith.constant 0 : index
    %get3A_71 = vector.load %arg1[%get3A_68, %get3A_69, %get3A_70] : memref<8x128x128xf32, #tpu.memory_space<vmem>>, vector<1x128x128xf32>
    %get3A_72 = vector.shape_cast %get3A_71 : vector<1x128x128xf32> to vector<128x128xf32>
    %dot_general3A_73 = arith.constant dense<0.000000e+00> : vector<1250x128xf32>
    %dot_general3A_74 = tpu.matmul %get3A_67, %get3A_72, %dot_general3A_73 {dimension_numbers = #tpu.dot_dimension_numbers<[1], [0], [0], [1], [0, 0, 1, 1], [], []>, transpose_lhs_hint = false} : vector<1250x128xf32>, vector<128x128xf32>, vector<1250x128xf32> -> vector<1250x128xf32>
    %add3A_75 = arith.addf %add3A_62, %dot_general3A_74 : vector<1250x128xf32>
    %get3A_76 = arith.constant 0 : index
    %get3A_77 = arith.constant 6 : index
    %get3A_78 = arith.constant 0 : index
    %get3A_79 = vector.load %arg0[%get3A_76, %get3A_77, %get3A_78] : memref<1250x8x128xf32, #tpu.memory_space<vmem>>, vector<1250x1x128xf32>
    %get3A_80 = vector.shape_cast %get3A_79 : vector<1250x1x128xf32> to vector<1250x128xf32>
    %get3A_81 = arith.constant 6 : index
    %get3A_82 = arith.constant 0 : index
    %get3A_83 = arith.constant 0 : index
    %get3A_84 = vector.load %arg1[%get3A_81, %get3A_82, %get3A_83] : memref<8x128x128xf32, #tpu.memory_space<vmem>>, vector<1x128x128xf32>
    %get3A_85 = vector.shape_cast %get3A_84 : vector<1x128x128xf32> to vector<128x128xf32>
    %dot_general3A_86 = arith.constant dense<0.000000e+00> : vector<1250x128xf32>
    %dot_general3A_87 = tpu.matmul %get3A_80, %get3A_85, %dot_general3A_86 {dimension_numbers = #tpu.dot_dimension_numbers<[1], [0], [0], [1], [0, 0, 1, 1], [], []>, transpose_lhs_hint = false} : vector<1250x128xf32>, vector<128x128xf32>, vector<1250x128xf32> -> vector<1250x128xf32>
    %add3A_88 = arith.addf %add3A_75, %dot_general3A_87 : vector<1250x128xf32>
    %get3A_89 = arith.constant 0 : index
    %get3A_90 = arith.constant 7 : index
    %get3A_91 = arith.constant 0 : index
    %get3A_92 = vector.load %arg0[%get3A_89, %get3A_90, %get3A_91] : memref<1250x8x128xf32, #tpu.memory_space<vmem>>, vector<1250x1x128xf32>
    %get3A_93 = vector.shape_cast %get3A_92 : vector<1250x1x128xf32> to vector<1250x128xf32>
    %get3A_94 = arith.constant 7 : index
    %get3A_95 = arith.constant 0 : index
    %get3A_96 = arith.constant 0 : index
    %get3A_97 = vector.load %arg1[%get3A_94, %get3A_95, %get3A_96] : memref<8x128x128xf32, #tpu.memory_space<vmem>>, vector<1x128x128xf32>
    %get3A_98 = vector.shape_cast %get3A_97 : vector<1x128x128xf32> to vector<128x128xf32>
    %dot_general3A_99 = arith.constant dense<0.000000e+00> : vector<1250x128xf32>
    %dot_general3A_100 = tpu.matmul %get3A_93, %get3A_98, %dot_general3A_99 {dimension_numbers = #tpu.dot_dimension_numbers<[1], [0], [0], [1], [0, 0, 1, 1], [], []>, transpose_lhs_hint = false} : vector<1250x128xf32>, vector<128x128xf32>, vector<1250x128xf32> -> vector<1250x128xf32>
    %add3A_101 = arith.addf %add3A_88, %dot_general3A_100 : vector<1250x128xf32>
    %swap3A = arith.constant 0 : index
    %swap3A_102 = arith.constant 0 : index
    %swap3A_103 = vector.load %arg2[%swap3A, %swap3A_102] : memref<1250x128xf32, #tpu.memory_space<vmem>>, vector<1250x128xf32>
    tpu.vector_store %arg2[%swap3A, %swap3A_102], %add3A_101 {strides = array<i32>} : memref<1250x128xf32, #tpu.memory_space<vmem>>, vector<1250x128xf32>,
    return
  }
}

module attributes {stable_mosaic.version = 14 : i64} {
  func.func @_dense2_body(%arg0: memref<2x1264x128xf32, #tpu.memory_space<vmem>>, %arg1: memref<1264x128xf32, #tpu.memory_space<vmem>>, %arg2: memref<1264x128xf32, #tpu.memory_space<vmem>>, %arg3: memref<1x128xf32, #tpu.memory_space<vmem>>, %arg4: memref<128x128xf32, #tpu.memory_space<vmem>>, %arg5: memref<1264x128xf32, #tpu.memory_space<vmem>>) attributes {dimension_semantics = [], scalar_prefetch = 0 : i64, scratch_operands = 0 : i64, tpu.core_type = #tpu.core_type<tc>} {
    %get3A = arith.constant 0 : index
    %get3A_0 = arith.constant 0 : index
    %get3A_1 = arith.constant 0 : index
    %get3A_2 = vector.load %arg0[%get3A, %get3A_0, %get3A_1] : memref<2x1264x128xf32, #tpu.memory_space<vmem>>, vector<1x1264x128xf32>
    %get3A_3 = vector.shape_cast %get3A_2 : vector<1x1264x128xf32> to vector<1264x128xf32>
    %get3A_4 = arith.constant 1 : index
    %get3A_5 = arith.constant 0 : index
    %get3A_6 = arith.constant 0 : index
    %get3A_7 = vector.load %arg0[%get3A_4, %get3A_5, %get3A_6] : memref<2x1264x128xf32, #tpu.memory_space<vmem>>, vector<1x1264x128xf32>
    %get3A_8 = vector.shape_cast %get3A_7 : vector<1x1264x128xf32> to vector<1264x128xf32>
    %add3A = arith.addf %get3A_3, %get3A_8 : vector<1264x128xf32>
    %get3A_9 = arith.constant 0 : index
    %get3A_10 = arith.constant 0 : index
    %get3A_11 = vector.load %arg1[%get3A_9, %get3A_10] : memref<1264x128xf32, #tpu.memory_space<vmem>>, vector<1264x128xf32>
    %add3A_12 = arith.addf %add3A, %get3A_11 : vector<1264x128xf32>
    %get3A_13 = arith.constant 0 : index
    %get3A_14 = arith.constant 0 : index
    %get3A_15 = vector.load %arg2[%get3A_13, %get3A_14] : memref<1264x128xf32, #tpu.memory_space<vmem>>, vector<1264x128xf32>
    %mul3A = arith.mulf %get3A_15, %add3A_12 : vector<1264x128xf32>
    %get3A_16 = arith.constant 0 : index
    %get3A_17 = arith.constant 0 : index
    %get3A_18 = vector.load %arg3[%get3A_16, %get3A_17] : memref<1x128xf32, #tpu.memory_space<vmem>>, vector<1x128xf32>
    %add3A_19 = vector.broadcast %get3A_18 : vector<1x128xf32> to vector<1264x128xf32>
    %add3A_20 = arith.addf %mul3A, %add3A_19 : vector<1264x128xf32>
    %max3A = arith.constant 0.000000e+00 : f32
    %max3A_21 = vector.broadcast %max3A : f32 to vector<1264x128xf32>
    %max3A_22 = arith.maximumf %add3A_20, %max3A_21 : vector<1264x128xf32>
    %get3A_23 = arith.constant 0 : index
    %get3A_24 = arith.constant 0 : index
    %get3A_25 = vector.load %arg4[%get3A_23, %get3A_24] : memref<128x128xf32, #tpu.memory_space<vmem>>, vector<128x128xf32>
    %dot_general3A = arith.constant dense<0.000000e+00> : vector<1264x128xf32>
    %dot_general3A_26 = tpu.matmul %max3A_22, %get3A_25, %dot_general3A {dimension_numbers = #tpu.dot_dimension_numbers<[1], [0], [0], [1], [0, 0, 1, 1], [], []>, transpose_lhs_hint = false} : vector<1264x128xf32>, vector<128x128xf32>, vector<1264x128xf32> -> vector<1264x128xf32>
    %get3A_27 = arith.constant 0 : index
    %get3A_28 = arith.constant 0 : index
    %get3A_29 = vector.load %arg2[%get3A_27, %get3A_28] : memref<1264x128xf32, #tpu.memory_space<vmem>>, vector<1264x128xf32>
    %mul3A_30 = arith.mulf %dot_general3A_26, %get3A_29 : vector<1264x128xf32>
    %swap3A = arith.constant 0 : index
    %swap3A_31 = arith.constant 0 : index
    %swap3A_32 = vector.load %arg5[%swap3A, %swap3A_31] : memref<1264x128xf32, #tpu.memory_space<vmem>>, vector<1264x128xf32>
    tpu.vector_store %arg5[%swap3A, %swap3A_31], %mul3A_30 {strides = array<i32>} : memref<1264x128xf32, #tpu.memory_space<vmem>>, vector<1264x128xf32>,
    return
  }
}

module attributes {stable_mosaic.version = 14 : i64} {
  func.func @_dense3_body(%arg0: memref<2x1264x128xf32, #tpu.memory_space<vmem>>, %arg1: memref<1264x128xf32, #tpu.memory_space<vmem>>, %arg2: memref<1264x128xf32, #tpu.memory_space<vmem>>, %arg3: memref<1x128xf32, #tpu.memory_space<vmem>>, %arg4: memref<128x8xf32, #tpu.memory_space<vmem>>, %arg5: memref<1x8xf32, #tpu.memory_space<vmem>>, %arg6: memref<1264x8xf32, #tpu.memory_space<vmem>>) attributes {dimension_semantics = [], scalar_prefetch = 0 : i64, scratch_operands = 0 : i64, tpu.core_type = #tpu.core_type<tc>} {
    %get3A = arith.constant 0 : index
    %get3A_0 = arith.constant 0 : index
    %get3A_1 = arith.constant 0 : index
    %get3A_2 = vector.load %arg0[%get3A, %get3A_0, %get3A_1] : memref<2x1264x128xf32, #tpu.memory_space<vmem>>, vector<1x1264x128xf32>
    %get3A_3 = vector.shape_cast %get3A_2 : vector<1x1264x128xf32> to vector<1264x128xf32>
    %get3A_4 = arith.constant 1 : index
    %get3A_5 = arith.constant 0 : index
    %get3A_6 = arith.constant 0 : index
    %get3A_7 = vector.load %arg0[%get3A_4, %get3A_5, %get3A_6] : memref<2x1264x128xf32, #tpu.memory_space<vmem>>, vector<1x1264x128xf32>
    %get3A_8 = vector.shape_cast %get3A_7 : vector<1x1264x128xf32> to vector<1264x128xf32>
    %add3A = arith.addf %get3A_3, %get3A_8 : vector<1264x128xf32>
    %get3A_9 = arith.constant 0 : index
    %get3A_10 = arith.constant 0 : index
    %get3A_11 = vector.load %arg1[%get3A_9, %get3A_10] : memref<1264x128xf32, #tpu.memory_space<vmem>>, vector<1264x128xf32>
    %add3A_12 = arith.addf %add3A, %get3A_11 : vector<1264x128xf32>
    %get3A_13 = arith.constant 0 : index
    %get3A_14 = arith.constant 0 : index
    %get3A_15 = vector.load %arg2[%get3A_13, %get3A_14] : memref<1264x128xf32, #tpu.memory_space<vmem>>, vector<1264x128xf32>
    %mul3A = arith.mulf %get3A_15, %add3A_12 : vector<1264x128xf32>
    %get3A_16 = arith.constant 0 : index
    %get3A_17 = arith.constant 0 : index
    %get3A_18 = vector.load %arg3[%get3A_16, %get3A_17] : memref<1x128xf32, #tpu.memory_space<vmem>>, vector<1x128xf32>
    %add3A_19 = vector.broadcast %get3A_18 : vector<1x128xf32> to vector<1264x128xf32>
    %add3A_20 = arith.addf %mul3A, %add3A_19 : vector<1264x128xf32>
    %max3A = arith.constant 0.000000e+00 : f32
    %max3A_21 = vector.broadcast %max3A : f32 to vector<1264x128xf32>
    %max3A_22 = arith.maximumf %add3A_20, %max3A_21 : vector<1264x128xf32>
    %get3A_23 = arith.constant 0 : index
    %get3A_24 = arith.constant 0 : index
    %get3A_25 = vector.load %arg4[%get3A_23, %get3A_24] : memref<128x8xf32, #tpu.memory_space<vmem>>, vector<128x8xf32>
    %dot_general3A = arith.constant dense<0.000000e+00> : vector<1264x8xf32>
    %dot_general3A_26 = tpu.matmul %max3A_22, %get3A_25, %dot_general3A {dimension_numbers = #tpu.dot_dimension_numbers<[1], [0], [0], [1], [0, 0, 1, 1], [], []>, transpose_lhs_hint = false} : vector<1264x128xf32>, vector<128x8xf32>, vector<1264x8xf32> -> vector<1264x8xf32>
    %get3A_27 = arith.constant 0 : index
    %get3A_28 = arith.constant 0 : index
    %get3A_29 = vector.load %arg5[%get3A_27, %get3A_28] : memref<1x8xf32, #tpu.memory_space<vmem>>, vector<1x8xf32>
    %add3A_30 = vector.broadcast %get3A_29 : vector<1x8xf32> to vector<1264x8xf32>
    %add3A_31 = arith.addf %dot_general3A_26, %add3A_30 : vector<1264x8xf32>
    %swap3A = arith.constant 0 : index
    %swap3A_32 = arith.constant 0 : index
    %swap3A_33 = vector.load %arg6[%swap3A, %swap3A_32] : memref<1264x8xf32, #tpu.memory_space<vmem>>, vector<1264x8xf32>
    tpu.vector_store %arg6[%swap3A, %swap3A_32], %add3A_31 {strides = array<i32>} : memref<1264x8xf32, #tpu.memory_space<vmem>>, vector<1264x8xf32>,
    return
  }
}

</mosaic_0001>

<sc_bundles>
// kernel: kernel.12.cloned.1.call-start
scs
__scs_entry_jumppad:
0x0: {  	(pc) =	sbr.rel $0x88, $3  }
0x1: {  	(tag) =	ssettag $0x0;
	lr =	simm.s32 $0x1  }
0x2: {  	[smem:$0x3F99] =	sst lr;
	_ =	strace $0xD0000000  }
0x3: {  	_ = 	snop  }
0x4: {  	_ = 	snop  }
0x5: {  	_ = 	snop  }
0x6: {  	_ = 	snop  }
0x7: {  	_ = 	snop  }
__scs_overlays_trampoline_lowered:
0x8: {  	[smem:$0x3FA8] =	sst s0  }
0x9: {  	[smem:$0x3FA9] =	sst s1  }
0xa: {  	[smem:$0x3FAA] =	sst s2  }
0xb: {  	[smem:$0x3FAB] =	sst s3  }
0xc: {  	[smem:$0x3FAC] =	sst s4  }
0xd: {  	[smem:$0x3FAD] =	sst s5  }
0xe: {  	[smem:$0x3FAE] =	sst s6  }
0xf: {  	[smem:$0x3FAF] =	sst s7  }
0x10: {  	[smem:$0x3FB0] =	sst s8  }
0x11: {  	[smem:$0x3FB1] =	sst s9;
	s0 =	simm.s32 @!p0 $0x0  }
0x12: {  	s1 =	sld [smem:$0x3F97];
	s0 =	simm.s32 @p0 $0x1  }
0x13: {  	[smem:$0x3FB2] =	sst s0;
	s0 =	simm.s32 @!p1 $0x0  }
0x14: {  	s2 =	sld [smem:$0x3F96];
	s0 =	simm.s32 @p1 $0x1  }
0x15: {  	[smem:$0x3FB3] =	sst s0;
	s0 =	simm.s32 @!p2 $0x0  }
0x16: {  	s3 =	sld [smem:$0x3FDB];
	s0 =	simm.s32 @p2 $0x1  }
0x17: {  	s4 =	simm.s32 $0x1BF5;
	[smem:$0x3FB5] =	sst s0  }
0x18: {  	s0 =	sld [smem:$0x3F98];
	_ =	swait.ge [sflag:s4], $0x0  }
0x19: {  	s7 =	sld [smem:$0x3F99]  }
0x1a: {  	s8 =	sadd.s32 $0xFFFFE003, lr  }
0x1b: {  	s9 =	sadd.s32 $0xFFFFFEF7, lr;
	s5 =	simm.s32 $0xFFFFFFFF;
	p2 =	slt.u32 s8, $0xFFFFF086  }
0x1c: {  	p1 =	slt.u32 s9, $0xF7A;
	s5 =	simm.s32 @!p2 $0x0  }
0x1d: {  	s5 =	simm.s32 @p1 $0x1;
	p0 =	seq.s32 s7, s2  }
0x1e: {  	s7 =	smul.u32 @!p0 $0xF7A, s2;
	p2 =	seq.s32 @!p0 s5, $0x0  }
0x1f: {  	s9 =	smul.u32 $0xF7A, s1;
	s8 =	simm.s32 @!p0 $0x1BF5;
	p2 =	por !p2, p0  }
0x20: {  	[sflag:s8] =	ssyncset.s32 @!p0 $0xFFFFF086;
	s6 =	sadd.s32 @!p0 s3, s7;
	s7 =	simm.s32 @!p0 $0x108  }
0x21: {  	s3 =	sadd.s32 s3, s9;
	s6 =	sadd.s32 @!p0 $0x88, s6;
	s7 =	simm.s32 @p2 $0x1082  }
0x22: {  	[simem:s7], [sflag:s8] =	dma.local @!p0 [hbm:s6], $0xF7A  }
0x23: {  	s9 =	sor.u32 $0xD0000000, s2;
	s6 =	simm.s32 $0x108;
	_ =	swait.ge @!p0 [sflag:s8], $0x0  }
0x24: {  	s3 =	sadd.s32 $0x88, s3;
	s6 =	simm.s32 @!p1 $0x1082;
	[sflag:s4] =	ssyncset.s32 $0xFFFFF086  }
0x25: {  	[simem:s6], [sflag:s4] =	dma.local [hbm:s3], $0xF7A  }
0x26: {  	[smem:$0x3F99] =	sst s1;
	(tag) =	ssettag s2;
	_ =	strace s9  }
0x27: {  	s1 =	sld [smem:$0x3FA9]  }
0x28: {  	s2 =	sld [smem:$0x3FAA]  }
0x29: {  	s4 =	sld [smem:$0x3FAC]  }
0x2a: {  	p0 =	seq.s32 s5, $0x0;
	s5 =	sld [smem:$0x3FAD]  }
0x2b: {  	s6 =	sld [smem:$0x3FAE]  }
0x2c: {  	s7 =	sld [smem:$0x3FAF]  }
0x2d: {  	s3 =	simm.s32 $0x108;
	s8 =	sld [smem:$0x3FB0]  }
0x2e: {  	s3 =	simm.s32 @!p0 $0x1082;
	s9 =	sld [smem:$0x3FB1]  }
0x2f: {  	lr =	sadd.s32 s0, s3;
	s0 =	sld [smem:$0x3FA8]  }
0x30: {  	s3 =	sld [smem:$0x3FAB]  }
0x31: {  	[smem:$0x3FB4] =	sst s10  }
0x32: {  	s10 =	sld [smem:$0x3FB2];
	_ =	sdelay $0x3  }
0x33: {  	p0 =	seq.s32 s10, $0x1;
	s10 =	sld [smem:$0x3FB4];
	_ =	sdelay $0x3  }
0x34: {  	[smem:$0x3FB4] =	sst s10  }
0x35: {  	s10 =	sld [smem:$0x3FB3];
	_ =	sdelay $0x3  }
0x36: {  	p1 =	seq.s32 s10, $0x1;
	s10 =	sld [smem:$0x3FB4];
	_ =	sdelay $0x3  }
0x37: {  	[smem:$0x3FB4] =	sst s10  }
0x38: {  	s10 =	sld [smem:$0x3FB5]  }
0x39: {  	_ = 	snop;
	(pc) =	sbr.ind lr, $3  }
0x3a: {  	_ = 	snop  }
0x3b: {  	_ = 	snop  }
0x3c: {  	p2 =	seq.s32 s10, $0x1;
	s10 =	sld [smem:$0x3FB4]  }
0x3d: {  	_ =	shalt  }
0x3e: {  	_ =	shalt  }
0x3f: {  	_ =	shalt  }
0x40: {  	_ =	shalt  }
0x41: {  	_ =	shalt  }
0x42: {  	_ =	shalt  }
0x43: {  	_ =	shalt  }
0x44: {  	_ =	shalt  }
0x45: {  	_ =	shalt  }
0x46: {  	_ =	shalt  }
0x47: {  	_ =	shalt  }
0x48: {  	_ =	shalt  }
0x49: {  	_ =	shalt  }
0x4a: {  	_ =	shalt  }
0x4b: {  	_ =	shalt  }
0x4c: {  	_ =	shalt  }
0x4d: {  	_ =	shalt  }
0x4e: {  	_ =	shalt  }
0x4f: {  	_ =	shalt  }
0x50: {  	_ =	shalt  }
0x51: {  	_ =	shalt  }
0x52: {  	_ =	shalt  }
0x53: {  	_ =	shalt  }
0x54: {  	_ =	shalt  }
0x55: {  	_ =	shalt  }
0x56: {  	_ =	shalt  }
0x57: {  	_ =	shalt  }
0x58: {  	_ =	shalt  }
0x59: {  	_ =	shalt  }
0x5a: {  	_ =	shalt  }
0x5b: {  	_ =	shalt  }
0x5c: {  	_ =	shalt  }
0x5d: {  	_ =	shalt  }
0x5e: {  	_ =	shalt  }
0x5f: {  	_ =	shalt  }
0x60: {  	_ =	shalt  }
0x61: {  	_ =	shalt  }
0x62: {  	_ =	shalt  }
0x63: {  	_ =	shalt  }
0x64: {  	_ =	shalt  }
0x65: {  	_ =	shalt  }
0x66: {  	_ =	shalt  }
0x67: {  	_ =	shalt  }
0x68: {  	_ =	shalt  }
0x69: {  	_ =	shalt  }
0x6a: {  	_ =	shalt  }
0x6b: {  	_ =	shalt  }
0x6c: {  	_ =	shalt  }
0x6d: {  	_ =	shalt  }
0x6e: {  	_ =	shalt  }
0x6f: {  	_ =	shalt  }
0x70: {  	_ =	shalt  }
0x71: {  	_ =	shalt  }
0x72: {  	_ =	shalt  }
0x73: {  	_ =	shalt  }
0x74: {  	_ =	shalt  }
0x75: {  	_ =	shalt  }
0x76: {  	_ =	shalt  }
0x77: {  	_ =	shalt  }
0x78: {  	_ =	shalt  }
0x79: {  	_ =	shalt  }
0x7a: {  	_ =	shalt  }
0x7b: {  	_ =	shalt  }
0x7c: {  	_ =	shalt  }
0x7d: {  	_ =	shalt  }
0x7e: {  	_ =	shalt  }
0x7f: {  	_ =	shalt  }
0x80: {  	_ =	shalt  }
0x81: {  	_ =	shalt  }
0x82: {  	_ =	shalt  }
0x83: {  	_ =	shalt  }
0x84: {  	_ =	shalt  }
0x85: {  	_ =	shalt  }
0x86: {  	_ =	shalt  }
0x87: {  	_ =	shalt  }
.Lfunc_end0:
.L_simem_size_0:
called_computation.1_lowered:
.L_overlay_start_0:
0x88: {  	s2 =	sld [smem:$0x3FD9]  }
0x89: {  	s3 =	sld [smem:$0x3FFE];
	_ =	sdelay $0x1  }
0x8a: {  	s1 =	srdreg.scid  }
0x8b: {  	s0 =	sand.u32 $0x1, s1  }
0x8c: {  	s17 =	sshll.u32 s0, $0xA;
	s2 =	sadd.s32 s3, s2  }
0x8d: {  	s2 =	sadd.s32 s2, s17  }
0x8e: {  	[smem:$0x3FC0] =	sst s2  }
0x8f: {  	_ = 	snop  }
0x90: {  	s2 =	sld [smem:$0x3FC8];
	(tm) =	ssettm $0x1  }
0x91: {  	s18 =	sld [smem:$0x3FFB];
	_ =	sdelay $0x3  }
0x92: {  	_ =	strace s18  }
0x93: {  	s3 =	sld [smem:$0x3FFC];
	_ =	sdelay $0x3  }
0x94: {  	_ =	strace s3  }
0x95: {  	s3 =	sld [smem:$0x3FFD];
	_ =	sdelay $0x3  }
0x96: {  	_ =	strace s3  }
0x97: {  	_ =	strace $0x8FFFFFFF  }
0x98: {  	s19 =	sld [smem:$0x3FDB];
	_ =	sdelay $0x1  }
0x99: {  	s4 =	simm.s32 $_scs_section_size  }
0x9a: {  	s5 =	simm.s32 $_size__tile_overlayer_lowered;
	s6 =	simm.s32 $_tile_overlayer_lowered  }
0x9b: {  	s22 =	simm.s32 $0x1BFF;
	s21 =	sshll.u32 s6, $0x1;
	s3 =	sadd.s32 s4, s19  }
0x9c: {  	s7 =	simm.s32 $0x0;
	s20 =	sshll.u32 s5, $0x1;
	s5 =	sadd.s32 s21, s3  }
0x9d: {  	[timem:s7], [sflag:s22] =	dma.local [hbm:s5], s20  }
0x9e: {  	_ =	swait.ge [sflag:s22], s20  }
0x9f: {  	s4 =	ssub.s32 $0x0, s20;
	[sflag:s22] =	ssyncset.done $0x0  }
0xa0: {  	[sflag:s22] =	ssyncadd.s32 s4;
	_ =	sdelay $0x1  }
0xa1: {  	s23 =	simm.s32 $0x1B8B  }
0xa2: {  	_ =	swait.ge [sflag:s23], $0x1  }
0xa3: {  	[sflag:s23] =	ssyncset.done $0x0  }
0xa4: {  	s25 =	simm.s32 $0x1B8E;
	s24 =	sld [smem:$0x3FFE];
	[sflag:s23] =	ssyncadd.s32 $0xFFFFFFFF  }
0xa5: {  	s26 =	simm.s32 $execute0_lowered;
	[smem:$0x3FD2] =	sst s25  }
0xa6: {  	s5 =	sshll.u32 s26, $0x1;
	_ =	strace $0x80000049;
	[dreg:$0x1] =	wrdreg $0xFFFFFFFF  }
0xa7: {  	s28 =	simm.s32 $_size_execute0_lowered;
	s3 =	sadd.s32 s3, s5;
	[dreg:$0x0] =	wrdreg $0x0  }
0xa8: {  	s5 =	sshll.u32 s28, $0x1;
	[dreg:$0x2] =	wrdreg s3  }
0xa9: {  	[dreg:$0x3] =	wrdreg s5  }
0xaa: {  	[dreg:$0x4] =	wrdreg $0xC0  }
0xab: {  	_ =	task [dreg:s7], $0x5FFFF  }
0xac: {  	[dreg:$0x1] =	wrdreg $0xFFFFFFFF  }
0xad: {  	[dreg:$0x0] =	wrdreg $0x60  }
0xae: {  	[dreg:$0x2] =	wrdreg s2  }
0xaf: {  	[dreg:$0x3] =	wrdreg s24  }
0xb0: {  	[dreg:$0x4] =	wrdreg $0xB6800  }
0xb1: {  	[dreg:$0x5] =	wrdreg $0x9  }
0xb2: {  	_ =	task.clear_ibuf [dreg:s7], $0x6FFFF;
	_ =	strace $0x90000049  }
0xb3: {  	s29 =	simm.s32 $0x9;
	_ =	strace $0x8000004B  }
0xb4: {  	_ =	swait.ge [sflag:s29], $0x1  }
0xb5: {  	[sflag:s29] =	ssyncadd.s32 $0xFFFFFFFF  }
0xb6: {  	_ =	strace $0x9000004B  }
0xb7: {  	_ =	sfence  }
0xb8: {  	s30 =	sld [smem:$0x0];
	_ =	sdelay $0x2  }
0xb9: {  	s31 =	sshll.u32 s1, $0xD;
	s1 =	sshrl.u32 s1, $0x2  }
0xba: {  	s3 =	sand.u32 $0x4000, s31;
	s1 =	sadd.s32 s1, s30  }
0xbb: {  	s0 =	sor.u32 s3, s0;
	s1 =	sshll.u32 s1, $0x11  }
0xbc: {  	s0 =	sor.u32 s1, s0  }
0xbd: {  	s0 =	sadd.s32 $0x8F2B, s0  }
0xbe: {  	[sflag:s0] =	ssyncadd.remote.s32 $0x1  }
0xbf: {  	_ =	sfence.sel $0xFFFF  }
0xc0: {  	[dreg:$0x0] =	wrdreg $0xFFFFFFFF;
	(pc) =	sbr.abs _section_cstart, $3  }
0xc1: {  	[dreg:$0x1] =	wrdreg $0xFFFFFFFF  }
0xc2: {  	_ =	task.clear_ibuf [dreg:s7], $0x2FFFF;
	_ =	strace $0x9FFFFFFF  }
0xc3: {  	(tm) =	ssettm $0x7FFFFFFF  }
tec
execute0_lowered:
.L_overlay_start_1:
0x0: {  	(tag) =	ssettag $0x1  }
0x1: {  	s0 =	rddreg [dreg:$0x0]  }
0x2: {  	s1 =	rddreg [dreg:$0x1]  }
0x3: {  	s2 =	rddreg [dreg:$0x2];
	s3 =	srdreg.scid  }
0x4: {  	s12 =	stileid.u32;
	s17 =	simm.s32 $0x0;
	s28 =	simm.s32 $0x7700  }
0x5: {  	s31 =	simm.s32 $0x1;
	s29 =	simm.s32 $0x4;
	s6 =	smul.u32 $0x2780, s12  }
0x6: {  	s30 =	simm.s32 $0x5;
	s3 =	sand.u32 $0x1, s3;
	s7 =	smul.u32 $0x4E, s12  }
0x7: {  	[smem:$0x7FF] =	sst s17;
	s9 =	smin.u32 s12, $0x2;
	s8 =	ssub.s32 $0x0, s3  }
0x8: {  	s5 =	smul.u32 $0x27800, s3;
	s10 =	sand.u32 $0x4E2, s8;
	s7 =	sadd.s32 s7, s9  }
0x9: {  	s4 =	sadd.s32 $0x2A00, s1;
	p0 =	slt.u32 s12, $0x2;
	s7 =	sadd.s32 s10, s7  }
0xa: {  	_ =	strace $0x8000004A;
	s5 =	sadd.s32 s6, s5;
	s11 =	smin.u32 s7, $0x975  }
0xb: {  	s3 =	ssub.s32 $0x2, s3;
	s5 =	sshrl.u32 s5, $0x3;
	s20 =	sshll.u32 s11, $0x5  }
0xc: {  	s1 =	sadd.s32 s5, s1;
	s5 =	simm.s32 $0x4F;
	s0 =	sadd.s32 s0, s20  }
0xd: {  	s5 =	simm.s32 @!p0 $0x4E;
	s1 =	sadd.s32 $0x7A00, s1;
	[dreg:$0xc] =	wrdreg s0  }
0xe: {  	s19 =	sshrl.u32 s3, $0x1;
	s22 =	sadd.s32 $0xFFFFFFF8, s5;
	[dreg:$0x15] =	wrdreg s1  }
0xf: {  	s8 =	sadd.s32 s6, s2;
	s24 =	sadd.s32 $0xFFFFFFF7, s5;
	[dreg:$0x4] =	wrdreg s22  }
0x10: {  	s3 =	ssub.s32 s3, s19;
	s26 =	sadd.s32 $0xFFFFFFF6, s5;
	[dreg:$0x5] =	wrdreg s24  }
0x11: {  	s7 =	ssub.s32 s7, s11;
	s14 =	sadd.s32 $0xFFFFFFF5, s5;
	[dreg:$0x6] =	wrdreg s26  }
0x12: {  	s7 =	sshll.u32 s7, $0xA;
	s16 =	sadd.s32 $0xFFFFFFF4, s5;
	[dreg:$0x7] =	wrdreg s14  }
0x13: {  	s7 =	sshra.s32 s7, $0x2;
	s19 =	sadd.s32 $0xFFFFFFF3, s5;
	[dreg:$0x8] =	wrdreg s16  }
0x14: {  	s20 =	sadd.s32 $0xFFFFFFF2, s5;
	s1 =	simm.s32 $0x3;
	[dreg:$0x9] =	wrdreg s19  }
0x15: {  	s21 =	sadd.s32 $0x100, s7;
	s23 =	sadd.s32 $0x200, s7;
	[dreg:$0xd] =	wrdreg s7  }
0x16: {  	s25 =	sadd.s32 $0x300, s7;
	s13 =	sadd.s32 $0x400, s7;
	[dreg:$0xa] =	wrdreg s20  }
0x17: {  	s15 =	sadd.s32 $0x500, s7;
	s18 =	sadd.s32 $0x600, s7;
	[dreg:$0xe] =	wrdreg s21  }
0x18: {  	s7 =	sadd.s32 $0x700, s7;
	s22 =	sshll.u32 s10, $0xA;
	[dreg:$0xf] =	wrdreg s23  }
0x19: {  	s24 =	sshll.u32 s9, $0xA;
	s26 =	smax.u32 s3, $0x1;
	[dreg:$0x10] =	wrdreg s25  }
0x1a: {  	s19 =	simm.s32 $0x11;
	s9 =	simm.s32 $0x8F00;
	[dreg:$0x11] =	wrdreg s13  }
0x1b: {  	s3 =	simm.s32 $0x6;
	s14 =	simm.s32 $0xF;
	[dreg:$0x12] =	wrdreg s15  }
0x1c: {  	s16 =	simm.s32 $0x0;
	[dreg:$0x13] =	wrdreg s18;
	s21 =	smul.u32 $0x13800, s12  }
0x1d: {  	[dreg:$0x14] =	wrdreg s7;
	s23 =	sadd.s32 $0xFFFFFFF1, s5;
	s25 =	sshll.u32 s11, $0xA  }
0x1e: {  	[dreg:$0x16] =	wrdreg s26;
	s26 =	simm.s32 $0x6F00;
	s13 =	simm.s32 $0xE  }
0x1f: {  	s15 =	simm.s32 $0x10;
	[dreg:$0xb] =	wrdreg s23;
	s0 =	sadd.s32 s22, s21  }
0x20: {  	s23 =	simm.s32 $0x5700;
	s21 =	simm.s32 $0x80;
	s0 =	sadd.s32 s24, s0  }
0x21: {  	s22 =	simm.s32 $0x4F00;
	s24 =	simm.s32 $0x5F00;
	s0 =	ssub.s32 s0, s25  }
0x22: {  	v0 =	vimm.f32 $0.0e+00;
	s25 =	simm.s32 $0x6700;
	s18 =	sshra.s32 s0, $0x2;
	s0 =	simm.s32 $0x2  }
.LBB2_1:
0x23: {  	s6 =	rddreg [dreg:$0xc]  }
0x24: {  	[tilespmem:s17], [sflag:$0x11] =	stream.linear.gather [hbm4b:s6+s17], $0x4F00, $0x38;
	[tilespmem:$0xDE00] =	vst v63  }
0x25: {  	_ =	swait.ge [sflag:s19], $0x4F00  }
0x26: {  	[sflag:s19] =	ssyncset.done $0x0  }
0x27: {  	s7 =	simm.s32 $0x0;
	s6 =	simm.s32 $0x40;
	[sflag:s19] =	ssyncadd.s32 $0xFFFFB100  }
.LBB2_2:
0x28: {  	p0 =	sne.s32 s6, $0x9DC0;
	[tilespmem:s7+$0x8F00] =	vst v0;
	s7 =	smov.u32 s6;
	s6 =	sadd.s32 $0x40, s6  }
.Ltmp0:
0x29: {  	(pc) =	sbr.rel @p0 .LBB2_2-.Ltmp0, $2  }
0x2a: {  	_ =	sdelay $0x2  }
0x2b: {  	s7 =	sshra.s32 s7, $0x2  }
0x2c: {  	[tilespmem:s7+$0x8F00] =	vst v0  }
0x2d: {  	[spmem:s8] =	stream.linear.scatter [tilespmem:s9], [sflag:$0x11], $0x2780, $0x38;
	[tilespmem:$0xDE00] =	vst v63  }
0x2e: {  	_ =	swait.ge [sflag:s19], $0x2780  }
0x2f: {  	[sflag:s19] =	ssyncset.done $0x0  }
0x30: {  	[sflag:s19] =	ssyncadd.s32 $0xFFFFD880  }
0x31: {  	[bflag:$0x0] =	sbarrier.arrive $0xFFFF  }
0x32: {  	s6 =	rddreg [dreg:$0xd]  }
0x33: {  	[tilespmem:s22], [sflag:$0x1] =	stream.indirect.gather [hbm4b:s4+s21], $0x10, s6, s21, $0xb8;
	[tilespmem:$0xDE00] =	vst v63  }
0x34: {  	s7 =	rddreg [dreg:$0xe]  }
0x35: {  	[tilespmem:s23], [sflag:$0x2] =	stream.indirect.gather [hbm4b:s4+s21], $0x10, s7, s21, $0xb8;
	[tilespmem:$0xDE00] =	vst v63  }
0x36: {  	s9 =	rddreg [dreg:$0xf]  }
0x37: {  	[tilespmem:s24], [sflag:$0x3] =	stream.indirect.gather [hbm4b:s4+s21], $0x10, s9, s21, $0xb8;
	[tilespmem:$0xDE00] =	vst v63  }
0x38: {  	s10 =	rddreg [dreg:$0x10]  }
0x39: {  	[tilespmem:s25], [sflag:$0x4] =	stream.indirect.gather [hbm4b:s4+s21], $0x10, s10, s21, $0xb8;
	[tilespmem:$0xDE00] =	vst v63  }
0x3a: {  	s11 =	rddreg [dreg:$0x11]  }
0x3b: {  	[tilespmem:s26], [sflag:$0x5] =	stream.indirect.gather [hbm4b:s4+s21], $0x10, s11, s21, $0xb8;
	[tilespmem:$0xDE00] =	vst v63  }
0x3c: {  	s12 =	rddreg [dreg:$0x12]  }
0x3d: {  	[tilespmem:s28], [sflag:$0x6] =	stream.indirect.gather [hbm4b:s4+s21], $0x10, s12, s21, $0xb8;
	[tilespmem:$0xDE00] =	vst v63  }
0x3e: {  	s20 =	simm.s32 $0x7F00;
	s17 =	rddreg [dreg:$0x13]  }
0x3f: {  	[tilespmem:s20], [sflag:$0x7] =	stream.indirect.gather [hbm4b:s4+s21], $0x10, s17, s21, $0xb8;
	[tilespmem:$0xDE00] =	vst v63  }
0x40: {  	s9 =	rddreg [dreg:$0x14];
	s10 =	simm.s32 $0x8700  }
0x41: {  	[tilespmem:s10], [sflag:$0x8] =	stream.indirect.gather [hbm4b:s4+s21], $0x10, s9, s21, $0xb8;
	[tilespmem:$0xDE00] =	vst v63  }
0x42: {  	_ =	swait.ge [sflag:s31], $0x800  }
0x43: {  	s11 =	sadd.s32 $0x0, s18;
	[sflag:s31] =	ssyncset.done $0x0  }
0x44: {  	s12 =	sadd.s32 $0x80, s11;
	[sflag:s31] =	ssyncadd.s32 $0xFFFFF800  }
0x45: {  	[spmem:s2] =	stream.indirect.scatter.add.f32 [tilespmem:s22], [sflag:$0x9], $0x10, s12, s21, $0xb8;
	[tilespmem:$0xDE00] =	vst v63  }
0x46: {  	_ =	swait.ge [sflag:s0], $0x800  }
0x47: {  	[sflag:s0] =	ssyncset.done $0x0  }
0x48: {  	s17 =	sadd.s32 $0x180, s11;
	[sflag:s0] =	ssyncadd.s32 $0xFFFFF800  }
0x49: {  	[spmem:s2] =	stream.indirect.scatter.add.f32 [tilespmem:s23], [sflag:$0xA], $0x10, s17, s21, $0xb8;
	[tilespmem:$0xDE00] =	vst v63  }
0x4a: {  	_ =	swait.ge [sflag:s1], $0x800  }
0x4b: {  	[sflag:s1] =	ssyncset.done $0x0  }
0x4c: {  	s20 =	sadd.s32 $0x280, s11;
	[sflag:s1] =	ssyncadd.s32 $0xFFFFF800  }
0x4d: {  	[spmem:s2] =	stream.indirect.scatter.add.f32 [tilespmem:s24], [sflag:$0xB], $0x10, s20, s21, $0xb8;
	[tilespmem:$0xDE00] =	vst v63  }
0x4e: {  	_ =	swait.ge [sflag:s29], $0x800  }
0x4f: {  	[sflag:s29] =	ssyncset.done $0x0  }
0x50: {  	s9 =	sadd.s32 $0x380, s11;
	[sflag:s29] =	ssyncadd.s32 $0xFFFFF800  }
0x51: {  	[spmem:s2] =	stream.indirect.scatter.add.f32 [tilespmem:s25], [sflag:$0xC], $0x10, s9, s21, $0xb8;
	[tilespmem:$0xDE00] =	vst v63  }
0x52: {  	_ =	swait.ge [sflag:s30], $0x800  }
0x53: {  	[sflag:s30] =	ssyncset.done $0x0  }
0x54: {  	s10 =	sadd.s32 $0x480, s11;
	[sflag:s30] =	ssyncadd.s32 $0xFFFFF800  }
0x55: {  	[spmem:s2] =	stream.indirect.scatter.add.f32 [tilespmem:s26], [sflag:$0xD], $0x10, s10, s21, $0xb8;
	[tilespmem:$0xDE00] =	vst v63  }
0x56: {  	_ =	swait.ge [sflag:s3], $0x800  }
0x57: {  	p1 =	sle.u32 s5, $0x6;
	[sflag:s3] =	ssyncset.done $0x0  }
0x58: {  	s7 =	simm.s32 @!p1 $0x7;
	s6 =	sadd.s32 $0x580, s11;
	[sflag:s3] =	ssyncadd.s32 $0xFFFFF800  }
0x59: {  	[spmem:s2] =	stream.indirect.scatter.add.f32 [tilespmem:s28], [sflag:$0xE], $0x10, s6, s21, $0xb8;
	[tilespmem:$0xDE00] =	vst v63  }
0x5a: {  	p0 =	sle.u32 s5, $0x7;
	s9 =	sadd.s32 @!p1 $0x0, s18;
	_ =	swait.ge @!p1 [sflag:s7], $0x800  }
0x5b: {  	s9 =	sadd.s32 @!p1 $0x680, s9;
	s10 =	simm.s32 @!p1 $0x80;
	[sflag:s7] =	ssyncset.done @!p1 $0x0  }
0x5c: {  	s6 =	simm.s32 @!p1 $0x7F00;
	[sflag:s7] =	ssyncadd.s32 @!p1 $0xFFFFF800;
	s7 =	simm.s32 @!p0 $0x8  }
0x5d: {  	[spmem:s2] =	stream.indirect.scatter.add.f32 @!p1 [tilespmem:s6], [sflag:$0xF], $0x10, s9, s10, $0xb8;
	[tilespmem:$0xDE00] =	vst v63  }
0x5e: {  	s6 =	sadd.s32 @!p0 $0x0, s18;
	_ =	swait.ge @!p0 [sflag:s7], $0x800  }
0x5f: {  	s10 =	simm.s32 @!p0 $0x8700;
	s6 =	sadd.s32 @!p0 $0x780, s6;
	[sflag:s7] =	ssyncset.done @!p0 $0x0  }
0x60: {  	s11 =	rddreg [dreg:$0x4];
	[sflag:s7] =	ssyncadd.s32 @!p0 $0xFFFFF800;
	s7 =	simm.s32 @!p0 $0x80  }
0x61: {  	[spmem:s2] =	stream.indirect.scatter.add.f32 @!p0 [tilespmem:s10], [sflag:$0x10], $0x10, s6, s7, $0xb8;
	[tilespmem:$0xDE00] =	vst v63  }
0x62: {  	p0 =	sle.u32 s11, $0x0  }
0x63: {  	s6 =	simm.s32 @!p0 $0x9  }
0x64: {  	s7 =	sadd.s32 @!p0 $0x0, s18;
	_ =	swait.ge @!p0 [sflag:s6], $0x800  }
0x65: {  	s10 =	simm.s32 @!p0 $0x4F00;
	s7 =	sadd.s32 @!p0 $0x800, s7;
	[sflag:s6] =	ssyncset.done @!p0 $0x0  }
0x66: {  	s12 =	rddreg [dreg:$0x5];
	[sflag:s6] =	ssyncadd.s32 @!p0 $0xFFFFF800;
	s6 =	simm.s32 @!p0 $0x80  }
0x67: {  	[tilespmem:s10], [sflag:$0x1] =	stream.indirect.gather @!p0 [hbm4b:s4+s6], $0x10, s7, s6, $0xb8;
	[tilespmem:$0xDE00] =	vst v63  }
0x68: {  	p0 =	sle.u32 s12, $0x0  }
0x69: {  	s6 =	simm.s32 @!p0 $0xA  }
0x6a: {  	s7 =	simm.s32 @!p0 $0x5700;
	_ =	swait.ge @!p0 [sflag:s6], $0x800  }
0x6b: {  	s9 =	sadd.s32 @!p0 $0x0, s18;
	[sflag:s6] =	ssyncset.done @!p0 $0x0;
	s17 =	rddreg [dreg:$0x6]  }
0x6c: {  	[sflag:s6] =	ssyncadd.s32 @!p0 $0xFFFFF800;
	s6 =	sadd.s32 @!p0 $0x900, s9;
	s9 =	simm.s32 @!p0 $0x80  }
0x6d: {  	[tilespmem:s7], [sflag:$0x2] =	stream.indirect.gather @!p0 [hbm4b:s4+s9], $0x10, s6, s9, $0xb8;
	[tilespmem:$0xDE00] =	vst v63  }
0x6e: {  	p0 =	sle.u32 s17, $0x0  }
0x6f: {  	s6 =	simm.s32 @!p0 $0xB  }
0x70: {  	s7 =	sadd.s32 @!p0 $0x0, s18;
	_ =	swait.ge @!p0 [sflag:s6], $0x800  }
0x71: {  	s10 =	simm.s32 @!p0 $0x5F00;
	s7 =	sadd.s32 @!p0 $0xA00, s7;
	[sflag:s6] =	ssyncset.done @!p0 $0x0  }
0x72: {  	s20 =	rddreg [dreg:$0x7];
	[sflag:s6] =	ssyncadd.s32 @!p0 $0xFFFFF800;
	s6 =	simm.s32 @!p0 $0x80  }
0x73: {  	[tilespmem:s10], [sflag:$0x3] =	stream.indirect.gather @!p0 [hbm4b:s4+s6], $0x10, s7, s6, $0xb8;
	[tilespmem:$0xDE00] =	vst v63  }
0x74: {  	p0 =	sle.u32 s20, $0x0  }
0x75: {  	s6 =	simm.s32 @!p0 $0xC  }
0x76: {  	s7 =	sadd.s32 @!p0 $0x0, s18;
	_ =	swait.ge @!p0 [sflag:s6], $0x800  }
0x77: {  	s10 =	simm.s32 @!p0 $0x6700;
	s7 =	sadd.s32 @!p0 $0xB00, s7;
	[sflag:s6] =	ssyncset.done @!p0 $0x0  }
0x78: {  	s11 =	rddreg [dreg:$0x8];
	[sflag:s6] =	ssyncadd.s32 @!p0 $0xFFFFF800;
	s6 =	simm.s32 @!p0 $0x80  }
0x79: {  	[tilespmem:s10], [sflag:$0x4] =	stream.indirect.gather @!p0 [hbm4b:s4+s6], $0x10, s7, s6, $0xb8;
	[tilespmem:$0xDE00] =	vst v63  }
0x7a: {  	p0 =	sle.u32 s11, $0x0  }
0x7b: {  	s6 =	simm.s32 @!p0 $0xD  }
0x7c: {  	s7 =	sadd.s32 @!p0 $0x0, s18;
	_ =	swait.ge @!p0 [sflag:s6], $0x800  }
0x7d: {  	s10 =	simm.s32 @!p0 $0x6F00;
	s7 =	sadd.s32 @!p0 $0xC00, s7;
	[sflag:s6] =	ssyncset.done @!p0 $0x0  }
0x7e: {  	s12 =	rddreg [dreg:$0x9];
	[sflag:s6] =	ssyncadd.s32 @!p0 $0xFFFFF800;
	s6 =	simm.s32 @!p0 $0x80  }
0x7f: {  	[tilespmem:s10], [sflag:$0x5] =	stream.indirect.gather @!p0 [hbm4b:s4+s6], $0x10, s7, s6, $0xb8;
	[tilespmem:$0xDE00] =	vst v63  }
0x80: {  	p0 =	sle.u32 s12, $0x0  }
0x81: {  	s6 =	simm.s32 @!p0 $0xE  }
0x82: {  	s7 =	sadd.s32 @!p0 $0x0, s18;
	_ =	swait.ge @!p0 [sflag:s6], $0x800  }
0x83: {  	s10 =	simm.s32 @!p0 $0x7700;
	s7 =	sadd.s32 @!p0 $0xD00, s7;
	[sflag:s6] =	ssyncset.done @!p0 $0x0  }
0x84: {  	s17 =	rddreg [dreg:$0xa];
	[sflag:s6] =	ssyncadd.s32 @!p0 $0xFFFFF800;
	s6 =	simm.s32 @!p0 $0x80  }
0x85: {  	[tilespmem:s10], [sflag:$0x6] =	stream.indirect.gather @!p0 [hbm4b:s4+s6], $0x10, s7, s6, $0xb8;
	[tilespmem:$0xDE00] =	vst v63  }
0x86: {  	p0 =	sle.u32 s17, $0x0  }
0x87: {  	s6 =	simm.s32 @!p0 $0xF  }
0x88: {  	s7 =	sadd.s32 @!p0 $0x0, s18;
	s10 =	simm.s32 @!p0 $0x7F00;
	_ =	swait.ge @!p0 [sflag:s6], $0x800  }
0x89: {  	s7 =	sadd.s32 @!p0 $0xE00, s7;
	[sflag:s6] =	ssyncset.done @!p0 $0x0;
	s20 =	rddreg [dreg:$0xb]  }
0x8a: {  	[sflag:s6] =	ssyncadd.s32 @!p0 $0xFFFFF800;
	s6 =	simm.s32 @!p0 $0x80;
	p1 =	sle.u32 s20, $0x0  }
0x8b: {  	[tilespmem:s10], [sflag:$0x7] =	stream.indirect.gather @!p0 [hbm4b:s4+s6], $0x10, s7, s6, $0xb8;
	[tilespmem:$0xDE00] =	vst v63  }
0x8c: {  	s17 =	simm.s32 $0x0;
	s7 =	simm.s32 $0x2000;
	s6 =	simm.s32 @!p1 $0x10  }
0x8d: {  	s10 =	sadd.s32 @!p1 $0x0, s18;
	s9 =	simm.s32 @!p1 $0x8700;
	_ =	swait.ge @!p1 [sflag:s6], $0x800  }
0x8e: {  	s11 =	simm.s32 @!p1 $0x80;
	s10 =	sadd.s32 @!p1 $0xF00, s10;
	[sflag:s6] =	ssyncset.done @!p1 $0x0  }
.LBB2_4:
0x8f: {  	[sflag:s6] =	ssyncadd.s32 @!p1 $0xFFFFF800;
	s20 =	smov.u32 s7  }
0x90: {  	[tilespmem:s9], [sflag:$0x8] =	stream.indirect.gather @!p1 [hbm4b:s4+s11], $0x10, s10, s11, $0xb8;
	[tilespmem:$0xDE00] =	vst v63  }
0x91: {  	s11 =	sshra.s32 s20, $0x2;
	_ =	swait.ge [sflag:s31], $0x800  }
0x92: {  	s6 =	sadd.s32 s11, s18;
	[sflag:s31] =	ssyncset.done $0x0  }
0x93: {  	s12 =	sadd.s32 $0x80, s6;
	[sflag:s31] =	ssyncadd.s32 $0xFFFFF800  }
0x94: {  	[spmem:s2] =	stream.indirect.scatter.add.f32 [tilespmem:s22], [sflag:$0x9], $0x10, s12, s21, $0xb8;
	[tilespmem:$0xDE00] =	vst v63  }
0x95: {  	_ =	swait.ge [sflag:s0], $0x800  }
0x96: {  	[sflag:s0] =	ssyncset.done $0x0  }
0x97: {  	s10 =	sadd.s32 $0x180, s6;
	[sflag:s0] =	ssyncadd.s32 $0xFFFFF800  }
0x98: {  	[spmem:s2] =	stream.indirect.scatter.add.f32 [tilespmem:s23], [sflag:$0xA], $0x10, s10, s21, $0xb8;
	[tilespmem:$0xDE00] =	vst v63  }
0x99: {  	_ =	swait.ge [sflag:s1], $0x800  }
0x9a: {  	[sflag:s1] =	ssyncset.done $0x0  }
0x9b: {  	s11 =	sadd.s32 $0x280, s6;
	[sflag:s1] =	ssyncadd.s32 $0xFFFFF800  }
0x9c: {  	[spmem:s2] =	stream.indirect.scatter.add.f32 [tilespmem:s24], [sflag:$0xB], $0x10, s11, s21, $0xb8;
	[tilespmem:$0xDE00] =	vst v63  }
0x9d: {  	_ =	swait.ge [sflag:s29], $0x800  }
0x9e: {  	[sflag:s29] =	ssyncset.done $0x0  }
0x9f: {  	s12 =	sadd.s32 $0x380, s6;
	[sflag:s29] =	ssyncadd.s32 $0xFFFFF800  }
0xa0: {  	[spmem:s2] =	stream.indirect.scatter.add.f32 [tilespmem:s25], [sflag:$0xC], $0x10, s12, s21, $0xb8;
	[tilespmem:$0xDE00] =	vst v63  }
0xa1: {  	_ =	swait.ge [sflag:s30], $0x800  }
0xa2: {  	s17 =	sadd.s32 $0x8, s17;
	[sflag:s30] =	ssyncset.done $0x0  }
0xa3: {  	s10 =	sadd.s32 $0x480, s6;
	s11 =	sadd.s32 $0x6, s17;
	[sflag:s30] =	ssyncadd.s32 $0xFFFFF800  }
0xa4: {  	[spmem:s2] =	stream.indirect.scatter.add.f32 [tilespmem:s26], [sflag:$0xD], $0x10, s10, s21, $0xb8;
	[tilespmem:$0xDE00] =	vst v63  }
0xa5: {  	s6 =	sadd.s32 $0x580, s6;
	p2 =	sge.u32 s11, s5;
	_ =	swait.ge [sflag:s3], $0x800  }
0xa6: {  	s9 =	simm.s32 @!p2 $0x7;
	s11 =	sshra.s32 @!p2 s20, $0x2;
	[sflag:s3] =	ssyncset.done $0x0  }
0xa7: {  	s12 =	simm.s32 @!p2 $0x7F00;
	s10 =	sadd.s32 $0x7, s17;
	[sflag:s3] =	ssyncadd.s32 $0xFFFFF800  }
0xa8: {  	[spmem:s2] =	stream.indirect.scatter.add.f32 [tilespmem:s28], [sflag:$0xE], $0x10, s6, s21, $0xb8;
	[tilespmem:$0xDE00] =	vst v63  }
0xa9: {  	p1 =	sge.u32 s10, s5;
	s10 =	simm.s32 @!p2 $0x80;
	_ =	swait.ge @!p2 [sflag:s9], $0x800  }
0xaa: {  	s6 =	sadd.s32 @!p2 s11, s18;
	s11 =	sshra.s32 @!p1 s20, $0x2;
	[sflag:s9] =	ssyncset.done @!p2 $0x0  }
0xab: {  	s6 =	sadd.s32 @!p2 $0x680, s6;
	[sflag:s9] =	ssyncadd.s32 @!p2 $0xFFFFF800;
	s9 =	simm.s32 @!p1 $0x8  }
0xac: {  	[spmem:s2] =	stream.indirect.scatter.add.f32 @!p2 [tilespmem:s12], [sflag:$0xF], $0x10, s6, s10, $0xb8;
	[tilespmem:$0xDE00] =	vst v63  }
0xad: {  	s6 =	sadd.s32 @!p1 s11, s18;
	_ =	swait.ge @!p1 [sflag:s9], $0x800  }
0xae: {  	s11 =	simm.s32 @!p1 $0x8700;
	s6 =	sadd.s32 @!p1 $0x780, s6;
	[sflag:s9] =	ssyncset.done @!p1 $0x0  }
0xaf: {  	s12 =	rddreg [dreg:$0x4];
	[sflag:s9] =	ssyncadd.s32 @!p1 $0xFFFFF800;
	s9 =	simm.s32 @!p1 $0x80  }
0xb0: {  	[spmem:s2] =	stream.indirect.scatter.add.f32 @!p1 [tilespmem:s11], [sflag:$0x10], $0x10, s6, s9, $0xb8;
	[tilespmem:$0xDE00] =	vst v63  }
0xb1: {  	p1 =	sge.u32 s17, s12  }
0xb2: {  	s6 =	simm.s32 @!p1 $0x9;
	s9 =	sshra.s32 @!p1 s20, $0x2  }
0xb3: {  	_ =	swait.ge @!p1 [sflag:s6], $0x800;
	s9 =	sadd.s32 @!p1 s9, s18  }
0xb4: {  	s11 =	simm.s32 @!p1 $0x4F00;
	[sflag:s6] =	ssyncset.done @!p1 $0x0;
	s9 =	sadd.s32 @!p1 $0x800, s9  }
0xb5: {  	s12 =	rddreg [dreg:$0x5];
	[sflag:s6] =	ssyncadd.s32 @!p1 $0xFFFFF800;
	s6 =	simm.s32 @!p1 $0x80  }
0xb6: {  	[tilespmem:s11], [sflag:$0x1] =	stream.indirect.gather @!p1 [hbm4b:s4+s6], $0x10, s9, s6, $0xb8;
	[tilespmem:$0xDE00] =	vst v63  }
0xb7: {  	p1 =	sge.u32 s17, s12  }
0xb8: {  	s6 =	simm.s32 @!p1 $0xA  }
0xb9: {  	s9 =	sshra.s32 @!p1 s20, $0x2;
	s10 =	simm.s32 @!p1 $0x5700;
	_ =	swait.ge @!p1 [sflag:s6], $0x800  }
0xba: {  	s9 =	sadd.s32 @!p1 s9, s18;
	[sflag:s6] =	ssyncset.done @!p1 $0x0;
	s12 =	rddreg [dreg:$0x6]  }
0xbb: {  	[sflag:s6] =	ssyncadd.s32 @!p1 $0xFFFFF800;
	s6 =	sadd.s32 @!p1 $0x900, s9;
	s9 =	simm.s32 @!p1 $0x80  }
0xbc: {  	[tilespmem:s10], [sflag:$0x2] =	stream.indirect.gather @!p1 [hbm4b:s4+s9], $0x10, s6, s9, $0xb8;
	[tilespmem:$0xDE00] =	vst v63  }
0xbd: {  	p1 =	sge.u32 s17, s12  }
0xbe: {  	s6 =	simm.s32 @!p1 $0xB;
	s9 =	sshra.s32 @!p1 s20, $0x2  }
0xbf: {  	_ =	swait.ge @!p1 [sflag:s6], $0x800;
	s9 =	sadd.s32 @!p1 s9, s18  }
0xc0: {  	s11 =	simm.s32 @!p1 $0x5F00;
	[sflag:s6] =	ssyncset.done @!p1 $0x0;
	s9 =	sadd.s32 @!p1 $0xA00, s9  }
0xc1: {  	s12 =	rddreg [dreg:$0x7];
	[sflag:s6] =	ssyncadd.s32 @!p1 $0xFFFFF800;
	s6 =	simm.s32 @!p1 $0x80  }
0xc2: {  	[tilespmem:s11], [sflag:$0x3] =	stream.indirect.gather @!p1 [hbm4b:s4+s6], $0x10, s9, s6, $0xb8;
	[tilespmem:$0xDE00] =	vst v63  }
0xc3: {  	p1 =	sge.u32 s17, s12  }
0xc4: {  	s6 =	simm.s32 @!p1 $0xC;
	s9 =	sshra.s32 @!p1 s20, $0x2  }
0xc5: {  	_ =	swait.ge @!p1 [sflag:s6], $0x800;
	s9 =	sadd.s32 @!p1 s9, s18  }
0xc6: {  	s11 =	simm.s32 @!p1 $0x6700;
	[sflag:s6] =	ssyncset.done @!p1 $0x0;
	s9 =	sadd.s32 @!p1 $0xB00, s9  }
0xc7: {  	s12 =	rddreg [dreg:$0x8];
	[sflag:s6] =	ssyncadd.s32 @!p1 $0xFFFFF800;
	s6 =	simm.s32 @!p1 $0x80  }
0xc8: {  	[tilespmem:s11], [sflag:$0x4] =	stream.indirect.gather @!p1 [hbm4b:s4+s6], $0x10, s9, s6, $0xb8;
	[tilespmem:$0xDE00] =	vst v63  }
0xc9: {  	p1 =	sge.u32 s17, s12  }
0xca: {  	s6 =	simm.s32 @!p1 $0xD;
	s9 =	sshra.s32 @!p1 s20, $0x2  }
0xcb: {  	_ =	swait.ge @!p1 [sflag:s6], $0x800;
	s9 =	sadd.s32 @!p1 s9, s18  }
0xcc: {  	s11 =	simm.s32 @!p1 $0x6F00;
	[sflag:s6] =	ssyncset.done @!p1 $0x0;
	s9 =	sadd.s32 @!p1 $0xC00, s9  }
0xcd: {  	s12 =	rddreg [dreg:$0x9];
	[sflag:s6] =	ssyncadd.s32 @!p1 $0xFFFFF800;
	s6 =	simm.s32 @!p1 $0x80  }
0xce: {  	[tilespmem:s11], [sflag:$0x5] =	stream.indirect.gather @!p1 [hbm4b:s4+s6], $0x10, s9, s6, $0xb8;
	[tilespmem:$0xDE00] =	vst v63  }
0xcf: {  	p1 =	sge.u32 s17, s12  }
0xd0: {  	s6 =	simm.s32 @!p1 $0xE;
	s9 =	sshra.s32 @!p1 s20, $0x2  }
0xd1: {  	_ =	swait.ge @!p1 [sflag:s6], $0x800;
	s9 =	sadd.s32 @!p1 s9, s18  }
0xd2: {  	s11 =	simm.s32 @!p1 $0x7700;
	[sflag:s6] =	ssyncset.done @!p1 $0x0;
	s9 =	sadd.s32 @!p1 $0xD00, s9  }
0xd3: {  	s12 =	rddreg [dreg:$0xa];
	[sflag:s6] =	ssyncadd.s32 @!p1 $0xFFFFF800;
	s6 =	simm.s32 @!p1 $0x80  }
0xd4: {  	[tilespmem:s11], [sflag:$0x6] =	stream.indirect.gather @!p1 [hbm4b:s4+s6], $0x10, s9, s6, $0xb8;
	[tilespmem:$0xDE00] =	vst v63  }
0xd5: {  	p1 =	sge.u32 s17, s12  }
0xd6: {  	s7 =	sadd.s32 $0x2000, s7;
	s6 =	simm.s32 @!p1 $0xF  }
0xd7: {  	p0 =	sne.s32 s7, $0x14000;
	s9 =	sshra.s32 @!p1 s20, $0x2;
	_ =	swait.ge @!p1 [sflag:s6], $0x800  }
0xd8: {  	s11 =	simm.s32 @!p1 $0x7F00;
	s9 =	sadd.s32 @!p1 s9, s18;
	[sflag:s6] =	ssyncset.done @!p1 $0x0  }
0xd9: {  	s9 =	sadd.s32 @!p1 $0xE00, s9;
	[sflag:s6] =	ssyncadd.s32 @!p1 $0xFFFFF800;
	s6 =	simm.s32 @!p1 $0x80  }
0xda: {  	[tilespmem:s11], [sflag:$0x7] =	stream.indirect.gather @!p1 [hbm4b:s4+s6], $0x10, s9, s6, $0xb8;
	[tilespmem:$0xDE00] =	vst v63  }
.Ltmp1:
0xdb: {  	s12 =	rddreg [dreg:$0xb];
	(pc) =	sbr.rel @p0 .LBB2_4-.Ltmp1, $4  }
0xdc: {  	p1 =	sge.u32 s17, s12  }
0xdd: {  	s6 =	simm.s32 @!p1 $0x10;
	s9 =	sshra.s32 @!p1 s20, $0x2  }
0xde: {  	s11 =	simm.s32 @!p1 $0x80;
	_ =	swait.ge @!p1 [sflag:s6], $0x800;
	s10 =	sadd.s32 @!p1 s9, s18  }
0xdf: {  	s9 =	simm.s32 @!p1 $0x8700;
	[sflag:s6] =	ssyncset.done @!p1 $0x0;
	s10 =	sadd.s32 @!p1 $0xF00, s10  }
0xe0: {  	[sflag:s6] =	ssyncadd.s32 @!p1 $0xFFFFF800;
	s20 =	simm.s32 $0x9  }
0xe1: {  	[tilespmem:s9], [sflag:$0x8] =	stream.indirect.gather @!p1 [hbm4b:s4+s11], $0x10, s10, s11, $0xb8;
	[tilespmem:$0xDE00] =	vst v63  }
0xe2: {  	_ =	swait.ge [sflag:s20], $0x800  }
0xe3: {  	[sflag:s20] =	ssyncset.done $0x0  }
0xe4: {  	s7 =	simm.s32 $0xA;
	[sflag:s20] =	ssyncadd.s32 $0xFFFFF800  }
0xe5: {  	_ =	swait.ge [sflag:s7], $0x800  }
0xe6: {  	[sflag:s7] =	ssyncset.done $0x0  }
0xe7: {  	s9 =	simm.s32 $0xB;
	[sflag:s7] =	ssyncadd.s32 $0xFFFFF800  }
0xe8: {  	_ =	swait.ge [sflag:s9], $0x800  }
0xe9: {  	[sflag:s9] =	ssyncset.done $0x0  }
0xea: {  	s10 =	simm.s32 $0xC;
	[sflag:s9] =	ssyncadd.s32 $0xFFFFF800  }
0xeb: {  	_ =	swait.ge [sflag:s10], $0x800  }
0xec: {  	[sflag:s10] =	ssyncset.done $0x0  }
0xed: {  	s11 =	simm.s32 $0xD;
	[sflag:s10] =	ssyncadd.s32 $0xFFFFF800  }
0xee: {  	_ =	swait.ge [sflag:s11], $0x800  }
0xef: {  	[sflag:s11] =	ssyncset.done $0x0  }
0xf0: {  	[sflag:s11] =	ssyncadd.s32 $0xFFFFF800  }
0xf1: {  	_ =	swait.ge [sflag:s13], $0x800  }
0xf2: {  	[sflag:s13] =	ssyncset.done $0x0  }
0xf3: {  	[sflag:s13] =	ssyncadd.s32 $0xFFFFF800  }
0xf4: {  	_ =	swait.ge [sflag:s14], $0x800  }
0xf5: {  	[sflag:s14] =	ssyncset.done $0x0  }
0xf6: {  	[sflag:s14] =	ssyncadd.s32 $0xFFFFF800  }
0xf7: {  	_ =	swait.ge [sflag:s15], $0x800  }
0xf8: {  	[sflag:s15] =	ssyncset.done $0x0  }
0xf9: {  	[sflag:s15] =	ssyncadd.s32 $0xFFFFF800  }
0xfa: {  	s9 =	simm.s32 $0x8F00;
	[bflag:$0x0] =	sbarrier.arrive $0xFFFF  }
0xfb: {  	[tilespmem:s9], [sflag:$0x11] =	stream.linear.gather [spmem:s8], $0x2780, $0x38;
	[tilespmem:$0xDE00] =	vst v63  }
0xfc: {  	_ =	swait.ge [sflag:s19], $0x2780  }
0xfd: {  	[sflag:s19] =	ssyncset.done $0x0  }
0xfe: {  	s17 =	simm.s32 $0x0;
	s12 =	rddreg [dreg:$0x15];
	[sflag:s19] =	ssyncadd.s32 $0xFFFFD880  }
0xff: {  	[hbm4b:s12+s17] =	stream.linear.scatter [tilespmem:s9], [sflag:$0x11], $0x2780, $0x38;
	[tilespmem:$0xDE00] =	vst v63  }
0x100: {  	_ =	swait.ge [sflag:s19], $0x2780  }
0x101: {  	s16 =	sadd.s32 $0x1, s16;
	s20 =	rddreg [dreg:$0x16]  }
0x102: {  	p0 =	sne.s32 s16, s20  }
.Ltmp2:
0x103: {  	_ = 	snop;
	(pc) =	sbr.rel @p0 .LBB2_1-.Ltmp2, $3  }
0x104: {  	_ =	sdelay $0x1  }
0x105: {  	[sflag:s19] =	ssyncset.done $0x0  }
0x106: {  	[sflag:s19] =	ssyncadd.s32 $0xFFFFD880  }
0x107: {  	_ =	sfence.sel $0x180000  }
0x108: {  	[bflag:$0x0] =	sbarrier.arrive $0xFFFF  }
0x109: {  	_ =	strace $0x9000004A  }
0x10a: {  	s0 =	stileid.u32;
	[bflag:$0x2] =	sbarrier.arrive $0xFFFF  }
0x10b: {  	p0 =	sne.s32 s0, $0x0;
	s0 =	rddreg [dreg:$0x3]  }
0x10c: {  	s0 =	sadd.s32 @!p0 $0x100000, s0  }
0x10d: {  	[sflag:s0] =	ssyncadd.tile.s32 @!p0 $0x1;
	_ =	shalt  }
.Lfunc_end2:
_tile_overlayer_lowered:
.L_overlay_start_2:
0x10e: {  	(tag) =	ssettag $0x2  }
0x10f: {  	s0 =	rddreg [dreg:$0x0];
	s2 =	stileid.u32  }
0x110: {  	s1 =	rddreg [dreg:$0x1];
	p0 =	sne.s32 s2, $0x0  }
0x111: {  	s3 =	rddreg [dreg:$0x2];
	[bflag:$0x3] =	sbarrier.arrive $0xFFFF;
	s2 =	simm.s32 @!p0 $0x1C11  }
0x112: {  	[timem:s3], [sflag:s2] =	dma.local @!p0 [hbm:s0], s1  }
0x113: {  	s0 =	simm.s32 @!p0 $0x11  }
0x114: {  	_ =	swait.ge @!p0 [sflag:s0], s1  }
0x115: {  	s1 =	ssub.s32 @!p0 $0x0, s1;
	[sflag:s0] =	ssyncset.done @!p0 $0x0  }
0x116: {  	[sflag:s0] =	ssyncadd.s32 @!p0 s1  }
0x117: {  	[bflag:$0x3] =	sbarrier.arrive $0xFFFF  }
0x118: {  	_ =	shalt  }

// kernel: kernel.15.cloned.1.call-start
scs
__scs_entry_jumppad:
0x0: {  	(pc) =	sbr.rel $0x88, $3  }
0x1: {  	(tag) =	ssettag $0x0;
	lr =	simm.s32 $0x1  }
0x2: {  	[smem:$0x3F99] =	sst lr;
	_ =	strace $0xD0000000  }
0x3: {  	_ = 	snop  }
0x4: {  	_ = 	snop  }
0x5: {  	_ = 	snop  }
0x6: {  	_ = 	snop  }
0x7: {  	_ = 	snop  }
__scs_overlays_trampoline_lowered:
0x8: {  	[smem:$0x3FA8] =	sst s0  }
0x9: {  	[smem:$0x3FA9] =	sst s1  }
0xa: {  	[smem:$0x3FAA] =	sst s2  }
0xb: {  	[smem:$0x3FAB] =	sst s3  }
0xc: {  	[smem:$0x3FAC] =	sst s4  }
0xd: {  	[smem:$0x3FAD] =	sst s5  }
0xe: {  	[smem:$0x3FAE] =	sst s6  }
0xf: {  	[smem:$0x3FAF] =	sst s7  }
0x10: {  	[smem:$0x3FB0] =	sst s8  }
0x11: {  	[smem:$0x3FB1] =	sst s9;
	s0 =	simm.s32 @!p0 $0x0  }
0x12: {  	s1 =	sld [smem:$0x3F97];
	s0 =	simm.s32 @p0 $0x1  }
0x13: {  	[smem:$0x3FB2] =	sst s0;
	s0 =	simm.s32 @!p1 $0x0  }
0x14: {  	s2 =	sld [smem:$0x3F96];
	s0 =	simm.s32 @p1 $0x1  }
0x15: {  	[smem:$0x3FB3] =	sst s0;
	s0 =	simm.s32 @!p2 $0x0  }
0x16: {  	s3 =	sld [smem:$0x3FDB];
	s0 =	simm.s32 @p2 $0x1  }
0x17: {  	s4 =	simm.s32 $0x1BF5;
	[smem:$0x3FB5] =	sst s0  }
0x18: {  	s0 =	sld [smem:$0x3F98];
	_ =	swait.ge [sflag:s4], $0x0  }
0x19: {  	s7 =	sld [smem:$0x3F99]  }
0x1a: {  	s8 =	sadd.s32 $0xFFFFE003, lr  }
0x1b: {  	s9 =	sadd.s32 $0xFFFFFEF7, lr;
	s5 =	simm.s32 $0xFFFFFFFF;
	p2 =	slt.u32 s8, $0xFFFFF086  }
0x1c: {  	p1 =	slt.u32 s9, $0xF7A;
	s5 =	simm.s32 @!p2 $0x0  }
0x1d: {  	s5 =	simm.s32 @p1 $0x1;
	p0 =	seq.s32 s7, s2  }
0x1e: {  	s7 =	smul.u32 @!p0 $0xF7A, s2;
	p2 =	seq.s32 @!p0 s5, $0x0  }
0x1f: {  	s9 =	smul.u32 $0xF7A, s1;
	s8 =	simm.s32 @!p0 $0x1BF5;
	p2 =	por !p2, p0  }
0x20: {  	[sflag:s8] =	ssyncset.s32 @!p0 $0xFFFFF086;
	s6 =	sadd.s32 @!p0 s3, s7;
	s7 =	simm.s32 @!p0 $0x108  }
0x21: {  	s3 =	sadd.s32 s3, s9;
	s6 =	sadd.s32 @!p0 $0x88, s6;
	s7 =	simm.s32 @p2 $0x1082  }
0x22: {  	[simem:s7], [sflag:s8] =	dma.local @!p0 [hbm:s6], $0xF7A  }
0x23: {  	s9 =	sor.u32 $0xD0000000, s2;
	s6 =	simm.s32 $0x108;
	_ =	swait.ge @!p0 [sflag:s8], $0x0  }
0x24: {  	s3 =	sadd.s32 $0x88, s3;
	s6 =	simm.s32 @!p1 $0x1082;
	[sflag:s4] =	ssyncset.s32 $0xFFFFF086  }
0x25: {  	[simem:s6], [sflag:s4] =	dma.local [hbm:s3], $0xF7A  }
0x26: {  	[smem:$0x3F99] =	sst s1;
	(tag) =	ssettag s2;
	_ =	strace s9  }
0x27: {  	s1 =	sld [smem:$0x3FA9]  }
0x28: {  	s2 =	sld [smem:$0x3FAA]  }
0x29: {  	s4 =	sld [smem:$0x3FAC]  }
0x2a: {  	p0 =	seq.s32 s5, $0x0;
	s5 =	sld [smem:$0x3FAD]  }
0x2b: {  	s6 =	sld [smem:$0x3FAE]  }
0x2c: {  	s7 =	sld [smem:$0x3FAF]  }
0x2d: {  	s3 =	simm.s32 $0x108;
	s8 =	sld [smem:$0x3FB0]  }
0x2e: {  	s3 =	simm.s32 @!p0 $0x1082;
	s9 =	sld [smem:$0x3FB1]  }
0x2f: {  	lr =	sadd.s32 s0, s3;
	s0 =	sld [smem:$0x3FA8]  }
0x30: {  	s3 =	sld [smem:$0x3FAB]  }
0x31: {  	[smem:$0x3FB4] =	sst s10  }
0x32: {  	s10 =	sld [smem:$0x3FB2];
	_ =	sdelay $0x3  }
0x33: {  	p0 =	seq.s32 s10, $0x1;
	s10 =	sld [smem:$0x3FB4];
	_ =	sdelay $0x3  }
0x34: {  	[smem:$0x3FB4] =	sst s10  }
0x35: {  	s10 =	sld [smem:$0x3FB3];
	_ =	sdelay $0x3  }
0x36: {  	p1 =	seq.s32 s10, $0x1;
	s10 =	sld [smem:$0x3FB4];
	_ =	sdelay $0x3  }
0x37: {  	[smem:$0x3FB4] =	sst s10  }
0x38: {  	s10 =	sld [smem:$0x3FB5]  }
0x39: {  	_ = 	snop;
	(pc) =	sbr.ind lr, $3  }
0x3a: {  	_ = 	snop  }
0x3b: {  	_ = 	snop  }
0x3c: {  	p2 =	seq.s32 s10, $0x1;
	s10 =	sld [smem:$0x3FB4]  }
0x3d: {  	_ =	shalt  }
0x3e: {  	_ =	shalt  }
0x3f: {  	_ =	shalt  }
0x40: {  	_ =	shalt  }
0x41: {  	_ =	shalt  }
0x42: {  	_ =	shalt  }
0x43: {  	_ =	shalt  }
0x44: {  	_ =	shalt  }
0x45: {  	_ =	shalt  }
0x46: {  	_ =	shalt  }
0x47: {  	_ =	shalt  }
0x48: {  	_ =	shalt  }
0x49: {  	_ =	shalt  }
0x4a: {  	_ =	shalt  }
0x4b: {  	_ =	shalt  }
0x4c: {  	_ =	shalt  }
0x4d: {  	_ =	shalt  }
0x4e: {  	_ =	shalt  }
0x4f: {  	_ =	shalt  }
0x50: {  	_ =	shalt  }
0x51: {  	_ =	shalt  }
0x52: {  	_ =	shalt  }
0x53: {  	_ =	shalt  }
0x54: {  	_ =	shalt  }
0x55: {  	_ =	shalt  }
0x56: {  	_ =	shalt  }
0x57: {  	_ =	shalt  }
0x58: {  	_ =	shalt  }
0x59: {  	_ =	shalt  }
0x5a: {  	_ =	shalt  }
0x5b: {  	_ =	shalt  }
0x5c: {  	_ =	shalt  }
0x5d: {  	_ =	shalt  }
0x5e: {  	_ =	shalt  }
0x5f: {  	_ =	shalt  }
0x60: {  	_ =	shalt  }
0x61: {  	_ =	shalt  }
0x62: {  	_ =	shalt  }
0x63: {  	_ =	shalt  }
0x64: {  	_ =	shalt  }
0x65: {  	_ =	shalt  }
0x66: {  	_ =	shalt  }
0x67: {  	_ =	shalt  }
0x68: {  	_ =	shalt  }
0x69: {  	_ =	shalt  }
0x6a: {  	_ =	shalt  }
0x6b: {  	_ =	shalt  }
0x6c: {  	_ =	shalt  }
0x6d: {  	_ =	shalt  }
0x6e: {  	_ =	shalt  }
0x6f: {  	_ =	shalt  }
0x70: {  	_ =	shalt  }
0x71: {  	_ =	shalt  }
0x72: {  	_ =	shalt  }
0x73: {  	_ =	shalt  }
0x74: {  	_ =	shalt  }
0x75: {  	_ =	shalt  }
0x76: {  	_ =	shalt  }
0x77: {  	_ =	shalt  }
0x78: {  	_ =	shalt  }
0x79: {  	_ =	shalt  }
0x7a: {  	_ =	shalt  }
0x7b: {  	_ =	shalt  }
0x7c: {  	_ =	shalt  }
0x7d: {  	_ =	shalt  }
0x7e: {  	_ =	shalt  }
0x7f: {  	_ =	shalt  }
0x80: {  	_ =	shalt  }
0x81: {  	_ =	shalt  }
0x82: {  	_ =	shalt  }
0x83: {  	_ =	shalt  }
0x84: {  	_ =	shalt  }
0x85: {  	_ =	shalt  }
0x86: {  	_ =	shalt  }
0x87: {  	_ =	shalt  }
.Lfunc_end0:
.L_simem_size_0:
called_computation.2_lowered:
.L_overlay_start_0:
0x88: {  	s2 =	sld [smem:$0x3FD9]  }
0x89: {  	s3 =	sld [smem:$0x3FFE];
	_ =	sdelay $0x1  }
0x8a: {  	s1 =	srdreg.scid  }
0x8b: {  	s0 =	sand.u32 $0x1, s1  }
0x8c: {  	s17 =	sshll.u32 s0, $0xA;
	s2 =	sadd.s32 s3, s2  }
0x8d: {  	s2 =	sadd.s32 s2, s17  }
0x8e: {  	[smem:$0x3FC0] =	sst s2  }
0x8f: {  	_ = 	snop  }
0x90: {  	s2 =	sld [smem:$0x3FC8];
	(tm) =	ssettm $0x1  }
0x91: {  	s18 =	sld [smem:$0x3FFB];
	_ =	sdelay $0x3  }
0x92: {  	_ =	strace s18  }
0x93: {  	s3 =	sld [smem:$0x3FFC];
	_ =	sdelay $0x3  }
0x94: {  	_ =	strace s3  }
0x95: {  	s3 =	sld [smem:$0x3FFD];
	_ =	sdelay $0x3  }
0x96: {  	_ =	strace s3  }
0x97: {  	_ =	strace $0x8FFFFFFF  }
0x98: {  	s19 =	sld [smem:$0x3FDB];
	_ =	sdelay $0x1  }
0x99: {  	s4 =	simm.s32 $_scs_section_size  }
0x9a: {  	s5 =	simm.s32 $_size__tile_overlayer_lowered;
	s6 =	simm.s32 $_tile_overlayer_lowered  }
0x9b: {  	s22 =	simm.s32 $0x1BFF;
	s21 =	sshll.u32 s6, $0x1;
	s3 =	sadd.s32 s4, s19  }
0x9c: {  	s7 =	simm.s32 $0x0;
	s20 =	sshll.u32 s5, $0x1;
	s5 =	sadd.s32 s21, s3  }
0x9d: {  	[timem:s7], [sflag:s22] =	dma.local [hbm:s5], s20  }
0x9e: {  	_ =	swait.ge [sflag:s22], s20  }
0x9f: {  	s4 =	ssub.s32 $0x0, s20;
	[sflag:s22] =	ssyncset.done $0x0  }
0xa0: {  	[sflag:s22] =	ssyncadd.s32 s4;
	_ =	sdelay $0x1  }
0xa1: {  	s23 =	simm.s32 $0x1B8B  }
0xa2: {  	_ =	swait.ge [sflag:s23], $0x1  }
0xa3: {  	[sflag:s23] =	ssyncset.done $0x0  }
0xa4: {  	s25 =	simm.s32 $0x1B8E;
	s24 =	sld [smem:$0x3FFE];
	[sflag:s23] =	ssyncadd.s32 $0xFFFFFFFF  }
0xa5: {  	s26 =	simm.s32 $execute0_lowered;
	[smem:$0x3FD2] =	sst s25  }
0xa6: {  	s5 =	sshll.u32 s26, $0x1;
	_ =	strace $0x8000004C;
	[dreg:$0x1] =	wrdreg $0xFFFFFFFF  }
0xa7: {  	s28 =	simm.s32 $_size_execute0_lowered;
	s3 =	sadd.s32 s3, s5;
	[dreg:$0x0] =	wrdreg $0x0  }
0xa8: {  	s5 =	sshll.u32 s28, $0x1;
	[dreg:$0x2] =	wrdreg s3  }
0xa9: {  	[dreg:$0x3] =	wrdreg s5  }
0xaa: {  	[dreg:$0x4] =	wrdreg $0xC0  }
0xab: {  	_ =	task [dreg:s7], $0x5FFFF  }
0xac: {  	[dreg:$0x1] =	wrdreg $0xFFFFFFFF  }
0xad: {  	[dreg:$0x0] =	wrdreg $0x60  }
0xae: {  	[dreg:$0x2] =	wrdreg s2  }
0xaf: {  	[dreg:$0x3] =	wrdreg s24  }
0xb0: {  	[dreg:$0x4] =	wrdreg $0xB6800  }
0xb1: {  	[dreg:$0x5] =	wrdreg $0x9  }
0xb2: {  	_ =	task.clear_ibuf [dreg:s7], $0x6FFFF;
	_ =	strace $0x9000004C  }
0xb3: {  	s29 =	simm.s32 $0x9;
	_ =	strace $0x8000004E  }
0xb4: {  	_ =	swait.ge [sflag:s29], $0x1  }
0xb5: {  	[sflag:s29] =	ssyncadd.s32 $0xFFFFFFFF  }
0xb6: {  	_ =	strace $0x9000004E  }
0xb7: {  	_ =	sfence  }
0xb8: {  	s30 =	sld [smem:$0x0];
	_ =	sdelay $0x2  }
0xb9: {  	s31 =	sshll.u32 s1, $0xD;
	s1 =	sshrl.u32 s1, $0x2  }
0xba: {  	s3 =	sand.u32 $0x4000, s31;
	s1 =	sadd.s32 s1, s30  }
0xbb: {  	s0 =	sor.u32 s3, s0;
	s1 =	sshll.u32 s1, $0x11  }
0xbc: {  	s0 =	sor.u32 s1, s0  }
0xbd: {  	s0 =	sadd.s32 $0x8F2B, s0  }
0xbe: {  	[sflag:s0] =	ssyncadd.remote.s32 $0x1  }
0xbf: {  	_ =	sfence.sel $0xFFFF  }
0xc0: {  	[dreg:$0x0] =	wrdreg $0xFFFFFFFF;
	(pc) =	sbr.abs _section_cstart, $3  }
0xc1: {  	[dreg:$0x1] =	wrdreg $0xFFFFFFFF  }
0xc2: {  	_ =	task.clear_ibuf [dreg:s7], $0x2FFFF;
	_ =	strace $0x9FFFFFFF  }
0xc3: {  	(tm) =	ssettm $0x7FFFFFFF  }
tec
execute0_lowered:
.L_overlay_start_1:
0x0: {  	(tag) =	ssettag $0x1  }
0x1: {  	s0 =	rddreg [dreg:$0x0]  }
0x2: {  	s1 =	rddreg [dreg:$0x1]  }
0x3: {  	s2 =	rddreg [dreg:$0x2];
	s3 =	srdreg.scid  }
0x4: {  	s12 =	stileid.u32;
	s17 =	simm.s32 $0x0;
	s28 =	simm.s32 $0x7700  }
0x5: {  	s31 =	simm.s32 $0x1;
	s29 =	simm.s32 $0x4;
	s6 =	smul.u32 $0x2780, s12  }
0x6: {  	s30 =	simm.s32 $0x5;
	s3 =	sand.u32 $0x1, s3;
	s7 =	smul.u32 $0x4E, s12  }
0x7: {  	[smem:$0x7FF] =	sst s17;
	s9 =	smin.u32 s12, $0x2;
	s8 =	ssub.s32 $0x0, s3  }
0x8: {  	s5 =	smul.u32 $0x27800, s3;
	s10 =	sand.u32 $0x4E2, s8;
	s7 =	sadd.s32 s7, s9  }
0x9: {  	s4 =	sadd.s32 $0x2A00, s1;
	p0 =	slt.u32 s12, $0x2;
	s7 =	sadd.s32 s10, s7  }
0xa: {  	_ =	strace $0x8000004D;
	s5 =	sadd.s32 s6, s5;
	s11 =	smin.u32 s7, $0x975  }
0xb: {  	s3 =	ssub.s32 $0x2, s3;
	s5 =	sshrl.u32 s5, $0x3;
	s20 =	sshll.u32 s11, $0x5  }
0xc: {  	s1 =	sadd.s32 s5, s1;
	s5 =	simm.s32 $0x4F;
	s0 =	sadd.s32 s0, s20  }
0xd: {  	s5 =	simm.s32 @!p0 $0x4E;
	s1 =	sadd.s32 $0x7A00, s1;
	[dreg:$0xc] =	wrdreg s0  }
0xe: {  	s19 =	sshrl.u32 s3, $0x1;
	s22 =	sadd.s32 $0xFFFFFFF8, s5;
	[dreg:$0x15] =	wrdreg s1  }
0xf: {  	s8 =	sadd.s32 s6, s2;
	s24 =	sadd.s32 $0xFFFFFFF7, s5;
	[dreg:$0x4] =	wrdreg s22  }
0x10: {  	s3 =	ssub.s32 s3, s19;
	s26 =	sadd.s32 $0xFFFFFFF6, s5;
	[dreg:$0x5] =	wrdreg s24  }
0x11: {  	s7 =	ssub.s32 s7, s11;
	s14 =	sadd.s32 $0xFFFFFFF5, s5;
	[dreg:$0x6] =	wrdreg s26  }
0x12: {  	s7 =	sshll.u32 s7, $0xA;
	s16 =	sadd.s32 $0xFFFFFFF4, s5;
	[dreg:$0x7] =	wrdreg s14  }
0x13: {  	s7 =	sshra.s32 s7, $0x2;
	s19 =	sadd.s32 $0xFFFFFFF3, s5;
	[dreg:$0x8] =	wrdreg s16  }
0x14: {  	s20 =	sadd.s32 $0xFFFFFFF2, s5;
	s1 =	simm.s32 $0x3;
	[dreg:$0x9] =	wrdreg s19  }
0x15: {  	s21 =	sadd.s32 $0x100, s7;
	s23 =	sadd.s32 $0x200, s7;
	[dreg:$0xd] =	wrdreg s7  }
0x16: {  	s25 =	sadd.s32 $0x300, s7;
	s13 =	sadd.s32 $0x400, s7;
	[dreg:$0xa] =	wrdreg s20  }
0x17: {  	s15 =	sadd.s32 $0x500, s7;
	s18 =	sadd.s32 $0x600, s7;
	[dreg:$0xe] =	wrdreg s21  }
0x18: {  	s7 =	sadd.s32 $0x700, s7;
	s22 =	sshll.u32 s10, $0xA;
	[dreg:$0xf] =	wrdreg s23  }
0x19: {  	s24 =	sshll.u32 s9, $0xA;
	s26 =	smax.u32 s3, $0x1;
	[dreg:$0x10] =	wrdreg s25  }
0x1a: {  	s19 =	simm.s32 $0x11;
	s9 =	simm.s32 $0x8F00;
	[dreg:$0x11] =	wrdreg s13  }
0x1b: {  	s3 =	simm.s32 $0x6;
	s14 =	simm.s32 $0xF;
	[dreg:$0x12] =	wrdreg s15  }
0x1c: {  	s16 =	simm.s32 $0x0;
	[dreg:$0x13] =	wrdreg s18;
	s21 =	smul.u32 $0x13800, s12  }
0x1d: {  	[dreg:$0x14] =	wrdreg s7;
	s23 =	sadd.s32 $0xFFFFFFF1, s5;
	s25 =	sshll.u32 s11, $0xA  }
0x1e: {  	[dreg:$0x16] =	wrdreg s26;
	s26 =	simm.s32 $0x6F00;
	s13 =	simm.s32 $0xE  }
0x1f: {  	s15 =	simm.s32 $0x10;
	[dreg:$0xb] =	wrdreg s23;
	s0 =	sadd.s32 s22, s21  }
0x20: {  	s23 =	simm.s32 $0x5700;
	s21 =	simm.s32 $0x80;
	s0 =	sadd.s32 s24, s0  }
0x21: {  	s22 =	simm.s32 $0x4F00;
	s24 =	simm.s32 $0x5F00;
	s0 =	ssub.s32 s0, s25  }
0x22: {  	v0 =	vimm.f32 $0.0e+00;
	s25 =	simm.s32 $0x6700;
	s18 =	sshra.s32 s0, $0x2;
	s0 =	simm.s32 $0x2  }
.LBB2_1:
0x23: {  	s6 =	rddreg [dreg:$0xc]  }
0x24: {  	[tilespmem:s17], [sflag:$0x11] =	stream.linear.gather [hbm4b:s6+s17], $0x4F00, $0x38;
	[tilespmem:$0xDE00] =	vst v63  }
0x25: {  	_ =	swait.ge [sflag:s19], $0x4F00  }
0x26: {  	[sflag:s19] =	ssyncset.done $0x0  }
0x27: {  	s7 =	simm.s32 $0x0;
	s6 =	simm.s32 $0x40;
	[sflag:s19] =	ssyncadd.s32 $0xFFFFB100  }
.LBB2_2:
0x28: {  	p0 =	sne.s32 s6, $0x9DC0;
	[tilespmem:s7+$0x8F00] =	vst v0;
	s7 =	smov.u32 s6;
	s6 =	sadd.s32 $0x40, s6  }
.Ltmp0:
0x29: {  	(pc) =	sbr.rel @p0 .LBB2_2-.Ltmp0, $2  }
0x2a: {  	_ =	sdelay $0x2  }
0x2b: {  	s7 =	sshra.s32 s7, $0x2  }
0x2c: {  	[tilespmem:s7+$0x8F00] =	vst v0  }
0x2d: {  	[spmem:s8] =	stream.linear.scatter [tilespmem:s9], [sflag:$0x11], $0x2780, $0x38;
	[tilespmem:$0xDE00] =	vst v63  }
0x2e: {  	_ =	swait.ge [sflag:s19], $0x2780  }
0x2f: {  	[sflag:s19] =	ssyncset.done $0x0  }
0x30: {  	[sflag:s19] =	ssyncadd.s32 $0xFFFFD880  }
0x31: {  	[bflag:$0x0] =	sbarrier.arrive $0xFFFF  }
0x32: {  	s6 =	rddreg [dreg:$0xd]  }
0x33: {  	[tilespmem:s22], [sflag:$0x1] =	stream.indirect.gather [hbm4b:s4+s21], $0x10, s6, s21, $0xb8;
	[tilespmem:$0xDE00] =	vst v63  }
0x34: {  	s7 =	rddreg [dreg:$0xe]  }
0x35: {  	[tilespmem:s23], [sflag:$0x2] =	stream.indirect.gather [hbm4b:s4+s21], $0x10, s7, s21, $0xb8;
	[tilespmem:$0xDE00] =	vst v63  }
0x36: {  	s9 =	rddreg [dreg:$0xf]  }
0x37: {  	[tilespmem:s24], [sflag:$0x3] =	stream.indirect.gather [hbm4b:s4+s21], $0x10, s9, s21, $0xb8;
	[tilespmem:$0xDE00] =	vst v63  }
0x38: {  	s10 =	rddreg [dreg:$0x10]  }
0x39: {  	[tilespmem:s25], [sflag:$0x4] =	stream.indirect.gather [hbm4b:s4+s21], $0x10, s10, s21, $0xb8;
	[tilespmem:$0xDE00] =	vst v63  }
0x3a: {  	s11 =	rddreg [dreg:$0x11]  }
0x3b: {  	[tilespmem:s26], [sflag:$0x5] =	stream.indirect.gather [hbm4b:s4+s21], $0x10, s11, s21, $0xb8;
	[tilespmem:$0xDE00] =	vst v63  }
0x3c: {  	s12 =	rddreg [dreg:$0x12]  }
0x3d: {  	[tilespmem:s28], [sflag:$0x6] =	stream.indirect.gather [hbm4b:s4+s21], $0x10, s12, s21, $0xb8;
	[tilespmem:$0xDE00] =	vst v63  }
0x3e: {  	s20 =	simm.s32 $0x7F00;
	s17 =	rddreg [dreg:$0x13]  }
0x3f: {  	[tilespmem:s20], [sflag:$0x7] =	stream.indirect.gather [hbm4b:s4+s21], $0x10, s17, s21, $0xb8;
	[tilespmem:$0xDE00] =	vst v63  }
0x40: {  	s9 =	rddreg [dreg:$0x14];
	s10 =	simm.s32 $0x8700  }
0x41: {  	[tilespmem:s10], [sflag:$0x8] =	stream.indirect.gather [hbm4b:s4+s21], $0x10, s9, s21, $0xb8;
	[tilespmem:$0xDE00] =	vst v63  }
0x42: {  	_ =	swait.ge [sflag:s31], $0x800  }
0x43: {  	s11 =	sadd.s32 $0x0, s18;
	[sflag:s31] =	ssyncset.done $0x0  }
0x44: {  	s12 =	sadd.s32 $0x80, s11;
	[sflag:s31] =	ssyncadd.s32 $0xFFFFF800  }
0x45: {  	[spmem:s2] =	stream.indirect.scatter.add.f32 [tilespmem:s22], [sflag:$0x9], $0x10, s12, s21, $0xb8;
	[tilespmem:$0xDE00] =	vst v63  }
0x46: {  	_ =	swait.ge [sflag:s0], $0x800  }
0x47: {  	[sflag:s0] =	ssyncset.done $0x0  }
0x48: {  	s17 =	sadd.s32 $0x180, s11;
	[sflag:s0] =	ssyncadd.s32 $0xFFFFF800  }
0x49: {  	[spmem:s2] =	stream.indirect.scatter.add.f32 [tilespmem:s23], [sflag:$0xA], $0x10, s17, s21, $0xb8;
	[tilespmem:$0xDE00] =	vst v63  }
0x4a: {  	_ =	swait.ge [sflag:s1], $0x800  }
0x4b: {  	[sflag:s1] =	ssyncset.done $0x0  }
0x4c: {  	s20 =	sadd.s32 $0x280, s11;
	[sflag:s1] =	ssyncadd.s32 $0xFFFFF800  }
0x4d: {  	[spmem:s2] =	stream.indirect.scatter.add.f32 [tilespmem:s24], [sflag:$0xB], $0x10, s20, s21, $0xb8;
	[tilespmem:$0xDE00] =	vst v63  }
0x4e: {  	_ =	swait.ge [sflag:s29], $0x800  }
0x4f: {  	[sflag:s29] =	ssyncset.done $0x0  }
0x50: {  	s9 =	sadd.s32 $0x380, s11;
	[sflag:s29] =	ssyncadd.s32 $0xFFFFF800  }
0x51: {  	[spmem:s2] =	stream.indirect.scatter.add.f32 [tilespmem:s25], [sflag:$0xC], $0x10, s9, s21, $0xb8;
	[tilespmem:$0xDE00] =	vst v63  }
0x52: {  	_ =	swait.ge [sflag:s30], $0x800  }
0x53: {  	[sflag:s30] =	ssyncset.done $0x0  }
0x54: {  	s10 =	sadd.s32 $0x480, s11;
	[sflag:s30] =	ssyncadd.s32 $0xFFFFF800  }
0x55: {  	[spmem:s2] =	stream.indirect.scatter.add.f32 [tilespmem:s26], [sflag:$0xD], $0x10, s10, s21, $0xb8;
	[tilespmem:$0xDE00] =	vst v63  }
0x56: {  	_ =	swait.ge [sflag:s3], $0x800  }
0x57: {  	p1 =	sle.u32 s5, $0x6;
	[sflag:s3] =	ssyncset.done $0x0  }
0x58: {  	s7 =	simm.s32 @!p1 $0x7;
	s6 =	sadd.s32 $0x580, s11;
	[sflag:s3] =	ssyncadd.s32 $0xFFFFF800  }
0x59: {  	[spmem:s2] =	stream.indirect.scatter.add.f32 [tilespmem:s28], [sflag:$0xE], $0x10, s6, s21, $0xb8;
	[tilespmem:$0xDE00] =	vst v63  }
0x5a: {  	p0 =	sle.u32 s5, $0x7;
	s9 =	sadd.s32 @!p1 $0x0, s18;
	_ =	swait.ge @!p1 [sflag:s7], $0x800  }
0x5b: {  	s9 =	sadd.s32 @!p1 $0x680, s9;
	s10 =	simm.s32 @!p1 $0x80;
	[sflag:s7] =	ssyncset.done @!p1 $0x0  }
0x5c: {  	s6 =	simm.s32 @!p1 $0x7F00;
	[sflag:s7] =	ssyncadd.s32 @!p1 $0xFFFFF800;
	s7 =	simm.s32 @!p0 $0x8  }
0x5d: {  	[spmem:s2] =	stream.indirect.scatter.add.f32 @!p1 [tilespmem:s6], [sflag:$0xF], $0x10, s9, s10, $0xb8;
	[tilespmem:$0xDE00] =	vst v63  }
0x5e: {  	s6 =	sadd.s32 @!p0 $0x0, s18;
	_ =	swait.ge @!p0 [sflag:s7], $0x800  }
0x5f: {  	s10 =	simm.s32 @!p0 $0x8700;
	s6 =	sadd.s32 @!p0 $0x780, s6;
	[sflag:s7] =	ssyncset.done @!p0 $0x0  }
0x60: {  	s11 =	rddreg [dreg:$0x4];
	[sflag:s7] =	ssyncadd.s32 @!p0 $0xFFFFF800;
	s7 =	simm.s32 @!p0 $0x80  }
0x61: {  	[spmem:s2] =	stream.indirect.scatter.add.f32 @!p0 [tilespmem:s10], [sflag:$0x10], $0x10, s6, s7, $0xb8;
	[tilespmem:$0xDE00] =	vst v63  }
0x62: {  	p0 =	sle.u32 s11, $0x0  }
0x63: {  	s6 =	simm.s32 @!p0 $0x9  }
0x64: {  	s7 =	sadd.s32 @!p0 $0x0, s18;
	_ =	swait.ge @!p0 [sflag:s6], $0x800  }
0x65: {  	s10 =	simm.s32 @!p0 $0x4F00;
	s7 =	sadd.s32 @!p0 $0x800, s7;
	[sflag:s6] =	ssyncset.done @!p0 $0x0  }
0x66: {  	s12 =	rddreg [dreg:$0x5];
	[sflag:s6] =	ssyncadd.s32 @!p0 $0xFFFFF800;
	s6 =	simm.s32 @!p0 $0x80  }
0x67: {  	[tilespmem:s10], [sflag:$0x1] =	stream.indirect.gather @!p0 [hbm4b:s4+s6], $0x10, s7, s6, $0xb8;
	[tilespmem:$0xDE00] =	vst v63  }
0x68: {  	p0 =	sle.u32 s12, $0x0  }
0x69: {  	s6 =	simm.s32 @!p0 $0xA  }
0x6a: {  	s7 =	simm.s32 @!p0 $0x5700;
	_ =	swait.ge @!p0 [sflag:s6], $0x800  }
0x6b: {  	s9 =	sadd.s32 @!p0 $0x0, s18;
	[sflag:s6] =	ssyncset.done @!p0 $0x0;
	s17 =	rddreg [dreg:$0x6]  }
0x6c: {  	[sflag:s6] =	ssyncadd.s32 @!p0 $0xFFFFF800;
	s6 =	sadd.s32 @!p0 $0x900, s9;
	s9 =	simm.s32 @!p0 $0x80  }
0x6d: {  	[tilespmem:s7], [sflag:$0x2] =	stream.indirect.gather @!p0 [hbm4b:s4+s9], $0x10, s6, s9, $0xb8;
	[tilespmem:$0xDE00] =	vst v63  }
0x6e: {  	p0 =	sle.u32 s17, $0x0  }
0x6f: {  	s6 =	simm.s32 @!p0 $0xB  }
0x70: {  	s7 =	sadd.s32 @!p0 $0x0, s18;
	_ =	swait.ge @!p0 [sflag:s6], $0x800  }
0x71: {  	s10 =	simm.s32 @!p0 $0x5F00;
	s7 =	sadd.s32 @!p0 $0xA00, s7;
	[sflag:s6] =	ssyncset.done @!p0 $0x0  }
0x72: {  	s20 =	rddreg [dreg:$0x7];
	[sflag:s6] =	ssyncadd.s32 @!p0 $0xFFFFF800;
	s6 =	simm.s32 @!p0 $0x80  }
0x73: {  	[tilespmem:s10], [sflag:$0x3] =	stream.indirect.gather @!p0 [hbm4b:s4+s6], $0x10, s7, s6, $0xb8;
	[tilespmem:$0xDE00] =	vst v63  }
0x74: {  	p0 =	sle.u32 s20, $0x0  }
0x75: {  	s6 =	simm.s32 @!p0 $0xC  }
0x76: {  	s7 =	sadd.s32 @!p0 $0x0, s18;
	_ =	swait.ge @!p0 [sflag:s6], $0x800  }
0x77: {  	s10 =	simm.s32 @!p0 $0x6700;
	s7 =	sadd.s32 @!p0 $0xB00, s7;
	[sflag:s6] =	ssyncset.done @!p0 $0x0  }
0x78: {  	s11 =	rddreg [dreg:$0x8];
	[sflag:s6] =	ssyncadd.s32 @!p0 $0xFFFFF800;
	s6 =	simm.s32 @!p0 $0x80  }
0x79: {  	[tilespmem:s10], [sflag:$0x4] =	stream.indirect.gather @!p0 [hbm4b:s4+s6], $0x10, s7, s6, $0xb8;
	[tilespmem:$0xDE00] =	vst v63  }
0x7a: {  	p0 =	sle.u32 s11, $0x0  }
0x7b: {  	s6 =	simm.s32 @!p0 $0xD  }
0x7c: {  	s7 =	sadd.s32 @!p0 $0x0, s18;
	_ =	swait.ge @!p0 [sflag:s6], $0x800  }
0x7d: {  	s10 =	simm.s32 @!p0 $0x6F00;
	s7 =	sadd.s32 @!p0 $0xC00, s7;
	[sflag:s6] =	ssyncset.done @!p0 $0x0  }
0x7e: {  	s12 =	rddreg [dreg:$0x9];
	[sflag:s6] =	ssyncadd.s32 @!p0 $0xFFFFF800;
	s6 =	simm.s32 @!p0 $0x80  }
0x7f: {  	[tilespmem:s10], [sflag:$0x5] =	stream.indirect.gather @!p0 [hbm4b:s4+s6], $0x10, s7, s6, $0xb8;
	[tilespmem:$0xDE00] =	vst v63  }
0x80: {  	p0 =	sle.u32 s12, $0x0  }
0x81: {  	s6 =	simm.s32 @!p0 $0xE  }
0x82: {  	s7 =	sadd.s32 @!p0 $0x0, s18;
	_ =	swait.ge @!p0 [sflag:s6], $0x800  }
0x83: {  	s10 =	simm.s32 @!p0 $0x7700;
	s7 =	sadd.s32 @!p0 $0xD00, s7;
	[sflag:s6] =	ssyncset.done @!p0 $0x0  }
0x84: {  	s17 =	rddreg [dreg:$0xa];
	[sflag:s6] =	ssyncadd.s32 @!p0 $0xFFFFF800;
	s6 =	simm.s32 @!p0 $0x80  }
0x85: {  	[tilespmem:s10], [sflag:$0x6] =	stream.indirect.gather @!p0 [hbm4b:s4+s6], $0x10, s7, s6, $0xb8;
	[tilespmem:$0xDE00] =	vst v63  }
0x86: {  	p0 =	sle.u32 s17, $0x0  }
0x87: {  	s6 =	simm.s32 @!p0 $0xF  }
0x88: {  	s7 =	sadd.s32 @!p0 $0x0, s18;
	s10 =	simm.s32 @!p0 $0x7F00;
	_ =	swait.ge @!p0 [sflag:s6], $0x800  }
0x89: {  	s7 =	sadd.s32 @!p0 $0xE00, s7;
	[sflag:s6] =	ssyncset.done @!p0 $0x0;
	s20 =	rddreg [dreg:$0xb]  }
0x8a: {  	[sflag:s6] =	ssyncadd.s32 @!p0 $0xFFFFF800;
	s6 =	simm.s32 @!p0 $0x80;
	p1 =	sle.u32 s20, $0x0  }
0x8b: {  	[tilespmem:s10], [sflag:$0x7] =	stream.indirect.gather @!p0 [hbm4b:s4+s6], $0x10, s7, s6, $0xb8;
	[tilespmem:$0xDE00] =	vst v63  }
0x8c: {  	s17 =	simm.s32 $0x0;
	s7 =	simm.s32 $0x2000;
	s6 =	simm.s32 @!p1 $0x10  }
0x8d: {  	s10 =	sadd.s32 @!p1 $0x0, s18;
	s9 =	simm.s32 @!p1 $0x8700;
	_ =	swait.ge @!p1 [sflag:s6], $0x800  }
0x8e: {  	s11 =	simm.s32 @!p1 $0x80;
	s10 =	sadd.s32 @!p1 $0xF00, s10;
	[sflag:s6] =	ssyncset.done @!p1 $0x0  }
.LBB2_4:
0x8f: {  	[sflag:s6] =	ssyncadd.s32 @!p1 $0xFFFFF800;
	s20 =	smov.u32 s7  }
0x90: {  	[tilespmem:s9], [sflag:$0x8] =	stream.indirect.gather @!p1 [hbm4b:s4+s11], $0x10, s10, s11, $0xb8;
	[tilespmem:$0xDE00] =	vst v63  }
0x91: {  	s11 =	sshra.s32 s20, $0x2;
	_ =	swait.ge [sflag:s31], $0x800  }
0x92: {  	s6 =	sadd.s32 s11, s18;
	[sflag:s31] =	ssyncset.done $0x0  }
0x93: {  	s12 =	sadd.s32 $0x80, s6;
	[sflag:s31] =	ssyncadd.s32 $0xFFFFF800  }
0x94: {  	[spmem:s2] =	stream.indirect.scatter.add.f32 [tilespmem:s22], [sflag:$0x9], $0x10, s12, s21, $0xb8;
	[tilespmem:$0xDE00] =	vst v63  }
0x95: {  	_ =	swait.ge [sflag:s0], $0x800  }
0x96: {  	[sflag:s0] =	ssyncset.done $0x0  }
0x97: {  	s10 =	sadd.s32 $0x180, s6;
	[sflag:s0] =	ssyncadd.s32 $0xFFFFF800  }
0x98: {  	[spmem:s2] =	stream.indirect.scatter.add.f32 [tilespmem:s23], [sflag:$0xA], $0x10, s10, s21, $0xb8;
	[tilespmem:$0xDE00] =	vst v63  }
0x99: {  	_ =	swait.ge [sflag:s1], $0x800  }
0x9a: {  	[sflag:s1] =	ssyncset.done $0x0  }
0x9b: {  	s11 =	sadd.s32 $0x280, s6;
	[sflag:s1] =	ssyncadd.s32 $0xFFFFF800  }
0x9c: {  	[spmem:s2] =	stream.indirect.scatter.add.f32 [tilespmem:s24], [sflag:$0xB], $0x10, s11, s21, $0xb8;
	[tilespmem:$0xDE00] =	vst v63  }
0x9d: {  	_ =	swait.ge [sflag:s29], $0x800  }
0x9e: {  	[sflag:s29] =	ssyncset.done $0x0  }
0x9f: {  	s12 =	sadd.s32 $0x380, s6;
	[sflag:s29] =	ssyncadd.s32 $0xFFFFF800  }
0xa0: {  	[spmem:s2] =	stream.indirect.scatter.add.f32 [tilespmem:s25], [sflag:$0xC], $0x10, s12, s21, $0xb8;
	[tilespmem:$0xDE00] =	vst v63  }
0xa1: {  	_ =	swait.ge [sflag:s30], $0x800  }
0xa2: {  	s17 =	sadd.s32 $0x8, s17;
	[sflag:s30] =	ssyncset.done $0x0  }
0xa3: {  	s10 =	sadd.s32 $0x480, s6;
	s11 =	sadd.s32 $0x6, s17;
	[sflag:s30] =	ssyncadd.s32 $0xFFFFF800  }
0xa4: {  	[spmem:s2] =	stream.indirect.scatter.add.f32 [tilespmem:s26], [sflag:$0xD], $0x10, s10, s21, $0xb8;
	[tilespmem:$0xDE00] =	vst v63  }
0xa5: {  	s6 =	sadd.s32 $0x580, s6;
	p2 =	sge.u32 s11, s5;
	_ =	swait.ge [sflag:s3], $0x800  }
0xa6: {  	s9 =	simm.s32 @!p2 $0x7;
	s11 =	sshra.s32 @!p2 s20, $0x2;
	[sflag:s3] =	ssyncset.done $0x0  }
0xa7: {  	s12 =	simm.s32 @!p2 $0x7F00;
	s10 =	sadd.s32 $0x7, s17;
	[sflag:s3] =	ssyncadd.s32 $0xFFFFF800  }
0xa8: {  	[spmem:s2] =	stream.indirect.scatter.add.f32 [tilespmem:s28], [sflag:$0xE], $0x10, s6, s21, $0xb8;
	[tilespmem:$0xDE00] =	vst v63  }
0xa9: {  	p1 =	sge.u32 s10, s5;
	s10 =	simm.s32 @!p2 $0x80;
	_ =	swait.ge @!p2 [sflag:s9], $0x800  }
0xaa: {  	s6 =	sadd.s32 @!p2 s11, s18;
	s11 =	sshra.s32 @!p1 s20, $0x2;
	[sflag:s9] =	ssyncset.done @!p2 $0x0  }
0xab: {  	s6 =	sadd.s32 @!p2 $0x680, s6;
	[sflag:s9] =	ssyncadd.s32 @!p2 $0xFFFFF800;
	s9 =	simm.s32 @!p1 $0x8  }
0xac: {  	[spmem:s2] =	stream.indirect.scatter.add.f32 @!p2 [tilespmem:s12], [sflag:$0xF], $0x10, s6, s10, $0xb8;
	[tilespmem:$0xDE00] =	vst v63  }
0xad: {  	s6 =	sadd.s32 @!p1 s11, s18;
	_ =	swait.ge @!p1 [sflag:s9], $0x800  }
0xae: {  	s11 =	simm.s32 @!p1 $0x8700;
	s6 =	sadd.s32 @!p1 $0x780, s6;
	[sflag:s9] =	ssyncset.done @!p1 $0x0  }
0xaf: {  	s12 =	rddreg [dreg:$0x4];
	[sflag:s9] =	ssyncadd.s32 @!p1 $0xFFFFF800;
	s9 =	simm.s32 @!p1 $0x80  }
0xb0: {  	[spmem:s2] =	stream.indirect.scatter.add.f32 @!p1 [tilespmem:s11], [sflag:$0x10], $0x10, s6, s9, $0xb8;
	[tilespmem:$0xDE00] =	vst v63  }
0xb1: {  	p1 =	sge.u32 s17, s12  }
0xb2: {  	s6 =	simm.s32 @!p1 $0x9;
	s9 =	sshra.s32 @!p1 s20, $0x2  }
0xb3: {  	_ =	swait.ge @!p1 [sflag:s6], $0x800;
	s9 =	sadd.s32 @!p1 s9, s18  }
0xb4: {  	s11 =	simm.s32 @!p1 $0x4F00;
	[sflag:s6] =	ssyncset.done @!p1 $0x0;
	s9 =	sadd.s32 @!p1 $0x800, s9  }
0xb5: {  	s12 =	rddreg [dreg:$0x5];
	[sflag:s6] =	ssyncadd.s32 @!p1 $0xFFFFF800;
	s6 =	simm.s32 @!p1 $0x80  }
0xb6: {  	[tilespmem:s11], [sflag:$0x1] =	stream.indirect.gather @!p1 [hbm4b:s4+s6], $0x10, s9, s6, $0xb8;
	[tilespmem:$0xDE00] =	vst v63  }
0xb7: {  	p1 =	sge.u32 s17, s12  }
0xb8: {  	s6 =	simm.s32 @!p1 $0xA  }
0xb9: {  	s9 =	sshra.s32 @!p1 s20, $0x2;
	s10 =	simm.s32 @!p1 $0x5700;
	_ =	swait.ge @!p1 [sflag:s6], $0x800  }
0xba: {  	s9 =	sadd.s32 @!p1 s9, s18;
	[sflag:s6] =	ssyncset.done @!p1 $0x0;
	s12 =	rddreg [dreg:$0x6]  }
0xbb: {  	[sflag:s6] =	ssyncadd.s32 @!p1 $0xFFFFF800;
	s6 =	sadd.s32 @!p1 $0x900, s9;
	s9 =	simm.s32 @!p1 $0x80  }
0xbc: {  	[tilespmem:s10], [sflag:$0x2] =	stream.indirect.gather @!p1 [hbm4b:s4+s9], $0x10, s6, s9, $0xb8;
	[tilespmem:$0xDE00] =	vst v63  }
0xbd: {  	p1 =	sge.u32 s17, s12  }
0xbe: {  	s6 =	simm.s32 @!p1 $0xB;
	s9 =	sshra.s32 @!p1 s20, $0x2  }
0xbf: {  	_ =	swait.ge @!p1 [sflag:s6], $0x800;
	s9 =	sadd.s32 @!p1 s9, s18  }
0xc0: {  	s11 =	simm.s32 @!p1 $0x5F00;
	[sflag:s6] =	ssyncset.done @!p1 $0x0;
	s9 =	sadd.s32 @!p1 $0xA00, s9  }
0xc1: {  	s12 =	rddreg [dreg:$0x7];
	[sflag:s6] =	ssyncadd.s32 @!p1 $0xFFFFF800;
	s6 =	simm.s32 @!p1 $0x80  }
0xc2: {  	[tilespmem:s11], [sflag:$0x3] =	stream.indirect.gather @!p1 [hbm4b:s4+s6], $0x10, s9, s6, $0xb8;
	[tilespmem:$0xDE00] =	vst v63  }
0xc3: {  	p1 =	sge.u32 s17, s12  }
0xc4: {  	s6 =	simm.s32 @!p1 $0xC;
	s9 =	sshra.s32 @!p1 s20, $0x2  }
0xc5: {  	_ =	swait.ge @!p1 [sflag:s6], $0x800;
	s9 =	sadd.s32 @!p1 s9, s18  }
0xc6: {  	s11 =	simm.s32 @!p1 $0x6700;
	[sflag:s6] =	ssyncset.done @!p1 $0x0;
	s9 =	sadd.s32 @!p1 $0xB00, s9  }
0xc7: {  	s12 =	rddreg [dreg:$0x8];
	[sflag:s6] =	ssyncadd.s32 @!p1 $0xFFFFF800;
	s6 =	simm.s32 @!p1 $0x80  }
0xc8: {  	[tilespmem:s11], [sflag:$0x4] =	stream.indirect.gather @!p1 [hbm4b:s4+s6], $0x10, s9, s6, $0xb8;
	[tilespmem:$0xDE00] =	vst v63  }
0xc9: {  	p1 =	sge.u32 s17, s12  }
0xca: {  	s6 =	simm.s32 @!p1 $0xD;
	s9 =	sshra.s32 @!p1 s20, $0x2  }
0xcb: {  	_ =	swait.ge @!p1 [sflag:s6], $0x800;
	s9 =	sadd.s32 @!p1 s9, s18  }
0xcc: {  	s11 =	simm.s32 @!p1 $0x6F00;
	[sflag:s6] =	ssyncset.done @!p1 $0x0;
	s9 =	sadd.s32 @!p1 $0xC00, s9  }
0xcd: {  	s12 =	rddreg [dreg:$0x9];
	[sflag:s6] =	ssyncadd.s32 @!p1 $0xFFFFF800;
	s6 =	simm.s32 @!p1 $0x80  }
0xce: {  	[tilespmem:s11], [sflag:$0x5] =	stream.indirect.gather @!p1 [hbm4b:s4+s6], $0x10, s9, s6, $0xb8;
	[tilespmem:$0xDE00] =	vst v63  }
0xcf: {  	p1 =	sge.u32 s17, s12  }
0xd0: {  	s6 =	simm.s32 @!p1 $0xE;
	s9 =	sshra.s32 @!p1 s20, $0x2  }
0xd1: {  	_ =	swait.ge @!p1 [sflag:s6], $0x800;
	s9 =	sadd.s32 @!p1 s9, s18  }
0xd2: {  	s11 =	simm.s32 @!p1 $0x7700;
	[sflag:s6] =	ssyncset.done @!p1 $0x0;
	s9 =	sadd.s32 @!p1 $0xD00, s9  }
0xd3: {  	s12 =	rddreg [dreg:$0xa];
	[sflag:s6] =	ssyncadd.s32 @!p1 $0xFFFFF800;
	s6 =	simm.s32 @!p1 $0x80  }
0xd4: {  	[tilespmem:s11], [sflag:$0x6] =	stream.indirect.gather @!p1 [hbm4b:s4+s6], $0x10, s9, s6, $0xb8;
	[tilespmem:$0xDE00] =	vst v63  }
0xd5: {  	p1 =	sge.u32 s17, s12  }
0xd6: {  	s7 =	sadd.s32 $0x2000, s7;
	s6 =	simm.s32 @!p1 $0xF  }
0xd7: {  	p0 =	sne.s32 s7, $0x14000;
	s9 =	sshra.s32 @!p1 s20, $0x2;
	_ =	swait.ge @!p1 [sflag:s6], $0x800  }
0xd8: {  	s11 =	simm.s32 @!p1 $0x7F00;
	s9 =	sadd.s32 @!p1 s9, s18;
	[sflag:s6] =	ssyncset.done @!p1 $0x0  }
0xd9: {  	s9 =	sadd.s32 @!p1 $0xE00, s9;
	[sflag:s6] =	ssyncadd.s32 @!p1 $0xFFFFF800;
	s6 =	simm.s32 @!p1 $0x80  }
0xda: {  	[tilespmem:s11], [sflag:$0x7] =	stream.indirect.gather @!p1 [hbm4b:s4+s6], $0x10, s9, s6, $0xb8;
	[tilespmem:$0xDE00] =	vst v63  }
.Ltmp1:
0xdb: {  	s12 =	rddreg [dreg:$0xb];
	(pc) =	sbr.rel @p0 .LBB2_4-.Ltmp1, $4  }
0xdc: {  	p1 =	sge.u32 s17, s12  }
0xdd: {  	s6 =	simm.s32 @!p1 $0x10;
	s9 =	sshra.s32 @!p1 s20, $0x2  }
0xde: {  	s11 =	simm.s32 @!p1 $0x80;
	_ =	swait.ge @!p1 [sflag:s6], $0x800;
	s10 =	sadd.s32 @!p1 s9, s18  }
0xdf: {  	s9 =	simm.s32 @!p1 $0x8700;
	[sflag:s6] =	ssyncset.done @!p1 $0x0;
	s10 =	sadd.s32 @!p1 $0xF00, s10  }
0xe0: {  	[sflag:s6] =	ssyncadd.s32 @!p1 $0xFFFFF800;
	s20 =	simm.s32 $0x9  }
0xe1: {  	[tilespmem:s9], [sflag:$0x8] =	stream.indirect.gather @!p1 [hbm4b:s4+s11], $0x10, s10, s11, $0xb8;
	[tilespmem:$0xDE00] =	vst v63  }
0xe2: {  	_ =	swait.ge [sflag:s20], $0x800  }
0xe3: {  	[sflag:s20] =	ssyncset.done $0x0  }
0xe4: {  	s7 =	simm.s32 $0xA;
	[sflag:s20] =	ssyncadd.s32 $0xFFFFF800  }
0xe5: {  	_ =	swait.ge [sflag:s7], $0x800  }
0xe6: {  	[sflag:s7] =	ssyncset.done $0x0  }
0xe7: {  	s9 =	simm.s32 $0xB;
	[sflag:s7] =	ssyncadd.s32 $0xFFFFF800  }
0xe8: {  	_ =	swait.ge [sflag:s9], $0x800  }
0xe9: {  	[sflag:s9] =	ssyncset.done $0x0  }
0xea: {  	s10 =	simm.s32 $0xC;
	[sflag:s9] =	ssyncadd.s32 $0xFFFFF800  }
0xeb: {  	_ =	swait.ge [sflag:s10], $0x800  }
0xec: {  	[sflag:s10] =	ssyncset.done $0x0  }
0xed: {  	s11 =	simm.s32 $0xD;
	[sflag:s10] =	ssyncadd.s32 $0xFFFFF800  }
0xee: {  	_ =	swait.ge [sflag:s11], $0x800  }
0xef: {  	[sflag:s11] =	ssyncset.done $0x0  }
0xf0: {  	[sflag:s11] =	ssyncadd.s32 $0xFFFFF800  }
0xf1: {  	_ =	swait.ge [sflag:s13], $0x800  }
0xf2: {  	[sflag:s13] =	ssyncset.done $0x0  }
0xf3: {  	[sflag:s13] =	ssyncadd.s32 $0xFFFFF800  }
0xf4: {  	_ =	swait.ge [sflag:s14], $0x800  }
0xf5: {  	[sflag:s14] =	ssyncset.done $0x0  }
0xf6: {  	[sflag:s14] =	ssyncadd.s32 $0xFFFFF800  }
0xf7: {  	_ =	swait.ge [sflag:s15], $0x800  }
0xf8: {  	[sflag:s15] =	ssyncset.done $0x0  }
0xf9: {  	[sflag:s15] =	ssyncadd.s32 $0xFFFFF800  }
0xfa: {  	s9 =	simm.s32 $0x8F00;
	[bflag:$0x0] =	sbarrier.arrive $0xFFFF  }
0xfb: {  	[tilespmem:s9], [sflag:$0x11] =	stream.linear.gather [spmem:s8], $0x2780, $0x38;
	[tilespmem:$0xDE00] =	vst v63  }
0xfc: {  	_ =	swait.ge [sflag:s19], $0x2780  }
0xfd: {  	[sflag:s19] =	ssyncset.done $0x0  }
0xfe: {  	s17 =	simm.s32 $0x0;
	s12 =	rddreg [dreg:$0x15];
	[sflag:s19] =	ssyncadd.s32 $0xFFFFD880  }
0xff: {  	[hbm4b:s12+s17] =	stream.linear.scatter [tilespmem:s9], [sflag:$0x11], $0x2780, $0x38;
	[tilespmem:$0xDE00] =	vst v63  }
0x100: {  	_ =	swait.ge [sflag:s19], $0x2780  }
0x101: {  	s16 =	sadd.s32 $0x1, s16;
	s20 =	rddreg [dreg:$0x16]  }
0x102: {  	p0 =	sne.s32 s16, s20  }
.Ltmp2:
0x103: {  	_ = 	snop;
	(pc) =	sbr.rel @p0 .LBB2_1-.Ltmp2, $3  }
0x104: {  	_ =	sdelay $0x1  }
0x105: {  	[sflag:s19] =	ssyncset.done $0x0  }
0x106: {  	[sflag:s19] =	ssyncadd.s32 $0xFFFFD880  }
0x107: {  	_ =	sfence.sel $0x180000  }
0x108: {  	[bflag:$0x0] =	sbarrier.arrive $0xFFFF  }
0x109: {  	_ =	strace $0x9000004D  }
0x10a: {  	s0 =	stileid.u32;
	[bflag:$0x2] =	sbarrier.arrive $0xFFFF  }
0x10b: {  	p0 =	sne.s32 s0, $0x0;
	s0 =	rddreg [dreg:$0x3]  }
0x10c: {  	s0 =	sadd.s32 @!p0 $0x100000, s0  }
0x10d: {  	[sflag:s0] =	ssyncadd.tile.s32 @!p0 $0x1;
	_ =	shalt  }
.Lfunc_end2:
_tile_overlayer_lowered:
.L_overlay_start_2:
0x10e: {  	(tag) =	ssettag $0x2  }
0x10f: {  	s0 =	rddreg [dreg:$0x0];
	s2 =	stileid.u32  }
0x110: {  	s1 =	rddreg [dreg:$0x1];
	p0 =	sne.s32 s2, $0x0  }
0x111: {  	s3 =	rddreg [dreg:$0x2];
	[bflag:$0x3] =	sbarrier.arrive $0xFFFF;
	s2 =	simm.s32 @!p0 $0x1C11  }
0x112: {  	[timem:s3], [sflag:s2] =	dma.local @!p0 [hbm:s0], s1  }
0x113: {  	s0 =	simm.s32 @!p0 $0x11  }
0x114: {  	_ =	swait.ge @!p0 [sflag:s0], s1  }
0x115: {  	s1 =	ssub.s32 @!p0 $0x0, s1;
	[sflag:s0] =	ssyncset.done @!p0 $0x0  }
0x116: {  	[sflag:s0] =	ssyncadd.s32 @!p0 s1  }
0x117: {  	[bflag:$0x3] =	sbarrier.arrive $0xFFFF  }
0x118: {  	_ =	shalt  }

// kernel: kernel.9.cloned.1.call-start
scs
__scs_entry_jumppad:
0x0: {  	(pc) =	sbr.rel $0x88, $3  }
0x1: {  	(tag) =	ssettag $0x0;
	lr =	simm.s32 $0x1  }
0x2: {  	[smem:$0x3F99] =	sst lr;
	_ =	strace $0xD0000000  }
0x3: {  	_ = 	snop  }
0x4: {  	_ = 	snop  }
0x5: {  	_ = 	snop  }
0x6: {  	_ = 	snop  }
0x7: {  	_ = 	snop  }
__scs_overlays_trampoline_lowered:
0x8: {  	[smem:$0x3FA8] =	sst s0  }
0x9: {  	[smem:$0x3FA9] =	sst s1  }
0xa: {  	[smem:$0x3FAA] =	sst s2  }
0xb: {  	[smem:$0x3FAB] =	sst s3  }
0xc: {  	[smem:$0x3FAC] =	sst s4  }
0xd: {  	[smem:$0x3FAD] =	sst s5  }
0xe: {  	[smem:$0x3FAE] =	sst s6  }
0xf: {  	[smem:$0x3FAF] =	sst s7  }
0x10: {  	[smem:$0x3FB0] =	sst s8  }
0x11: {  	[smem:$0x3FB1] =	sst s9;
	s0 =	simm.s32 @!p0 $0x0  }
0x12: {  	s1 =	sld [smem:$0x3F97];
	s0 =	simm.s32 @p0 $0x1  }
0x13: {  	[smem:$0x3FB2] =	sst s0;
	s0 =	simm.s32 @!p1 $0x0  }
0x14: {  	s2 =	sld [smem:$0x3F96];
	s0 =	simm.s32 @p1 $0x1  }
0x15: {  	[smem:$0x3FB3] =	sst s0;
	s0 =	simm.s32 @!p2 $0x0  }
0x16: {  	s3 =	sld [smem:$0x3FDB];
	s0 =	simm.s32 @p2 $0x1  }
0x17: {  	s4 =	simm.s32 $0x1BF5;
	[smem:$0x3FB5] =	sst s0  }
0x18: {  	s0 =	sld [smem:$0x3F98];
	_ =	swait.ge [sflag:s4], $0x0  }
0x19: {  	s7 =	sld [smem:$0x3F99]  }
0x1a: {  	s8 =	sadd.s32 $0xFFFFE003, lr  }
0x1b: {  	s9 =	sadd.s32 $0xFFFFFEF7, lr;
	s5 =	simm.s32 $0xFFFFFFFF;
	p2 =	slt.u32 s8, $0xFFFFF086  }
0x1c: {  	p1 =	slt.u32 s9, $0xF7A;
	s5 =	simm.s32 @!p2 $0x0  }
0x1d: {  	s5 =	simm.s32 @p1 $0x1;
	p0 =	seq.s32 s7, s2  }
0x1e: {  	s7 =	smul.u32 @!p0 $0xF7A, s2;
	p2 =	seq.s32 @!p0 s5, $0x0  }
0x1f: {  	s9 =	smul.u32 $0xF7A, s1;
	s8 =	simm.s32 @!p0 $0x1BF5;
	p2 =	por !p2, p0  }
0x20: {  	[sflag:s8] =	ssyncset.s32 @!p0 $0xFFFFF086;
	s6 =	sadd.s32 @!p0 s3, s7;
	s7 =	simm.s32 @!p0 $0x108  }
0x21: {  	s3 =	sadd.s32 s3, s9;
	s6 =	sadd.s32 @!p0 $0x88, s6;
	s7 =	simm.s32 @p2 $0x1082  }
0x22: {  	[simem:s7], [sflag:s8] =	dma.local @!p0 [hbm:s6], $0xF7A  }
0x23: {  	s9 =	sor.u32 $0xD0000000, s2;
	s6 =	simm.s32 $0x108;
	_ =	swait.ge @!p0 [sflag:s8], $0x0  }
0x24: {  	s3 =	sadd.s32 $0x88, s3;
	s6 =	simm.s32 @!p1 $0x1082;
	[sflag:s4] =	ssyncset.s32 $0xFFFFF086  }
0x25: {  	[simem:s6], [sflag:s4] =	dma.local [hbm:s3], $0xF7A  }
0x26: {  	[smem:$0x3F99] =	sst s1;
	(tag) =	ssettag s2;
	_ =	strace s9  }
0x27: {  	s1 =	sld [smem:$0x3FA9]  }
0x28: {  	s2 =	sld [smem:$0x3FAA]  }
0x29: {  	s4 =	sld [smem:$0x3FAC]  }
0x2a: {  	p0 =	seq.s32 s5, $0x0;
	s5 =	sld [smem:$0x3FAD]  }
0x2b: {  	s6 =	sld [smem:$0x3FAE]  }
0x2c: {  	s7 =	sld [smem:$0x3FAF]  }
0x2d: {  	s3 =	simm.s32 $0x108;
	s8 =	sld [smem:$0x3FB0]  }
0x2e: {  	s3 =	simm.s32 @!p0 $0x1082;
	s9 =	sld [smem:$0x3FB1]  }
0x2f: {  	lr =	sadd.s32 s0, s3;
	s0 =	sld [smem:$0x3FA8]  }
0x30: {  	s3 =	sld [smem:$0x3FAB]  }
0x31: {  	[smem:$0x3FB4] =	sst s10  }
0x32: {  	s10 =	sld [smem:$0x3FB2];
	_ =	sdelay $0x3  }
0x33: {  	p0 =	seq.s32 s10, $0x1;
	s10 =	sld [smem:$0x3FB4];
	_ =	sdelay $0x3  }
0x34: {  	[smem:$0x3FB4] =	sst s10  }
0x35: {  	s10 =	sld [smem:$0x3FB3];
	_ =	sdelay $0x3  }
0x36: {  	p1 =	seq.s32 s10, $0x1;
	s10 =	sld [smem:$0x3FB4];
	_ =	sdelay $0x3  }
0x37: {  	[smem:$0x3FB4] =	sst s10  }
0x38: {  	s10 =	sld [smem:$0x3FB5]  }
0x39: {  	_ = 	snop;
	(pc) =	sbr.ind lr, $3  }
0x3a: {  	_ = 	snop  }
0x3b: {  	_ = 	snop  }
0x3c: {  	p2 =	seq.s32 s10, $0x1;
	s10 =	sld [smem:$0x3FB4]  }
0x3d: {  	_ =	shalt  }
0x3e: {  	_ =	shalt  }
0x3f: {  	_ =	shalt  }
0x40: {  	_ =	shalt  }
0x41: {  	_ =	shalt  }
0x42: {  	_ =	shalt  }
0x43: {  	_ =	shalt  }
0x44: {  	_ =	shalt  }
0x45: {  	_ =	shalt  }
0x46: {  	_ =	shalt  }
0x47: {  	_ =	shalt  }
0x48: {  	_ =	shalt  }
0x49: {  	_ =	shalt  }
0x4a: {  	_ =	shalt  }
0x4b: {  	_ =	shalt  }
0x4c: {  	_ =	shalt  }
0x4d: {  	_ =	shalt  }
0x4e: {  	_ =	shalt  }
0x4f: {  	_ =	shalt  }
0x50: {  	_ =	shalt  }
0x51: {  	_ =	shalt  }
0x52: {  	_ =	shalt  }
0x53: {  	_ =	shalt  }
0x54: {  	_ =	shalt  }
0x55: {  	_ =	shalt  }
0x56: {  	_ =	shalt  }
0x57: {  	_ =	shalt  }
0x58: {  	_ =	shalt  }
0x59: {  	_ =	shalt  }
0x5a: {  	_ =	shalt  }
0x5b: {  	_ =	shalt  }
0x5c: {  	_ =	shalt  }
0x5d: {  	_ =	shalt  }
0x5e: {  	_ =	shalt  }
0x5f: {  	_ =	shalt  }
0x60: {  	_ =	shalt  }
0x61: {  	_ =	shalt  }
0x62: {  	_ =	shalt  }
0x63: {  	_ =	shalt  }
0x64: {  	_ =	shalt  }
0x65: {  	_ =	shalt  }
0x66: {  	_ =	shalt  }
0x67: {  	_ =	shalt  }
0x68: {  	_ =	shalt  }
0x69: {  	_ =	shalt  }
0x6a: {  	_ =	shalt  }
0x6b: {  	_ =	shalt  }
0x6c: {  	_ =	shalt  }
0x6d: {  	_ =	shalt  }
0x6e: {  	_ =	shalt  }
0x6f: {  	_ =	shalt  }
0x70: {  	_ =	shalt  }
0x71: {  	_ =	shalt  }
0x72: {  	_ =	shalt  }
0x73: {  	_ =	shalt  }
0x74: {  	_ =	shalt  }
0x75: {  	_ =	shalt  }
0x76: {  	_ =	shalt  }
0x77: {  	_ =	shalt  }
0x78: {  	_ =	shalt  }
0x79: {  	_ =	shalt  }
0x7a: {  	_ =	shalt  }
0x7b: {  	_ =	shalt  }
0x7c: {  	_ =	shalt  }
0x7d: {  	_ =	shalt  }
0x7e: {  	_ =	shalt  }
0x7f: {  	_ =	shalt  }
0x80: {  	_ =	shalt  }
0x81: {  	_ =	shalt  }
0x82: {  	_ =	shalt  }
0x83: {  	_ =	shalt  }
0x84: {  	_ =	shalt  }
0x85: {  	_ =	shalt  }
0x86: {  	_ =	shalt  }
0x87: {  	_ =	shalt  }
.Lfunc_end0:
.L_simem_size_0:
called_computation_lowered:
.L_overlay_start_0:
0x88: {  	s2 =	sld [smem:$0x3FD9]  }
0x89: {  	s3 =	sld [smem:$0x3FFE];
	_ =	sdelay $0x1  }
0x8a: {  	s1 =	srdreg.scid  }
0x8b: {  	s0 =	sand.u32 $0x1, s1  }
0x8c: {  	s17 =	sshll.u32 s0, $0xA;
	s2 =	sadd.s32 s3, s2  }
0x8d: {  	s2 =	sadd.s32 s2, s17  }
0x8e: {  	[smem:$0x3FC0] =	sst s2  }
0x8f: {  	_ = 	snop  }
0x90: {  	s2 =	sld [smem:$0x3FC8];
	(tm) =	ssettm $0x1  }
0x91: {  	s18 =	sld [smem:$0x3FFB];
	_ =	sdelay $0x3  }
0x92: {  	_ =	strace s18  }
0x93: {  	s3 =	sld [smem:$0x3FFC];
	_ =	sdelay $0x3  }
0x94: {  	_ =	strace s3  }
0x95: {  	s3 =	sld [smem:$0x3FFD];
	_ =	sdelay $0x3  }
0x96: {  	_ =	strace s3  }
0x97: {  	_ =	strace $0x8FFFFFFF  }
0x98: {  	s19 =	sld [smem:$0x3FDB];
	_ =	sdelay $0x1  }
0x99: {  	s4 =	simm.s32 $_scs_section_size  }
0x9a: {  	s5 =	simm.s32 $_size__tile_overlayer_lowered;
	s6 =	simm.s32 $_tile_overlayer_lowered  }
0x9b: {  	s22 =	simm.s32 $0x1BFF;
	s21 =	sshll.u32 s6, $0x1;
	s3 =	sadd.s32 s4, s19  }
0x9c: {  	s7 =	simm.s32 $0x0;
	s20 =	sshll.u32 s5, $0x1;
	s5 =	sadd.s32 s21, s3  }
0x9d: {  	[timem:s7], [sflag:s22] =	dma.local [hbm:s5], s20  }
0x9e: {  	_ =	swait.ge [sflag:s22], s20  }
0x9f: {  	s4 =	ssub.s32 $0x0, s20;
	[sflag:s22] =	ssyncset.done $0x0  }
0xa0: {  	[sflag:s22] =	ssyncadd.s32 s4;
	_ =	sdelay $0x1  }
0xa1: {  	s23 =	simm.s32 $0x1B8B  }
0xa2: {  	_ =	swait.ge [sflag:s23], $0x1  }
0xa3: {  	[sflag:s23] =	ssyncset.done $0x0  }
0xa4: {  	s25 =	simm.s32 $0x1B8E;
	s24 =	sld [smem:$0x3FFE];
	[sflag:s23] =	ssyncadd.s32 $0xFFFFFFFF  }
0xa5: {  	s26 =	simm.s32 $execute0_lowered;
	[smem:$0x3FD2] =	sst s25  }
0xa6: {  	s5 =	sshll.u32 s26, $0x1;
	_ =	strace $0x80000046;
	[dreg:$0x1] =	wrdreg $0xFFFFFFFF  }
0xa7: {  	s28 =	simm.s32 $_size_execute0_lowered;
	s3 =	sadd.s32 s3, s5;
	[dreg:$0x0] =	wrdreg $0x0  }
0xa8: {  	s5 =	sshll.u32 s28, $0x1;
	[dreg:$0x2] =	wrdreg s3  }
0xa9: {  	[dreg:$0x3] =	wrdreg s5  }
0xaa: {  	[dreg:$0x4] =	wrdreg $0xC0  }
0xab: {  	_ =	task [dreg:s7], $0x5FFFF  }
0xac: {  	[dreg:$0x1] =	wrdreg $0xFFFFFFFF  }
0xad: {  	[dreg:$0x0] =	wrdreg $0x60  }
0xae: {  	[dreg:$0x2] =	wrdreg s2  }
0xaf: {  	[dreg:$0x3] =	wrdreg s24  }
0xb0: {  	[dreg:$0x4] =	wrdreg $0x7E800  }
0xb1: {  	[dreg:$0x5] =	wrdreg $0x9  }
0xb2: {  	_ =	task.clear_ibuf [dreg:s7], $0x6FFFF;
	_ =	strace $0x90000046  }
0xb3: {  	s29 =	simm.s32 $0x9;
	_ =	strace $0x80000048  }
0xb4: {  	_ =	swait.ge [sflag:s29], $0x1  }
0xb5: {  	[sflag:s29] =	ssyncadd.s32 $0xFFFFFFFF  }
0xb6: {  	_ =	strace $0x90000048  }
0xb7: {  	_ =	sfence  }
0xb8: {  	s30 =	sld [smem:$0x0];
	_ =	sdelay $0x2  }
0xb9: {  	s31 =	sshll.u32 s1, $0xD;
	s1 =	sshrl.u32 s1, $0x2  }
0xba: {  	s3 =	sand.u32 $0x4000, s31;
	s1 =	sadd.s32 s1, s30  }
0xbb: {  	s0 =	sor.u32 s3, s0;
	s1 =	sshll.u32 s1, $0x11  }
0xbc: {  	s0 =	sor.u32 s1, s0  }
0xbd: {  	s0 =	sadd.s32 $0x8F2B, s0  }
0xbe: {  	[sflag:s0] =	ssyncadd.remote.s32 $0x1  }
0xbf: {  	_ =	sfence.sel $0xFFFF  }
0xc0: {  	[dreg:$0x0] =	wrdreg $0xFFFFFFFF;
	(pc) =	sbr.abs _section_cstart, $3  }
0xc1: {  	[dreg:$0x1] =	wrdreg $0xFFFFFFFF  }
0xc2: {  	_ =	task.clear_ibuf [dreg:s7], $0x2FFFF;
	_ =	strace $0x9FFFFFFF  }
0xc3: {  	(tm) =	ssettm $0x7FFFFFFF  }
tec
execute0_lowered:
.L_overlay_start_1:
0x0: {  	(tag) =	ssettag $0x1  }
0x1: {  	s5 =	rddreg [dreg:$0x0]  }
0x2: {  	s1 =	srdreg.scid;
	s4 =	rddreg [dreg:$0x1]  }
0x3: {  	s0 =	stileid.u32;
	s2 =	rddreg [dreg:$0x2]  }
0x4: {  	s3 =	simm.s32 $0x0;
	s12 =	simm.s32 $0x80;
	s13 =	simm.s32 $0x4F00  }
0x5: {  	s6 =	sand.u32 $0x1, s1;
	s7 =	smul.u32 $0x2780, s0;
	s1 =	rddreg [dreg:$0x3]  }
0x6: {  	s14 =	simm.s32 $0x0;
	[smem:$0x7FF] =	sst s3;
	s9 =	smul.u32 $0x4E, s0  }
0x7: {  	s11 =	smin.u32 s0, $0x2;
	p0 =	slt.u32 s0, $0x2;
	s8 =	smul.u32 $0x27800, s6  }
0x8: {  	_ =	strace $0x80000047;
	s28 =	ssub.s32 $0x2, s6;
	s6 =	ssub.s32 $0x0, s6  }
0x9: {  	s10 =	sshrl.u32 s28, $0x1;
	s29 =	sand.u32 $0x4E2, s6;
	s30 =	sadd.s32 s9, s11  }
0xa: {  	s8 =	sadd.s32 s7, s8;
	s10 =	ssub.s32 s28, s10;
	s6 =	sadd.s32 s29, s30  }
0xb: {  	s11 =	sadd.s32 s11, s29;
	s8 =	sshrl.u32 s8, $0x3;
	s6 =	smin.u32 s6, $0x975  }
0xc: {  	s9 =	sadd.s32 s9, s11;
	s11 =	simm.s32 $0x5700;
	s8 =	sadd.s32 s8, s4  }
0xd: {  	s4 =	simm.s32 $0x4F;
	s31 =	sshll.u32 s6, $0x5;
	s9 =	ssub.s32 s9, s6  }
0xe: {  	s6 =	sadd.s32 s7, s2;
	s4 =	simm.s32 @!p0 $0x4E;
	s9 =	sshll.u32 s9, $0xA  }
0xf: {  	s5 =	sadd.s32 s5, s31;
	s7 =	sadd.s32 $0x2A00, s8;
	s9 =	sshra.s32 s9, $0x2  }
0x10: {  	v0 =	vimm.f32 $1.000000000e+00;
	v1 =	vimm.f32 $0.0e+00;
	s8 =	smax.u32 s10, $0x1;
	s10 =	simm.s32 $0x1;
	s9 =	sor.u32 $0x80, s9  }
.LBB2_1:
0x11: {  	[tilespmem:s3], [sflag:$0x1] =	stream.linear.gather [hbm4b:s5+s3], $0x4F00, $0x38;
	[tilespmem:$0xA600] =	vst v63  }
0x12: {  	_ =	swait.ge [sflag:s10], $0x4F00  }
0x13: {  	[sflag:s10] =	ssyncset.done $0x0  }
0x14: {  	s15 =	simm.s32 $0x0;
	[sflag:s10] =	ssyncadd.s32 $0xFFFFB100  }
.LBB2_2:
0x15: {  	p0 =	sne.s32 s15, $0x1FC0  }
.Ltmp0:
0x16: {  	_ = 	snop;
	(pc) =	sbr.rel @p0 .LBB2_2-.Ltmp0, $3  }
0x17: {  	_ =	sdelay $0x1  }
0x18: {  	s16 =	sshra.s32 s15, $0x2  }
0x19: {  	s15 =	sadd.s32 $0x40, s15;
	[tilespmem:s16+$0x4F00] =	vst v0  }
0x1a: {  	s15 =	simm.s32 $0x40;
	s16 =	simm.s32 $0x0  }
.LBB2_4:
0x1b: {  	p0 =	sne.s32 s15, $0x9DC0;
	[tilespmem:s16+$0x5700] =	vst v1;
	s16 =	smov.u32 s15;
	s15 =	sadd.s32 $0x40, s15  }
.Ltmp1:
0x1c: {  	(pc) =	sbr.rel @p0 .LBB2_4-.Ltmp1, $2  }
0x1d: {  	_ =	sdelay $0x2  }
0x1e: {  	s16 =	sshra.s32 s16, $0x2  }
0x1f: {  	[tilespmem:s16+$0x5700] =	vst v1  }
0x20: {  	[spmem:s6] =	stream.linear.scatter [tilespmem:s11], [sflag:$0x1], $0x2780, $0x38;
	[tilespmem:$0xA600] =	vst v63  }
0x21: {  	_ =	swait.ge [sflag:s10], $0x2780  }
0x22: {  	p0 =	sne.s32 s4, $0x1;
	[sflag:s10] =	ssyncset.done $0x0  }
.Ltmp2:
0x23: {  	[sflag:s10] =	ssyncadd.s32 $0xFFFFD880;
	(pc) =	sbr.rel @!p0 .LBB2_7-.Ltmp2, $4  }
0x24: {  	[bflag:$0x0] =	sbarrier.arrive $0xFFFF  }
0x25: {  	[spmem:s2] =	stream.indirect.scatter.add.f32 [tilespmem:s13], [sflag:$0x1], $0x10, s9, s12, $0xb8;
	[tilespmem:$0xA600] =	vst v63  }
0x26: {  	_ =	swait.ge [sflag:s10], $0x800  }
0x27: {  	s15 =	sadd.s32 $0xFFFFFFFF, s4;
	s16 =	smov.u32 s9;
	[sflag:s10] =	ssyncset.done $0x0  }
.LBB2_6:
0x28: {  	p0 =	sne.s32 s15, $0x1;
	[sflag:s10] =	ssyncadd.s32 $0xFFFFF800;
	s16 =	sadd.s32 $0x100, s16  }
.Ltmp3:
0x29: {  	s15 =	sadd.s32 $0xFFFFFFFF, s15;
	(pc) =	sbr.rel @p0 .LBB2_6-.Ltmp3, $4  }
0x2a: {  	_ = 	snop  }
0x2b: {  	[spmem:s2] =	stream.indirect.scatter.add.f32 [tilespmem:s13], [sflag:$0x1], $0x10, s16, s12, $0xb8;
	[tilespmem:$0xA600] =	vst v63  }
0x2c: {  	_ =	swait.ge [sflag:s10], $0x800  }
0x2d: {  	[sflag:s10] =	ssyncset.done $0x0  }
.LBB2_7:
0x2e: {  	[sflag:s10] =	ssyncadd.s32 $0xFFFFF800  }
0x2f: {  	[bflag:$0x0] =	sbarrier.arrive $0xFFFF  }
0x30: {  	[tilespmem:s11], [sflag:$0x1] =	stream.linear.gather [spmem:s6], $0x2780, $0x38;
	[tilespmem:$0xA600] =	vst v63  }
0x31: {  	s14 =	sadd.s32 $0x1, s14;
	_ =	swait.ge [sflag:s10], $0x2780  }
0x32: {  	p0 =	sne.s32 s14, s8;
	[sflag:s10] =	ssyncset.done $0x0  }
.Ltmp4:
0x33: {  	[sflag:s10] =	ssyncadd.s32 $0xFFFFD880;
	(pc) =	sbr.rel @p0 .LBB2_1-.Ltmp4, $4  }
0x34: {  	[hbm4b:s7+s3] =	stream.linear.scatter [tilespmem:s11], [sflag:$0x1], $0x2780, $0x38;
	[tilespmem:$0xA600] =	vst v63  }
0x35: {  	_ =	swait.ge [sflag:s10], $0x2780  }
0x36: {  	[sflag:s10] =	ssyncset.done $0x0  }
0x37: {  	[sflag:s10] =	ssyncadd.s32 $0xFFFFD880  }
0x38: {  	_ =	sfence.sel $0x180000  }
0x39: {  	[bflag:$0x0] =	sbarrier.arrive $0xFFFF  }
0x3a: {  	p0 =	sne.s32 s0, $0x0;
	_ =	strace $0x90000047  }
0x3b: {  	s0 =	sadd.s32 @!p0 $0x100000, s1;
	[bflag:$0x2] =	sbarrier.arrive $0xFFFF  }
0x3c: {  	[sflag:s0] =	ssyncadd.tile.s32 @!p0 $0x1;
	_ =	shalt  }
.Lfunc_end2:
_tile_overlayer_lowered:
.L_overlay_start_2:
0x3d: {  	(tag) =	ssettag $0x2  }
0x3e: {  	s0 =	rddreg [dreg:$0x0];
	s2 =	stileid.u32  }
0x3f: {  	s1 =	rddreg [dreg:$0x1];
	p0 =	sne.s32 s2, $0x0  }
0x40: {  	s3 =	rddreg [dreg:$0x2];
	[bflag:$0x3] =	sbarrier.arrive $0xFFFF;
	s2 =	simm.s32 @!p0 $0x1C01  }
0x41: {  	[timem:s3], [sflag:s2] =	dma.local @!p0 [hbm:s0], s1  }
0x42: {  	s0 =	simm.s32 @!p0 $0x1  }
0x43: {  	_ =	swait.ge @!p0 [sflag:s0], s1  }
0x44: {  	s1 =	ssub.s32 @!p0 $0x0, s1;
	[sflag:s0] =	ssyncset.done @!p0 $0x0  }
0x45: {  	[sflag:s0] =	ssyncadd.s32 @!p0 s1  }
0x46: {  	[bflag:$0x3] =	sbarrier.arrive $0xFFFF  }
0x47: {  	_ =	shalt  }

</sc_bundles>
